<compile_context>
chip_gen: v7x
topology: tpu7x:2x2x1
jax: 0.10.2.dev20260603
libtpu: 0.0.44.dev20260713+nightly
codegen_flags: <defaults>
</compile_context>

<pallas_src>
import functools

import jax
import jax.numpy as jnp
from jax import lax
from jax.experimental import pallas as pl
from jax.experimental.pallas import tpu as pltpu
from jax.experimental.pallas import tpu_sc as plsc

_L = 16


@functools.partial(jax.jit, static_argnames=("num_graphs", "nodes_per_graph"))
def _sc_call(heads, tails, scores, starts, answers, *, num_graphs, nodes_per_graph):
    E = heads.shape[0]
    info = plsc.get_sparse_core_info()
    NW = info.num_cores * info.num_subcores
    NC = info.num_cores
    EPW = E // NW
    EPG = E // num_graphs
    NPG = nodes_per_graph
    TBL = ((NPG + _L - 1) // _L) * _L
    CHUNK = 2000
    NCHUNK = EPW // CHUNK
    ITERS = CHUNK // _L
    NS = starts.shape[0]
    NA = answers.shape[0]
    APG = NA // num_graphs

    mesh = plsc.VectorSubcoreMesh(core_axis_name="c", subcore_axis_name="s")

    @functools.partial(
        pl.kernel,
        out_type=(
            jax.ShapeDtypeStruct((E,), jnp.int32),
            jax.ShapeDtypeStruct((E,), jnp.int32),
            jax.ShapeDtypeStruct((num_graphs, _L), jnp.int32),
            jax.ShapeDtypeStruct((E,), jnp.float32),
        ),
        mesh=mesh,
        compiler_params=pltpu.CompilerParams(needs_layout_passes=False),
        scratch_types=[
            pltpu.VMEM((TBL,), jnp.int32),
            pltpu.VMEM((NS,), jnp.int32),
            pltpu.VMEM((NA + _L,), jnp.int32),
            pltpu.VMEM((CHUNK,), jnp.int32),
            pltpu.VMEM((CHUNK,), jnp.int32),
            pltpu.VMEM((CHUNK,), jnp.float32),
            pltpu.VMEM((CHUNK,), jnp.int32),
            pltpu.VMEM((CHUNK,), jnp.int32),
            pltpu.VMEM((CHUNK,), jnp.float32),
            pltpu.VMEM((_L,), jnp.int32),
        ],
    )
    def k(heads_hbm, tails_hbm, scores_hbm, starts_hbm, ans_hbm,
          fw_hbm, bw_hbm, hits_hbm, ms_hbm,
          table, starts_v, ans_v, hbuf, tbuf, sbuf, fwbuf, bwbuf, msbuf, hitv):
        wid = lax.axis_index("s") * NC + lax.axis_index("c")
        base_e = wid * EPW
        g = base_e // EPG
        nbase_v = jnp.full((_L,), g * NPG, jnp.int32)
        zeros_i = jnp.zeros((_L,), jnp.int32)
        zeros_f = jnp.zeros((_L,), jnp.float32)
        ones_i = jnp.full((_L,), 1, jnp.int32)
        hi_v = jnp.full((_L,), TBL - 1, jnp.int32)
        npg_v = jnp.full((_L,), NPG, jnp.int32)

        def zbody(i, c):
            table[pl.ds(i * _L, _L)] = zeros_i
            return c
        lax.fori_loop(0, TBL // _L, zbody, 0)

        pltpu.sync_copy(starts_hbm, starts_v)
        for j in range(NS // _L):
            sv = starts_v[pl.ds(j * _L, _L)]
            local = sv - nbase_v
            ok = (local >= zeros_i) & (local < npg_v)
            localc = jnp.minimum(jnp.maximum(local, zeros_i), hi_v)
            plsc.store_scatter(table, [localc], ones_i, mask=ok)

        for c in range(NCHUNK):
            off = base_e + c * CHUNK
            pltpu.sync_copy(heads_hbm.at[pl.ds(off, CHUNK)], hbuf)
            pltpu.sync_copy(tails_hbm.at[pl.ds(off, CHUNK)], tbuf)
            pltpu.sync_copy(scores_hbm.at[pl.ds(off, CHUNK)], sbuf)

            def body(i, carry):
                o = i * _L
                h = hbuf[pl.ds(o, _L)]
                t = tbuf[pl.ds(o, _L)]
                hl = jnp.minimum(jnp.maximum(h - nbase_v, zeros_i), hi_v)
                tl = jnp.minimum(jnp.maximum(t - nbase_v, zeros_i), hi_v)
                ah = plsc.load_gather(table, [hl])
                at = plsc.load_gather(table, [tl])
                s = sbuf[pl.ds(o, _L)]
                cand = (ah + at) > zeros_i
                fwbuf[pl.ds(o, _L)] = ah
                bwbuf[pl.ds(o, _L)] = at
                msbuf[pl.ds(o, _L)] = jnp.where(cand, s, zeros_f)
                return carry
            lax.fori_loop(0, ITERS, body, 0)

            pltpu.sync_copy(fwbuf, fw_hbm.at[pl.ds(off, CHUNK)])
            pltpu.sync_copy(bwbuf, bw_hbm.at[pl.ds(off, CHUNK)])
            pltpu.sync_copy(msbuf, ms_hbm.at[pl.ds(off, CHUNK)])

        @pl.when(wid % (NW // num_graphs) == 0)
        def _():
            pltpu.sync_copy(ans_hbm, ans_v.at[pl.ds(0, NA)])
            ans_v[pl.ds(NA, _L)] = jnp.full((_L,), 2**30, jnp.int32)
            av = ans_v[pl.ds(g * APG, _L)]
            local = jnp.minimum(jnp.maximum(av - nbase_v, zeros_i), hi_v)
            hv = plsc.load_gather(table, [local])
            hitv[...] = jnp.full((_L,), jnp.max(hv), jnp.int32)
            pltpu.sync_copy(hitv, hits_hbm.at[g])

    return k(heads, tails, scores, starts, answers)


def kernel(edge_index, edge_batch, edge_relations, edge_scores, node_ptr, edge_ptr,
           start_node_locals, start_ptr, answer_node_locals, answer_ptr):
    num_graphs = node_ptr.shape[0] - 1
    nodes_per_graph = 3125
    heads = edge_index[0]
    tails = edge_index[1]
    scores = edge_scores.reshape(-1).astype(jnp.float32)
    fw_i, bw_i, hits_raw, ms = _sc_call(
        heads, tails, scores, start_node_locals, answer_node_locals,
        num_graphs=num_graphs, nodes_per_graph=nodes_per_graph)
    forward_mask = fw_i.astype(bool)
    backward_mask = bw_i.astype(bool)
    answer_hits = hits_raw[:, 0] > 0
    return (forward_mask, backward_mask, answer_hits, ms)

# --- scband reference (transcript-rebuilt; emitter-appended) ---
"""Pipeline reference for scband-graph-env-40312563040658 (READ-ONLY COPY).

The authoritative reference and input builder live on the scoring server;
editing this copy changes nothing except your own understanding.
"""

import jax, jax.numpy as jnp
import numpy as np

MAX_STEPS = 5
NUM_GRAPHS = 16
NODES_PER_GRAPH = 3125
EDGES_PER_GRAPH = 100000
STARTS_PER_GRAPH = 4
ANSWERS_PER_GRAPH = 8


def setup_inputs(seed: int = 0) -> dict:
    key = jax.random.key(seed)
    k1, k2, k3, k4, k5, k6 = jax.random.split(key, 6)
    E = NUM_GRAPHS * EDGES_PER_GRAPH
    node_ptr = jnp.arange(NUM_GRAPHS + 1, dtype=jnp.int32) * NODES_PER_GRAPH
    edge_ptr = jnp.arange(NUM_GRAPHS + 1, dtype=jnp.int32) * EDGES_PER_GRAPH
    edge_batch = jnp.repeat(jnp.arange(NUM_GRAPHS, dtype=jnp.int32), EDGES_PER_GRAPH)
    node_offsets = edge_batch * NODES_PER_GRAPH
    heads = jax.random.randint(k1, (E,), 0, NODES_PER_GRAPH) + node_offsets
    tails = jax.random.randint(k2, (E,), 0, NODES_PER_GRAPH) + node_offsets
    edge_index = jnp.stack([heads, tails]).astype(jnp.int32)
    edge_relations = jax.random.randint(k3, (E,), 0, 200).astype(jnp.int32)
    edge_scores = jax.random.normal(k4, (E,), dtype=jnp.float32)
    s_off = jnp.repeat(jnp.arange(NUM_GRAPHS, dtype=jnp.int32) * NODES_PER_GRAPH, STARTS_PER_GRAPH)
    start_node_locals = (jax.random.randint(k5, (NUM_GRAPHS * STARTS_PER_GRAPH,), 0, NODES_PER_GRAPH) + s_off).astype(jnp.int32)
    start_ptr = jnp.arange(NUM_GRAPHS + 1, dtype=jnp.int32) * STARTS_PER_GRAPH
    a_off = jnp.repeat(jnp.arange(NUM_GRAPHS, dtype=jnp.int32) * NODES_PER_GRAPH, ANSWERS_PER_GRAPH)
    answer_node_locals = (jax.random.randint(k6, (NUM_GRAPHS * ANSWERS_PER_GRAPH,), 0, NODES_PER_GRAPH) + a_off).astype(jnp.int32)
    answer_ptr = jnp.arange(NUM_GRAPHS + 1, dtype=jnp.int32) * ANSWERS_PER_GRAPH
    return {
        'edge_index': edge_index,
        'edge_batch': edge_batch,
        'edge_relations': edge_relations,
        'edge_scores': edge_scores,
        'node_ptr': node_ptr,
        'edge_ptr': edge_ptr,
        'start_node_locals': start_node_locals,
        'start_ptr': start_ptr,
        'answer_node_locals': answer_node_locals,
        'answer_ptr': answer_ptr,
    }


def reference(edge_index, edge_batch, edge_relations, edge_scores, node_ptr, edge_ptr,
              start_node_locals, start_ptr, answer_node_locals, answer_ptr):
    # Faithful translation of GraphEnv.reset(...) followed by candidate_edge_masks(state)
    num_graphs = int(node_ptr.shape[0] - 1)
    num_nodes_total = num_graphs * NODES_PER_GRAPH
    num_edges = edge_index.shape[1]
    edge_scores_norm = edge_scores.reshape(-1).astype(jnp.float32)
    node_counts = jnp.clip(node_ptr[1:] - node_ptr[:-1], 0, None)
    node_batch = jnp.repeat(jnp.arange(num_graphs, dtype=jnp.int32), node_counts,
                            total_repeat_length=num_nodes_total)
    node_is_start = jnp.zeros(num_nodes_total, dtype=bool).at[start_node_locals].set(True)
    node_is_answer = jnp.zeros(num_nodes_total, dtype=bool).at[answer_node_locals].set(True)
    active_nodes = node_is_start
    hit_nodes = active_nodes & node_is_answer
    answer_hits = jax.ops.segment_sum(hit_nodes.astype(jnp.int32), node_batch,
                                      num_segments=num_graphs) > 0
    start_counts = start_ptr[1:] - start_ptr[:-1]
    missing_start = start_counts == 0
    done = missing_start
    step_counts = jnp.zeros(num_graphs, dtype=jnp.int32)
    # candidate_edge_masks
    horizon_exhausted = step_counts[edge_batch] >= MAX_STEPS
    base = (~done[edge_batch]) & (~horizon_exhausted)
    heads = edge_index[0]
    tails = edge_index[1]
    forward_mask = base & active_nodes[heads]
    backward_mask = base & active_nodes[tails]
    candidate = forward_mask | backward_mask
    masked_scores = jnp.where(candidate, edge_scores_norm, 0.0)
    return (forward_mask, backward_mask, answer_hits, masked_scores)

if __name__ == "__main__":
    import jax
    _d = setup_inputs()
    print(jax.jit(kernel)(*tuple(_d.values())))

</pallas_src>

<mosaic_0001>
#map = affine_map<(d0, d1) -> (0)>
#map1 = affine_map<(d0, d1) -> (0, 0)>
module attributes {stable_mosaic.version = 14 : i64} {
  func.func @k(%arg0: i32, %arg1: i32, %arg2: memref<1600000xi32, #tpu.memory_space<hbm>>, %arg3: memref<1600000xi32, #tpu.memory_space<hbm>>, %arg4: memref<1600000xf32, #tpu.memory_space<hbm>>, %arg5: memref<64xi32, #tpu.memory_space<hbm>>, %arg6: memref<128xi32, #tpu.memory_space<hbm>>, %arg7: memref<1600000xi32, #tpu.memory_space<hbm>>, %arg8: memref<1600000xi32, #tpu.memory_space<hbm>>, %arg9: memref<16x16xi32, #tpu.memory_space<hbm>>, %arg10: memref<1600000xf32, #tpu.memory_space<hbm>>, %arg11: memref<3136xi32, #tpu.memory_space<vmem>>, %arg12: memref<64xi32, #tpu.memory_space<vmem>>, %arg13: memref<144xi32, #tpu.memory_space<vmem>>, %arg14: memref<2000xi32, #tpu.memory_space<vmem>>, %arg15: memref<2000xi32, #tpu.memory_space<vmem>>, %arg16: memref<2000xf32, #tpu.memory_space<vmem>>, %arg17: memref<2000xi32, #tpu.memory_space<vmem>>, %arg18: memref<2000xi32, #tpu.memory_space<vmem>>, %arg19: memref<2000xf32, #tpu.memory_space<vmem>>, %arg20: memref<16xi32, #tpu.memory_space<vmem>>) attributes {dimension_semantics = [#tpu.dimension_semantics<core_parallel>, #tpu.dimension_semantics<subcore_parallel>], iteration_bounds = array<i64: 2, 16>, scalar_prefetch = 0 : i64, scratch_operands = 10 : i64, tpu.core_type = #tpu.core_type<sc_vector_subcore>, window_params = [{transform_indices = #map}, {transform_indices = #map}, {transform_indices = #map}, {transform_indices = #map}, {transform_indices = #map}, {transform_indices = #map}, {transform_indices = #map}, {transform_indices = #map1}, {transform_indices = #map}]} {
    %mul3A = arith.constant 2 : i32
    %mul3A_0 = arith.muli %arg1, %mul3A : i32
    %add3A = arith.addi %mul3A_0, %arg0 : i32
    %mul3A_1 = arith.constant 50000 : i32
    %mul3A_2 = arith.muli %add3A, %mul3A_1 : i32
    %jit3A = arith.constant 100000 : i32
    %div3A = arith.divsi %mul3A_2, %jit3A : i32
    %sign3A = arith.constant 0 : i32
    %sign3A_3 = arith.cmpi sgt, %mul3A_2, %sign3A : i32
    %sign3A_4 = arith.extui %sign3A_3 : i1 to i32
    %sign3A_5 = arith.constant 0 : i32
    %sign3A_6 = arith.cmpi slt, %mul3A_2, %sign3A_5 : i32
    %sign3A_7 = arith.extui %sign3A_6 : i1 to i32
    %sign3A_8 = arith.subi %sign3A_4, %sign3A_7 : i32
    %sign3A_9 = arith.constant 0 : i32
    %sign3A_10 = arith.cmpi sgt, %jit3A, %sign3A_9 : i32
    %sign3A_11 = arith.extui %sign3A_10 : i1 to i32
    %sign3A_12 = arith.constant 0 : i32
    %sign3A_13 = arith.cmpi slt, %jit3A, %sign3A_12 : i32
    %sign3A_14 = arith.extui %sign3A_13 : i1 to i32
    %sign3A_15 = arith.subi %sign3A_11, %sign3A_14 : i32
    %ne3A = arith.cmpi ne, %sign3A_8, %sign3A_15 : i32
    %rem3A = arith.remsi %mul3A_2, %jit3A : i32
    %ne3A_16 = arith.constant 0 : i32
    %ne3A_17 = arith.cmpi ne, %rem3A, %ne3A_16 : i32
    %and3A = arith.andi %ne3A, %ne3A_17 : i1
    %sub3A = arith.constant 1 : i32
    %sub3A_18 = arith.subi %div3A, %sub3A : i32
    %select_n3A = arith.select %and3A, %sub3A_18, %div3A : i32
    %mul3A_19 = arith.constant 3125 : i32
    %mul3A_20 = arith.muli %select_n3A, %mul3A_19 : i32
    %broadcast_in_dim3A = vector.broadcast %mul3A_20 : i32 to vector<16xi32>
    %broadcast_in_dim3A_21 = arith.constant 0 : i32
    %broadcast_in_dim3A_22 = vector.broadcast %broadcast_in_dim3A_21 : i32 to vector<16xi32>
    %broadcast_in_dim3A_23 = arith.constant 0.000000e+00 : f32
    %broadcast_in_dim3A_24 = vector.broadcast %broadcast_in_dim3A_23 : f32 to vector<16xf32>
    %broadcast_in_dim3A_25 = arith.constant 1 : i32
    %broadcast_in_dim3A_26 = vector.broadcast %broadcast_in_dim3A_25 : i32 to vector<16xi32>
    %broadcast_in_dim3A_27 = arith.constant 3135 : i32
    %broadcast_in_dim3A_28 = vector.broadcast %broadcast_in_dim3A_27 : i32 to vector<16xi32>
    %broadcast_in_dim3A_29 = arith.constant 3125 : i32
    %broadcast_in_dim3A_30 = vector.broadcast %broadcast_in_dim3A_29 : i32 to vector<16xi32>
    %scan3A = arith.constant 0 : i32
    %scan3A_31 = arith.constant 0 : i32
    %scan3A_32 = arith.constant 196 : i32
    %scan3A_33 = arith.addi %scan3A_31, %scan3A_32 : i32
    %scan3A_34 = arith.constant 1 : i32
    scf.for %scan3A_281 = %scan3A_31 to %scan3A_33 step %scan3A_34  : i32 {
      %mul3A_282 = arith.constant 16 : i32
      %mul3A_283 = arith.muli %scan3A_281, %mul3A_282 : i32
      %swap3A = arith.index_cast %mul3A_283 : i32 to index
      %swap3A_284 = tpu.vector_load %arg11[%swap3A] {strides = array<i32>} : memref<3136xi32, #tpu.memory_space<vmem>>, vector<16xi32>,
      tpu.vector_store %arg11[%swap3A], %broadcast_in_dim3A_22 {strides = array<i32>} : memref<3136xi32, #tpu.memory_space<vmem>>, vector<16xi32>,
    }
    %scan3A_35 = arith.constant 196 : i32
    "tpu.region"() ({
      %run_scoped3A = tpu.sem_alloc : memref<!tpu.dma_semaphore, #tpu.memory_space<semaphore_mem>>
      tpu.enqueue_dma source(%arg5 : memref<64xi32, #tpu.memory_space<hbm>>) target(%arg12 : memref<64xi32, #tpu.memory_space<vmem>>) target_semaphore(%run_scoped3A : memref<!tpu.dma_semaphore, #tpu.memory_space<semaphore_mem>>)
      tpu.wait_dma2 semaphore(%run_scoped3A : memref<!tpu.dma_semaphore, #tpu.memory_space<semaphore_mem>>) src(%arg5 : memref<64xi32, #tpu.memory_space<hbm>>) dst(%arg12 : memref<64xi32, #tpu.memory_space<vmem>>)
      tpu.yield
    }) : () -> ()
    %get3A = arith.constant 0 : index
    %get3A_36 = tpu.vector_load %arg12[%get3A] {strides = array<i32>} : memref<64xi32, #tpu.memory_space<vmem>>, vector<16xi32>,
    %sub3A_37 = arith.subi %get3A_36, %broadcast_in_dim3A : vector<16xi32>
    %ge3A = arith.cmpi sge, %sub3A_37, %broadcast_in_dim3A_22 : vector<16xi32>
    %lt3A = arith.cmpi slt, %sub3A_37, %broadcast_in_dim3A_30 : vector<16xi32>
    %and3A_38 = arith.andi %ge3A, %lt3A : vector<16xi1>
    %max3A = arith.maxsi %sub3A_37, %broadcast_in_dim3A_22 : vector<16xi32>
    %min3A = arith.minsi %max3A, %broadcast_in_dim3A_28 : vector<16xi32>
    tpu.vector_store_idx %arg11[%min3A], %broadcast_in_dim3A_26 masked %and3A_38 : memref<3136xi32, #tpu.memory_space<vmem>>[vector<16xi32>], vector<16xi32>, vector<16xi1>
    %get3A_39 = arith.constant 16 : index
    %get3A_40 = tpu.vector_load %arg12[%get3A_39] {strides = array<i32>} : memref<64xi32, #tpu.memory_space<vmem>>, vector<16xi32>,
    %sub3A_41 = arith.subi %get3A_40, %broadcast_in_dim3A : vector<16xi32>
    %ge3A_42 = arith.cmpi sge, %sub3A_41, %broadcast_in_dim3A_22 : vector<16xi32>
    %lt3A_43 = arith.cmpi slt, %sub3A_41, %broadcast_in_dim3A_30 : vector<16xi32>
    %and3A_44 = arith.andi %ge3A_42, %lt3A_43 : vector<16xi1>
    %max3A_45 = arith.maxsi %sub3A_41, %broadcast_in_dim3A_22 : vector<16xi32>
    %min3A_46 = arith.minsi %max3A_45, %broadcast_in_dim3A_28 : vector<16xi32>
    tpu.vector_store_idx %arg11[%min3A_46], %broadcast_in_dim3A_26 masked %and3A_44 : memref<3136xi32, #tpu.memory_space<vmem>>[vector<16xi32>], vector<16xi32>, vector<16xi1>
    %get3A_47 = arith.constant 32 : index
    %get3A_48 = tpu.vector_load %arg12[%get3A_47] {strides = array<i32>} : memref<64xi32, #tpu.memory_space<vmem>>, vector<16xi32>,
    %sub3A_49 = arith.subi %get3A_48, %broadcast_in_dim3A : vector<16xi32>
    %ge3A_50 = arith.cmpi sge, %sub3A_49, %broadcast_in_dim3A_22 : vector<16xi32>
    %lt3A_51 = arith.cmpi slt, %sub3A_49, %broadcast_in_dim3A_30 : vector<16xi32>
    %and3A_52 = arith.andi %ge3A_50, %lt3A_51 : vector<16xi1>
    %max3A_53 = arith.maxsi %sub3A_49, %broadcast_in_dim3A_22 : vector<16xi32>
    %min3A_54 = arith.minsi %max3A_53, %broadcast_in_dim3A_28 : vector<16xi32>
    tpu.vector_store_idx %arg11[%min3A_54], %broadcast_in_dim3A_26 masked %and3A_52 : memref<3136xi32, #tpu.memory_space<vmem>>[vector<16xi32>], vector<16xi32>, vector<16xi1>
    %get3A_55 = arith.constant 48 : index
    %get3A_56 = tpu.vector_load %arg12[%get3A_55] {strides = array<i32>} : memref<64xi32, #tpu.memory_space<vmem>>, vector<16xi32>,
    %sub3A_57 = arith.subi %get3A_56, %broadcast_in_dim3A : vector<16xi32>
    %ge3A_58 = arith.cmpi sge, %sub3A_57, %broadcast_in_dim3A_22 : vector<16xi32>
    %lt3A_59 = arith.cmpi slt, %sub3A_57, %broadcast_in_dim3A_30 : vector<16xi32>
    %and3A_60 = arith.andi %ge3A_58, %lt3A_59 : vector<16xi1>
    %max3A_61 = arith.maxsi %sub3A_57, %broadcast_in_dim3A_22 : vector<16xi32>
    %min3A_62 = arith.minsi %max3A_61, %broadcast_in_dim3A_28 : vector<16xi32>
    tpu.vector_store_idx %arg11[%min3A_62], %broadcast_in_dim3A_26 masked %and3A_60 : memref<3136xi32, #tpu.memory_space<vmem>>[vector<16xi32>], vector<16xi32>, vector<16xi1>
    %add3A_63 = arith.constant 0 : i32
    %add3A_64 = arith.addi %mul3A_2, %add3A_63 : i32
    "tpu.region"() ({
      %run_scoped3A = tpu.sem_alloc : memref<!tpu.dma_semaphore, #tpu.memory_space<semaphore_mem>>
      %dma_start3A = tpu.memref_slice %arg2[%add3A_64] : memref<1600000xi32, #tpu.memory_space<hbm>> -> memref<2000xi32, #tpu.memory_space<hbm>>
      %dma_start3A_281 = tpu.memref_slice %arg2[%add3A_64] : memref<1600000xi32, #tpu.memory_space<hbm>> -> memref<2000xi32, #tpu.memory_space<hbm>>
      tpu.enqueue_dma source(%dma_start3A_281 : memref<2000xi32, #tpu.memory_space<hbm>>) target(%arg14 : memref<2000xi32, #tpu.memory_space<vmem>>) target_semaphore(%run_scoped3A : memref<!tpu.dma_semaphore, #tpu.memory_space<semaphore_mem>>)
      %dma_wait3A = tpu.memref_slice %arg2[%add3A_64] : memref<1600000xi32, #tpu.memory_space<hbm>> -> memref<2000xi32, #tpu.memory_space<hbm>>
      %dma_wait3A_282 = tpu.memref_slice %arg2[%add3A_64] : memref<1600000xi32, #tpu.memory_space<hbm>> -> memref<2000xi32, #tpu.memory_space<hbm>>
      tpu.wait_dma2 semaphore(%run_scoped3A : memref<!tpu.dma_semaphore, #tpu.memory_space<semaphore_mem>>) src(%dma_wait3A_282 : memref<2000xi32, #tpu.memory_space<hbm>>) dst(%arg14 : memref<2000xi32, #tpu.memory_space<vmem>>)
      tpu.yield
    }) : () -> ()
    "tpu.region"() ({
      %run_scoped3A = tpu.sem_alloc : memref<!tpu.dma_semaphore, #tpu.memory_space<semaphore_mem>>
      %dma_start3A = tpu.memref_slice %arg3[%add3A_64] : memref<1600000xi32, #tpu.memory_space<hbm>> -> memref<2000xi32, #tpu.memory_space<hbm>>
      %dma_start3A_281 = tpu.memref_slice %arg3[%add3A_64] : memref<1600000xi32, #tpu.memory_space<hbm>> -> memref<2000xi32, #tpu.memory_space<hbm>>
      tpu.enqueue_dma source(%dma_start3A_281 : memref<2000xi32, #tpu.memory_space<hbm>>) target(%arg15 : memref<2000xi32, #tpu.memory_space<vmem>>) target_semaphore(%run_scoped3A : memref<!tpu.dma_semaphore, #tpu.memory_space<semaphore_mem>>)
      %dma_wait3A = tpu.memref_slice %arg3[%add3A_64] : memref<1600000xi32, #tpu.memory_space<hbm>> -> memref<2000xi32, #tpu.memory_space<hbm>>
      %dma_wait3A_282 = tpu.memref_slice %arg3[%add3A_64] : memref<1600000xi32, #tpu.memory_space<hbm>> -> memref<2000xi32, #tpu.memory_space<hbm>>
      tpu.wait_dma2 semaphore(%run_scoped3A : memref<!tpu.dma_semaphore, #tpu.memory_space<semaphore_mem>>) src(%dma_wait3A_282 : memref<2000xi32, #tpu.memory_space<hbm>>) dst(%arg15 : memref<2000xi32, #tpu.memory_space<vmem>>)
      tpu.yield
    }) : () -> ()
    "tpu.region"() ({
      %run_scoped3A = tpu.sem_alloc : memref<!tpu.dma_semaphore, #tpu.memory_space<semaphore_mem>>
      %dma_start3A = tpu.memref_slice %arg4[%add3A_64] : memref<1600000xf32, #tpu.memory_space<hbm>> -> memref<2000xf32, #tpu.memory_space<hbm>>
      %dma_start3A_281 = tpu.memref_slice %arg4[%add3A_64] : memref<1600000xf32, #tpu.memory_space<hbm>> -> memref<2000xf32, #tpu.memory_space<hbm>>
      tpu.enqueue_dma source(%dma_start3A_281 : memref<2000xf32, #tpu.memory_space<hbm>>) target(%arg16 : memref<2000xf32, #tpu.memory_space<vmem>>) target_semaphore(%run_scoped3A : memref<!tpu.dma_semaphore, #tpu.memory_space<semaphore_mem>>)
      %dma_wait3A = tpu.memref_slice %arg4[%add3A_64] : memref<1600000xf32, #tpu.memory_space<hbm>> -> memref<2000xf32, #tpu.memory_space<hbm>>
      %dma_wait3A_282 = tpu.memref_slice %arg4[%add3A_64] : memref<1600000xf32, #tpu.memory_space<hbm>> -> memref<2000xf32, #tpu.memory_space<hbm>>
      tpu.wait_dma2 semaphore(%run_scoped3A : memref<!tpu.dma_semaphore, #tpu.memory_space<semaphore_mem>>) src(%dma_wait3A_282 : memref<2000xf32, #tpu.memory_space<hbm>>) dst(%arg16 : memref<2000xf32, #tpu.memory_space<vmem>>)
      tpu.yield
    }) : () -> ()
    %scan3A_65 = arith.constant 0 : i32
    %scan3A_66 = arith.constant 0 : i32
    %scan3A_67 = arith.constant 125 : i32
    %scan3A_68 = arith.addi %scan3A_66, %scan3A_67 : i32
    %scan3A_69 = arith.constant 1 : i32
    scf.for %scan3A_281 = %scan3A_66 to %scan3A_68 step %scan3A_69  : i32 {
      %mul3A_282 = arith.constant 16 : i32
      %mul3A_283 = arith.muli %scan3A_281, %mul3A_282 : i32
      %get3A_284 = arith.index_cast %mul3A_283 : i32 to index
      %get3A_285 = tpu.vector_load %arg14[%get3A_284] {strides = array<i32>} : memref<2000xi32, #tpu.memory_space<vmem>>, vector<16xi32>,
      %get3A_286 = arith.index_cast %mul3A_283 : i32 to index
      %get3A_287 = tpu.vector_load %arg15[%get3A_286] {strides = array<i32>} : memref<2000xi32, #tpu.memory_space<vmem>>, vector<16xi32>,
      %sub3A_288 = arith.subi %get3A_285, %broadcast_in_dim3A : vector<16xi32>
      %max3A_289 = arith.maxsi %sub3A_288, %broadcast_in_dim3A_22 : vector<16xi32>
      %min3A_290 = arith.minsi %max3A_289, %broadcast_in_dim3A_28 : vector<16xi32>
      %sub3A_291 = arith.subi %get3A_287, %broadcast_in_dim3A : vector<16xi32>
      %max3A_292 = arith.maxsi %sub3A_291, %broadcast_in_dim3A_22 : vector<16xi32>
      %min3A_293 = arith.minsi %max3A_292, %broadcast_in_dim3A_28 : vector<16xi32>
      %gather3A = tpu.vector_load_idx %arg11[%min3A_290] : memref<3136xi32, #tpu.memory_space<vmem>>[vector<16xi32>], vector<16xi32>,
      %gather3A_294 = tpu.vector_load_idx %arg11[%min3A_293] : memref<3136xi32, #tpu.memory_space<vmem>>[vector<16xi32>], vector<16xi32>,
      %get3A_295 = arith.index_cast %mul3A_283 : i32 to index
      %get3A_296 = tpu.vector_load %arg16[%get3A_295] {strides = array<i32>} : memref<2000xf32, #tpu.memory_space<vmem>>, vector<16xf32>,
      %add3A_297 = arith.addi %gather3A, %gather3A_294 : vector<16xi32>
      %gt3A = arith.cmpi sgt, %add3A_297, %broadcast_in_dim3A_22 : vector<16xi32>
      %swap3A = arith.index_cast %mul3A_283 : i32 to index
      %swap3A_298 = tpu.vector_load %arg17[%swap3A] {strides = array<i32>} : memref<2000xi32, #tpu.memory_space<vmem>>, vector<16xi32>,
      tpu.vector_store %arg17[%swap3A], %gather3A {strides = array<i32>} : memref<2000xi32, #tpu.memory_space<vmem>>, vector<16xi32>,
      %swap3A_299 = arith.index_cast %mul3A_283 : i32 to index
      %swap3A_300 = tpu.vector_load %arg18[%swap3A_299] {strides = array<i32>} : memref<2000xi32, #tpu.memory_space<vmem>>, vector<16xi32>,
      tpu.vector_store %arg18[%swap3A_299], %gather3A_294 {strides = array<i32>} : memref<2000xi32, #tpu.memory_space<vmem>>, vector<16xi32>,
      %select_n3A_301 = arith.select %gt3A, %get3A_296, %broadcast_in_dim3A_24 : vector<16xi1>, vector<16xf32>
      %swap3A_302 = arith.index_cast %mul3A_283 : i32 to index
      %swap3A_303 = tpu.vector_load %arg19[%swap3A_302] {strides = array<i32>} : memref<2000xf32, #tpu.memory_space<vmem>>, vector<16xf32>,
      tpu.vector_store %arg19[%swap3A_302], %select_n3A_301 {strides = array<i32>} : memref<2000xf32, #tpu.memory_space<vmem>>, vector<16xf32>,
    }
    %scan3A_70 = arith.constant 125 : i32
    "tpu.region"() ({
      %run_scoped3A = tpu.sem_alloc : memref<!tpu.dma_semaphore, #tpu.memory_space<semaphore_mem>>
      %dma_start3A = tpu.memref_slice %arg7[%add3A_64] : memref<1600000xi32, #tpu.memory_space<hbm>> -> memref<2000xi32, #tpu.memory_space<hbm>>
      %dma_start3A_281 = tpu.memref_slice %arg7[%add3A_64] : memref<1600000xi32, #tpu.memory_space<hbm>> -> memref<2000xi32, #tpu.memory_space<hbm>>
      tpu.enqueue_dma source(%arg17 : memref<2000xi32, #tpu.memory_space<vmem>>) target(%dma_start3A_281 : memref<2000xi32, #tpu.memory_space<hbm>>) target_semaphore(%run_scoped3A : memref<!tpu.dma_semaphore, #tpu.memory_space<semaphore_mem>>)
      %dma_wait3A = tpu.memref_slice %arg7[%add3A_64] : memref<1600000xi32, #tpu.memory_space<hbm>> -> memref<2000xi32, #tpu.memory_space<hbm>>
      %dma_wait3A_282 = tpu.memref_slice %arg7[%add3A_64] : memref<1600000xi32, #tpu.memory_space<hbm>> -> memref<2000xi32, #tpu.memory_space<hbm>>
      tpu.wait_dma2 semaphore(%run_scoped3A : memref<!tpu.dma_semaphore, #tpu.memory_space<semaphore_mem>>) src(%arg17 : memref<2000xi32, #tpu.memory_space<vmem>>) dst(%dma_wait3A_282 : memref<2000xi32, #tpu.memory_space<hbm>>)
      tpu.yield
    }) : () -> ()
    "tpu.region"() ({
      %run_scoped3A = tpu.sem_alloc : memref<!tpu.dma_semaphore, #tpu.memory_space<semaphore_mem>>
      %dma_start3A = tpu.memref_slice %arg8[%add3A_64] : memref<1600000xi32, #tpu.memory_space<hbm>> -> memref<2000xi32, #tpu.memory_space<hbm>>
      %dma_start3A_281 = tpu.memref_slice %arg8[%add3A_64] : memref<1600000xi32, #tpu.memory_space<hbm>> -> memref<2000xi32, #tpu.memory_space<hbm>>
      tpu.enqueue_dma source(%arg18 : memref<2000xi32, #tpu.memory_space<vmem>>) target(%dma_start3A_281 : memref<2000xi32, #tpu.memory_space<hbm>>) target_semaphore(%run_scoped3A : memref<!tpu.dma_semaphore, #tpu.memory_space<semaphore_mem>>)
      %dma_wait3A = tpu.memref_slice %arg8[%add3A_64] : memref<1600000xi32, #tpu.memory_space<hbm>> -> memref<2000xi32, #tpu.memory_space<hbm>>
      %dma_wait3A_282 = tpu.memref_slice %arg8[%add3A_64] : memref<1600000xi32, #tpu.memory_space<hbm>> -> memref<2000xi32, #tpu.memory_space<hbm>>
      tpu.wait_dma2 semaphore(%run_scoped3A : memref<!tpu.dma_semaphore, #tpu.memory_space<semaphore_mem>>) src(%arg18 : memref<2000xi32, #tpu.memory_space<vmem>>) dst(%dma_wait3A_282 : memref<2000xi32, #tpu.memory_space<hbm>>)
      tpu.yield
    }) : () -> ()
    "tpu.region"() ({
      %run_scoped3A = tpu.sem_alloc : memref<!tpu.dma_semaphore, #tpu.memory_space<semaphore_mem>>
      %dma_start3A = tpu.memref_slice %arg10[%add3A_64] : memref<1600000xf32, #tpu.memory_space<hbm>> -> memref<2000xf32, #tpu.memory_space<hbm>>
      %dma_start3A_281 = tpu.memref_slice %arg10[%add3A_64] : memref<1600000xf32, #tpu.memory_space<hbm>> -> memref<2000xf32, #tpu.memory_space<hbm>>
      tpu.enqueue_dma source(%arg19 : memref<2000xf32, #tpu.memory_space<vmem>>) target(%dma_start3A_281 : memref<2000xf32, #tpu.memory_space<hbm>>) target_semaphore(%run_scoped3A : memref<!tpu.dma_semaphore, #tpu.memory_space<semaphore_mem>>)
      %dma_wait3A = tpu.memref_slice %arg10[%add3A_64] : memref<1600000xf32, #tpu.memory_space<hbm>> -> memref<2000xf32, #tpu.memory_space<hbm>>
      %dma_wait3A_282 = tpu.memref_slice %arg10[%add3A_64] : memref<1600000xf32, #tpu.memory_space<hbm>> -> memref<2000xf32, #tpu.memory_space<hbm>>
      tpu.wait_dma2 semaphore(%run_scoped3A : memref<!tpu.dma_semaphore, #tpu.memory_space<semaphore_mem>>) src(%arg19 : memref<2000xf32, #tpu.memory_space<vmem>>) dst(%dma_wait3A_282 : memref<2000xf32, #tpu.memory_space<hbm>>)
      tpu.yield
    }) : () -> ()
    %add3A_71 = arith.constant 2000 : i32
    %add3A_72 = arith.addi %mul3A_2, %add3A_71 : i32
    "tpu.region"() ({
      %run_scoped3A = tpu.sem_alloc : memref<!tpu.dma_semaphore, #tpu.memory_space<semaphore_mem>>
      %dma_start3A = tpu.memref_slice %arg2[%add3A_72] : memref<1600000xi32, #tpu.memory_space<hbm>> -> memref<2000xi32, #tpu.memory_space<hbm>>
      %dma_start3A_281 = tpu.memref_slice %arg2[%add3A_72] : memref<1600000xi32, #tpu.memory_space<hbm>> -> memref<2000xi32, #tpu.memory_space<hbm>>
      tpu.enqueue_dma source(%dma_start3A_281 : memref<2000xi32, #tpu.memory_space<hbm>>) target(%arg14 : memref<2000xi32, #tpu.memory_space<vmem>>) target_semaphore(%run_scoped3A : memref<!tpu.dma_semaphore, #tpu.memory_space<semaphore_mem>>)
      %dma_wait3A = tpu.memref_slice %arg2[%add3A_72] : memref<1600000xi32, #tpu.memory_space<hbm>> -> memref<2000xi32, #tpu.memory_space<hbm>>
      %dma_wait3A_282 = tpu.memref_slice %arg2[%add3A_72] : memref<1600000xi32, #tpu.memory_space<hbm>> -> memref<2000xi32, #tpu.memory_space<hbm>>
      tpu.wait_dma2 semaphore(%run_scoped3A : memref<!tpu.dma_semaphore, #tpu.memory_space<semaphore_mem>>) src(%dma_wait3A_282 : memref<2000xi32, #tpu.memory_space<hbm>>) dst(%arg14 : memref<2000xi32, #tpu.memory_space<vmem>>)
      tpu.yield
    }) : () -> ()
    "tpu.region"() ({
      %run_scoped3A = tpu.sem_alloc : memref<!tpu.dma_semaphore, #tpu.memory_space<semaphore_mem>>
      %dma_start3A = tpu.memref_slice %arg3[%add3A_72] : memref<1600000xi32, #tpu.memory_space<hbm>> -> memref<2000xi32, #tpu.memory_space<hbm>>
      %dma_start3A_281 = tpu.memref_slice %arg3[%add3A_72] : memref<1600000xi32, #tpu.memory_space<hbm>> -> memref<2000xi32, #tpu.memory_space<hbm>>
      tpu.enqueue_dma source(%dma_start3A_281 : memref<2000xi32, #tpu.memory_space<hbm>>) target(%arg15 : memref<2000xi32, #tpu.memory_space<vmem>>) target_semaphore(%run_scoped3A : memref<!tpu.dma_semaphore, #tpu.memory_space<semaphore_mem>>)
      %dma_wait3A = tpu.memref_slice %arg3[%add3A_72] : memref<1600000xi32, #tpu.memory_space<hbm>> -> memref<2000xi32, #tpu.memory_space<hbm>>
      %dma_wait3A_282 = tpu.memref_slice %arg3[%add3A_72] : memref<1600000xi32, #tpu.memory_space<hbm>> -> memref<2000xi32, #tpu.memory_space<hbm>>
      tpu.wait_dma2 semaphore(%run_scoped3A : memref<!tpu.dma_semaphore, #tpu.memory_space<semaphore_mem>>) src(%dma_wait3A_282 : memref<2000xi32, #tpu.memory_space<hbm>>) dst(%arg15 : memref<2000xi32, #tpu.memory_space<vmem>>)
      tpu.yield
    }) : () -> ()
    "tpu.region"() ({
      %run_scoped3A = tpu.sem_alloc : memref<!tpu.dma_semaphore, #tpu.memory_space<semaphore_mem>>
      %dma_start3A = tpu.memref_slice %arg4[%add3A_72] : memref<1600000xf32, #tpu.memory_space<hbm>> -> memref<2000xf32, #tpu.memory_space<hbm>>
      %dma_start3A_281 = tpu.memref_slice %arg4[%add3A_72] : memref<1600000xf32, #tpu.memory_space<hbm>> -> memref<2000xf32, #tpu.memory_space<hbm>>
      tpu.enqueue_dma source(%dma_start3A_281 : memref<2000xf32, #tpu.memory_space<hbm>>) target(%arg16 : memref<2000xf32, #tpu.memory_space<vmem>>) target_semaphore(%run_scoped3A : memref<!tpu.dma_semaphore, #tpu.memory_space<semaphore_mem>>)
      %dma_wait3A = tpu.memref_slice %arg4[%add3A_72] : memref<1600000xf32, #tpu.memory_space<hbm>> -> memref<2000xf32, #tpu.memory_space<hbm>>
      %dma_wait3A_282 = tpu.memref_slice %arg4[%add3A_72] : memref<1600000xf32, #tpu.memory_space<hbm>> -> memref<2000xf32, #tpu.memory_space<hbm>>
      tpu.wait_dma2 semaphore(%run_scoped3A : memref<!tpu.dma_semaphore, #tpu.memory_space<semaphore_mem>>) src(%dma_wait3A_282 : memref<2000xf32, #tpu.memory_space<hbm>>) dst(%arg16 : memref<2000xf32, #tpu.memory_space<vmem>>)
      tpu.yield
    }) : () -> ()
    %scan3A_73 = arith.constant 0 : i32
    %scan3A_74 = arith.constant 0 : i32
    %scan3A_75 = arith.constant 125 : i32
    %scan3A_76 = arith.addi %scan3A_74, %scan3A_75 : i32
    %scan3A_77 = arith.constant 1 : i32
    scf.for %scan3A_281 = %scan3A_74 to %scan3A_76 step %scan3A_77  : i32 {
      %mul3A_282 = arith.constant 16 : i32
      %mul3A_283 = arith.muli %scan3A_281, %mul3A_282 : i32
      %get3A_284 = arith.index_cast %mul3A_283 : i32 to index
      %get3A_285 = tpu.vector_load %arg14[%get3A_284] {strides = array<i32>} : memref<2000xi32, #tpu.memory_space<vmem>>, vector<16xi32>,
      %get3A_286 = arith.index_cast %mul3A_283 : i32 to index
      %get3A_287 = tpu.vector_load %arg15[%get3A_286] {strides = array<i32>} : memref<2000xi32, #tpu.memory_space<vmem>>, vector<16xi32>,
      %sub3A_288 = arith.subi %get3A_285, %broadcast_in_dim3A : vector<16xi32>
      %max3A_289 = arith.maxsi %sub3A_288, %broadcast_in_dim3A_22 : vector<16xi32>
      %min3A_290 = arith.minsi %max3A_289, %broadcast_in_dim3A_28 : vector<16xi32>
      %sub3A_291 = arith.subi %get3A_287, %broadcast_in_dim3A : vector<16xi32>
      %max3A_292 = arith.maxsi %sub3A_291, %broadcast_in_dim3A_22 : vector<16xi32>
      %min3A_293 = arith.minsi %max3A_292, %broadcast_in_dim3A_28 : vector<16xi32>
      %gather3A = tpu.vector_load_idx %arg11[%min3A_290] : memref<3136xi32, #tpu.memory_space<vmem>>[vector<16xi32>], vector<16xi32>,
      %gather3A_294 = tpu.vector_load_idx %arg11[%min3A_293] : memref<3136xi32, #tpu.memory_space<vmem>>[vector<16xi32>], vector<16xi32>,
      %get3A_295 = arith.index_cast %mul3A_283 : i32 to index
      %get3A_296 = tpu.vector_load %arg16[%get3A_295] {strides = array<i32>} : memref<2000xf32, #tpu.memory_space<vmem>>, vector<16xf32>,
      %add3A_297 = arith.addi %gather3A, %gather3A_294 : vector<16xi32>
      %gt3A = arith.cmpi sgt, %add3A_297, %broadcast_in_dim3A_22 : vector<16xi32>
      %swap3A = arith.index_cast %mul3A_283 : i32 to index
      %swap3A_298 = tpu.vector_load %arg17[%swap3A] {strides = array<i32>} : memref<2000xi32, #tpu.memory_space<vmem>>, vector<16xi32>,
      tpu.vector_store %arg17[%swap3A], %gather3A {strides = array<i32>} : memref<2000xi32, #tpu.memory_space<vmem>>, vector<16xi32>,
      %swap3A_299 = arith.index_cast %mul3A_283 : i32 to index
      %swap3A_300 = tpu.vector_load %arg18[%swap3A_299] {strides = array<i32>} : memref<2000xi32, #tpu.memory_space<vmem>>, vector<16xi32>,
      tpu.vector_store %arg18[%swap3A_299], %gather3A_294 {strides = array<i32>} : memref<2000xi32, #tpu.memory_space<vmem>>, vector<16xi32>,
      %select_n3A_301 = arith.select %gt3A, %get3A_296, %broadcast_in_dim3A_24 : vector<16xi1>, vector<16xf32>
      %swap3A_302 = arith.index_cast %mul3A_283 : i32 to index
      %swap3A_303 = tpu.vector_load %arg19[%swap3A_302] {strides = array<i32>} : memref<2000xf32, #tpu.memory_space<vmem>>, vector<16xf32>,
      tpu.vector_store %arg19[%swap3A_302], %select_n3A_301 {strides = array<i32>} : memref<2000xf32, #tpu.memory_space<vmem>>, vector<16xf32>,
    }
    %scan3A_78 = arith.constant 125 : i32
    "tpu.region"() ({
      %run_scoped3A = tpu.sem_alloc : memref<!tpu.dma_semaphore, #tpu.memory_space<semaphore_mem>>
      %dma_start3A = tpu.memref_slice %arg7[%add3A_72] : memref<1600000xi32, #tpu.memory_space<hbm>> -> memref<2000xi32, #tpu.memory_space<hbm>>
      %dma_start3A_281 = tpu.memref_slice %arg7[%add3A_72] : memref<1600000xi32, #tpu.memory_space<hbm>> -> memref<2000xi32, #tpu.memory_space<hbm>>
      tpu.enqueue_dma source(%arg17 : memref<2000xi32, #tpu.memory_space<vmem>>) target(%dma_start3A_281 : memref<2000xi32, #tpu.memory_space<hbm>>) target_semaphore(%run_scoped3A : memref<!tpu.dma_semaphore, #tpu.memory_space<semaphore_mem>>)
      %dma_wait3A = tpu.memref_slice %arg7[%add3A_72] : memref<1600000xi32, #tpu.memory_space<hbm>> -> memref<2000xi32, #tpu.memory_space<hbm>>
      %dma_wait3A_282 = tpu.memref_slice %arg7[%add3A_72] : memref<1600000xi32, #tpu.memory_space<hbm>> -> memref<2000xi32, #tpu.memory_space<hbm>>
      tpu.wait_dma2 semaphore(%run_scoped3A : memref<!tpu.dma_semaphore, #tpu.memory_space<semaphore_mem>>) src(%arg17 : memref<2000xi32, #tpu.memory_space<vmem>>) dst(%dma_wait3A_282 : memref<2000xi32, #tpu.memory_space<hbm>>)
      tpu.yield
    }) : () -> ()
    "tpu.region"() ({
      %run_scoped3A = tpu.sem_alloc : memref<!tpu.dma_semaphore, #tpu.memory_space<semaphore_mem>>
      %dma_start3A = tpu.memref_slice %arg8[%add3A_72] : memref<1600000xi32, #tpu.memory_space<hbm>> -> memref<2000xi32, #tpu.memory_space<hbm>>
      %dma_start3A_281 = tpu.memref_slice %arg8[%add3A_72] : memref<1600000xi32, #tpu.memory_space<hbm>> -> memref<2000xi32, #tpu.memory_space<hbm>>
      tpu.enqueue_dma source(%arg18 : memref<2000xi32, #tpu.memory_space<vmem>>) target(%dma_start3A_281 : memref<2000xi32, #tpu.memory_space<hbm>>) target_semaphore(%run_scoped3A : memref<!tpu.dma_semaphore, #tpu.memory_space<semaphore_mem>>)
      %dma_wait3A = tpu.memref_slice %arg8[%add3A_72] : memref<1600000xi32, #tpu.memory_space<hbm>> -> memref<2000xi32, #tpu.memory_space<hbm>>
      %dma_wait3A_282 = tpu.memref_slice %arg8[%add3A_72] : memref<1600000xi32, #tpu.memory_space<hbm>> -> memref<2000xi32, #tpu.memory_space<hbm>>
      tpu.wait_dma2 semaphore(%run_scoped3A : memref<!tpu.dma_semaphore, #tpu.memory_space<semaphore_mem>>) src(%arg18 : memref<2000xi32, #tpu.memory_space<vmem>>) dst(%dma_wait3A_282 : memref<2000xi32, #tpu.memory_space<hbm>>)
      tpu.yield
    }) : () -> ()
    "tpu.region"() ({
      %run_scoped3A = tpu.sem_alloc : memref<!tpu.dma_semaphore, #tpu.memory_space<semaphore_mem>>
      %dma_start3A = tpu.memref_slice %arg10[%add3A_72] : memref<1600000xf32, #tpu.memory_space<hbm>> -> memref<2000xf32, #tpu.memory_space<hbm>>
      %dma_start3A_281 = tpu.memref_slice %arg10[%add3A_72] : memref<1600000xf32, #tpu.memory_space<hbm>> -> memref<2000xf32, #tpu.memory_space<hbm>>
      tpu.enqueue_dma source(%arg19 : memref<2000xf32, #tpu.memory_space<vmem>>) target(%dma_start3A_281 : memref<2000xf32, #tpu.memory_space<hbm>>) target_semaphore(%run_scoped3A : memref<!tpu.dma_semaphore, #tpu.memory_space<semaphore_mem>>)
      %dma_wait3A = tpu.memref_slice %arg10[%add3A_72] : memref<1600000xf32, #tpu.memory_space<hbm>> -> memref<2000xf32, #tpu.memory_space<hbm>>
      %dma_wait3A_282 = tpu.memref_slice %arg10[%add3A_72] : memref<1600000xf32, #tpu.memory_space<hbm>> -> memref<2000xf32, #tpu.memory_space<hbm>>
      tpu.wait_dma2 semaphore(%run_scoped3A : memref<!tpu.dma_semaphore, #tpu.memory_space<semaphore_mem>>) src(%arg19 : memref<2000xf32, #tpu.memory_space<vmem>>) dst(%dma_wait3A_282 : memref<2000xf32, #tpu.memory_space<hbm>>)
      tpu.yield
    }) : () -> ()
    %add3A_79 = arith.constant 4000 : i32
    %add3A_80 = arith.addi %mul3A_2, %add3A_79 : i32
    "tpu.region"() ({
      %run_scoped3A = tpu.sem_alloc : memref<!tpu.dma_semaphore, #tpu.memory_space<semaphore_mem>>
      %dma_start3A = tpu.memref_slice %arg2[%add3A_80] : memref<1600000xi32, #tpu.memory_space<hbm>> -> memref<2000xi32, #tpu.memory_space<hbm>>
      %dma_start3A_281 = tpu.memref_slice %arg2[%add3A_80] : memref<1600000xi32, #tpu.memory_space<hbm>> -> memref<2000xi32, #tpu.memory_space<hbm>>
      tpu.enqueue_dma source(%dma_start3A_281 : memref<2000xi32, #tpu.memory_space<hbm>>) target(%arg14 : memref<2000xi32, #tpu.memory_space<vmem>>) target_semaphore(%run_scoped3A : memref<!tpu.dma_semaphore, #tpu.memory_space<semaphore_mem>>)
      %dma_wait3A = tpu.memref_slice %arg2[%add3A_80] : memref<1600000xi32, #tpu.memory_space<hbm>> -> memref<2000xi32, #tpu.memory_space<hbm>>
      %dma_wait3A_282 = tpu.memref_slice %arg2[%add3A_80] : memref<1600000xi32, #tpu.memory_space<hbm>> -> memref<2000xi32, #tpu.memory_space<hbm>>
      tpu.wait_dma2 semaphore(%run_scoped3A : memref<!tpu.dma_semaphore, #tpu.memory_space<semaphore_mem>>) src(%dma_wait3A_282 : memref<2000xi32, #tpu.memory_space<hbm>>) dst(%arg14 : memref<2000xi32, #tpu.memory_space<vmem>>)
      tpu.yield
    }) : () -> ()
    "tpu.region"() ({
      %run_scoped3A = tpu.sem_alloc : memref<!tpu.dma_semaphore, #tpu.memory_space<semaphore_mem>>
      %dma_start3A = tpu.memref_slice %arg3[%add3A_80] : memref<1600000xi32, #tpu.memory_space<hbm>> -> memref<2000xi32, #tpu.memory_space<hbm>>
      %dma_start3A_281 = tpu.memref_slice %arg3[%add3A_80] : memref<1600000xi32, #tpu.memory_space<hbm>> -> memref<2000xi32, #tpu.memory_space<hbm>>
      tpu.enqueue_dma source(%dma_start3A_281 : memref<2000xi32, #tpu.memory_space<hbm>>) target(%arg15 : memref<2000xi32, #tpu.memory_space<vmem>>) target_semaphore(%run_scoped3A : memref<!tpu.dma_semaphore, #tpu.memory_space<semaphore_mem>>)
      %dma_wait3A = tpu.memref_slice %arg3[%add3A_80] : memref<1600000xi32, #tpu.memory_space<hbm>> -> memref<2000xi32, #tpu.memory_space<hbm>>
      %dma_wait3A_282 = tpu.memref_slice %arg3[%add3A_80] : memref<1600000xi32, #tpu.memory_space<hbm>> -> memref<2000xi32, #tpu.memory_space<hbm>>
      tpu.wait_dma2 semaphore(%run_scoped3A : memref<!tpu.dma_semaphore, #tpu.memory_space<semaphore_mem>>) src(%dma_wait3A_282 : memref<2000xi32, #tpu.memory_space<hbm>>) dst(%arg15 : memref<2000xi32, #tpu.memory_space<vmem>>)
      tpu.yield
    }) : () -> ()
    "tpu.region"() ({
      %run_scoped3A = tpu.sem_alloc : memref<!tpu.dma_semaphore, #tpu.memory_space<semaphore_mem>>
      %dma_start3A = tpu.memref_slice %arg4[%add3A_80] : memref<1600000xf32, #tpu.memory_space<hbm>> -> memref<2000xf32, #tpu.memory_space<hbm>>
      %dma_start3A_281 = tpu.memref_slice %arg4[%add3A_80] : memref<1600000xf32, #tpu.memory_space<hbm>> -> memref<2000xf32, #tpu.memory_space<hbm>>
      tpu.enqueue_dma source(%dma_start3A_281 : memref<2000xf32, #tpu.memory_space<hbm>>) target(%arg16 : memref<2000xf32, #tpu.memory_space<vmem>>) target_semaphore(%run_scoped3A : memref<!tpu.dma_semaphore, #tpu.memory_space<semaphore_mem>>)
      %dma_wait3A = tpu.memref_slice %arg4[%add3A_80] : memref<1600000xf32, #tpu.memory_space<hbm>> -> memref<2000xf32, #tpu.memory_space<hbm>>
      %dma_wait3A_282 = tpu.memref_slice %arg4[%add3A_80] : memref<1600000xf32, #tpu.memory_space<hbm>> -> memref<2000xf32, #tpu.memory_space<hbm>>
      tpu.wait_dma2 semaphore(%run_scoped3A : memref<!tpu.dma_semaphore, #tpu.memory_space<semaphore_mem>>) src(%dma_wait3A_282 : memref<2000xf32, #tpu.memory_space<hbm>>) dst(%arg16 : memref<2000xf32, #tpu.memory_space<vmem>>)
      tpu.yield
    }) : () -> ()
    %scan3A_81 = arith.constant 0 : i32
    %scan3A_82 = arith.constant 0 : i32
    %scan3A_83 = arith.constant 125 : i32
    %scan3A_84 = arith.addi %scan3A_82, %scan3A_83 : i32
    %scan3A_85 = arith.constant 1 : i32
    scf.for %scan3A_281 = %scan3A_82 to %scan3A_84 step %scan3A_85  : i32 {
      %mul3A_282 = arith.constant 16 : i32
      %mul3A_283 = arith.muli %scan3A_281, %mul3A_282 : i32
      %get3A_284 = arith.index_cast %mul3A_283 : i32 to index
      %get3A_285 = tpu.vector_load %arg14[%get3A_284] {strides = array<i32>} : memref<2000xi32, #tpu.memory_space<vmem>>, vector<16xi32>,
      %get3A_286 = arith.index_cast %mul3A_283 : i32 to index
      %get3A_287 = tpu.vector_load %arg15[%get3A_286] {strides = array<i32>} : memref<2000xi32, #tpu.memory_space<vmem>>, vector<16xi32>,
      %sub3A_288 = arith.subi %get3A_285, %broadcast_in_dim3A : vector<16xi32>
      %max3A_289 = arith.maxsi %sub3A_288, %broadcast_in_dim3A_22 : vector<16xi32>
      %min3A_290 = arith.minsi %max3A_289, %broadcast_in_dim3A_28 : vector<16xi32>
      %sub3A_291 = arith.subi %get3A_287, %broadcast_in_dim3A : vector<16xi32>
      %max3A_292 = arith.maxsi %sub3A_291, %broadcast_in_dim3A_22 : vector<16xi32>
      %min3A_293 = arith.minsi %max3A_292, %broadcast_in_dim3A_28 : vector<16xi32>
      %gather3A = tpu.vector_load_idx %arg11[%min3A_290] : memref<3136xi32, #tpu.memory_space<vmem>>[vector<16xi32>], vector<16xi32>,
      %gather3A_294 = tpu.vector_load_idx %arg11[%min3A_293] : memref<3136xi32, #tpu.memory_space<vmem>>[vector<16xi32>], vector<16xi32>,
      %get3A_295 = arith.index_cast %mul3A_283 : i32 to index
      %get3A_296 = tpu.vector_load %arg16[%get3A_295] {strides = array<i32>} : memref<2000xf32, #tpu.memory_space<vmem>>, vector<16xf32>,
      %add3A_297 = arith.addi %gather3A, %gather3A_294 : vector<16xi32>
      %gt3A = arith.cmpi sgt, %add3A_297, %broadcast_in_dim3A_22 : vector<16xi32>
      %swap3A = arith.index_cast %mul3A_283 : i32 to index
      %swap3A_298 = tpu.vector_load %arg17[%swap3A] {strides = array<i32>} : memref<2000xi32, #tpu.memory_space<vmem>>, vector<16xi32>,
      tpu.vector_store %arg17[%swap3A], %gather3A {strides = array<i32>} : memref<2000xi32, #tpu.memory_space<vmem>>, vector<16xi32>,
      %swap3A_299 = arith.index_cast %mul3A_283 : i32 to index
      %swap3A_300 = tpu.vector_load %arg18[%swap3A_299] {strides = array<i32>} : memref<2000xi32, #tpu.memory_space<vmem>>, vector<16xi32>,
      tpu.vector_store %arg18[%swap3A_299], %gather3A_294 {strides = array<i32>} : memref<2000xi32, #tpu.memory_space<vmem>>, vector<16xi32>,
      %select_n3A_301 = arith.select %gt3A, %get3A_296, %broadcast_in_dim3A_24 : vector<16xi1>, vector<16xf32>
      %swap3A_302 = arith.index_cast %mul3A_283 : i32 to index
      %swap3A_303 = tpu.vector_load %arg19[%swap3A_302] {strides = array<i32>} : memref<2000xf32, #tpu.memory_space<vmem>>, vector<16xf32>,
      tpu.vector_store %arg19[%swap3A_302], %select_n3A_301 {strides = array<i32>} : memref<2000xf32, #tpu.memory_space<vmem>>, vector<16xf32>,
    }
    %scan3A_86 = arith.constant 125 : i32
    "tpu.region"() ({
      %run_scoped3A = tpu.sem_alloc : memref<!tpu.dma_semaphore, #tpu.memory_space<semaphore_mem>>
      %dma_start3A = tpu.memref_slice %arg7[%add3A_80] : memref<1600000xi32, #tpu.memory_space<hbm>> -> memref<2000xi32, #tpu.memory_space<hbm>>
      %dma_start3A_281 = tpu.memref_slice %arg7[%add3A_80] : memref<1600000xi32, #tpu.memory_space<hbm>> -> memref<2000xi32, #tpu.memory_space<hbm>>
      tpu.enqueue_dma source(%arg17 : memref<2000xi32, #tpu.memory_space<vmem>>) target(%dma_start3A_281 : memref<2000xi32, #tpu.memory_space<hbm>>) target_semaphore(%run_scoped3A : memref<!tpu.dma_semaphore, #tpu.memory_space<semaphore_mem>>)
      %dma_wait3A = tpu.memref_slice %arg7[%add3A_80] : memref<1600000xi32, #tpu.memory_space<hbm>> -> memref<2000xi32, #tpu.memory_space<hbm>>
      %dma_wait3A_282 = tpu.memref_slice %arg7[%add3A_80] : memref<1600000xi32, #tpu.memory_space<hbm>> -> memref<2000xi32, #tpu.memory_space<hbm>>
      tpu.wait_dma2 semaphore(%run_scoped3A : memref<!tpu.dma_semaphore, #tpu.memory_space<semaphore_mem>>) src(%arg17 : memref<2000xi32, #tpu.memory_space<vmem>>) dst(%dma_wait3A_282 : memref<2000xi32, #tpu.memory_space<hbm>>)
      tpu.yield
    }) : () -> ()
    "tpu.region"() ({
      %run_scoped3A = tpu.sem_alloc : memref<!tpu.dma_semaphore, #tpu.memory_space<semaphore_mem>>
      %dma_start3A = tpu.memref_slice %arg8[%add3A_80] : memref<1600000xi32, #tpu.memory_space<hbm>> -> memref<2000xi32, #tpu.memory_space<hbm>>
      %dma_start3A_281 = tpu.memref_slice %arg8[%add3A_80] : memref<1600000xi32, #tpu.memory_space<hbm>> -> memref<2000xi32, #tpu.memory_space<hbm>>
      tpu.enqueue_dma source(%arg18 : memref<2000xi32, #tpu.memory_space<vmem>>) target(%dma_start3A_281 : memref<2000xi32, #tpu.memory_space<hbm>>) target_semaphore(%run_scoped3A : memref<!tpu.dma_semaphore, #tpu.memory_space<semaphore_mem>>)
      %dma_wait3A = tpu.memref_slice %arg8[%add3A_80] : memref<1600000xi32, #tpu.memory_space<hbm>> -> memref<2000xi32, #tpu.memory_space<hbm>>
      %dma_wait3A_282 = tpu.memref_slice %arg8[%add3A_80] : memref<1600000xi32, #tpu.memory_space<hbm>> -> memref<2000xi32, #tpu.memory_space<hbm>>
      tpu.wait_dma2 semaphore(%run_scoped3A : memref<!tpu.dma_semaphore, #tpu.memory_space<semaphore_mem>>) src(%arg18 : memref<2000xi32, #tpu.memory_space<vmem>>) dst(%dma_wait3A_282 : memref<2000xi32, #tpu.memory_space<hbm>>)
      tpu.yield
    }) : () -> ()
    "tpu.region"() ({
      %run_scoped3A = tpu.sem_alloc : memref<!tpu.dma_semaphore, #tpu.memory_space<semaphore_mem>>
      %dma_start3A = tpu.memref_slice %arg10[%add3A_80] : memref<1600000xf32, #tpu.memory_space<hbm>> -> memref<2000xf32, #tpu.memory_space<hbm>>
      %dma_start3A_281 = tpu.memref_slice %arg10[%add3A_80] : memref<1600000xf32, #tpu.memory_space<hbm>> -> memref<2000xf32, #tpu.memory_space<hbm>>
      tpu.enqueue_dma source(%arg19 : memref<2000xf32, #tpu.memory_space<vmem>>) target(%dma_start3A_281 : memref<2000xf32, #tpu.memory_space<hbm>>) target_semaphore(%run_scoped3A : memref<!tpu.dma_semaphore, #tpu.memory_space<semaphore_mem>>)
      %dma_wait3A = tpu.memref_slice %arg10[%add3A_80] : memref<1600000xf32, #tpu.memory_space<hbm>> -> memref<2000xf32, #tpu.memory_space<hbm>>
      %dma_wait3A_282 = tpu.memref_slice %arg10[%add3A_80] : memref<1600000xf32, #tpu.memory_space<hbm>> -> memref<2000xf32, #tpu.memory_space<hbm>>
      tpu.wait_dma2 semaphore(%run_scoped3A : memref<!tpu.dma_semaphore, #tpu.memory_space<semaphore_mem>>) src(%arg19 : memref<2000xf32, #tpu.memory_space<vmem>>) dst(%dma_wait3A_282 : memref<2000xf32, #tpu.memory_space<hbm>>)
      tpu.yield
    }) : () -> ()
    %add3A_87 = arith.constant 6000 : i32
    %add3A_88 = arith.addi %mul3A_2, %add3A_87 : i32
    "tpu.region"() ({
      %run_scoped3A = tpu.sem_alloc : memref<!tpu.dma_semaphore, #tpu.memory_space<semaphore_mem>>
      %dma_start3A = tpu.memref_slice %arg2[%add3A_88] : memref<1600000xi32, #tpu.memory_space<hbm>> -> memref<2000xi32, #tpu.memory_space<hbm>>
      %dma_start3A_281 = tpu.memref_slice %arg2[%add3A_88] : memref<1600000xi32, #tpu.memory_space<hbm>> -> memref<2000xi32, #tpu.memory_space<hbm>>
      tpu.enqueue_dma source(%dma_start3A_281 : memref<2000xi32, #tpu.memory_space<hbm>>) target(%arg14 : memref<2000xi32, #tpu.memory_space<vmem>>) target_semaphore(%run_scoped3A : memref<!tpu.dma_semaphore, #tpu.memory_space<semaphore_mem>>)
      %dma_wait3A = tpu.memref_slice %arg2[%add3A_88] : memref<1600000xi32, #tpu.memory_space<hbm>> -> memref<2000xi32, #tpu.memory_space<hbm>>
      %dma_wait3A_282 = tpu.memref_slice %arg2[%add3A_88] : memref<1600000xi32, #tpu.memory_space<hbm>> -> memref<2000xi32, #tpu.memory_space<hbm>>
      tpu.wait_dma2 semaphore(%run_scoped3A : memref<!tpu.dma_semaphore, #tpu.memory_space<semaphore_mem>>) src(%dma_wait3A_282 : memref<2000xi32, #tpu.memory_space<hbm>>) dst(%arg14 : memref<2000xi32, #tpu.memory_space<vmem>>)
      tpu.yield
    }) : () -> ()
    "tpu.region"() ({
      %run_scoped3A = tpu.sem_alloc : memref<!tpu.dma_semaphore, #tpu.memory_space<semaphore_mem>>
      %dma_start3A = tpu.memref_slice %arg3[%add3A_88] : memref<1600000xi32, #tpu.memory_space<hbm>> -> memref<2000xi32, #tpu.memory_space<hbm>>
      %dma_start3A_281 = tpu.memref_slice %arg3[%add3A_88] : memref<1600000xi32, #tpu.memory_space<hbm>> -> memref<2000xi32, #tpu.memory_space<hbm>>
      tpu.enqueue_dma source(%dma_start3A_281 : memref<2000xi32, #tpu.memory_space<hbm>>) target(%arg15 : memref<2000xi32, #tpu.memory_space<vmem>>) target_semaphore(%run_scoped3A : memref<!tpu.dma_semaphore, #tpu.memory_space<semaphore_mem>>)
      %dma_wait3A = tpu.memref_slice %arg3[%add3A_88] : memref<1600000xi32, #tpu.memory_space<hbm>> -> memref<2000xi32, #tpu.memory_space<hbm>>
      %dma_wait3A_282 = tpu.memref_slice %arg3[%add3A_88] : memref<1600000xi32, #tpu.memory_space<hbm>> -> memref<2000xi32, #tpu.memory_space<hbm>>
      tpu.wait_dma2 semaphore(%run_scoped3A : memref<!tpu.dma_semaphore, #tpu.memory_space<semaphore_mem>>) src(%dma_wait3A_282 : memref<2000xi32, #tpu.memory_space<hbm>>) dst(%arg15 : memref<2000xi32, #tpu.memory_space<vmem>>)
      tpu.yield
    }) : () -> ()
    "tpu.region"() ({
      %run_scoped3A = tpu.sem_alloc : memref<!tpu.dma_semaphore, #tpu.memory_space<semaphore_mem>>
      %dma_start3A = tpu.memref_slice %arg4[%add3A_88] : memref<1600000xf32, #tpu.memory_space<hbm>> -> memref<2000xf32, #tpu.memory_space<hbm>>
      %dma_start3A_281 = tpu.memref_slice %arg4[%add3A_88] : memref<1600000xf32, #tpu.memory_space<hbm>> -> memref<2000xf32, #tpu.memory_space<hbm>>
      tpu.enqueue_dma source(%dma_start3A_281 : memref<2000xf32, #tpu.memory_space<hbm>>) target(%arg16 : memref<2000xf32, #tpu.memory_space<vmem>>) target_semaphore(%run_scoped3A : memref<!tpu.dma_semaphore, #tpu.memory_space<semaphore_mem>>)
      %dma_wait3A = tpu.memref_slice %arg4[%add3A_88] : memref<1600000xf32, #tpu.memory_space<hbm>> -> memref<2000xf32, #tpu.memory_space<hbm>>
      %dma_wait3A_282 = tpu.memref_slice %arg4[%add3A_88] : memref<1600000xf32, #tpu.memory_space<hbm>> -> memref<2000xf32, #tpu.memory_space<hbm>>
      tpu.wait_dma2 semaphore(%run_scoped3A : memref<!tpu.dma_semaphore, #tpu.memory_space<semaphore_mem>>) src(%dma_wait3A_282 : memref<2000xf32, #tpu.memory_space<hbm>>) dst(%arg16 : memref<2000xf32, #tpu.memory_space<vmem>>)
      tpu.yield
    }) : () -> ()
    %scan3A_89 = arith.constant 0 : i32
    %scan3A_90 = arith.constant 0 : i32
    %scan3A_91 = arith.constant 125 : i32
    %scan3A_92 = arith.addi %scan3A_90, %scan3A_91 : i32
    %scan3A_93 = arith.constant 1 : i32
    scf.for %scan3A_281 = %scan3A_90 to %scan3A_92 step %scan3A_93  : i32 {
      %mul3A_282 = arith.constant 16 : i32
      %mul3A_283 = arith.muli %scan3A_281, %mul3A_282 : i32
      %get3A_284 = arith.index_cast %mul3A_283 : i32 to index
      %get3A_285 = tpu.vector_load %arg14[%get3A_284] {strides = array<i32>} : memref<2000xi32, #tpu.memory_space<vmem>>, vector<16xi32>,
      %get3A_286 = arith.index_cast %mul3A_283 : i32 to index
      %get3A_287 = tpu.vector_load %arg15[%get3A_286] {strides = array<i32>} : memref<2000xi32, #tpu.memory_space<vmem>>, vector<16xi32>,
      %sub3A_288 = arith.subi %get3A_285, %broadcast_in_dim3A : vector<16xi32>
      %max3A_289 = arith.maxsi %sub3A_288, %broadcast_in_dim3A_22 : vector<16xi32>
      %min3A_290 = arith.minsi %max3A_289, %broadcast_in_dim3A_28 : vector<16xi32>
      %sub3A_291 = arith.subi %get3A_287, %broadcast_in_dim3A : vector<16xi32>
      %max3A_292 = arith.maxsi %sub3A_291, %broadcast_in_dim3A_22 : vector<16xi32>
      %min3A_293 = arith.minsi %max3A_292, %broadcast_in_dim3A_28 : vector<16xi32>
      %gather3A = tpu.vector_load_idx %arg11[%min3A_290] : memref<3136xi32, #tpu.memory_space<vmem>>[vector<16xi32>], vector<16xi32>,
      %gather3A_294 = tpu.vector_load_idx %arg11[%min3A_293] : memref<3136xi32, #tpu.memory_space<vmem>>[vector<16xi32>], vector<16xi32>,
      %get3A_295 = arith.index_cast %mul3A_283 : i32 to index
      %get3A_296 = tpu.vector_load %arg16[%get3A_295] {strides = array<i32>} : memref<2000xf32, #tpu.memory_space<vmem>>, vector<16xf32>,
      %add3A_297 = arith.addi %gather3A, %gather3A_294 : vector<16xi32>
      %gt3A = arith.cmpi sgt, %add3A_297, %broadcast_in_dim3A_22 : vector<16xi32>
      %swap3A = arith.index_cast %mul3A_283 : i32 to index
      %swap3A_298 = tpu.vector_load %arg17[%swap3A] {strides = array<i32>} : memref<2000xi32, #tpu.memory_space<vmem>>, vector<16xi32>,
      tpu.vector_store %arg17[%swap3A], %gather3A {strides = array<i32>} : memref<2000xi32, #tpu.memory_space<vmem>>, vector<16xi32>,
      %swap3A_299 = arith.index_cast %mul3A_283 : i32 to index
      %swap3A_300 = tpu.vector_load %arg18[%swap3A_299] {strides = array<i32>} : memref<2000xi32, #tpu.memory_space<vmem>>, vector<16xi32>,
      tpu.vector_store %arg18[%swap3A_299], %gather3A_294 {strides = array<i32>} : memref<2000xi32, #tpu.memory_space<vmem>>, vector<16xi32>,
      %select_n3A_301 = arith.select %gt3A, %get3A_296, %broadcast_in_dim3A_24 : vector<16xi1>, vector<16xf32>
      %swap3A_302 = arith.index_cast %mul3A_283 : i32 to index
      %swap3A_303 = tpu.vector_load %arg19[%swap3A_302] {strides = array<i32>} : memref<2000xf32, #tpu.memory_space<vmem>>, vector<16xf32>,
      tpu.vector_store %arg19[%swap3A_302], %select_n3A_301 {strides = array<i32>} : memref<2000xf32, #tpu.memory_space<vmem>>, vector<16xf32>,
    }
    %scan3A_94 = arith.constant 125 : i32
    "tpu.region"() ({
      %run_scoped3A = tpu.sem_alloc : memref<!tpu.dma_semaphore, #tpu.memory_space<semaphore_mem>>
      %dma_start3A = tpu.memref_slice %arg7[%add3A_88] : memref<1600000xi32, #tpu.memory_space<hbm>> -> memref<2000xi32, #tpu.memory_space<hbm>>
      %dma_start3A_281 = tpu.memref_slice %arg7[%add3A_88] : memref<1600000xi32, #tpu.memory_space<hbm>> -> memref<2000xi32, #tpu.memory_space<hbm>>
      tpu.enqueue_dma source(%arg17 : memref<2000xi32, #tpu.memory_space<vmem>>) target(%dma_start3A_281 : memref<2000xi32, #tpu.memory_space<hbm>>) target_semaphore(%run_scoped3A : memref<!tpu.dma_semaphore, #tpu.memory_space<semaphore_mem>>)
      %dma_wait3A = tpu.memref_slice %arg7[%add3A_88] : memref<1600000xi32, #tpu.memory_space<hbm>> -> memref<2000xi32, #tpu.memory_space<hbm>>
      %dma_wait3A_282 = tpu.memref_slice %arg7[%add3A_88] : memref<1600000xi32, #tpu.memory_space<hbm>> -> memref<2000xi32, #tpu.memory_space<hbm>>
      tpu.wait_dma2 semaphore(%run_scoped3A : memref<!tpu.dma_semaphore, #tpu.memory_space<semaphore_mem>>) src(%arg17 : memref<2000xi32, #tpu.memory_space<vmem>>) dst(%dma_wait3A_282 : memref<2000xi32, #tpu.memory_space<hbm>>)
      tpu.yield
    }) : () -> ()
    "tpu.region"() ({
      %run_scoped3A = tpu.sem_alloc : memref<!tpu.dma_semaphore, #tpu.memory_space<semaphore_mem>>
      %dma_start3A = tpu.memref_slice %arg8[%add3A_88] : memref<1600000xi32, #tpu.memory_space<hbm>> -> memref<2000xi32, #tpu.memory_space<hbm>>
      %dma_start3A_281 = tpu.memref_slice %arg8[%add3A_88] : memref<1600000xi32, #tpu.memory_space<hbm>> -> memref<2000xi32, #tpu.memory_space<hbm>>
      tpu.enqueue_dma source(%arg18 : memref<2000xi32, #tpu.memory_space<vmem>>) target(%dma_start3A_281 : memref<2000xi32, #tpu.memory_space<hbm>>) target_semaphore(%run_scoped3A : memref<!tpu.dma_semaphore, #tpu.memory_space<semaphore_mem>>)
      %dma_wait3A = tpu.memref_slice %arg8[%add3A_88] : memref<1600000xi32, #tpu.memory_space<hbm>> -> memref<2000xi32, #tpu.memory_space<hbm>>
      %dma_wait3A_282 = tpu.memref_slice %arg8[%add3A_88] : memref<1600000xi32, #tpu.memory_space<hbm>> -> memref<2000xi32, #tpu.memory_space<hbm>>
      tpu.wait_dma2 semaphore(%run_scoped3A : memref<!tpu.dma_semaphore, #tpu.memory_space<semaphore_mem>>) src(%arg18 : memref<2000xi32, #tpu.memory_space<vmem>>) dst(%dma_wait3A_282 : memref<2000xi32, #tpu.memory_space<hbm>>)
      tpu.yield
    }) : () -> ()
    "tpu.region"() ({
      %run_scoped3A = tpu.sem_alloc : memref<!tpu.dma_semaphore, #tpu.memory_space<semaphore_mem>>
      %dma_start3A = tpu.memref_slice %arg10[%add3A_88] : memref<1600000xf32, #tpu.memory_space<hbm>> -> memref<2000xf32, #tpu.memory_space<hbm>>
      %dma_start3A_281 = tpu.memref_slice %arg10[%add3A_88] : memref<1600000xf32, #tpu.memory_space<hbm>> -> memref<2000xf32, #tpu.memory_space<hbm>>
      tpu.enqueue_dma source(%arg19 : memref<2000xf32, #tpu.memory_space<vmem>>) target(%dma_start3A_281 : memref<2000xf32, #tpu.memory_space<hbm>>) target_semaphore(%run_scoped3A : memref<!tpu.dma_semaphore, #tpu.memory_space<semaphore_mem>>)
      %dma_wait3A = tpu.memref_slice %arg10[%add3A_88] : memref<1600000xf32, #tpu.memory_space<hbm>> -> memref<2000xf32, #tpu.memory_space<hbm>>
      %dma_wait3A_282 = tpu.memref_slice %arg10[%add3A_88] : memref<1600000xf32, #tpu.memory_space<hbm>> -> memref<2000xf32, #tpu.memory_space<hbm>>
      tpu.wait_dma2 semaphore(%run_scoped3A : memref<!tpu.dma_semaphore, #tpu.memory_space<semaphore_mem>>) src(%arg19 : memref<2000xf32, #tpu.memory_space<vmem>>) dst(%dma_wait3A_282 : memref<2000xf32, #tpu.memory_space<hbm>>)
      tpu.yield
    }) : () -> ()
    %add3A_95 = arith.constant 8000 : i32
    %add3A_96 = arith.addi %mul3A_2, %add3A_95 : i32
    "tpu.region"() ({
      %run_scoped3A = tpu.sem_alloc : memref<!tpu.dma_semaphore, #tpu.memory_space<semaphore_mem>>
      %dma_start3A = tpu.memref_slice %arg2[%add3A_96] : memref<1600000xi32, #tpu.memory_space<hbm>> -> memref<2000xi32, #tpu.memory_space<hbm>>
      %dma_start3A_281 = tpu.memref_slice %arg2[%add3A_96] : memref<1600000xi32, #tpu.memory_space<hbm>> -> memref<2000xi32, #tpu.memory_space<hbm>>
      tpu.enqueue_dma source(%dma_start3A_281 : memref<2000xi32, #tpu.memory_space<hbm>>) target(%arg14 : memref<2000xi32, #tpu.memory_space<vmem>>) target_semaphore(%run_scoped3A : memref<!tpu.dma_semaphore, #tpu.memory_space<semaphore_mem>>)
      %dma_wait3A = tpu.memref_slice %arg2[%add3A_96] : memref<1600000xi32, #tpu.memory_space<hbm>> -> memref<2000xi32, #tpu.memory_space<hbm>>
      %dma_wait3A_282 = tpu.memref_slice %arg2[%add3A_96] : memref<1600000xi32, #tpu.memory_space<hbm>> -> memref<2000xi32, #tpu.memory_space<hbm>>
      tpu.wait_dma2 semaphore(%run_scoped3A : memref<!tpu.dma_semaphore, #tpu.memory_space<semaphore_mem>>) src(%dma_wait3A_282 : memref<2000xi32, #tpu.memory_space<hbm>>) dst(%arg14 : memref<2000xi32, #tpu.memory_space<vmem>>)
      tpu.yield
    }) : () -> ()
    "tpu.region"() ({
      %run_scoped3A = tpu.sem_alloc : memref<!tpu.dma_semaphore, #tpu.memory_space<semaphore_mem>>
      %dma_start3A = tpu.memref_slice %arg3[%add3A_96] : memref<1600000xi32, #tpu.memory_space<hbm>> -> memref<2000xi32, #tpu.memory_space<hbm>>
      %dma_start3A_281 = tpu.memref_slice %arg3[%add3A_96] : memref<1600000xi32, #tpu.memory_space<hbm>> -> memref<2000xi32, #tpu.memory_space<hbm>>
      tpu.enqueue_dma source(%dma_start3A_281 : memref<2000xi32, #tpu.memory_space<hbm>>) target(%arg15 : memref<2000xi32, #tpu.memory_space<vmem>>) target_semaphore(%run_scoped3A : memref<!tpu.dma_semaphore, #tpu.memory_space<semaphore_mem>>)
      %dma_wait3A = tpu.memref_slice %arg3[%add3A_96] : memref<1600000xi32, #tpu.memory_space<hbm>> -> memref<2000xi32, #tpu.memory_space<hbm>>
      %dma_wait3A_282 = tpu.memref_slice %arg3[%add3A_96] : memref<1600000xi32, #tpu.memory_space<hbm>> -> memref<2000xi32, #tpu.memory_space<hbm>>
      tpu.wait_dma2 semaphore(%run_scoped3A : memref<!tpu.dma_semaphore, #tpu.memory_space<semaphore_mem>>) src(%dma_wait3A_282 : memref<2000xi32, #tpu.memory_space<hbm>>) dst(%arg15 : memref<2000xi32, #tpu.memory_space<vmem>>)
      tpu.yield
    }) : () -> ()
    "tpu.region"() ({
      %run_scoped3A = tpu.sem_alloc : memref<!tpu.dma_semaphore, #tpu.memory_space<semaphore_mem>>
      %dma_start3A = tpu.memref_slice %arg4[%add3A_96] : memref<1600000xf32, #tpu.memory_space<hbm>> -> memref<2000xf32, #tpu.memory_space<hbm>>
      %dma_start3A_281 = tpu.memref_slice %arg4[%add3A_96] : memref<1600000xf32, #tpu.memory_space<hbm>> -> memref<2000xf32, #tpu.memory_space<hbm>>
      tpu.enqueue_dma source(%dma_start3A_281 : memref<2000xf32, #tpu.memory_space<hbm>>) target(%arg16 : memref<2000xf32, #tpu.memory_space<vmem>>) target_semaphore(%run_scoped3A : memref<!tpu.dma_semaphore, #tpu.memory_space<semaphore_mem>>)
      %dma_wait3A = tpu.memref_slice %arg4[%add3A_96] : memref<1600000xf32, #tpu.memory_space<hbm>> -> memref<2000xf32, #tpu.memory_space<hbm>>
      %dma_wait3A_282 = tpu.memref_slice %arg4[%add3A_96] : memref<1600000xf32, #tpu.memory_space<hbm>> -> memref<2000xf32, #tpu.memory_space<hbm>>
      tpu.wait_dma2 semaphore(%run_scoped3A : memref<!tpu.dma_semaphore, #tpu.memory_space<semaphore_mem>>) src(%dma_wait3A_282 : memref<2000xf32, #tpu.memory_space<hbm>>) dst(%arg16 : memref<2000xf32, #tpu.memory_space<vmem>>)
      tpu.yield
    }) : () -> ()
    %scan3A_97 = arith.constant 0 : i32
    %scan3A_98 = arith.constant 0 : i32
    %scan3A_99 = arith.constant 125 : i32
    %scan3A_100 = arith.addi %scan3A_98, %scan3A_99 : i32
    %scan3A_101 = arith.constant 1 : i32
    scf.for %scan3A_281 = %scan3A_98 to %scan3A_100 step %scan3A_101  : i32 {
      %mul3A_282 = arith.constant 16 : i32
      %mul3A_283 = arith.muli %scan3A_281, %mul3A_282 : i32
      %get3A_284 = arith.index_cast %mul3A_283 : i32 to index
      %get3A_285 = tpu.vector_load %arg14[%get3A_284] {strides = array<i32>} : memref<2000xi32, #tpu.memory_space<vmem>>, vector<16xi32>,
      %get3A_286 = arith.index_cast %mul3A_283 : i32 to index
      %get3A_287 = tpu.vector_load %arg15[%get3A_286] {strides = array<i32>} : memref<2000xi32, #tpu.memory_space<vmem>>, vector<16xi32>,
      %sub3A_288 = arith.subi %get3A_285, %broadcast_in_dim3A : vector<16xi32>
      %max3A_289 = arith.maxsi %sub3A_288, %broadcast_in_dim3A_22 : vector<16xi32>
      %min3A_290 = arith.minsi %max3A_289, %broadcast_in_dim3A_28 : vector<16xi32>
      %sub3A_291 = arith.subi %get3A_287, %broadcast_in_dim3A : vector<16xi32>
      %max3A_292 = arith.maxsi %sub3A_291, %broadcast_in_dim3A_22 : vector<16xi32>
      %min3A_293 = arith.minsi %max3A_292, %broadcast_in_dim3A_28 : vector<16xi32>
      %gather3A = tpu.vector_load_idx %arg11[%min3A_290] : memref<3136xi32, #tpu.memory_space<vmem>>[vector<16xi32>], vector<16xi32>,
      %gather3A_294 = tpu.vector_load_idx %arg11[%min3A_293] : memref<3136xi32, #tpu.memory_space<vmem>>[vector<16xi32>], vector<16xi32>,
      %get3A_295 = arith.index_cast %mul3A_283 : i32 to index
      %get3A_296 = tpu.vector_load %arg16[%get3A_295] {strides = array<i32>} : memref<2000xf32, #tpu.memory_space<vmem>>, vector<16xf32>,
      %add3A_297 = arith.addi %gather3A, %gather3A_294 : vector<16xi32>
      %gt3A = arith.cmpi sgt, %add3A_297, %broadcast_in_dim3A_22 : vector<16xi32>
      %swap3A = arith.index_cast %mul3A_283 : i32 to index
      %swap3A_298 = tpu.vector_load %arg17[%swap3A] {strides = array<i32>} : memref<2000xi32, #tpu.memory_space<vmem>>, vector<16xi32>,
      tpu.vector_store %arg17[%swap3A], %gather3A {strides = array<i32>} : memref<2000xi32, #tpu.memory_space<vmem>>, vector<16xi32>,
      %swap3A_299 = arith.index_cast %mul3A_283 : i32 to index
      %swap3A_300 = tpu.vector_load %arg18[%swap3A_299] {strides = array<i32>} : memref<2000xi32, #tpu.memory_space<vmem>>, vector<16xi32>,
      tpu.vector_store %arg18[%swap3A_299], %gather3A_294 {strides = array<i32>} : memref<2000xi32, #tpu.memory_space<vmem>>, vector<16xi32>,
      %select_n3A_301 = arith.select %gt3A, %get3A_296, %broadcast_in_dim3A_24 : vector<16xi1>, vector<16xf32>
      %swap3A_302 = arith.index_cast %mul3A_283 : i32 to index
      %swap3A_303 = tpu.vector_load %arg19[%swap3A_302] {strides = array<i32>} : memref<2000xf32, #tpu.memory_space<vmem>>, vector<16xf32>,
      tpu.vector_store %arg19[%swap3A_302], %select_n3A_301 {strides = array<i32>} : memref<2000xf32, #tpu.memory_space<vmem>>, vector<16xf32>,
    }
    %scan3A_102 = arith.constant 125 : i32
    "tpu.region"() ({
      %run_scoped3A = tpu.sem_alloc : memref<!tpu.dma_semaphore, #tpu.memory_space<semaphore_mem>>
      %dma_start3A = tpu.memref_slice %arg7[%add3A_96] : memref<1600000xi32, #tpu.memory_space<hbm>> -> memref<2000xi32, #tpu.memory_space<hbm>>
      %dma_start3A_281 = tpu.memref_slice %arg7[%add3A_96] : memref<1600000xi32, #tpu.memory_space<hbm>> -> memref<2000xi32, #tpu.memory_space<hbm>>
      tpu.enqueue_dma source(%arg17 : memref<2000xi32, #tpu.memory_space<vmem>>) target(%dma_start3A_281 : memref<2000xi32, #tpu.memory_space<hbm>>) target_semaphore(%run_scoped3A : memref<!tpu.dma_semaphore, #tpu.memory_space<semaphore_mem>>)
      %dma_wait3A = tpu.memref_slice %arg7[%add3A_96] : memref<1600000xi32, #tpu.memory_space<hbm>> -> memref<2000xi32, #tpu.memory_space<hbm>>
      %dma_wait3A_282 = tpu.memref_slice %arg7[%add3A_96] : memref<1600000xi32, #tpu.memory_space<hbm>> -> memref<2000xi32, #tpu.memory_space<hbm>>
      tpu.wait_dma2 semaphore(%run_scoped3A : memref<!tpu.dma_semaphore, #tpu.memory_space<semaphore_mem>>) src(%arg17 : memref<2000xi32, #tpu.memory_space<vmem>>) dst(%dma_wait3A_282 : memref<2000xi32, #tpu.memory_space<hbm>>)
      tpu.yield
    }) : () -> ()
    "tpu.region"() ({
      %run_scoped3A = tpu.sem_alloc : memref<!tpu.dma_semaphore, #tpu.memory_space<semaphore_mem>>
      %dma_start3A = tpu.memref_slice %arg8[%add3A_96] : memref<1600000xi32, #tpu.memory_space<hbm>> -> memref<2000xi32, #tpu.memory_space<hbm>>
      %dma_start3A_281 = tpu.memref_slice %arg8[%add3A_96] : memref<1600000xi32, #tpu.memory_space<hbm>> -> memref<2000xi32, #tpu.memory_space<hbm>>
      tpu.enqueue_dma source(%arg18 : memref<2000xi32, #tpu.memory_space<vmem>>) target(%dma_start3A_281 : memref<2000xi32, #tpu.memory_space<hbm>>) target_semaphore(%run_scoped3A : memref<!tpu.dma_semaphore, #tpu.memory_space<semaphore_mem>>)
      %dma_wait3A = tpu.memref_slice %arg8[%add3A_96] : memref<1600000xi32, #tpu.memory_space<hbm>> -> memref<2000xi32, #tpu.memory_space<hbm>>
      %dma_wait3A_282 = tpu.memref_slice %arg8[%add3A_96] : memref<1600000xi32, #tpu.memory_space<hbm>> -> memref<2000xi32, #tpu.memory_space<hbm>>
      tpu.wait_dma2 semaphore(%run_scoped3A : memref<!tpu.dma_semaphore, #tpu.memory_space<semaphore_mem>>) src(%arg18 : memref<2000xi32, #tpu.memory_space<vmem>>) dst(%dma_wait3A_282 : memref<2000xi32, #tpu.memory_space<hbm>>)
      tpu.yield
    }) : () -> ()
    "tpu.region"() ({
      %run_scoped3A = tpu.sem_alloc : memref<!tpu.dma_semaphore, #tpu.memory_space<semaphore_mem>>
      %dma_start3A = tpu.memref_slice %arg10[%add3A_96] : memref<1600000xf32, #tpu.memory_space<hbm>> -> memref<2000xf32, #tpu.memory_space<hbm>>
      %dma_start3A_281 = tpu.memref_slice %arg10[%add3A_96] : memref<1600000xf32, #tpu.memory_space<hbm>> -> memref<2000xf32, #tpu.memory_space<hbm>>
      tpu.enqueue_dma source(%arg19 : memref<2000xf32, #tpu.memory_space<vmem>>) target(%dma_start3A_281 : memref<2000xf32, #tpu.memory_space<hbm>>) target_semaphore(%run_scoped3A : memref<!tpu.dma_semaphore, #tpu.memory_space<semaphore_mem>>)
      %dma_wait3A = tpu.memref_slice %arg10[%add3A_96] : memref<1600000xf32, #tpu.memory_space<hbm>> -> memref<2000xf32, #tpu.memory_space<hbm>>
      %dma_wait3A_282 = tpu.memref_slice %arg10[%add3A_96] : memref<1600000xf32, #tpu.memory_space<hbm>> -> memref<2000xf32, #tpu.memory_space<hbm>>
      tpu.wait_dma2 semaphore(%run_scoped3A : memref<!tpu.dma_semaphore, #tpu.memory_space<semaphore_mem>>) src(%arg19 : memref<2000xf32, #tpu.memory_space<vmem>>) dst(%dma_wait3A_282 : memref<2000xf32, #tpu.memory_space<hbm>>)
      tpu.yield
    }) : () -> ()
    %add3A_103 = arith.constant 10000 : i32
    %add3A_104 = arith.addi %mul3A_2, %add3A_103 : i32
    "tpu.region"() ({
      %run_scoped3A = tpu.sem_alloc : memref<!tpu.dma_semaphore, #tpu.memory_space<semaphore_mem>>
      %dma_start3A = tpu.memref_slice %arg2[%add3A_104] : memref<1600000xi32, #tpu.memory_space<hbm>> -> memref<2000xi32, #tpu.memory_space<hbm>>
      %dma_start3A_281 = tpu.memref_slice %arg2[%add3A_104] : memref<1600000xi32, #tpu.memory_space<hbm>> -> memref<2000xi32, #tpu.memory_space<hbm>>
      tpu.enqueue_dma source(%dma_start3A_281 : memref<2000xi32, #tpu.memory_space<hbm>>) target(%arg14 : memref<2000xi32, #tpu.memory_space<vmem>>) target_semaphore(%run_scoped3A : memref<!tpu.dma_semaphore, #tpu.memory_space<semaphore_mem>>)
      %dma_wait3A = tpu.memref_slice %arg2[%add3A_104] : memref<1600000xi32, #tpu.memory_space<hbm>> -> memref<2000xi32, #tpu.memory_space<hbm>>
      %dma_wait3A_282 = tpu.memref_slice %arg2[%add3A_104] : memref<1600000xi32, #tpu.memory_space<hbm>> -> memref<2000xi32, #tpu.memory_space<hbm>>
      tpu.wait_dma2 semaphore(%run_scoped3A : memref<!tpu.dma_semaphore, #tpu.memory_space<semaphore_mem>>) src(%dma_wait3A_282 : memref<2000xi32, #tpu.memory_space<hbm>>) dst(%arg14 : memref<2000xi32, #tpu.memory_space<vmem>>)
      tpu.yield
    }) : () -> ()
    "tpu.region"() ({
      %run_scoped3A = tpu.sem_alloc : memref<!tpu.dma_semaphore, #tpu.memory_space<semaphore_mem>>
      %dma_start3A = tpu.memref_slice %arg3[%add3A_104] : memref<1600000xi32, #tpu.memory_space<hbm>> -> memref<2000xi32, #tpu.memory_space<hbm>>
      %dma_start3A_281 = tpu.memref_slice %arg3[%add3A_104] : memref<1600000xi32, #tpu.memory_space<hbm>> -> memref<2000xi32, #tpu.memory_space<hbm>>
      tpu.enqueue_dma source(%dma_start3A_281 : memref<2000xi32, #tpu.memory_space<hbm>>) target(%arg15 : memref<2000xi32, #tpu.memory_space<vmem>>) target_semaphore(%run_scoped3A : memref<!tpu.dma_semaphore, #tpu.memory_space<semaphore_mem>>)
      %dma_wait3A = tpu.memref_slice %arg3[%add3A_104] : memref<1600000xi32, #tpu.memory_space<hbm>> -> memref<2000xi32, #tpu.memory_space<hbm>>
      %dma_wait3A_282 = tpu.memref_slice %arg3[%add3A_104] : memref<1600000xi32, #tpu.memory_space<hbm>> -> memref<2000xi32, #tpu.memory_space<hbm>>
      tpu.wait_dma2 semaphore(%run_scoped3A : memref<!tpu.dma_semaphore, #tpu.memory_space<semaphore_mem>>) src(%dma_wait3A_282 : memref<2000xi32, #tpu.memory_space<hbm>>) dst(%arg15 : memref<2000xi32, #tpu.memory_space<vmem>>)
      tpu.yield
    }) : () -> ()
    "tpu.region"() ({
      %run_scoped3A = tpu.sem_alloc : memref<!tpu.dma_semaphore, #tpu.memory_space<semaphore_mem>>
      %dma_start3A = tpu.memref_slice %arg4[%add3A_104] : memref<1600000xf32, #tpu.memory_space<hbm>> -> memref<2000xf32, #tpu.memory_space<hbm>>
      %dma_start3A_281 = tpu.memref_slice %arg4[%add3A_104] : memref<1600000xf32, #tpu.memory_space<hbm>> -> memref<2000xf32, #tpu.memory_space<hbm>>
      tpu.enqueue_dma source(%dma_start3A_281 : memref<2000xf32, #tpu.memory_space<hbm>>) target(%arg16 : memref<2000xf32, #tpu.memory_space<vmem>>) target_semaphore(%run_scoped3A : memref<!tpu.dma_semaphore, #tpu.memory_space<semaphore_mem>>)
      %dma_wait3A = tpu.memref_slice %arg4[%add3A_104] : memref<1600000xf32, #tpu.memory_space<hbm>> -> memref<2000xf32, #tpu.memory_space<hbm>>
      %dma_wait3A_282 = tpu.memref_slice %arg4[%add3A_104] : memref<1600000xf32, #tpu.memory_space<hbm>> -> memref<2000xf32, #tpu.memory_space<hbm>>
      tpu.wait_dma2 semaphore(%run_scoped3A : memref<!tpu.dma_semaphore, #tpu.memory_space<semaphore_mem>>) src(%dma_wait3A_282 : memref<2000xf32, #tpu.memory_space<hbm>>) dst(%arg16 : memref<2000xf32, #tpu.memory_space<vmem>>)
      tpu.yield
    }) : () -> ()
    %scan3A_105 = arith.constant 0 : i32
    %scan3A_106 = arith.constant 0 : i32
    %scan3A_107 = arith.constant 125 : i32
    %scan3A_108 = arith.addi %scan3A_106, %scan3A_107 : i32
    %scan3A_109 = arith.constant 1 : i32
    scf.for %scan3A_281 = %scan3A_106 to %scan3A_108 step %scan3A_109  : i32 {
      %mul3A_282 = arith.constant 16 : i32
      %mul3A_283 = arith.muli %scan3A_281, %mul3A_282 : i32
      %get3A_284 = arith.index_cast %mul3A_283 : i32 to index
      %get3A_285 = tpu.vector_load %arg14[%get3A_284] {strides = array<i32>} : memref<2000xi32, #tpu.memory_space<vmem>>, vector<16xi32>,
      %get3A_286 = arith.index_cast %mul3A_283 : i32 to index
      %get3A_287 = tpu.vector_load %arg15[%get3A_286] {strides = array<i32>} : memref<2000xi32, #tpu.memory_space<vmem>>, vector<16xi32>,
      %sub3A_288 = arith.subi %get3A_285, %broadcast_in_dim3A : vector<16xi32>
      %max3A_289 = arith.maxsi %sub3A_288, %broadcast_in_dim3A_22 : vector<16xi32>
      %min3A_290 = arith.minsi %max3A_289, %broadcast_in_dim3A_28 : vector<16xi32>
      %sub3A_291 = arith.subi %get3A_287, %broadcast_in_dim3A : vector<16xi32>
      %max3A_292 = arith.maxsi %sub3A_291, %broadcast_in_dim3A_22 : vector<16xi32>
      %min3A_293 = arith.minsi %max3A_292, %broadcast_in_dim3A_28 : vector<16xi32>
      %gather3A = tpu.vector_load_idx %arg11[%min3A_290] : memref<3136xi32, #tpu.memory_space<vmem>>[vector<16xi32>], vector<16xi32>,
      %gather3A_294 = tpu.vector_load_idx %arg11[%min3A_293] : memref<3136xi32, #tpu.memory_space<vmem>>[vector<16xi32>], vector<16xi32>,
      %get3A_295 = arith.index_cast %mul3A_283 : i32 to index
      %get3A_296 = tpu.vector_load %arg16[%get3A_295] {strides = array<i32>} : memref<2000xf32, #tpu.memory_space<vmem>>, vector<16xf32>,
      %add3A_297 = arith.addi %gather3A, %gather3A_294 : vector<16xi32>
      %gt3A = arith.cmpi sgt, %add3A_297, %broadcast_in_dim3A_22 : vector<16xi32>
      %swap3A = arith.index_cast %mul3A_283 : i32 to index
      %swap3A_298 = tpu.vector_load %arg17[%swap3A] {strides = array<i32>} : memref<2000xi32, #tpu.memory_space<vmem>>, vector<16xi32>,
      tpu.vector_store %arg17[%swap3A], %gather3A {strides = array<i32>} : memref<2000xi32, #tpu.memory_space<vmem>>, vector<16xi32>,
      %swap3A_299 = arith.index_cast %mul3A_283 : i32 to index
      %swap3A_300 = tpu.vector_load %arg18[%swap3A_299] {strides = array<i32>} : memref<2000xi32, #tpu.memory_space<vmem>>, vector<16xi32>,
      tpu.vector_store %arg18[%swap3A_299], %gather3A_294 {strides = array<i32>} : memref<2000xi32, #tpu.memory_space<vmem>>, vector<16xi32>,
      %select_n3A_301 = arith.select %gt3A, %get3A_296, %broadcast_in_dim3A_24 : vector<16xi1>, vector<16xf32>
      %swap3A_302 = arith.index_cast %mul3A_283 : i32 to index
      %swap3A_303 = tpu.vector_load %arg19[%swap3A_302] {strides = array<i32>} : memref<2000xf32, #tpu.memory_space<vmem>>, vector<16xf32>,
      tpu.vector_store %arg19[%swap3A_302], %select_n3A_301 {strides = array<i32>} : memref<2000xf32, #tpu.memory_space<vmem>>, vector<16xf32>,
    }
    %scan3A_110 = arith.constant 125 : i32
    "tpu.region"() ({
      %run_scoped3A = tpu.sem_alloc : memref<!tpu.dma_semaphore, #tpu.memory_space<semaphore_mem>>
      %dma_start3A = tpu.memref_slice %arg7[%add3A_104] : memref<1600000xi32, #tpu.memory_space<hbm>> -> memref<2000xi32, #tpu.memory_space<hbm>>
      %dma_start3A_281 = tpu.memref_slice %arg7[%add3A_104] : memref<1600000xi32, #tpu.memory_space<hbm>> -> memref<2000xi32, #tpu.memory_space<hbm>>
      tpu.enqueue_dma source(%arg17 : memref<2000xi32, #tpu.memory_space<vmem>>) target(%dma_start3A_281 : memref<2000xi32, #tpu.memory_space<hbm>>) target_semaphore(%run_scoped3A : memref<!tpu.dma_semaphore, #tpu.memory_space<semaphore_mem>>)
      %dma_wait3A = tpu.memref_slice %arg7[%add3A_104] : memref<1600000xi32, #tpu.memory_space<hbm>> -> memref<2000xi32, #tpu.memory_space<hbm>>
      %dma_wait3A_282 = tpu.memref_slice %arg7[%add3A_104] : memref<1600000xi32, #tpu.memory_space<hbm>> -> memref<2000xi32, #tpu.memory_space<hbm>>
      tpu.wait_dma2 semaphore(%run_scoped3A : memref<!tpu.dma_semaphore, #tpu.memory_space<semaphore_mem>>) src(%arg17 : memref<2000xi32, #tpu.memory_space<vmem>>) dst(%dma_wait3A_282 : memref<2000xi32, #tpu.memory_space<hbm>>)
      tpu.yield
    }) : () -> ()
    "tpu.region"() ({
      %run_scoped3A = tpu.sem_alloc : memref<!tpu.dma_semaphore, #tpu.memory_space<semaphore_mem>>
      %dma_start3A = tpu.memref_slice %arg8[%add3A_104] : memref<1600000xi32, #tpu.memory_space<hbm>> -> memref<2000xi32, #tpu.memory_space<hbm>>
      %dma_start3A_281 = tpu.memref_slice %arg8[%add3A_104] : memref<1600000xi32, #tpu.memory_space<hbm>> -> memref<2000xi32, #tpu.memory_space<hbm>>
      tpu.enqueue_dma source(%arg18 : memref<2000xi32, #tpu.memory_space<vmem>>) target(%dma_start3A_281 : memref<2000xi32, #tpu.memory_space<hbm>>) target_semaphore(%run_scoped3A : memref<!tpu.dma_semaphore, #tpu.memory_space<semaphore_mem>>)
      %dma_wait3A = tpu.memref_slice %arg8[%add3A_104] : memref<1600000xi32, #tpu.memory_space<hbm>> -> memref<2000xi32, #tpu.memory_space<hbm>>
      %dma_wait3A_282 = tpu.memref_slice %arg8[%add3A_104] : memref<1600000xi32, #tpu.memory_space<hbm>> -> memref<2000xi32, #tpu.memory_space<hbm>>
      tpu.wait_dma2 semaphore(%run_scoped3A : memref<!tpu.dma_semaphore, #tpu.memory_space<semaphore_mem>>) src(%arg18 : memref<2000xi32, #tpu.memory_space<vmem>>) dst(%dma_wait3A_282 : memref<2000xi32, #tpu.memory_space<hbm>>)
      tpu.yield
    }) : () -> ()
    "tpu.region"() ({
      %run_scoped3A = tpu.sem_alloc : memref<!tpu.dma_semaphore, #tpu.memory_space<semaphore_mem>>
      %dma_start3A = tpu.memref_slice %arg10[%add3A_104] : memref<1600000xf32, #tpu.memory_space<hbm>> -> memref<2000xf32, #tpu.memory_space<hbm>>
      %dma_start3A_281 = tpu.memref_slice %arg10[%add3A_104] : memref<1600000xf32, #tpu.memory_space<hbm>> -> memref<2000xf32, #tpu.memory_space<hbm>>
      tpu.enqueue_dma source(%arg19 : memref<2000xf32, #tpu.memory_space<vmem>>) target(%dma_start3A_281 : memref<2000xf32, #tpu.memory_space<hbm>>) target_semaphore(%run_scoped3A : memref<!tpu.dma_semaphore, #tpu.memory_space<semaphore_mem>>)
      %dma_wait3A = tpu.memref_slice %arg10[%add3A_104] : memref<1600000xf32, #tpu.memory_space<hbm>> -> memref<2000xf32, #tpu.memory_space<hbm>>
      %dma_wait3A_282 = tpu.memref_slice %arg10[%add3A_104] : memref<1600000xf32, #tpu.memory_space<hbm>> -> memref<2000xf32, #tpu.memory_space<hbm>>
      tpu.wait_dma2 semaphore(%run_scoped3A : memref<!tpu.dma_semaphore, #tpu.memory_space<semaphore_mem>>) src(%arg19 : memref<2000xf32, #tpu.memory_space<vmem>>) dst(%dma_wait3A_282 : memref<2000xf32, #tpu.memory_space<hbm>>)
      tpu.yield
    }) : () -> ()
    %add3A_111 = arith.constant 12000 : i32
    %add3A_112 = arith.addi %mul3A_2, %add3A_111 : i32
    "tpu.region"() ({
      %run_scoped3A = tpu.sem_alloc : memref<!tpu.dma_semaphore, #tpu.memory_space<semaphore_mem>>
      %dma_start3A = tpu.memref_slice %arg2[%add3A_112] : memref<1600000xi32, #tpu.memory_space<hbm>> -> memref<2000xi32, #tpu.memory_space<hbm>>
      %dma_start3A_281 = tpu.memref_slice %arg2[%add3A_112] : memref<1600000xi32, #tpu.memory_space<hbm>> -> memref<2000xi32, #tpu.memory_space<hbm>>
      tpu.enqueue_dma source(%dma_start3A_281 : memref<2000xi32, #tpu.memory_space<hbm>>) target(%arg14 : memref<2000xi32, #tpu.memory_space<vmem>>) target_semaphore(%run_scoped3A : memref<!tpu.dma_semaphore, #tpu.memory_space<semaphore_mem>>)
      %dma_wait3A = tpu.memref_slice %arg2[%add3A_112] : memref<1600000xi32, #tpu.memory_space<hbm>> -> memref<2000xi32, #tpu.memory_space<hbm>>
      %dma_wait3A_282 = tpu.memref_slice %arg2[%add3A_112] : memref<1600000xi32, #tpu.memory_space<hbm>> -> memref<2000xi32, #tpu.memory_space<hbm>>
      tpu.wait_dma2 semaphore(%run_scoped3A : memref<!tpu.dma_semaphore, #tpu.memory_space<semaphore_mem>>) src(%dma_wait3A_282 : memref<2000xi32, #tpu.memory_space<hbm>>) dst(%arg14 : memref<2000xi32, #tpu.memory_space<vmem>>)
      tpu.yield
    }) : () -> ()
    "tpu.region"() ({
      %run_scoped3A = tpu.sem_alloc : memref<!tpu.dma_semaphore, #tpu.memory_space<semaphore_mem>>
      %dma_start3A = tpu.memref_slice %arg3[%add3A_112] : memref<1600000xi32, #tpu.memory_space<hbm>> -> memref<2000xi32, #tpu.memory_space<hbm>>
      %dma_start3A_281 = tpu.memref_slice %arg3[%add3A_112] : memref<1600000xi32, #tpu.memory_space<hbm>> -> memref<2000xi32, #tpu.memory_space<hbm>>
      tpu.enqueue_dma source(%dma_start3A_281 : memref<2000xi32, #tpu.memory_space<hbm>>) target(%arg15 : memref<2000xi32, #tpu.memory_space<vmem>>) target_semaphore(%run_scoped3A : memref<!tpu.dma_semaphore, #tpu.memory_space<semaphore_mem>>)
      %dma_wait3A = tpu.memref_slice %arg3[%add3A_112] : memref<1600000xi32, #tpu.memory_space<hbm>> -> memref<2000xi32, #tpu.memory_space<hbm>>
      %dma_wait3A_282 = tpu.memref_slice %arg3[%add3A_112] : memref<1600000xi32, #tpu.memory_space<hbm>> -> memref<2000xi32, #tpu.memory_space<hbm>>
      tpu.wait_dma2 semaphore(%run_scoped3A : memref<!tpu.dma_semaphore, #tpu.memory_space<semaphore_mem>>) src(%dma_wait3A_282 : memref<2000xi32, #tpu.memory_space<hbm>>) dst(%arg15 : memref<2000xi32, #tpu.memory_space<vmem>>)
      tpu.yield
    }) : () -> ()
    "tpu.region"() ({
      %run_scoped3A = tpu.sem_alloc : memref<!tpu.dma_semaphore, #tpu.memory_space<semaphore_mem>>
      %dma_start3A = tpu.memref_slice %arg4[%add3A_112] : memref<1600000xf32, #tpu.memory_space<hbm>> -> memref<2000xf32, #tpu.memory_space<hbm>>
      %dma_start3A_281 = tpu.memref_slice %arg4[%add3A_112] : memref<1600000xf32, #tpu.memory_space<hbm>> -> memref<2000xf32, #tpu.memory_space<hbm>>
      tpu.enqueue_dma source(%dma_start3A_281 : memref<2000xf32, #tpu.memory_space<hbm>>) target(%arg16 : memref<2000xf32, #tpu.memory_space<vmem>>) target_semaphore(%run_scoped3A : memref<!tpu.dma_semaphore, #tpu.memory_space<semaphore_mem>>)
      %dma_wait3A = tpu.memref_slice %arg4[%add3A_112] : memref<1600000xf32, #tpu.memory_space<hbm>> -> memref<2000xf32, #tpu.memory_space<hbm>>
      %dma_wait3A_282 = tpu.memref_slice %arg4[%add3A_112] : memref<1600000xf32, #tpu.memory_space<hbm>> -> memref<2000xf32, #tpu.memory_space<hbm>>
      tpu.wait_dma2 semaphore(%run_scoped3A : memref<!tpu.dma_semaphore, #tpu.memory_space<semaphore_mem>>) src(%dma_wait3A_282 : memref<2000xf32, #tpu.memory_space<hbm>>) dst(%arg16 : memref<2000xf32, #tpu.memory_space<vmem>>)
      tpu.yield
    }) : () -> ()
    %scan3A_113 = arith.constant 0 : i32
    %scan3A_114 = arith.constant 0 : i32
    %scan3A_115 = arith.constant 125 : i32
    %scan3A_116 = arith.addi %scan3A_114, %scan3A_115 : i32
    %scan3A_117 = arith.constant 1 : i32
    scf.for %scan3A_281 = %scan3A_114 to %scan3A_116 step %scan3A_117  : i32 {
      %mul3A_282 = arith.constant 16 : i32
      %mul3A_283 = arith.muli %scan3A_281, %mul3A_282 : i32
      %get3A_284 = arith.index_cast %mul3A_283 : i32 to index
      %get3A_285 = tpu.vector_load %arg14[%get3A_284] {strides = array<i32>} : memref<2000xi32, #tpu.memory_space<vmem>>, vector<16xi32>,
      %get3A_286 = arith.index_cast %mul3A_283 : i32 to index
      %get3A_287 = tpu.vector_load %arg15[%get3A_286] {strides = array<i32>} : memref<2000xi32, #tpu.memory_space<vmem>>, vector<16xi32>,
      %sub3A_288 = arith.subi %get3A_285, %broadcast_in_dim3A : vector<16xi32>
      %max3A_289 = arith.maxsi %sub3A_288, %broadcast_in_dim3A_22 : vector<16xi32>
      %min3A_290 = arith.minsi %max3A_289, %broadcast_in_dim3A_28 : vector<16xi32>
      %sub3A_291 = arith.subi %get3A_287, %broadcast_in_dim3A : vector<16xi32>
      %max3A_292 = arith.maxsi %sub3A_291, %broadcast_in_dim3A_22 : vector<16xi32>
      %min3A_293 = arith.minsi %max3A_292, %broadcast_in_dim3A_28 : vector<16xi32>
      %gather3A = tpu.vector_load_idx %arg11[%min3A_290] : memref<3136xi32, #tpu.memory_space<vmem>>[vector<16xi32>], vector<16xi32>,
      %gather3A_294 = tpu.vector_load_idx %arg11[%min3A_293] : memref<3136xi32, #tpu.memory_space<vmem>>[vector<16xi32>], vector<16xi32>,
      %get3A_295 = arith.index_cast %mul3A_283 : i32 to index
      %get3A_296 = tpu.vector_load %arg16[%get3A_295] {strides = array<i32>} : memref<2000xf32, #tpu.memory_space<vmem>>, vector<16xf32>,
      %add3A_297 = arith.addi %gather3A, %gather3A_294 : vector<16xi32>
      %gt3A = arith.cmpi sgt, %add3A_297, %broadcast_in_dim3A_22 : vector<16xi32>
      %swap3A = arith.index_cast %mul3A_283 : i32 to index
      %swap3A_298 = tpu.vector_load %arg17[%swap3A] {strides = array<i32>} : memref<2000xi32, #tpu.memory_space<vmem>>, vector<16xi32>,
      tpu.vector_store %arg17[%swap3A], %gather3A {strides = array<i32>} : memref<2000xi32, #tpu.memory_space<vmem>>, vector<16xi32>,
      %swap3A_299 = arith.index_cast %mul3A_283 : i32 to index
      %swap3A_300 = tpu.vector_load %arg18[%swap3A_299] {strides = array<i32>} : memref<2000xi32, #tpu.memory_space<vmem>>, vector<16xi32>,
      tpu.vector_store %arg18[%swap3A_299], %gather3A_294 {strides = array<i32>} : memref<2000xi32, #tpu.memory_space<vmem>>, vector<16xi32>,
      %select_n3A_301 = arith.select %gt3A, %get3A_296, %broadcast_in_dim3A_24 : vector<16xi1>, vector<16xf32>
      %swap3A_302 = arith.index_cast %mul3A_283 : i32 to index
      %swap3A_303 = tpu.vector_load %arg19[%swap3A_302] {strides = array<i32>} : memref<2000xf32, #tpu.memory_space<vmem>>, vector<16xf32>,
      tpu.vector_store %arg19[%swap3A_302], %select_n3A_301 {strides = array<i32>} : memref<2000xf32, #tpu.memory_space<vmem>>, vector<16xf32>,
    }
    %scan3A_118 = arith.constant 125 : i32
    "tpu.region"() ({
      %run_scoped3A = tpu.sem_alloc : memref<!tpu.dma_semaphore, #tpu.memory_space<semaphore_mem>>
      %dma_start3A = tpu.memref_slice %arg7[%add3A_112] : memref<1600000xi32, #tpu.memory_space<hbm>> -> memref<2000xi32, #tpu.memory_space<hbm>>
      %dma_start3A_281 = tpu.memref_slice %arg7[%add3A_112] : memref<1600000xi32, #tpu.memory_space<hbm>> -> memref<2000xi32, #tpu.memory_space<hbm>>
      tpu.enqueue_dma source(%arg17 : memref<2000xi32, #tpu.memory_space<vmem>>) target(%dma_start3A_281 : memref<2000xi32, #tpu.memory_space<hbm>>) target_semaphore(%run_scoped3A : memref<!tpu.dma_semaphore, #tpu.memory_space<semaphore_mem>>)
      %dma_wait3A = tpu.memref_slice %arg7[%add3A_112] : memref<1600000xi32, #tpu.memory_space<hbm>> -> memref<2000xi32, #tpu.memory_space<hbm>>
      %dma_wait3A_282 = tpu.memref_slice %arg7[%add3A_112] : memref<1600000xi32, #tpu.memory_space<hbm>> -> memref<2000xi32, #tpu.memory_space<hbm>>
      tpu.wait_dma2 semaphore(%run_scoped3A : memref<!tpu.dma_semaphore, #tpu.memory_space<semaphore_mem>>) src(%arg17 : memref<2000xi32, #tpu.memory_space<vmem>>) dst(%dma_wait3A_282 : memref<2000xi32, #tpu.memory_space<hbm>>)
      tpu.yield
    }) : () -> ()
    "tpu.region"() ({
      %run_scoped3A = tpu.sem_alloc : memref<!tpu.dma_semaphore, #tpu.memory_space<semaphore_mem>>
      %dma_start3A = tpu.memref_slice %arg8[%add3A_112] : memref<1600000xi32, #tpu.memory_space<hbm>> -> memref<2000xi32, #tpu.memory_space<hbm>>
      %dma_start3A_281 = tpu.memref_slice %arg8[%add3A_112] : memref<1600000xi32, #tpu.memory_space<hbm>> -> memref<2000xi32, #tpu.memory_space<hbm>>
      tpu.enqueue_dma source(%arg18 : memref<2000xi32, #tpu.memory_space<vmem>>) target(%dma_start3A_281 : memref<2000xi32, #tpu.memory_space<hbm>>) target_semaphore(%run_scoped3A : memref<!tpu.dma_semaphore, #tpu.memory_space<semaphore_mem>>)
      %dma_wait3A = tpu.memref_slice %arg8[%add3A_112] : memref<1600000xi32, #tpu.memory_space<hbm>> -> memref<2000xi32, #tpu.memory_space<hbm>>
      %dma_wait3A_282 = tpu.memref_slice %arg8[%add3A_112] : memref<1600000xi32, #tpu.memory_space<hbm>> -> memref<2000xi32, #tpu.memory_space<hbm>>
      tpu.wait_dma2 semaphore(%run_scoped3A : memref<!tpu.dma_semaphore, #tpu.memory_space<semaphore_mem>>) src(%arg18 : memref<2000xi32, #tpu.memory_space<vmem>>) dst(%dma_wait3A_282 : memref<2000xi32, #tpu.memory_space<hbm>>)
      tpu.yield
    }) : () -> ()
    "tpu.region"() ({
      %run_scoped3A = tpu.sem_alloc : memref<!tpu.dma_semaphore, #tpu.memory_space<semaphore_mem>>
      %dma_start3A = tpu.memref_slice %arg10[%add3A_112] : memref<1600000xf32, #tpu.memory_space<hbm>> -> memref<2000xf32, #tpu.memory_space<hbm>>
      %dma_start3A_281 = tpu.memref_slice %arg10[%add3A_112] : memref<1600000xf32, #tpu.memory_space<hbm>> -> memref<2000xf32, #tpu.memory_space<hbm>>
      tpu.enqueue_dma source(%arg19 : memref<2000xf32, #tpu.memory_space<vmem>>) target(%dma_start3A_281 : memref<2000xf32, #tpu.memory_space<hbm>>) target_semaphore(%run_scoped3A : memref<!tpu.dma_semaphore, #tpu.memory_space<semaphore_mem>>)
      %dma_wait3A = tpu.memref_slice %arg10[%add3A_112] : memref<1600000xf32, #tpu.memory_space<hbm>> -> memref<2000xf32, #tpu.memory_space<hbm>>
      %dma_wait3A_282 = tpu.memref_slice %arg10[%add3A_112] : memref<1600000xf32, #tpu.memory_space<hbm>> -> memref<2000xf32, #tpu.memory_space<hbm>>
      tpu.wait_dma2 semaphore(%run_scoped3A : memref<!tpu.dma_semaphore, #tpu.memory_space<semaphore_mem>>) src(%arg19 : memref<2000xf32, #tpu.memory_space<vmem>>) dst(%dma_wait3A_282 : memref<2000xf32, #tpu.memory_space<hbm>>)
      tpu.yield
    }) : () -> ()
    %add3A_119 = arith.constant 14000 : i32
    %add3A_120 = arith.addi %mul3A_2, %add3A_119 : i32
    "tpu.region"() ({
      %run_scoped3A = tpu.sem_alloc : memref<!tpu.dma_semaphore, #tpu.memory_space<semaphore_mem>>
      %dma_start3A = tpu.memref_slice %arg2[%add3A_120] : memref<1600000xi32, #tpu.memory_space<hbm>> -> memref<2000xi32, #tpu.memory_space<hbm>>
      %dma_start3A_281 = tpu.memref_slice %arg2[%add3A_120] : memref<1600000xi32, #tpu.memory_space<hbm>> -> memref<2000xi32, #tpu.memory_space<hbm>>
      tpu.enqueue_dma source(%dma_start3A_281 : memref<2000xi32, #tpu.memory_space<hbm>>) target(%arg14 : memref<2000xi32, #tpu.memory_space<vmem>>) target_semaphore(%run_scoped3A : memref<!tpu.dma_semaphore, #tpu.memory_space<semaphore_mem>>)
      %dma_wait3A = tpu.memref_slice %arg2[%add3A_120] : memref<1600000xi32, #tpu.memory_space<hbm>> -> memref<2000xi32, #tpu.memory_space<hbm>>
      %dma_wait3A_282 = tpu.memref_slice %arg2[%add3A_120] : memref<1600000xi32, #tpu.memory_space<hbm>> -> memref<2000xi32, #tpu.memory_space<hbm>>
      tpu.wait_dma2 semaphore(%run_scoped3A : memref<!tpu.dma_semaphore, #tpu.memory_space<semaphore_mem>>) src(%dma_wait3A_282 : memref<2000xi32, #tpu.memory_space<hbm>>) dst(%arg14 : memref<2000xi32, #tpu.memory_space<vmem>>)
      tpu.yield
    }) : () -> ()
    "tpu.region"() ({
      %run_scoped3A = tpu.sem_alloc : memref<!tpu.dma_semaphore, #tpu.memory_space<semaphore_mem>>
      %dma_start3A = tpu.memref_slice %arg3[%add3A_120] : memref<1600000xi32, #tpu.memory_space<hbm>> -> memref<2000xi32, #tpu.memory_space<hbm>>
      %dma_start3A_281 = tpu.memref_slice %arg3[%add3A_120] : memref<1600000xi32, #tpu.memory_space<hbm>> -> memref<2000xi32, #tpu.memory_space<hbm>>
      tpu.enqueue_dma source(%dma_start3A_281 : memref<2000xi32, #tpu.memory_space<hbm>>) target(%arg15 : memref<2000xi32, #tpu.memory_space<vmem>>) target_semaphore(%run_scoped3A : memref<!tpu.dma_semaphore, #tpu.memory_space<semaphore_mem>>)
      %dma_wait3A = tpu.memref_slice %arg3[%add3A_120] : memref<1600000xi32, #tpu.memory_space<hbm>> -> memref<2000xi32, #tpu.memory_space<hbm>>
      %dma_wait3A_282 = tpu.memref_slice %arg3[%add3A_120] : memref<1600000xi32, #tpu.memory_space<hbm>> -> memref<2000xi32, #tpu.memory_space<hbm>>
      tpu.wait_dma2 semaphore(%run_scoped3A : memref<!tpu.dma_semaphore, #tpu.memory_space<semaphore_mem>>) src(%dma_wait3A_282 : memref<2000xi32, #tpu.memory_space<hbm>>) dst(%arg15 : memref<2000xi32, #tpu.memory_space<vmem>>)
      tpu.yield
    }) : () -> ()
    "tpu.region"() ({
      %run_scoped3A = tpu.sem_alloc : memref<!tpu.dma_semaphore, #tpu.memory_space<semaphore_mem>>
      %dma_start3A = tpu.memref_slice %arg4[%add3A_120] : memref<1600000xf32, #tpu.memory_space<hbm>> -> memref<2000xf32, #tpu.memory_space<hbm>>
      %dma_start3A_281 = tpu.memref_slice %arg4[%add3A_120] : memref<1600000xf32, #tpu.memory_space<hbm>> -> memref<2000xf32, #tpu.memory_space<hbm>>
      tpu.enqueue_dma source(%dma_start3A_281 : memref<2000xf32, #tpu.memory_space<hbm>>) target(%arg16 : memref<2000xf32, #tpu.memory_space<vmem>>) target_semaphore(%run_scoped3A : memref<!tpu.dma_semaphore, #tpu.memory_space<semaphore_mem>>)
      %dma_wait3A = tpu.memref_slice %arg4[%add3A_120] : memref<1600000xf32, #tpu.memory_space<hbm>> -> memref<2000xf32, #tpu.memory_space<hbm>>
      %dma_wait3A_282 = tpu.memref_slice %arg4[%add3A_120] : memref<1600000xf32, #tpu.memory_space<hbm>> -> memref<2000xf32, #tpu.memory_space<hbm>>
      tpu.wait_dma2 semaphore(%run_scoped3A : memref<!tpu.dma_semaphore, #tpu.memory_space<semaphore_mem>>) src(%dma_wait3A_282 : memref<2000xf32, #tpu.memory_space<hbm>>) dst(%arg16 : memref<2000xf32, #tpu.memory_space<vmem>>)
      tpu.yield
    }) : () -> ()
    %scan3A_121 = arith.constant 0 : i32
    %scan3A_122 = arith.constant 0 : i32
    %scan3A_123 = arith.constant 125 : i32
    %scan3A_124 = arith.addi %scan3A_122, %scan3A_123 : i32
    %scan3A_125 = arith.constant 1 : i32
    scf.for %scan3A_281 = %scan3A_122 to %scan3A_124 step %scan3A_125  : i32 {
      %mul3A_282 = arith.constant 16 : i32
      %mul3A_283 = arith.muli %scan3A_281, %mul3A_282 : i32
      %get3A_284 = arith.index_cast %mul3A_283 : i32 to index
      %get3A_285 = tpu.vector_load %arg14[%get3A_284] {strides = array<i32>} : memref<2000xi32, #tpu.memory_space<vmem>>, vector<16xi32>,
      %get3A_286 = arith.index_cast %mul3A_283 : i32 to index
      %get3A_287 = tpu.vector_load %arg15[%get3A_286] {strides = array<i32>} : memref<2000xi32, #tpu.memory_space<vmem>>, vector<16xi32>,
      %sub3A_288 = arith.subi %get3A_285, %broadcast_in_dim3A : vector<16xi32>
      %max3A_289 = arith.maxsi %sub3A_288, %broadcast_in_dim3A_22 : vector<16xi32>
      %min3A_290 = arith.minsi %max3A_289, %broadcast_in_dim3A_28 : vector<16xi32>
      %sub3A_291 = arith.subi %get3A_287, %broadcast_in_dim3A : vector<16xi32>
      %max3A_292 = arith.maxsi %sub3A_291, %broadcast_in_dim3A_22 : vector<16xi32>
      %min3A_293 = arith.minsi %max3A_292, %broadcast_in_dim3A_28 : vector<16xi32>
      %gather3A = tpu.vector_load_idx %arg11[%min3A_290] : memref<3136xi32, #tpu.memory_space<vmem>>[vector<16xi32>], vector<16xi32>,
      %gather3A_294 = tpu.vector_load_idx %arg11[%min3A_293] : memref<3136xi32, #tpu.memory_space<vmem>>[vector<16xi32>], vector<16xi32>,
      %get3A_295 = arith.index_cast %mul3A_283 : i32 to index
      %get3A_296 = tpu.vector_load %arg16[%get3A_295] {strides = array<i32>} : memref<2000xf32, #tpu.memory_space<vmem>>, vector<16xf32>,
      %add3A_297 = arith.addi %gather3A, %gather3A_294 : vector<16xi32>
      %gt3A = arith.cmpi sgt, %add3A_297, %broadcast_in_dim3A_22 : vector<16xi32>
      %swap3A = arith.index_cast %mul3A_283 : i32 to index
      %swap3A_298 = tpu.vector_load %arg17[%swap3A] {strides = array<i32>} : memref<2000xi32, #tpu.memory_space<vmem>>, vector<16xi32>,
      tpu.vector_store %arg17[%swap3A], %gather3A {strides = array<i32>} : memref<2000xi32, #tpu.memory_space<vmem>>, vector<16xi32>,
      %swap3A_299 = arith.index_cast %mul3A_283 : i32 to index
      %swap3A_300 = tpu.vector_load %arg18[%swap3A_299] {strides = array<i32>} : memref<2000xi32, #tpu.memory_space<vmem>>, vector<16xi32>,
      tpu.vector_store %arg18[%swap3A_299], %gather3A_294 {strides = array<i32>} : memref<2000xi32, #tpu.memory_space<vmem>>, vector<16xi32>,
      %select_n3A_301 = arith.select %gt3A, %get3A_296, %broadcast_in_dim3A_24 : vector<16xi1>, vector<16xf32>
      %swap3A_302 = arith.index_cast %mul3A_283 : i32 to index
      %swap3A_303 = tpu.vector_load %arg19[%swap3A_302] {strides = array<i32>} : memref<2000xf32, #tpu.memory_space<vmem>>, vector<16xf32>,
      tpu.vector_store %arg19[%swap3A_302], %select_n3A_301 {strides = array<i32>} : memref<2000xf32, #tpu.memory_space<vmem>>, vector<16xf32>,
    }
    %scan3A_126 = arith.constant 125 : i32
    "tpu.region"() ({
      %run_scoped3A = tpu.sem_alloc : memref<!tpu.dma_semaphore, #tpu.memory_space<semaphore_mem>>
      %dma_start3A = tpu.memref_slice %arg7[%add3A_120] : memref<1600000xi32, #tpu.memory_space<hbm>> -> memref<2000xi32, #tpu.memory_space<hbm>>
      %dma_start3A_281 = tpu.memref_slice %arg7[%add3A_120] : memref<1600000xi32, #tpu.memory_space<hbm>> -> memref<2000xi32, #tpu.memory_space<hbm>>
      tpu.enqueue_dma source(%arg17 : memref<2000xi32, #tpu.memory_space<vmem>>) target(%dma_start3A_281 : memref<2000xi32, #tpu.memory_space<hbm>>) target_semaphore(%run_scoped3A : memref<!tpu.dma_semaphore, #tpu.memory_space<semaphore_mem>>)
      %dma_wait3A = tpu.memref_slice %arg7[%add3A_120] : memref<1600000xi32, #tpu.memory_space<hbm>> -> memref<2000xi32, #tpu.memory_space<hbm>>
      %dma_wait3A_282 = tpu.memref_slice %arg7[%add3A_120] : memref<1600000xi32, #tpu.memory_space<hbm>> -> memref<2000xi32, #tpu.memory_space<hbm>>
      tpu.wait_dma2 semaphore(%run_scoped3A : memref<!tpu.dma_semaphore, #tpu.memory_space<semaphore_mem>>) src(%arg17 : memref<2000xi32, #tpu.memory_space<vmem>>) dst(%dma_wait3A_282 : memref<2000xi32, #tpu.memory_space<hbm>>)
      tpu.yield
    }) : () -> ()
    "tpu.region"() ({
      %run_scoped3A = tpu.sem_alloc : memref<!tpu.dma_semaphore, #tpu.memory_space<semaphore_mem>>
      %dma_start3A = tpu.memref_slice %arg8[%add3A_120] : memref<1600000xi32, #tpu.memory_space<hbm>> -> memref<2000xi32, #tpu.memory_space<hbm>>
      %dma_start3A_281 = tpu.memref_slice %arg8[%add3A_120] : memref<1600000xi32, #tpu.memory_space<hbm>> -> memref<2000xi32, #tpu.memory_space<hbm>>
      tpu.enqueue_dma source(%arg18 : memref<2000xi32, #tpu.memory_space<vmem>>) target(%dma_start3A_281 : memref<2000xi32, #tpu.memory_space<hbm>>) target_semaphore(%run_scoped3A : memref<!tpu.dma_semaphore, #tpu.memory_space<semaphore_mem>>)
      %dma_wait3A = tpu.memref_slice %arg8[%add3A_120] : memref<1600000xi32, #tpu.memory_space<hbm>> -> memref<2000xi32, #tpu.memory_space<hbm>>
      %dma_wait3A_282 = tpu.memref_slice %arg8[%add3A_120] : memref<1600000xi32, #tpu.memory_space<hbm>> -> memref<2000xi32, #tpu.memory_space<hbm>>
      tpu.wait_dma2 semaphore(%run_scoped3A : memref<!tpu.dma_semaphore, #tpu.memory_space<semaphore_mem>>) src(%arg18 : memref<2000xi32, #tpu.memory_space<vmem>>) dst(%dma_wait3A_282 : memref<2000xi32, #tpu.memory_space<hbm>>)
      tpu.yield
    }) : () -> ()
    "tpu.region"() ({
      %run_scoped3A = tpu.sem_alloc : memref<!tpu.dma_semaphore, #tpu.memory_space<semaphore_mem>>
      %dma_start3A = tpu.memref_slice %arg10[%add3A_120] : memref<1600000xf32, #tpu.memory_space<hbm>> -> memref<2000xf32, #tpu.memory_space<hbm>>
      %dma_start3A_281 = tpu.memref_slice %arg10[%add3A_120] : memref<1600000xf32, #tpu.memory_space<hbm>> -> memref<2000xf32, #tpu.memory_space<hbm>>
      tpu.enqueue_dma source(%arg19 : memref<2000xf32, #tpu.memory_space<vmem>>) target(%dma_start3A_281 : memref<2000xf32, #tpu.memory_space<hbm>>) target_semaphore(%run_scoped3A : memref<!tpu.dma_semaphore, #tpu.memory_space<semaphore_mem>>)
      %dma_wait3A = tpu.memref_slice %arg10[%add3A_120] : memref<1600000xf32, #tpu.memory_space<hbm>> -> memref<2000xf32, #tpu.memory_space<hbm>>
      %dma_wait3A_282 = tpu.memref_slice %arg10[%add3A_120] : memref<1600000xf32, #tpu.memory_space<hbm>> -> memref<2000xf32, #tpu.memory_space<hbm>>
      tpu.wait_dma2 semaphore(%run_scoped3A : memref<!tpu.dma_semaphore, #tpu.memory_space<semaphore_mem>>) src(%arg19 : memref<2000xf32, #tpu.memory_space<vmem>>) dst(%dma_wait3A_282 : memref<2000xf32, #tpu.memory_space<hbm>>)
      tpu.yield
    }) : () -> ()
    %add3A_127 = arith.constant 16000 : i32
    %add3A_128 = arith.addi %mul3A_2, %add3A_127 : i32
    "tpu.region"() ({
      %run_scoped3A = tpu.sem_alloc : memref<!tpu.dma_semaphore, #tpu.memory_space<semaphore_mem>>
      %dma_start3A = tpu.memref_slice %arg2[%add3A_128] : memref<1600000xi32, #tpu.memory_space<hbm>> -> memref<2000xi32, #tpu.memory_space<hbm>>
      %dma_start3A_281 = tpu.memref_slice %arg2[%add3A_128] : memref<1600000xi32, #tpu.memory_space<hbm>> -> memref<2000xi32, #tpu.memory_space<hbm>>
      tpu.enqueue_dma source(%dma_start3A_281 : memref<2000xi32, #tpu.memory_space<hbm>>) target(%arg14 : memref<2000xi32, #tpu.memory_space<vmem>>) target_semaphore(%run_scoped3A : memref<!tpu.dma_semaphore, #tpu.memory_space<semaphore_mem>>)
      %dma_wait3A = tpu.memref_slice %arg2[%add3A_128] : memref<1600000xi32, #tpu.memory_space<hbm>> -> memref<2000xi32, #tpu.memory_space<hbm>>
      %dma_wait3A_282 = tpu.memref_slice %arg2[%add3A_128] : memref<1600000xi32, #tpu.memory_space<hbm>> -> memref<2000xi32, #tpu.memory_space<hbm>>
      tpu.wait_dma2 semaphore(%run_scoped3A : memref<!tpu.dma_semaphore, #tpu.memory_space<semaphore_mem>>) src(%dma_wait3A_282 : memref<2000xi32, #tpu.memory_space<hbm>>) dst(%arg14 : memref<2000xi32, #tpu.memory_space<vmem>>)
      tpu.yield
    }) : () -> ()
    "tpu.region"() ({
      %run_scoped3A = tpu.sem_alloc : memref<!tpu.dma_semaphore, #tpu.memory_space<semaphore_mem>>
      %dma_start3A = tpu.memref_slice %arg3[%add3A_128] : memref<1600000xi32, #tpu.memory_space<hbm>> -> memref<2000xi32, #tpu.memory_space<hbm>>
      %dma_start3A_281 = tpu.memref_slice %arg3[%add3A_128] : memref<1600000xi32, #tpu.memory_space<hbm>> -> memref<2000xi32, #tpu.memory_space<hbm>>
      tpu.enqueue_dma source(%dma_start3A_281 : memref<2000xi32, #tpu.memory_space<hbm>>) target(%arg15 : memref<2000xi32, #tpu.memory_space<vmem>>) target_semaphore(%run_scoped3A : memref<!tpu.dma_semaphore, #tpu.memory_space<semaphore_mem>>)
      %dma_wait3A = tpu.memref_slice %arg3[%add3A_128] : memref<1600000xi32, #tpu.memory_space<hbm>> -> memref<2000xi32, #tpu.memory_space<hbm>>
      %dma_wait3A_282 = tpu.memref_slice %arg3[%add3A_128] : memref<1600000xi32, #tpu.memory_space<hbm>> -> memref<2000xi32, #tpu.memory_space<hbm>>
      tpu.wait_dma2 semaphore(%run_scoped3A : memref<!tpu.dma_semaphore, #tpu.memory_space<semaphore_mem>>) src(%dma_wait3A_282 : memref<2000xi32, #tpu.memory_space<hbm>>) dst(%arg15 : memref<2000xi32, #tpu.memory_space<vmem>>)
      tpu.yield
    }) : () -> ()
    "tpu.region"() ({
      %run_scoped3A = tpu.sem_alloc : memref<!tpu.dma_semaphore, #tpu.memory_space<semaphore_mem>>
      %dma_start3A = tpu.memref_slice %arg4[%add3A_128] : memref<1600000xf32, #tpu.memory_space<hbm>> -> memref<2000xf32, #tpu.memory_space<hbm>>
      %dma_start3A_281 = tpu.memref_slice %arg4[%add3A_128] : memref<1600000xf32, #tpu.memory_space<hbm>> -> memref<2000xf32, #tpu.memory_space<hbm>>
      tpu.enqueue_dma source(%dma_start3A_281 : memref<2000xf32, #tpu.memory_space<hbm>>) target(%arg16 : memref<2000xf32, #tpu.memory_space<vmem>>) target_semaphore(%run_scoped3A : memref<!tpu.dma_semaphore, #tpu.memory_space<semaphore_mem>>)
      %dma_wait3A = tpu.memref_slice %arg4[%add3A_128] : memref<1600000xf32, #tpu.memory_space<hbm>> -> memref<2000xf32, #tpu.memory_space<hbm>>
      %dma_wait3A_282 = tpu.memref_slice %arg4[%add3A_128] : memref<1600000xf32, #tpu.memory_space<hbm>> -> memref<2000xf32, #tpu.memory_space<hbm>>
      tpu.wait_dma2 semaphore(%run_scoped3A : memref<!tpu.dma_semaphore, #tpu.memory_space<semaphore_mem>>) src(%dma_wait3A_282 : memref<2000xf32, #tpu.memory_space<hbm>>) dst(%arg16 : memref<2000xf32, #tpu.memory_space<vmem>>)
      tpu.yield
    }) : () -> ()
    %scan3A_129 = arith.constant 0 : i32
    %scan3A_130 = arith.constant 0 : i32
    %scan3A_131 = arith.constant 125 : i32
    %scan3A_132 = arith.addi %scan3A_130, %scan3A_131 : i32
    %scan3A_133 = arith.constant 1 : i32
    scf.for %scan3A_281 = %scan3A_130 to %scan3A_132 step %scan3A_133  : i32 {
      %mul3A_282 = arith.constant 16 : i32
      %mul3A_283 = arith.muli %scan3A_281, %mul3A_282 : i32
      %get3A_284 = arith.index_cast %mul3A_283 : i32 to index
      %get3A_285 = tpu.vector_load %arg14[%get3A_284] {strides = array<i32>} : memref<2000xi32, #tpu.memory_space<vmem>>, vector<16xi32>,
      %get3A_286 = arith.index_cast %mul3A_283 : i32 to index
      %get3A_287 = tpu.vector_load %arg15[%get3A_286] {strides = array<i32>} : memref<2000xi32, #tpu.memory_space<vmem>>, vector<16xi32>,
      %sub3A_288 = arith.subi %get3A_285, %broadcast_in_dim3A : vector<16xi32>
      %max3A_289 = arith.maxsi %sub3A_288, %broadcast_in_dim3A_22 : vector<16xi32>
      %min3A_290 = arith.minsi %max3A_289, %broadcast_in_dim3A_28 : vector<16xi32>
      %sub3A_291 = arith.subi %get3A_287, %broadcast_in_dim3A : vector<16xi32>
      %max3A_292 = arith.maxsi %sub3A_291, %broadcast_in_dim3A_22 : vector<16xi32>
      %min3A_293 = arith.minsi %max3A_292, %broadcast_in_dim3A_28 : vector<16xi32>
      %gather3A = tpu.vector_load_idx %arg11[%min3A_290] : memref<3136xi32, #tpu.memory_space<vmem>>[vector<16xi32>], vector<16xi32>,
      %gather3A_294 = tpu.vector_load_idx %arg11[%min3A_293] : memref<3136xi32, #tpu.memory_space<vmem>>[vector<16xi32>], vector<16xi32>,
      %get3A_295 = arith.index_cast %mul3A_283 : i32 to index
      %get3A_296 = tpu.vector_load %arg16[%get3A_295] {strides = array<i32>} : memref<2000xf32, #tpu.memory_space<vmem>>, vector<16xf32>,
      %add3A_297 = arith.addi %gather3A, %gather3A_294 : vector<16xi32>
      %gt3A = arith.cmpi sgt, %add3A_297, %broadcast_in_dim3A_22 : vector<16xi32>
      %swap3A = arith.index_cast %mul3A_283 : i32 to index
      %swap3A_298 = tpu.vector_load %arg17[%swap3A] {strides = array<i32>} : memref<2000xi32, #tpu.memory_space<vmem>>, vector<16xi32>,
      tpu.vector_store %arg17[%swap3A], %gather3A {strides = array<i32>} : memref<2000xi32, #tpu.memory_space<vmem>>, vector<16xi32>,
      %swap3A_299 = arith.index_cast %mul3A_283 : i32 to index
      %swap3A_300 = tpu.vector_load %arg18[%swap3A_299] {strides = array<i32>} : memref<2000xi32, #tpu.memory_space<vmem>>, vector<16xi32>,
      tpu.vector_store %arg18[%swap3A_299], %gather3A_294 {strides = array<i32>} : memref<2000xi32, #tpu.memory_space<vmem>>, vector<16xi32>,
      %select_n3A_301 = arith.select %gt3A, %get3A_296, %broadcast_in_dim3A_24 : vector<16xi1>, vector<16xf32>
      %swap3A_302 = arith.index_cast %mul3A_283 : i32 to index
      %swap3A_303 = tpu.vector_load %arg19[%swap3A_302] {strides = array<i32>} : memref<2000xf32, #tpu.memory_space<vmem>>, vector<16xf32>,
      tpu.vector_store %arg19[%swap3A_302], %select_n3A_301 {strides = array<i32>} : memref<2000xf32, #tpu.memory_space<vmem>>, vector<16xf32>,
    }
    %scan3A_134 = arith.constant 125 : i32
    "tpu.region"() ({
      %run_scoped3A = tpu.sem_alloc : memref<!tpu.dma_semaphore, #tpu.memory_space<semaphore_mem>>
      %dma_start3A = tpu.memref_slice %arg7[%add3A_128] : memref<1600000xi32, #tpu.memory_space<hbm>> -> memref<2000xi32, #tpu.memory_space<hbm>>
      %dma_start3A_281 = tpu.memref_slice %arg7[%add3A_128] : memref<1600000xi32, #tpu.memory_space<hbm>> -> memref<2000xi32, #tpu.memory_space<hbm>>
      tpu.enqueue_dma source(%arg17 : memref<2000xi32, #tpu.memory_space<vmem>>) target(%dma_start3A_281 : memref<2000xi32, #tpu.memory_space<hbm>>) target_semaphore(%run_scoped3A : memref<!tpu.dma_semaphore, #tpu.memory_space<semaphore_mem>>)
      %dma_wait3A = tpu.memref_slice %arg7[%add3A_128] : memref<1600000xi32, #tpu.memory_space<hbm>> -> memref<2000xi32, #tpu.memory_space<hbm>>
      %dma_wait3A_282 = tpu.memref_slice %arg7[%add3A_128] : memref<1600000xi32, #tpu.memory_space<hbm>> -> memref<2000xi32, #tpu.memory_space<hbm>>
      tpu.wait_dma2 semaphore(%run_scoped3A : memref<!tpu.dma_semaphore, #tpu.memory_space<semaphore_mem>>) src(%arg17 : memref<2000xi32, #tpu.memory_space<vmem>>) dst(%dma_wait3A_282 : memref<2000xi32, #tpu.memory_space<hbm>>)
      tpu.yield
    }) : () -> ()
    "tpu.region"() ({
      %run_scoped3A = tpu.sem_alloc : memref<!tpu.dma_semaphore, #tpu.memory_space<semaphore_mem>>
      %dma_start3A = tpu.memref_slice %arg8[%add3A_128] : memref<1600000xi32, #tpu.memory_space<hbm>> -> memref<2000xi32, #tpu.memory_space<hbm>>
      %dma_start3A_281 = tpu.memref_slice %arg8[%add3A_128] : memref<1600000xi32, #tpu.memory_space<hbm>> -> memref<2000xi32, #tpu.memory_space<hbm>>
      tpu.enqueue_dma source(%arg18 : memref<2000xi32, #tpu.memory_space<vmem>>) target(%dma_start3A_281 : memref<2000xi32, #tpu.memory_space<hbm>>) target_semaphore(%run_scoped3A : memref<!tpu.dma_semaphore, #tpu.memory_space<semaphore_mem>>)
      %dma_wait3A = tpu.memref_slice %arg8[%add3A_128] : memref<1600000xi32, #tpu.memory_space<hbm>> -> memref<2000xi32, #tpu.memory_space<hbm>>
      %dma_wait3A_282 = tpu.memref_slice %arg8[%add3A_128] : memref<1600000xi32, #tpu.memory_space<hbm>> -> memref<2000xi32, #tpu.memory_space<hbm>>
      tpu.wait_dma2 semaphore(%run_scoped3A : memref<!tpu.dma_semaphore, #tpu.memory_space<semaphore_mem>>) src(%arg18 : memref<2000xi32, #tpu.memory_space<vmem>>) dst(%dma_wait3A_282 : memref<2000xi32, #tpu.memory_space<hbm>>)
      tpu.yield
    }) : () -> ()
    "tpu.region"() ({
      %run_scoped3A = tpu.sem_alloc : memref<!tpu.dma_semaphore, #tpu.memory_space<semaphore_mem>>
      %dma_start3A = tpu.memref_slice %arg10[%add3A_128] : memref<1600000xf32, #tpu.memory_space<hbm>> -> memref<2000xf32, #tpu.memory_space<hbm>>
      %dma_start3A_281 = tpu.memref_slice %arg10[%add3A_128] : memref<1600000xf32, #tpu.memory_space<hbm>> -> memref<2000xf32, #tpu.memory_space<hbm>>
      tpu.enqueue_dma source(%arg19 : memref<2000xf32, #tpu.memory_space<vmem>>) target(%dma_start3A_281 : memref<2000xf32, #tpu.memory_space<hbm>>) target_semaphore(%run_scoped3A : memref<!tpu.dma_semaphore, #tpu.memory_space<semaphore_mem>>)
      %dma_wait3A = tpu.memref_slice %arg10[%add3A_128] : memref<1600000xf32, #tpu.memory_space<hbm>> -> memref<2000xf32, #tpu.memory_space<hbm>>
      %dma_wait3A_282 = tpu.memref_slice %arg10[%add3A_128] : memref<1600000xf32, #tpu.memory_space<hbm>> -> memref<2000xf32, #tpu.memory_space<hbm>>
      tpu.wait_dma2 semaphore(%run_scoped3A : memref<!tpu.dma_semaphore, #tpu.memory_space<semaphore_mem>>) src(%arg19 : memref<2000xf32, #tpu.memory_space<vmem>>) dst(%dma_wait3A_282 : memref<2000xf32, #tpu.memory_space<hbm>>)
      tpu.yield
    }) : () -> ()
    %add3A_135 = arith.constant 18000 : i32
    %add3A_136 = arith.addi %mul3A_2, %add3A_135 : i32
    "tpu.region"() ({
      %run_scoped3A = tpu.sem_alloc : memref<!tpu.dma_semaphore, #tpu.memory_space<semaphore_mem>>
      %dma_start3A = tpu.memref_slice %arg2[%add3A_136] : memref<1600000xi32, #tpu.memory_space<hbm>> -> memref<2000xi32, #tpu.memory_space<hbm>>
      %dma_start3A_281 = tpu.memref_slice %arg2[%add3A_136] : memref<1600000xi32, #tpu.memory_space<hbm>> -> memref<2000xi32, #tpu.memory_space<hbm>>
      tpu.enqueue_dma source(%dma_start3A_281 : memref<2000xi32, #tpu.memory_space<hbm>>) target(%arg14 : memref<2000xi32, #tpu.memory_space<vmem>>) target_semaphore(%run_scoped3A : memref<!tpu.dma_semaphore, #tpu.memory_space<semaphore_mem>>)
      %dma_wait3A = tpu.memref_slice %arg2[%add3A_136] : memref<1600000xi32, #tpu.memory_space<hbm>> -> memref<2000xi32, #tpu.memory_space<hbm>>
      %dma_wait3A_282 = tpu.memref_slice %arg2[%add3A_136] : memref<1600000xi32, #tpu.memory_space<hbm>> -> memref<2000xi32, #tpu.memory_space<hbm>>
      tpu.wait_dma2 semaphore(%run_scoped3A : memref<!tpu.dma_semaphore, #tpu.memory_space<semaphore_mem>>) src(%dma_wait3A_282 : memref<2000xi32, #tpu.memory_space<hbm>>) dst(%arg14 : memref<2000xi32, #tpu.memory_space<vmem>>)
      tpu.yield
    }) : () -> ()
    "tpu.region"() ({
      %run_scoped3A = tpu.sem_alloc : memref<!tpu.dma_semaphore, #tpu.memory_space<semaphore_mem>>
      %dma_start3A = tpu.memref_slice %arg3[%add3A_136] : memref<1600000xi32, #tpu.memory_space<hbm>> -> memref<2000xi32, #tpu.memory_space<hbm>>
      %dma_start3A_281 = tpu.memref_slice %arg3[%add3A_136] : memref<1600000xi32, #tpu.memory_space<hbm>> -> memref<2000xi32, #tpu.memory_space<hbm>>
      tpu.enqueue_dma source(%dma_start3A_281 : memref<2000xi32, #tpu.memory_space<hbm>>) target(%arg15 : memref<2000xi32, #tpu.memory_space<vmem>>) target_semaphore(%run_scoped3A : memref<!tpu.dma_semaphore, #tpu.memory_space<semaphore_mem>>)
      %dma_wait3A = tpu.memref_slice %arg3[%add3A_136] : memref<1600000xi32, #tpu.memory_space<hbm>> -> memref<2000xi32, #tpu.memory_space<hbm>>
      %dma_wait3A_282 = tpu.memref_slice %arg3[%add3A_136] : memref<1600000xi32, #tpu.memory_space<hbm>> -> memref<2000xi32, #tpu.memory_space<hbm>>
      tpu.wait_dma2 semaphore(%run_scoped3A : memref<!tpu.dma_semaphore, #tpu.memory_space<semaphore_mem>>) src(%dma_wait3A_282 : memref<2000xi32, #tpu.memory_space<hbm>>) dst(%arg15 : memref<2000xi32, #tpu.memory_space<vmem>>)
      tpu.yield
    }) : () -> ()
    "tpu.region"() ({
      %run_scoped3A = tpu.sem_alloc : memref<!tpu.dma_semaphore, #tpu.memory_space<semaphore_mem>>
      %dma_start3A = tpu.memref_slice %arg4[%add3A_136] : memref<1600000xf32, #tpu.memory_space<hbm>> -> memref<2000xf32, #tpu.memory_space<hbm>>
      %dma_start3A_281 = tpu.memref_slice %arg4[%add3A_136] : memref<1600000xf32, #tpu.memory_space<hbm>> -> memref<2000xf32, #tpu.memory_space<hbm>>
      tpu.enqueue_dma source(%dma_start3A_281 : memref<2000xf32, #tpu.memory_space<hbm>>) target(%arg16 : memref<2000xf32, #tpu.memory_space<vmem>>) target_semaphore(%run_scoped3A : memref<!tpu.dma_semaphore, #tpu.memory_space<semaphore_mem>>)
      %dma_wait3A = tpu.memref_slice %arg4[%add3A_136] : memref<1600000xf32, #tpu.memory_space<hbm>> -> memref<2000xf32, #tpu.memory_space<hbm>>
      %dma_wait3A_282 = tpu.memref_slice %arg4[%add3A_136] : memref<1600000xf32, #tpu.memory_space<hbm>> -> memref<2000xf32, #tpu.memory_space<hbm>>
      tpu.wait_dma2 semaphore(%run_scoped3A : memref<!tpu.dma_semaphore, #tpu.memory_space<semaphore_mem>>) src(%dma_wait3A_282 : memref<2000xf32, #tpu.memory_space<hbm>>) dst(%arg16 : memref<2000xf32, #tpu.memory_space<vmem>>)
      tpu.yield
    }) : () -> ()
    %scan3A_137 = arith.constant 0 : i32
    %scan3A_138 = arith.constant 0 : i32
    %scan3A_139 = arith.constant 125 : i32
    %scan3A_140 = arith.addi %scan3A_138, %scan3A_139 : i32
    %scan3A_141 = arith.constant 1 : i32
    scf.for %scan3A_281 = %scan3A_138 to %scan3A_140 step %scan3A_141  : i32 {
      %mul3A_282 = arith.constant 16 : i32
      %mul3A_283 = arith.muli %scan3A_281, %mul3A_282 : i32
      %get3A_284 = arith.index_cast %mul3A_283 : i32 to index
      %get3A_285 = tpu.vector_load %arg14[%get3A_284] {strides = array<i32>} : memref<2000xi32, #tpu.memory_space<vmem>>, vector<16xi32>,
      %get3A_286 = arith.index_cast %mul3A_283 : i32 to index
      %get3A_287 = tpu.vector_load %arg15[%get3A_286] {strides = array<i32>} : memref<2000xi32, #tpu.memory_space<vmem>>, vector<16xi32>,
      %sub3A_288 = arith.subi %get3A_285, %broadcast_in_dim3A : vector<16xi32>
      %max3A_289 = arith.maxsi %sub3A_288, %broadcast_in_dim3A_22 : vector<16xi32>
      %min3A_290 = arith.minsi %max3A_289, %broadcast_in_dim3A_28 : vector<16xi32>
      %sub3A_291 = arith.subi %get3A_287, %broadcast_in_dim3A : vector<16xi32>
      %max3A_292 = arith.maxsi %sub3A_291, %broadcast_in_dim3A_22 : vector<16xi32>
      %min3A_293 = arith.minsi %max3A_292, %broadcast_in_dim3A_28 : vector<16xi32>
      %gather3A = tpu.vector_load_idx %arg11[%min3A_290] : memref<3136xi32, #tpu.memory_space<vmem>>[vector<16xi32>], vector<16xi32>,
      %gather3A_294 = tpu.vector_load_idx %arg11[%min3A_293] : memref<3136xi32, #tpu.memory_space<vmem>>[vector<16xi32>], vector<16xi32>,
      %get3A_295 = arith.index_cast %mul3A_283 : i32 to index
      %get3A_296 = tpu.vector_load %arg16[%get3A_295] {strides = array<i32>} : memref<2000xf32, #tpu.memory_space<vmem>>, vector<16xf32>,
      %add3A_297 = arith.addi %gather3A, %gather3A_294 : vector<16xi32>
      %gt3A = arith.cmpi sgt, %add3A_297, %broadcast_in_dim3A_22 : vector<16xi32>
      %swap3A = arith.index_cast %mul3A_283 : i32 to index
      %swap3A_298 = tpu.vector_load %arg17[%swap3A] {strides = array<i32>} : memref<2000xi32, #tpu.memory_space<vmem>>, vector<16xi32>,
      tpu.vector_store %arg17[%swap3A], %gather3A {strides = array<i32>} : memref<2000xi32, #tpu.memory_space<vmem>>, vector<16xi32>,
      %swap3A_299 = arith.index_cast %mul3A_283 : i32 to index
      %swap3A_300 = tpu.vector_load %arg18[%swap3A_299] {strides = array<i32>} : memref<2000xi32, #tpu.memory_space<vmem>>, vector<16xi32>,
      tpu.vector_store %arg18[%swap3A_299], %gather3A_294 {strides = array<i32>} : memref<2000xi32, #tpu.memory_space<vmem>>, vector<16xi32>,
      %select_n3A_301 = arith.select %gt3A, %get3A_296, %broadcast_in_dim3A_24 : vector<16xi1>, vector<16xf32>
      %swap3A_302 = arith.index_cast %mul3A_283 : i32 to index
      %swap3A_303 = tpu.vector_load %arg19[%swap3A_302] {strides = array<i32>} : memref<2000xf32, #tpu.memory_space<vmem>>, vector<16xf32>,
      tpu.vector_store %arg19[%swap3A_302], %select_n3A_301 {strides = array<i32>} : memref<2000xf32, #tpu.memory_space<vmem>>, vector<16xf32>,
    }
    %scan3A_142 = arith.constant 125 : i32
    "tpu.region"() ({
      %run_scoped3A = tpu.sem_alloc : memref<!tpu.dma_semaphore, #tpu.memory_space<semaphore_mem>>
      %dma_start3A = tpu.memref_slice %arg7[%add3A_136] : memref<1600000xi32, #tpu.memory_space<hbm>> -> memref<2000xi32, #tpu.memory_space<hbm>>
      %dma_start3A_281 = tpu.memref_slice %arg7[%add3A_136] : memref<1600000xi32, #tpu.memory_space<hbm>> -> memref<2000xi32, #tpu.memory_space<hbm>>
      tpu.enqueue_dma source(%arg17 : memref<2000xi32, #tpu.memory_space<vmem>>) target(%dma_start3A_281 : memref<2000xi32, #tpu.memory_space<hbm>>) target_semaphore(%run_scoped3A : memref<!tpu.dma_semaphore, #tpu.memory_space<semaphore_mem>>)
      %dma_wait3A = tpu.memref_slice %arg7[%add3A_136] : memref<1600000xi32, #tpu.memory_space<hbm>> -> memref<2000xi32, #tpu.memory_space<hbm>>
      %dma_wait3A_282 = tpu.memref_slice %arg7[%add3A_136] : memref<1600000xi32, #tpu.memory_space<hbm>> -> memref<2000xi32, #tpu.memory_space<hbm>>
      tpu.wait_dma2 semaphore(%run_scoped3A : memref<!tpu.dma_semaphore, #tpu.memory_space<semaphore_mem>>) src(%arg17 : memref<2000xi32, #tpu.memory_space<vmem>>) dst(%dma_wait3A_282 : memref<2000xi32, #tpu.memory_space<hbm>>)
      tpu.yield
    }) : () -> ()
    "tpu.region"() ({
      %run_scoped3A = tpu.sem_alloc : memref<!tpu.dma_semaphore, #tpu.memory_space<semaphore_mem>>
      %dma_start3A = tpu.memref_slice %arg8[%add3A_136] : memref<1600000xi32, #tpu.memory_space<hbm>> -> memref<2000xi32, #tpu.memory_space<hbm>>
      %dma_start3A_281 = tpu.memref_slice %arg8[%add3A_136] : memref<1600000xi32, #tpu.memory_space<hbm>> -> memref<2000xi32, #tpu.memory_space<hbm>>
      tpu.enqueue_dma source(%arg18 : memref<2000xi32, #tpu.memory_space<vmem>>) target(%dma_start3A_281 : memref<2000xi32, #tpu.memory_space<hbm>>) target_semaphore(%run_scoped3A : memref<!tpu.dma_semaphore, #tpu.memory_space<semaphore_mem>>)
      %dma_wait3A = tpu.memref_slice %arg8[%add3A_136] : memref<1600000xi32, #tpu.memory_space<hbm>> -> memref<2000xi32, #tpu.memory_space<hbm>>
      %dma_wait3A_282 = tpu.memref_slice %arg8[%add3A_136] : memref<1600000xi32, #tpu.memory_space<hbm>> -> memref<2000xi32, #tpu.memory_space<hbm>>
      tpu.wait_dma2 semaphore(%run_scoped3A : memref<!tpu.dma_semaphore, #tpu.memory_space<semaphore_mem>>) src(%arg18 : memref<2000xi32, #tpu.memory_space<vmem>>) dst(%dma_wait3A_282 : memref<2000xi32, #tpu.memory_space<hbm>>)
      tpu.yield
    }) : () -> ()
    "tpu.region"() ({
      %run_scoped3A = tpu.sem_alloc : memref<!tpu.dma_semaphore, #tpu.memory_space<semaphore_mem>>
      %dma_start3A = tpu.memref_slice %arg10[%add3A_136] : memref<1600000xf32, #tpu.memory_space<hbm>> -> memref<2000xf32, #tpu.memory_space<hbm>>
      %dma_start3A_281 = tpu.memref_slice %arg10[%add3A_136] : memref<1600000xf32, #tpu.memory_space<hbm>> -> memref<2000xf32, #tpu.memory_space<hbm>>
      tpu.enqueue_dma source(%arg19 : memref<2000xf32, #tpu.memory_space<vmem>>) target(%dma_start3A_281 : memref<2000xf32, #tpu.memory_space<hbm>>) target_semaphore(%run_scoped3A : memref<!tpu.dma_semaphore, #tpu.memory_space<semaphore_mem>>)
      %dma_wait3A = tpu.memref_slice %arg10[%add3A_136] : memref<1600000xf32, #tpu.memory_space<hbm>> -> memref<2000xf32, #tpu.memory_space<hbm>>
      %dma_wait3A_282 = tpu.memref_slice %arg10[%add3A_136] : memref<1600000xf32, #tpu.memory_space<hbm>> -> memref<2000xf32, #tpu.memory_space<hbm>>
      tpu.wait_dma2 semaphore(%run_scoped3A : memref<!tpu.dma_semaphore, #tpu.memory_space<semaphore_mem>>) src(%arg19 : memref<2000xf32, #tpu.memory_space<vmem>>) dst(%dma_wait3A_282 : memref<2000xf32, #tpu.memory_space<hbm>>)
      tpu.yield
    }) : () -> ()
    %add3A_143 = arith.constant 20000 : i32
    %add3A_144 = arith.addi %mul3A_2, %add3A_143 : i32
    "tpu.region"() ({
      %run_scoped3A = tpu.sem_alloc : memref<!tpu.dma_semaphore, #tpu.memory_space<semaphore_mem>>
      %dma_start3A = tpu.memref_slice %arg2[%add3A_144] : memref<1600000xi32, #tpu.memory_space<hbm>> -> memref<2000xi32, #tpu.memory_space<hbm>>
      %dma_start3A_281 = tpu.memref_slice %arg2[%add3A_144] : memref<1600000xi32, #tpu.memory_space<hbm>> -> memref<2000xi32, #tpu.memory_space<hbm>>
      tpu.enqueue_dma source(%dma_start3A_281 : memref<2000xi32, #tpu.memory_space<hbm>>) target(%arg14 : memref<2000xi32, #tpu.memory_space<vmem>>) target_semaphore(%run_scoped3A : memref<!tpu.dma_semaphore, #tpu.memory_space<semaphore_mem>>)
      %dma_wait3A = tpu.memref_slice %arg2[%add3A_144] : memref<1600000xi32, #tpu.memory_space<hbm>> -> memref<2000xi32, #tpu.memory_space<hbm>>
      %dma_wait3A_282 = tpu.memref_slice %arg2[%add3A_144] : memref<1600000xi32, #tpu.memory_space<hbm>> -> memref<2000xi32, #tpu.memory_space<hbm>>
      tpu.wait_dma2 semaphore(%run_scoped3A : memref<!tpu.dma_semaphore, #tpu.memory_space<semaphore_mem>>) src(%dma_wait3A_282 : memref<2000xi32, #tpu.memory_space<hbm>>) dst(%arg14 : memref<2000xi32, #tpu.memory_space<vmem>>)
      tpu.yield
    }) : () -> ()
    "tpu.region"() ({
      %run_scoped3A = tpu.sem_alloc : memref<!tpu.dma_semaphore, #tpu.memory_space<semaphore_mem>>
      %dma_start3A = tpu.memref_slice %arg3[%add3A_144] : memref<1600000xi32, #tpu.memory_space<hbm>> -> memref<2000xi32, #tpu.memory_space<hbm>>
      %dma_start3A_281 = tpu.memref_slice %arg3[%add3A_144] : memref<1600000xi32, #tpu.memory_space<hbm>> -> memref<2000xi32, #tpu.memory_space<hbm>>
      tpu.enqueue_dma source(%dma_start3A_281 : memref<2000xi32, #tpu.memory_space<hbm>>) target(%arg15 : memref<2000xi32, #tpu.memory_space<vmem>>) target_semaphore(%run_scoped3A : memref<!tpu.dma_semaphore, #tpu.memory_space<semaphore_mem>>)
      %dma_wait3A = tpu.memref_slice %arg3[%add3A_144] : memref<1600000xi32, #tpu.memory_space<hbm>> -> memref<2000xi32, #tpu.memory_space<hbm>>
      %dma_wait3A_282 = tpu.memref_slice %arg3[%add3A_144] : memref<1600000xi32, #tpu.memory_space<hbm>> -> memref<2000xi32, #tpu.memory_space<hbm>>
      tpu.wait_dma2 semaphore(%run_scoped3A : memref<!tpu.dma_semaphore, #tpu.memory_space<semaphore_mem>>) src(%dma_wait3A_282 : memref<2000xi32, #tpu.memory_space<hbm>>) dst(%arg15 : memref<2000xi32, #tpu.memory_space<vmem>>)
      tpu.yield
    }) : () -> ()
    "tpu.region"() ({
      %run_scoped3A = tpu.sem_alloc : memref<!tpu.dma_semaphore, #tpu.memory_space<semaphore_mem>>
      %dma_start3A = tpu.memref_slice %arg4[%add3A_144] : memref<1600000xf32, #tpu.memory_space<hbm>> -> memref<2000xf32, #tpu.memory_space<hbm>>
      %dma_start3A_281 = tpu.memref_slice %arg4[%add3A_144] : memref<1600000xf32, #tpu.memory_space<hbm>> -> memref<2000xf32, #tpu.memory_space<hbm>>
      tpu.enqueue_dma source(%dma_start3A_281 : memref<2000xf32, #tpu.memory_space<hbm>>) target(%arg16 : memref<2000xf32, #tpu.memory_space<vmem>>) target_semaphore(%run_scoped3A : memref<!tpu.dma_semaphore, #tpu.memory_space<semaphore_mem>>)
      %dma_wait3A = tpu.memref_slice %arg4[%add3A_144] : memref<1600000xf32, #tpu.memory_space<hbm>> -> memref<2000xf32, #tpu.memory_space<hbm>>
      %dma_wait3A_282 = tpu.memref_slice %arg4[%add3A_144] : memref<1600000xf32, #tpu.memory_space<hbm>> -> memref<2000xf32, #tpu.memory_space<hbm>>
      tpu.wait_dma2 semaphore(%run_scoped3A : memref<!tpu.dma_semaphore, #tpu.memory_space<semaphore_mem>>) src(%dma_wait3A_282 : memref<2000xf32, #tpu.memory_space<hbm>>) dst(%arg16 : memref<2000xf32, #tpu.memory_space<vmem>>)
      tpu.yield
    }) : () -> ()
    %scan3A_145 = arith.constant 0 : i32
    %scan3A_146 = arith.constant 0 : i32
    %scan3A_147 = arith.constant 125 : i32
    %scan3A_148 = arith.addi %scan3A_146, %scan3A_147 : i32
    %scan3A_149 = arith.constant 1 : i32
    scf.for %scan3A_281 = %scan3A_146 to %scan3A_148 step %scan3A_149  : i32 {
      %mul3A_282 = arith.constant 16 : i32
      %mul3A_283 = arith.muli %scan3A_281, %mul3A_282 : i32
      %get3A_284 = arith.index_cast %mul3A_283 : i32 to index
      %get3A_285 = tpu.vector_load %arg14[%get3A_284] {strides = array<i32>} : memref<2000xi32, #tpu.memory_space<vmem>>, vector<16xi32>,
      %get3A_286 = arith.index_cast %mul3A_283 : i32 to index
      %get3A_287 = tpu.vector_load %arg15[%get3A_286] {strides = array<i32>} : memref<2000xi32, #tpu.memory_space<vmem>>, vector<16xi32>,
      %sub3A_288 = arith.subi %get3A_285, %broadcast_in_dim3A : vector<16xi32>
      %max3A_289 = arith.maxsi %sub3A_288, %broadcast_in_dim3A_22 : vector<16xi32>
      %min3A_290 = arith.minsi %max3A_289, %broadcast_in_dim3A_28 : vector<16xi32>
      %sub3A_291 = arith.subi %get3A_287, %broadcast_in_dim3A : vector<16xi32>
      %max3A_292 = arith.maxsi %sub3A_291, %broadcast_in_dim3A_22 : vector<16xi32>
      %min3A_293 = arith.minsi %max3A_292, %broadcast_in_dim3A_28 : vector<16xi32>
      %gather3A = tpu.vector_load_idx %arg11[%min3A_290] : memref<3136xi32, #tpu.memory_space<vmem>>[vector<16xi32>], vector<16xi32>,
      %gather3A_294 = tpu.vector_load_idx %arg11[%min3A_293] : memref<3136xi32, #tpu.memory_space<vmem>>[vector<16xi32>], vector<16xi32>,
      %get3A_295 = arith.index_cast %mul3A_283 : i32 to index
      %get3A_296 = tpu.vector_load %arg16[%get3A_295] {strides = array<i32>} : memref<2000xf32, #tpu.memory_space<vmem>>, vector<16xf32>,
      %add3A_297 = arith.addi %gather3A, %gather3A_294 : vector<16xi32>
      %gt3A = arith.cmpi sgt, %add3A_297, %broadcast_in_dim3A_22 : vector<16xi32>
      %swap3A = arith.index_cast %mul3A_283 : i32 to index
      %swap3A_298 = tpu.vector_load %arg17[%swap3A] {strides = array<i32>} : memref<2000xi32, #tpu.memory_space<vmem>>, vector<16xi32>,
      tpu.vector_store %arg17[%swap3A], %gather3A {strides = array<i32>} : memref<2000xi32, #tpu.memory_space<vmem>>, vector<16xi32>,
      %swap3A_299 = arith.index_cast %mul3A_283 : i32 to index
      %swap3A_300 = tpu.vector_load %arg18[%swap3A_299] {strides = array<i32>} : memref<2000xi32, #tpu.memory_space<vmem>>, vector<16xi32>,
      tpu.vector_store %arg18[%swap3A_299], %gather3A_294 {strides = array<i32>} : memref<2000xi32, #tpu.memory_space<vmem>>, vector<16xi32>,
      %select_n3A_301 = arith.select %gt3A, %get3A_296, %broadcast_in_dim3A_24 : vector<16xi1>, vector<16xf32>
      %swap3A_302 = arith.index_cast %mul3A_283 : i32 to index
      %swap3A_303 = tpu.vector_load %arg19[%swap3A_302] {strides = array<i32>} : memref<2000xf32, #tpu.memory_space<vmem>>, vector<16xf32>,
      tpu.vector_store %arg19[%swap3A_302], %select_n3A_301 {strides = array<i32>} : memref<2000xf32, #tpu.memory_space<vmem>>, vector<16xf32>,
    }
    %scan3A_150 = arith.constant 125 : i32
    "tpu.region"() ({
      %run_scoped3A = tpu.sem_alloc : memref<!tpu.dma_semaphore, #tpu.memory_space<semaphore_mem>>
      %dma_start3A = tpu.memref_slice %arg7[%add3A_144] : memref<1600000xi32, #tpu.memory_space<hbm>> -> memref<2000xi32, #tpu.memory_space<hbm>>
      %dma_start3A_281 = tpu.memref_slice %arg7[%add3A_144] : memref<1600000xi32, #tpu.memory_space<hbm>> -> memref<2000xi32, #tpu.memory_space<hbm>>
      tpu.enqueue_dma source(%arg17 : memref<2000xi32, #tpu.memory_space<vmem>>) target(%dma_start3A_281 : memref<2000xi32, #tpu.memory_space<hbm>>) target_semaphore(%run_scoped3A : memref<!tpu.dma_semaphore, #tpu.memory_space<semaphore_mem>>)
      %dma_wait3A = tpu.memref_slice %arg7[%add3A_144] : memref<1600000xi32, #tpu.memory_space<hbm>> -> memref<2000xi32, #tpu.memory_space<hbm>>
      %dma_wait3A_282 = tpu.memref_slice %arg7[%add3A_144] : memref<1600000xi32, #tpu.memory_space<hbm>> -> memref<2000xi32, #tpu.memory_space<hbm>>
      tpu.wait_dma2 semaphore(%run_scoped3A : memref<!tpu.dma_semaphore, #tpu.memory_space<semaphore_mem>>) src(%arg17 : memref<2000xi32, #tpu.memory_space<vmem>>) dst(%dma_wait3A_282 : memref<2000xi32, #tpu.memory_space<hbm>>)
      tpu.yield
    }) : () -> ()
    "tpu.region"() ({
      %run_scoped3A = tpu.sem_alloc : memref<!tpu.dma_semaphore, #tpu.memory_space<semaphore_mem>>
      %dma_start3A = tpu.memref_slice %arg8[%add3A_144] : memref<1600000xi32, #tpu.memory_space<hbm>> -> memref<2000xi32, #tpu.memory_space<hbm>>
      %dma_start3A_281 = tpu.memref_slice %arg8[%add3A_144] : memref<1600000xi32, #tpu.memory_space<hbm>> -> memref<2000xi32, #tpu.memory_space<hbm>>
      tpu.enqueue_dma source(%arg18 : memref<2000xi32, #tpu.memory_space<vmem>>) target(%dma_start3A_281 : memref<2000xi32, #tpu.memory_space<hbm>>) target_semaphore(%run_scoped3A : memref<!tpu.dma_semaphore, #tpu.memory_space<semaphore_mem>>)
      %dma_wait3A = tpu.memref_slice %arg8[%add3A_144] : memref<1600000xi32, #tpu.memory_space<hbm>> -> memref<2000xi32, #tpu.memory_space<hbm>>
      %dma_wait3A_282 = tpu.memref_slice %arg8[%add3A_144] : memref<1600000xi32, #tpu.memory_space<hbm>> -> memref<2000xi32, #tpu.memory_space<hbm>>
      tpu.wait_dma2 semaphore(%run_scoped3A : memref<!tpu.dma_semaphore, #tpu.memory_space<semaphore_mem>>) src(%arg18 : memref<2000xi32, #tpu.memory_space<vmem>>) dst(%dma_wait3A_282 : memref<2000xi32, #tpu.memory_space<hbm>>)
      tpu.yield
    }) : () -> ()
    "tpu.region"() ({
      %run_scoped3A = tpu.sem_alloc : memref<!tpu.dma_semaphore, #tpu.memory_space<semaphore_mem>>
      %dma_start3A = tpu.memref_slice %arg10[%add3A_144] : memref<1600000xf32, #tpu.memory_space<hbm>> -> memref<2000xf32, #tpu.memory_space<hbm>>
      %dma_start3A_281 = tpu.memref_slice %arg10[%add3A_144] : memref<1600000xf32, #tpu.memory_space<hbm>> -> memref<2000xf32, #tpu.memory_space<hbm>>
      tpu.enqueue_dma source(%arg19 : memref<2000xf32, #tpu.memory_space<vmem>>) target(%dma_start3A_281 : memref<2000xf32, #tpu.memory_space<hbm>>) target_semaphore(%run_scoped3A : memref<!tpu.dma_semaphore, #tpu.memory_space<semaphore_mem>>)
      %dma_wait3A = tpu.memref_slice %arg10[%add3A_144] : memref<1600000xf32, #tpu.memory_space<hbm>> -> memref<2000xf32, #tpu.memory_space<hbm>>
      %dma_wait3A_282 = tpu.memref_slice %arg10[%add3A_144] : memref<1600000xf32, #tpu.memory_space<hbm>> -> memref<2000xf32, #tpu.memory_space<hbm>>
      tpu.wait_dma2 semaphore(%run_scoped3A : memref<!tpu.dma_semaphore, #tpu.memory_space<semaphore_mem>>) src(%arg19 : memref<2000xf32, #tpu.memory_space<vmem>>) dst(%dma_wait3A_282 : memref<2000xf32, #tpu.memory_space<hbm>>)
      tpu.yield
    }) : () -> ()
    %add3A_151 = arith.constant 22000 : i32
    %add3A_152 = arith.addi %mul3A_2, %add3A_151 : i32
    "tpu.region"() ({
      %run_scoped3A = tpu.sem_alloc : memref<!tpu.dma_semaphore, #tpu.memory_space<semaphore_mem>>
      %dma_start3A = tpu.memref_slice %arg2[%add3A_152] : memref<1600000xi32, #tpu.memory_space<hbm>> -> memref<2000xi32, #tpu.memory_space<hbm>>
      %dma_start3A_281 = tpu.memref_slice %arg2[%add3A_152] : memref<1600000xi32, #tpu.memory_space<hbm>> -> memref<2000xi32, #tpu.memory_space<hbm>>
      tpu.enqueue_dma source(%dma_start3A_281 : memref<2000xi32, #tpu.memory_space<hbm>>) target(%arg14 : memref<2000xi32, #tpu.memory_space<vmem>>) target_semaphore(%run_scoped3A : memref<!tpu.dma_semaphore, #tpu.memory_space<semaphore_mem>>)
      %dma_wait3A = tpu.memref_slice %arg2[%add3A_152] : memref<1600000xi32, #tpu.memory_space<hbm>> -> memref<2000xi32, #tpu.memory_space<hbm>>
      %dma_wait3A_282 = tpu.memref_slice %arg2[%add3A_152] : memref<1600000xi32, #tpu.memory_space<hbm>> -> memref<2000xi32, #tpu.memory_space<hbm>>
      tpu.wait_dma2 semaphore(%run_scoped3A : memref<!tpu.dma_semaphore, #tpu.memory_space<semaphore_mem>>) src(%dma_wait3A_282 : memref<2000xi32, #tpu.memory_space<hbm>>) dst(%arg14 : memref<2000xi32, #tpu.memory_space<vmem>>)
      tpu.yield
    }) : () -> ()
    "tpu.region"() ({
      %run_scoped3A = tpu.sem_alloc : memref<!tpu.dma_semaphore, #tpu.memory_space<semaphore_mem>>
      %dma_start3A = tpu.memref_slice %arg3[%add3A_152] : memref<1600000xi32, #tpu.memory_space<hbm>> -> memref<2000xi32, #tpu.memory_space<hbm>>
      %dma_start3A_281 = tpu.memref_slice %arg3[%add3A_152] : memref<1600000xi32, #tpu.memory_space<hbm>> -> memref<2000xi32, #tpu.memory_space<hbm>>
      tpu.enqueue_dma source(%dma_start3A_281 : memref<2000xi32, #tpu.memory_space<hbm>>) target(%arg15 : memref<2000xi32, #tpu.memory_space<vmem>>) target_semaphore(%run_scoped3A : memref<!tpu.dma_semaphore, #tpu.memory_space<semaphore_mem>>)
      %dma_wait3A = tpu.memref_slice %arg3[%add3A_152] : memref<1600000xi32, #tpu.memory_space<hbm>> -> memref<2000xi32, #tpu.memory_space<hbm>>
      %dma_wait3A_282 = tpu.memref_slice %arg3[%add3A_152] : memref<1600000xi32, #tpu.memory_space<hbm>> -> memref<2000xi32, #tpu.memory_space<hbm>>
      tpu.wait_dma2 semaphore(%run_scoped3A : memref<!tpu.dma_semaphore, #tpu.memory_space<semaphore_mem>>) src(%dma_wait3A_282 : memref<2000xi32, #tpu.memory_space<hbm>>) dst(%arg15 : memref<2000xi32, #tpu.memory_space<vmem>>)
      tpu.yield
    }) : () -> ()
    "tpu.region"() ({
      %run_scoped3A = tpu.sem_alloc : memref<!tpu.dma_semaphore, #tpu.memory_space<semaphore_mem>>
      %dma_start3A = tpu.memref_slice %arg4[%add3A_152] : memref<1600000xf32, #tpu.memory_space<hbm>> -> memref<2000xf32, #tpu.memory_space<hbm>>
      %dma_start3A_281 = tpu.memref_slice %arg4[%add3A_152] : memref<1600000xf32, #tpu.memory_space<hbm>> -> memref<2000xf32, #tpu.memory_space<hbm>>
      tpu.enqueue_dma source(%dma_start3A_281 : memref<2000xf32, #tpu.memory_space<hbm>>) target(%arg16 : memref<2000xf32, #tpu.memory_space<vmem>>) target_semaphore(%run_scoped3A : memref<!tpu.dma_semaphore, #tpu.memory_space<semaphore_mem>>)
      %dma_wait3A = tpu.memref_slice %arg4[%add3A_152] : memref<1600000xf32, #tpu.memory_space<hbm>> -> memref<2000xf32, #tpu.memory_space<hbm>>
      %dma_wait3A_282 = tpu.memref_slice %arg4[%add3A_152] : memref<1600000xf32, #tpu.memory_space<hbm>> -> memref<2000xf32, #tpu.memory_space<hbm>>
      tpu.wait_dma2 semaphore(%run_scoped3A : memref<!tpu.dma_semaphore, #tpu.memory_space<semaphore_mem>>) src(%dma_wait3A_282 : memref<2000xf32, #tpu.memory_space<hbm>>) dst(%arg16 : memref<2000xf32, #tpu.memory_space<vmem>>)
      tpu.yield
    }) : () -> ()
    %scan3A_153 = arith.constant 0 : i32
    %scan3A_154 = arith.constant 0 : i32
    %scan3A_155 = arith.constant 125 : i32
    %scan3A_156 = arith.addi %scan3A_154, %scan3A_155 : i32
    %scan3A_157 = arith.constant 1 : i32
    scf.for %scan3A_281 = %scan3A_154 to %scan3A_156 step %scan3A_157  : i32 {
      %mul3A_282 = arith.constant 16 : i32
      %mul3A_283 = arith.muli %scan3A_281, %mul3A_282 : i32
      %get3A_284 = arith.index_cast %mul3A_283 : i32 to index
      %get3A_285 = tpu.vector_load %arg14[%get3A_284] {strides = array<i32>} : memref<2000xi32, #tpu.memory_space<vmem>>, vector<16xi32>,
      %get3A_286 = arith.index_cast %mul3A_283 : i32 to index
      %get3A_287 = tpu.vector_load %arg15[%get3A_286] {strides = array<i32>} : memref<2000xi32, #tpu.memory_space<vmem>>, vector<16xi32>,
      %sub3A_288 = arith.subi %get3A_285, %broadcast_in_dim3A : vector<16xi32>
      %max3A_289 = arith.maxsi %sub3A_288, %broadcast_in_dim3A_22 : vector<16xi32>
      %min3A_290 = arith.minsi %max3A_289, %broadcast_in_dim3A_28 : vector<16xi32>
      %sub3A_291 = arith.subi %get3A_287, %broadcast_in_dim3A : vector<16xi32>
      %max3A_292 = arith.maxsi %sub3A_291, %broadcast_in_dim3A_22 : vector<16xi32>
      %min3A_293 = arith.minsi %max3A_292, %broadcast_in_dim3A_28 : vector<16xi32>
      %gather3A = tpu.vector_load_idx %arg11[%min3A_290] : memref<3136xi32, #tpu.memory_space<vmem>>[vector<16xi32>], vector<16xi32>,
      %gather3A_294 = tpu.vector_load_idx %arg11[%min3A_293] : memref<3136xi32, #tpu.memory_space<vmem>>[vector<16xi32>], vector<16xi32>,
      %get3A_295 = arith.index_cast %mul3A_283 : i32 to index
      %get3A_296 = tpu.vector_load %arg16[%get3A_295] {strides = array<i32>} : memref<2000xf32, #tpu.memory_space<vmem>>, vector<16xf32>,
      %add3A_297 = arith.addi %gather3A, %gather3A_294 : vector<16xi32>
      %gt3A = arith.cmpi sgt, %add3A_297, %broadcast_in_dim3A_22 : vector<16xi32>
      %swap3A = arith.index_cast %mul3A_283 : i32 to index
      %swap3A_298 = tpu.vector_load %arg17[%swap3A] {strides = array<i32>} : memref<2000xi32, #tpu.memory_space<vmem>>, vector<16xi32>,
      tpu.vector_store %arg17[%swap3A], %gather3A {strides = array<i32>} : memref<2000xi32, #tpu.memory_space<vmem>>, vector<16xi32>,
      %swap3A_299 = arith.index_cast %mul3A_283 : i32 to index
      %swap3A_300 = tpu.vector_load %arg18[%swap3A_299] {strides = array<i32>} : memref<2000xi32, #tpu.memory_space<vmem>>, vector<16xi32>,
      tpu.vector_store %arg18[%swap3A_299], %gather3A_294 {strides = array<i32>} : memref<2000xi32, #tpu.memory_space<vmem>>, vector<16xi32>,
      %select_n3A_301 = arith.select %gt3A, %get3A_296, %broadcast_in_dim3A_24 : vector<16xi1>, vector<16xf32>
      %swap3A_302 = arith.index_cast %mul3A_283 : i32 to index
      %swap3A_303 = tpu.vector_load %arg19[%swap3A_302] {strides = array<i32>} : memref<2000xf32, #tpu.memory_space<vmem>>, vector<16xf32>,
      tpu.vector_store %arg19[%swap3A_302], %select_n3A_301 {strides = array<i32>} : memref<2000xf32, #tpu.memory_space<vmem>>, vector<16xf32>,
    }
    %scan3A_158 = arith.constant 125 : i32
    "tpu.region"() ({
      %run_scoped3A = tpu.sem_alloc : memref<!tpu.dma_semaphore, #tpu.memory_space<semaphore_mem>>
      %dma_start3A = tpu.memref_slice %arg7[%add3A_152] : memref<1600000xi32, #tpu.memory_space<hbm>> -> memref<2000xi32, #tpu.memory_space<hbm>>
      %dma_start3A_281 = tpu.memref_slice %arg7[%add3A_152] : memref<1600000xi32, #tpu.memory_space<hbm>> -> memref<2000xi32, #tpu.memory_space<hbm>>
      tpu.enqueue_dma source(%arg17 : memref<2000xi32, #tpu.memory_space<vmem>>) target(%dma_start3A_281 : memref<2000xi32, #tpu.memory_space<hbm>>) target_semaphore(%run_scoped3A : memref<!tpu.dma_semaphore, #tpu.memory_space<semaphore_mem>>)
      %dma_wait3A = tpu.memref_slice %arg7[%add3A_152] : memref<1600000xi32, #tpu.memory_space<hbm>> -> memref<2000xi32, #tpu.memory_space<hbm>>
      %dma_wait3A_282 = tpu.memref_slice %arg7[%add3A_152] : memref<1600000xi32, #tpu.memory_space<hbm>> -> memref<2000xi32, #tpu.memory_space<hbm>>
      tpu.wait_dma2 semaphore(%run_scoped3A : memref<!tpu.dma_semaphore, #tpu.memory_space<semaphore_mem>>) src(%arg17 : memref<2000xi32, #tpu.memory_space<vmem>>) dst(%dma_wait3A_282 : memref<2000xi32, #tpu.memory_space<hbm>>)
      tpu.yield
    }) : () -> ()
    "tpu.region"() ({
      %run_scoped3A = tpu.sem_alloc : memref<!tpu.dma_semaphore, #tpu.memory_space<semaphore_mem>>
      %dma_start3A = tpu.memref_slice %arg8[%add3A_152] : memref<1600000xi32, #tpu.memory_space<hbm>> -> memref<2000xi32, #tpu.memory_space<hbm>>
      %dma_start3A_281 = tpu.memref_slice %arg8[%add3A_152] : memref<1600000xi32, #tpu.memory_space<hbm>> -> memref<2000xi32, #tpu.memory_space<hbm>>
      tpu.enqueue_dma source(%arg18 : memref<2000xi32, #tpu.memory_space<vmem>>) target(%dma_start3A_281 : memref<2000xi32, #tpu.memory_space<hbm>>) target_semaphore(%run_scoped3A : memref<!tpu.dma_semaphore, #tpu.memory_space<semaphore_mem>>)
      %dma_wait3A = tpu.memref_slice %arg8[%add3A_152] : memref<1600000xi32, #tpu.memory_space<hbm>> -> memref<2000xi32, #tpu.memory_space<hbm>>
      %dma_wait3A_282 = tpu.memref_slice %arg8[%add3A_152] : memref<1600000xi32, #tpu.memory_space<hbm>> -> memref<2000xi32, #tpu.memory_space<hbm>>
      tpu.wait_dma2 semaphore(%run_scoped3A : memref<!tpu.dma_semaphore, #tpu.memory_space<semaphore_mem>>) src(%arg18 : memref<2000xi32, #tpu.memory_space<vmem>>) dst(%dma_wait3A_282 : memref<2000xi32, #tpu.memory_space<hbm>>)
      tpu.yield
    }) : () -> ()
    "tpu.region"() ({
      %run_scoped3A = tpu.sem_alloc : memref<!tpu.dma_semaphore, #tpu.memory_space<semaphore_mem>>
      %dma_start3A = tpu.memref_slice %arg10[%add3A_152] : memref<1600000xf32, #tpu.memory_space<hbm>> -> memref<2000xf32, #tpu.memory_space<hbm>>
      %dma_start3A_281 = tpu.memref_slice %arg10[%add3A_152] : memref<1600000xf32, #tpu.memory_space<hbm>> -> memref<2000xf32, #tpu.memory_space<hbm>>
      tpu.enqueue_dma source(%arg19 : memref<2000xf32, #tpu.memory_space<vmem>>) target(%dma_start3A_281 : memref<2000xf32, #tpu.memory_space<hbm>>) target_semaphore(%run_scoped3A : memref<!tpu.dma_semaphore, #tpu.memory_space<semaphore_mem>>)
      %dma_wait3A = tpu.memref_slice %arg10[%add3A_152] : memref<1600000xf32, #tpu.memory_space<hbm>> -> memref<2000xf32, #tpu.memory_space<hbm>>
      %dma_wait3A_282 = tpu.memref_slice %arg10[%add3A_152] : memref<1600000xf32, #tpu.memory_space<hbm>> -> memref<2000xf32, #tpu.memory_space<hbm>>
      tpu.wait_dma2 semaphore(%run_scoped3A : memref<!tpu.dma_semaphore, #tpu.memory_space<semaphore_mem>>) src(%arg19 : memref<2000xf32, #tpu.memory_space<vmem>>) dst(%dma_wait3A_282 : memref<2000xf32, #tpu.memory_space<hbm>>)
      tpu.yield
    }) : () -> ()
    %add3A_159 = arith.constant 24000 : i32
    %add3A_160 = arith.addi %mul3A_2, %add3A_159 : i32
    "tpu.region"() ({
      %run_scoped3A = tpu.sem_alloc : memref<!tpu.dma_semaphore, #tpu.memory_space<semaphore_mem>>
      %dma_start3A = tpu.memref_slice %arg2[%add3A_160] : memref<1600000xi32, #tpu.memory_space<hbm>> -> memref<2000xi32, #tpu.memory_space<hbm>>
      %dma_start3A_281 = tpu.memref_slice %arg2[%add3A_160] : memref<1600000xi32, #tpu.memory_space<hbm>> -> memref<2000xi32, #tpu.memory_space<hbm>>
      tpu.enqueue_dma source(%dma_start3A_281 : memref<2000xi32, #tpu.memory_space<hbm>>) target(%arg14 : memref<2000xi32, #tpu.memory_space<vmem>>) target_semaphore(%run_scoped3A : memref<!tpu.dma_semaphore, #tpu.memory_space<semaphore_mem>>)
      %dma_wait3A = tpu.memref_slice %arg2[%add3A_160] : memref<1600000xi32, #tpu.memory_space<hbm>> -> memref<2000xi32, #tpu.memory_space<hbm>>
      %dma_wait3A_282 = tpu.memref_slice %arg2[%add3A_160] : memref<1600000xi32, #tpu.memory_space<hbm>> -> memref<2000xi32, #tpu.memory_space<hbm>>
      tpu.wait_dma2 semaphore(%run_scoped3A : memref<!tpu.dma_semaphore, #tpu.memory_space<semaphore_mem>>) src(%dma_wait3A_282 : memref<2000xi32, #tpu.memory_space<hbm>>) dst(%arg14 : memref<2000xi32, #tpu.memory_space<vmem>>)
      tpu.yield
    }) : () -> ()
    "tpu.region"() ({
      %run_scoped3A = tpu.sem_alloc : memref<!tpu.dma_semaphore, #tpu.memory_space<semaphore_mem>>
      %dma_start3A = tpu.memref_slice %arg3[%add3A_160] : memref<1600000xi32, #tpu.memory_space<hbm>> -> memref<2000xi32, #tpu.memory_space<hbm>>
      %dma_start3A_281 = tpu.memref_slice %arg3[%add3A_160] : memref<1600000xi32, #tpu.memory_space<hbm>> -> memref<2000xi32, #tpu.memory_space<hbm>>
      tpu.enqueue_dma source(%dma_start3A_281 : memref<2000xi32, #tpu.memory_space<hbm>>) target(%arg15 : memref<2000xi32, #tpu.memory_space<vmem>>) target_semaphore(%run_scoped3A : memref<!tpu.dma_semaphore, #tpu.memory_space<semaphore_mem>>)
      %dma_wait3A = tpu.memref_slice %arg3[%add3A_160] : memref<1600000xi32, #tpu.memory_space<hbm>> -> memref<2000xi32, #tpu.memory_space<hbm>>
      %dma_wait3A_282 = tpu.memref_slice %arg3[%add3A_160] : memref<1600000xi32, #tpu.memory_space<hbm>> -> memref<2000xi32, #tpu.memory_space<hbm>>
      tpu.wait_dma2 semaphore(%run_scoped3A : memref<!tpu.dma_semaphore, #tpu.memory_space<semaphore_mem>>) src(%dma_wait3A_282 : memref<2000xi32, #tpu.memory_space<hbm>>) dst(%arg15 : memref<2000xi32, #tpu.memory_space<vmem>>)
      tpu.yield
    }) : () -> ()
    "tpu.region"() ({
      %run_scoped3A = tpu.sem_alloc : memref<!tpu.dma_semaphore, #tpu.memory_space<semaphore_mem>>
      %dma_start3A = tpu.memref_slice %arg4[%add3A_160] : memref<1600000xf32, #tpu.memory_space<hbm>> -> memref<2000xf32, #tpu.memory_space<hbm>>
      %dma_start3A_281 = tpu.memref_slice %arg4[%add3A_160] : memref<1600000xf32, #tpu.memory_space<hbm>> -> memref<2000xf32, #tpu.memory_space<hbm>>
      tpu.enqueue_dma source(%dma_start3A_281 : memref<2000xf32, #tpu.memory_space<hbm>>) target(%arg16 : memref<2000xf32, #tpu.memory_space<vmem>>) target_semaphore(%run_scoped3A : memref<!tpu.dma_semaphore, #tpu.memory_space<semaphore_mem>>)
      %dma_wait3A = tpu.memref_slice %arg4[%add3A_160] : memref<1600000xf32, #tpu.memory_space<hbm>> -> memref<2000xf32, #tpu.memory_space<hbm>>
      %dma_wait3A_282 = tpu.memref_slice %arg4[%add3A_160] : memref<1600000xf32, #tpu.memory_space<hbm>> -> memref<2000xf32, #tpu.memory_space<hbm>>
      tpu.wait_dma2 semaphore(%run_scoped3A : memref<!tpu.dma_semaphore, #tpu.memory_space<semaphore_mem>>) src(%dma_wait3A_282 : memref<2000xf32, #tpu.memory_space<hbm>>) dst(%arg16 : memref<2000xf32, #tpu.memory_space<vmem>>)
      tpu.yield
    }) : () -> ()
    %scan3A_161 = arith.constant 0 : i32
    %scan3A_162 = arith.constant 0 : i32
    %scan3A_163 = arith.constant 125 : i32
    %scan3A_164 = arith.addi %scan3A_162, %scan3A_163 : i32
    %scan3A_165 = arith.constant 1 : i32
    scf.for %scan3A_281 = %scan3A_162 to %scan3A_164 step %scan3A_165  : i32 {
      %mul3A_282 = arith.constant 16 : i32
      %mul3A_283 = arith.muli %scan3A_281, %mul3A_282 : i32
      %get3A_284 = arith.index_cast %mul3A_283 : i32 to index
      %get3A_285 = tpu.vector_load %arg14[%get3A_284] {strides = array<i32>} : memref<2000xi32, #tpu.memory_space<vmem>>, vector<16xi32>,
      %get3A_286 = arith.index_cast %mul3A_283 : i32 to index
      %get3A_287 = tpu.vector_load %arg15[%get3A_286] {strides = array<i32>} : memref<2000xi32, #tpu.memory_space<vmem>>, vector<16xi32>,
      %sub3A_288 = arith.subi %get3A_285, %broadcast_in_dim3A : vector<16xi32>
      %max3A_289 = arith.maxsi %sub3A_288, %broadcast_in_dim3A_22 : vector<16xi32>
      %min3A_290 = arith.minsi %max3A_289, %broadcast_in_dim3A_28 : vector<16xi32>
      %sub3A_291 = arith.subi %get3A_287, %broadcast_in_dim3A : vector<16xi32>
      %max3A_292 = arith.maxsi %sub3A_291, %broadcast_in_dim3A_22 : vector<16xi32>
      %min3A_293 = arith.minsi %max3A_292, %broadcast_in_dim3A_28 : vector<16xi32>
      %gather3A = tpu.vector_load_idx %arg11[%min3A_290] : memref<3136xi32, #tpu.memory_space<vmem>>[vector<16xi32>], vector<16xi32>,
      %gather3A_294 = tpu.vector_load_idx %arg11[%min3A_293] : memref<3136xi32, #tpu.memory_space<vmem>>[vector<16xi32>], vector<16xi32>,
      %get3A_295 = arith.index_cast %mul3A_283 : i32 to index
      %get3A_296 = tpu.vector_load %arg16[%get3A_295] {strides = array<i32>} : memref<2000xf32, #tpu.memory_space<vmem>>, vector<16xf32>,
      %add3A_297 = arith.addi %gather3A, %gather3A_294 : vector<16xi32>
      %gt3A = arith.cmpi sgt, %add3A_297, %broadcast_in_dim3A_22 : vector<16xi32>
      %swap3A = arith.index_cast %mul3A_283 : i32 to index
      %swap3A_298 = tpu.vector_load %arg17[%swap3A] {strides = array<i32>} : memref<2000xi32, #tpu.memory_space<vmem>>, vector<16xi32>,
      tpu.vector_store %arg17[%swap3A], %gather3A {strides = array<i32>} : memref<2000xi32, #tpu.memory_space<vmem>>, vector<16xi32>,
      %swap3A_299 = arith.index_cast %mul3A_283 : i32 to index
      %swap3A_300 = tpu.vector_load %arg18[%swap3A_299] {strides = array<i32>} : memref<2000xi32, #tpu.memory_space<vmem>>, vector<16xi32>,
      tpu.vector_store %arg18[%swap3A_299], %gather3A_294 {strides = array<i32>} : memref<2000xi32, #tpu.memory_space<vmem>>, vector<16xi32>,
      %select_n3A_301 = arith.select %gt3A, %get3A_296, %broadcast_in_dim3A_24 : vector<16xi1>, vector<16xf32>
      %swap3A_302 = arith.index_cast %mul3A_283 : i32 to index
      %swap3A_303 = tpu.vector_load %arg19[%swap3A_302] {strides = array<i32>} : memref<2000xf32, #tpu.memory_space<vmem>>, vector<16xf32>,
      tpu.vector_store %arg19[%swap3A_302], %select_n3A_301 {strides = array<i32>} : memref<2000xf32, #tpu.memory_space<vmem>>, vector<16xf32>,
    }
    %scan3A_166 = arith.constant 125 : i32
    "tpu.region"() ({
      %run_scoped3A = tpu.sem_alloc : memref<!tpu.dma_semaphore, #tpu.memory_space<semaphore_mem>>
      %dma_start3A = tpu.memref_slice %arg7[%add3A_160] : memref<1600000xi32, #tpu.memory_space<hbm>> -> memref<2000xi32, #tpu.memory_space<hbm>>
      %dma_start3A_281 = tpu.memref_slice %arg7[%add3A_160] : memref<1600000xi32, #tpu.memory_space<hbm>> -> memref<2000xi32, #tpu.memory_space<hbm>>
      tpu.enqueue_dma source(%arg17 : memref<2000xi32, #tpu.memory_space<vmem>>) target(%dma_start3A_281 : memref<2000xi32, #tpu.memory_space<hbm>>) target_semaphore(%run_scoped3A : memref<!tpu.dma_semaphore, #tpu.memory_space<semaphore_mem>>)
      %dma_wait3A = tpu.memref_slice %arg7[%add3A_160] : memref<1600000xi32, #tpu.memory_space<hbm>> -> memref<2000xi32, #tpu.memory_space<hbm>>
      %dma_wait3A_282 = tpu.memref_slice %arg7[%add3A_160] : memref<1600000xi32, #tpu.memory_space<hbm>> -> memref<2000xi32, #tpu.memory_space<hbm>>
      tpu.wait_dma2 semaphore(%run_scoped3A : memref<!tpu.dma_semaphore, #tpu.memory_space<semaphore_mem>>) src(%arg17 : memref<2000xi32, #tpu.memory_space<vmem>>) dst(%dma_wait3A_282 : memref<2000xi32, #tpu.memory_space<hbm>>)
      tpu.yield
    }) : () -> ()
    "tpu.region"() ({
      %run_scoped3A = tpu.sem_alloc : memref<!tpu.dma_semaphore, #tpu.memory_space<semaphore_mem>>
      %dma_start3A = tpu.memref_slice %arg8[%add3A_160] : memref<1600000xi32, #tpu.memory_space<hbm>> -> memref<2000xi32, #tpu.memory_space<hbm>>
      %dma_start3A_281 = tpu.memref_slice %arg8[%add3A_160] : memref<1600000xi32, #tpu.memory_space<hbm>> -> memref<2000xi32, #tpu.memory_space<hbm>>
      tpu.enqueue_dma source(%arg18 : memref<2000xi32, #tpu.memory_space<vmem>>) target(%dma_start3A_281 : memref<2000xi32, #tpu.memory_space<hbm>>) target_semaphore(%run_scoped3A : memref<!tpu.dma_semaphore, #tpu.memory_space<semaphore_mem>>)
      %dma_wait3A = tpu.memref_slice %arg8[%add3A_160] : memref<1600000xi32, #tpu.memory_space<hbm>> -> memref<2000xi32, #tpu.memory_space<hbm>>
      %dma_wait3A_282 = tpu.memref_slice %arg8[%add3A_160] : memref<1600000xi32, #tpu.memory_space<hbm>> -> memref<2000xi32, #tpu.memory_space<hbm>>
      tpu.wait_dma2 semaphore(%run_scoped3A : memref<!tpu.dma_semaphore, #tpu.memory_space<semaphore_mem>>) src(%arg18 : memref<2000xi32, #tpu.memory_space<vmem>>) dst(%dma_wait3A_282 : memref<2000xi32, #tpu.memory_space<hbm>>)
      tpu.yield
    }) : () -> ()
    "tpu.region"() ({
      %run_scoped3A = tpu.sem_alloc : memref<!tpu.dma_semaphore, #tpu.memory_space<semaphore_mem>>
      %dma_start3A = tpu.memref_slice %arg10[%add3A_160] : memref<1600000xf32, #tpu.memory_space<hbm>> -> memref<2000xf32, #tpu.memory_space<hbm>>
      %dma_start3A_281 = tpu.memref_slice %arg10[%add3A_160] : memref<1600000xf32, #tpu.memory_space<hbm>> -> memref<2000xf32, #tpu.memory_space<hbm>>
      tpu.enqueue_dma source(%arg19 : memref<2000xf32, #tpu.memory_space<vmem>>) target(%dma_start3A_281 : memref<2000xf32, #tpu.memory_space<hbm>>) target_semaphore(%run_scoped3A : memref<!tpu.dma_semaphore, #tpu.memory_space<semaphore_mem>>)
      %dma_wait3A = tpu.memref_slice %arg10[%add3A_160] : memref<1600000xf32, #tpu.memory_space<hbm>> -> memref<2000xf32, #tpu.memory_space<hbm>>
      %dma_wait3A_282 = tpu.memref_slice %arg10[%add3A_160] : memref<1600000xf32, #tpu.memory_space<hbm>> -> memref<2000xf32, #tpu.memory_space<hbm>>
      tpu.wait_dma2 semaphore(%run_scoped3A : memref<!tpu.dma_semaphore, #tpu.memory_space<semaphore_mem>>) src(%arg19 : memref<2000xf32, #tpu.memory_space<vmem>>) dst(%dma_wait3A_282 : memref<2000xf32, #tpu.memory_space<hbm>>)
      tpu.yield
    }) : () -> ()
    %add3A_167 = arith.constant 26000 : i32
    %add3A_168 = arith.addi %mul3A_2, %add3A_167 : i32
    "tpu.region"() ({
      %run_scoped3A = tpu.sem_alloc : memref<!tpu.dma_semaphore, #tpu.memory_space<semaphore_mem>>
      %dma_start3A = tpu.memref_slice %arg2[%add3A_168] : memref<1600000xi32, #tpu.memory_space<hbm>> -> memref<2000xi32, #tpu.memory_space<hbm>>
      %dma_start3A_281 = tpu.memref_slice %arg2[%add3A_168] : memref<1600000xi32, #tpu.memory_space<hbm>> -> memref<2000xi32, #tpu.memory_space<hbm>>
      tpu.enqueue_dma source(%dma_start3A_281 : memref<2000xi32, #tpu.memory_space<hbm>>) target(%arg14 : memref<2000xi32, #tpu.memory_space<vmem>>) target_semaphore(%run_scoped3A : memref<!tpu.dma_semaphore, #tpu.memory_space<semaphore_mem>>)
      %dma_wait3A = tpu.memref_slice %arg2[%add3A_168] : memref<1600000xi32, #tpu.memory_space<hbm>> -> memref<2000xi32, #tpu.memory_space<hbm>>
      %dma_wait3A_282 = tpu.memref_slice %arg2[%add3A_168] : memref<1600000xi32, #tpu.memory_space<hbm>> -> memref<2000xi32, #tpu.memory_space<hbm>>
      tpu.wait_dma2 semaphore(%run_scoped3A : memref<!tpu.dma_semaphore, #tpu.memory_space<semaphore_mem>>) src(%dma_wait3A_282 : memref<2000xi32, #tpu.memory_space<hbm>>) dst(%arg14 : memref<2000xi32, #tpu.memory_space<vmem>>)
      tpu.yield
    }) : () -> ()
    "tpu.region"() ({
      %run_scoped3A = tpu.sem_alloc : memref<!tpu.dma_semaphore, #tpu.memory_space<semaphore_mem>>
      %dma_start3A = tpu.memref_slice %arg3[%add3A_168] : memref<1600000xi32, #tpu.memory_space<hbm>> -> memref<2000xi32, #tpu.memory_space<hbm>>
      %dma_start3A_281 = tpu.memref_slice %arg3[%add3A_168] : memref<1600000xi32, #tpu.memory_space<hbm>> -> memref<2000xi32, #tpu.memory_space<hbm>>
      tpu.enqueue_dma source(%dma_start3A_281 : memref<2000xi32, #tpu.memory_space<hbm>>) target(%arg15 : memref<2000xi32, #tpu.memory_space<vmem>>) target_semaphore(%run_scoped3A : memref<!tpu.dma_semaphore, #tpu.memory_space<semaphore_mem>>)
      %dma_wait3A = tpu.memref_slice %arg3[%add3A_168] : memref<1600000xi32, #tpu.memory_space<hbm>> -> memref<2000xi32, #tpu.memory_space<hbm>>
      %dma_wait3A_282 = tpu.memref_slice %arg3[%add3A_168] : memref<1600000xi32, #tpu.memory_space<hbm>> -> memref<2000xi32, #tpu.memory_space<hbm>>
      tpu.wait_dma2 semaphore(%run_scoped3A : memref<!tpu.dma_semaphore, #tpu.memory_space<semaphore_mem>>) src(%dma_wait3A_282 : memref<2000xi32, #tpu.memory_space<hbm>>) dst(%arg15 : memref<2000xi32, #tpu.memory_space<vmem>>)
      tpu.yield
    }) : () -> ()
    "tpu.region"() ({
      %run_scoped3A = tpu.sem_alloc : memref<!tpu.dma_semaphore, #tpu.memory_space<semaphore_mem>>
      %dma_start3A = tpu.memref_slice %arg4[%add3A_168] : memref<1600000xf32, #tpu.memory_space<hbm>> -> memref<2000xf32, #tpu.memory_space<hbm>>
      %dma_start3A_281 = tpu.memref_slice %arg4[%add3A_168] : memref<1600000xf32, #tpu.memory_space<hbm>> -> memref<2000xf32, #tpu.memory_space<hbm>>
      tpu.enqueue_dma source(%dma_start3A_281 : memref<2000xf32, #tpu.memory_space<hbm>>) target(%arg16 : memref<2000xf32, #tpu.memory_space<vmem>>) target_semaphore(%run_scoped3A : memref<!tpu.dma_semaphore, #tpu.memory_space<semaphore_mem>>)
      %dma_wait3A = tpu.memref_slice %arg4[%add3A_168] : memref<1600000xf32, #tpu.memory_space<hbm>> -> memref<2000xf32, #tpu.memory_space<hbm>>
      %dma_wait3A_282 = tpu.memref_slice %arg4[%add3A_168] : memref<1600000xf32, #tpu.memory_space<hbm>> -> memref<2000xf32, #tpu.memory_space<hbm>>
      tpu.wait_dma2 semaphore(%run_scoped3A : memref<!tpu.dma_semaphore, #tpu.memory_space<semaphore_mem>>) src(%dma_wait3A_282 : memref<2000xf32, #tpu.memory_space<hbm>>) dst(%arg16 : memref<2000xf32, #tpu.memory_space<vmem>>)
      tpu.yield
    }) : () -> ()
    %scan3A_169 = arith.constant 0 : i32
    %scan3A_170 = arith.constant 0 : i32
    %scan3A_171 = arith.constant 125 : i32
    %scan3A_172 = arith.addi %scan3A_170, %scan3A_171 : i32
    %scan3A_173 = arith.constant 1 : i32
    scf.for %scan3A_281 = %scan3A_170 to %scan3A_172 step %scan3A_173  : i32 {
      %mul3A_282 = arith.constant 16 : i32
      %mul3A_283 = arith.muli %scan3A_281, %mul3A_282 : i32
      %get3A_284 = arith.index_cast %mul3A_283 : i32 to index
      %get3A_285 = tpu.vector_load %arg14[%get3A_284] {strides = array<i32>} : memref<2000xi32, #tpu.memory_space<vmem>>, vector<16xi32>,
      %get3A_286 = arith.index_cast %mul3A_283 : i32 to index
      %get3A_287 = tpu.vector_load %arg15[%get3A_286] {strides = array<i32>} : memref<2000xi32, #tpu.memory_space<vmem>>, vector<16xi32>,
      %sub3A_288 = arith.subi %get3A_285, %broadcast_in_dim3A : vector<16xi32>
      %max3A_289 = arith.maxsi %sub3A_288, %broadcast_in_dim3A_22 : vector<16xi32>
      %min3A_290 = arith.minsi %max3A_289, %broadcast_in_dim3A_28 : vector<16xi32>
      %sub3A_291 = arith.subi %get3A_287, %broadcast_in_dim3A : vector<16xi32>
      %max3A_292 = arith.maxsi %sub3A_291, %broadcast_in_dim3A_22 : vector<16xi32>
      %min3A_293 = arith.minsi %max3A_292, %broadcast_in_dim3A_28 : vector<16xi32>
      %gather3A = tpu.vector_load_idx %arg11[%min3A_290] : memref<3136xi32, #tpu.memory_space<vmem>>[vector<16xi32>], vector<16xi32>,
      %gather3A_294 = tpu.vector_load_idx %arg11[%min3A_293] : memref<3136xi32, #tpu.memory_space<vmem>>[vector<16xi32>], vector<16xi32>,
      %get3A_295 = arith.index_cast %mul3A_283 : i32 to index
      %get3A_296 = tpu.vector_load %arg16[%get3A_295] {strides = array<i32>} : memref<2000xf32, #tpu.memory_space<vmem>>, vector<16xf32>,
      %add3A_297 = arith.addi %gather3A, %gather3A_294 : vector<16xi32>
      %gt3A = arith.cmpi sgt, %add3A_297, %broadcast_in_dim3A_22 : vector<16xi32>
      %swap3A = arith.index_cast %mul3A_283 : i32 to index
      %swap3A_298 = tpu.vector_load %arg17[%swap3A] {strides = array<i32>} : memref<2000xi32, #tpu.memory_space<vmem>>, vector<16xi32>,
      tpu.vector_store %arg17[%swap3A], %gather3A {strides = array<i32>} : memref<2000xi32, #tpu.memory_space<vmem>>, vector<16xi32>,
      %swap3A_299 = arith.index_cast %mul3A_283 : i32 to index
      %swap3A_300 = tpu.vector_load %arg18[%swap3A_299] {strides = array<i32>} : memref<2000xi32, #tpu.memory_space<vmem>>, vector<16xi32>,
      tpu.vector_store %arg18[%swap3A_299], %gather3A_294 {strides = array<i32>} : memref<2000xi32, #tpu.memory_space<vmem>>, vector<16xi32>,
      %select_n3A_301 = arith.select %gt3A, %get3A_296, %broadcast_in_dim3A_24 : vector<16xi1>, vector<16xf32>
      %swap3A_302 = arith.index_cast %mul3A_283 : i32 to index
      %swap3A_303 = tpu.vector_load %arg19[%swap3A_302] {strides = array<i32>} : memref<2000xf32, #tpu.memory_space<vmem>>, vector<16xf32>,
      tpu.vector_store %arg19[%swap3A_302], %select_n3A_301 {strides = array<i32>} : memref<2000xf32, #tpu.memory_space<vmem>>, vector<16xf32>,
    }
    %scan3A_174 = arith.constant 125 : i32
    "tpu.region"() ({
      %run_scoped3A = tpu.sem_alloc : memref<!tpu.dma_semaphore, #tpu.memory_space<semaphore_mem>>
      %dma_start3A = tpu.memref_slice %arg7[%add3A_168] : memref<1600000xi32, #tpu.memory_space<hbm>> -> memref<2000xi32, #tpu.memory_space<hbm>>
      %dma_start3A_281 = tpu.memref_slice %arg7[%add3A_168] : memref<1600000xi32, #tpu.memory_space<hbm>> -> memref<2000xi32, #tpu.memory_space<hbm>>
      tpu.enqueue_dma source(%arg17 : memref<2000xi32, #tpu.memory_space<vmem>>) target(%dma_start3A_281 : memref<2000xi32, #tpu.memory_space<hbm>>) target_semaphore(%run_scoped3A : memref<!tpu.dma_semaphore, #tpu.memory_space<semaphore_mem>>)
      %dma_wait3A = tpu.memref_slice %arg7[%add3A_168] : memref<1600000xi32, #tpu.memory_space<hbm>> -> memref<2000xi32, #tpu.memory_space<hbm>>
      %dma_wait3A_282 = tpu.memref_slice %arg7[%add3A_168] : memref<1600000xi32, #tpu.memory_space<hbm>> -> memref<2000xi32, #tpu.memory_space<hbm>>
      tpu.wait_dma2 semaphore(%run_scoped3A : memref<!tpu.dma_semaphore, #tpu.memory_space<semaphore_mem>>) src(%arg17 : memref<2000xi32, #tpu.memory_space<vmem>>) dst(%dma_wait3A_282 : memref<2000xi32, #tpu.memory_space<hbm>>)
      tpu.yield
    }) : () -> ()
    "tpu.region"() ({
      %run_scoped3A = tpu.sem_alloc : memref<!tpu.dma_semaphore, #tpu.memory_space<semaphore_mem>>
      %dma_start3A = tpu.memref_slice %arg8[%add3A_168] : memref<1600000xi32, #tpu.memory_space<hbm>> -> memref<2000xi32, #tpu.memory_space<hbm>>
      %dma_start3A_281 = tpu.memref_slice %arg8[%add3A_168] : memref<1600000xi32, #tpu.memory_space<hbm>> -> memref<2000xi32, #tpu.memory_space<hbm>>
      tpu.enqueue_dma source(%arg18 : memref<2000xi32, #tpu.memory_space<vmem>>) target(%dma_start3A_281 : memref<2000xi32, #tpu.memory_space<hbm>>) target_semaphore(%run_scoped3A : memref<!tpu.dma_semaphore, #tpu.memory_space<semaphore_mem>>)
      %dma_wait3A = tpu.memref_slice %arg8[%add3A_168] : memref<1600000xi32, #tpu.memory_space<hbm>> -> memref<2000xi32, #tpu.memory_space<hbm>>
      %dma_wait3A_282 = tpu.memref_slice %arg8[%add3A_168] : memref<1600000xi32, #tpu.memory_space<hbm>> -> memref<2000xi32, #tpu.memory_space<hbm>>
      tpu.wait_dma2 semaphore(%run_scoped3A : memref<!tpu.dma_semaphore, #tpu.memory_space<semaphore_mem>>) src(%arg18 : memref<2000xi32, #tpu.memory_space<vmem>>) dst(%dma_wait3A_282 : memref<2000xi32, #tpu.memory_space<hbm>>)
      tpu.yield
    }) : () -> ()
    "tpu.region"() ({
      %run_scoped3A = tpu.sem_alloc : memref<!tpu.dma_semaphore, #tpu.memory_space<semaphore_mem>>
      %dma_start3A = tpu.memref_slice %arg10[%add3A_168] : memref<1600000xf32, #tpu.memory_space<hbm>> -> memref<2000xf32, #tpu.memory_space<hbm>>
      %dma_start3A_281 = tpu.memref_slice %arg10[%add3A_168] : memref<1600000xf32, #tpu.memory_space<hbm>> -> memref<2000xf32, #tpu.memory_space<hbm>>
      tpu.enqueue_dma source(%arg19 : memref<2000xf32, #tpu.memory_space<vmem>>) target(%dma_start3A_281 : memref<2000xf32, #tpu.memory_space<hbm>>) target_semaphore(%run_scoped3A : memref<!tpu.dma_semaphore, #tpu.memory_space<semaphore_mem>>)
      %dma_wait3A = tpu.memref_slice %arg10[%add3A_168] : memref<1600000xf32, #tpu.memory_space<hbm>> -> memref<2000xf32, #tpu.memory_space<hbm>>
      %dma_wait3A_282 = tpu.memref_slice %arg10[%add3A_168] : memref<1600000xf32, #tpu.memory_space<hbm>> -> memref<2000xf32, #tpu.memory_space<hbm>>
      tpu.wait_dma2 semaphore(%run_scoped3A : memref<!tpu.dma_semaphore, #tpu.memory_space<semaphore_mem>>) src(%arg19 : memref<2000xf32, #tpu.memory_space<vmem>>) dst(%dma_wait3A_282 : memref<2000xf32, #tpu.memory_space<hbm>>)
      tpu.yield
    }) : () -> ()
    %add3A_175 = arith.constant 28000 : i32
    %add3A_176 = arith.addi %mul3A_2, %add3A_175 : i32
    "tpu.region"() ({
      %run_scoped3A = tpu.sem_alloc : memref<!tpu.dma_semaphore, #tpu.memory_space<semaphore_mem>>
      %dma_start3A = tpu.memref_slice %arg2[%add3A_176] : memref<1600000xi32, #tpu.memory_space<hbm>> -> memref<2000xi32, #tpu.memory_space<hbm>>
      %dma_start3A_281 = tpu.memref_slice %arg2[%add3A_176] : memref<1600000xi32, #tpu.memory_space<hbm>> -> memref<2000xi32, #tpu.memory_space<hbm>>
      tpu.enqueue_dma source(%dma_start3A_281 : memref<2000xi32, #tpu.memory_space<hbm>>) target(%arg14 : memref<2000xi32, #tpu.memory_space<vmem>>) target_semaphore(%run_scoped3A : memref<!tpu.dma_semaphore, #tpu.memory_space<semaphore_mem>>)
      %dma_wait3A = tpu.memref_slice %arg2[%add3A_176] : memref<1600000xi32, #tpu.memory_space<hbm>> -> memref<2000xi32, #tpu.memory_space<hbm>>
      %dma_wait3A_282 = tpu.memref_slice %arg2[%add3A_176] : memref<1600000xi32, #tpu.memory_space<hbm>> -> memref<2000xi32, #tpu.memory_space<hbm>>
      tpu.wait_dma2 semaphore(%run_scoped3A : memref<!tpu.dma_semaphore, #tpu.memory_space<semaphore_mem>>) src(%dma_wait3A_282 : memref<2000xi32, #tpu.memory_space<hbm>>) dst(%arg14 : memref<2000xi32, #tpu.memory_space<vmem>>)
      tpu.yield
    }) : () -> ()
    "tpu.region"() ({
      %run_scoped3A = tpu.sem_alloc : memref<!tpu.dma_semaphore, #tpu.memory_space<semaphore_mem>>
      %dma_start3A = tpu.memref_slice %arg3[%add3A_176] : memref<1600000xi32, #tpu.memory_space<hbm>> -> memref<2000xi32, #tpu.memory_space<hbm>>
      %dma_start3A_281 = tpu.memref_slice %arg3[%add3A_176] : memref<1600000xi32, #tpu.memory_space<hbm>> -> memref<2000xi32, #tpu.memory_space<hbm>>
      tpu.enqueue_dma source(%dma_start3A_281 : memref<2000xi32, #tpu.memory_space<hbm>>) target(%arg15 : memref<2000xi32, #tpu.memory_space<vmem>>) target_semaphore(%run_scoped3A : memref<!tpu.dma_semaphore, #tpu.memory_space<semaphore_mem>>)
      %dma_wait3A = tpu.memref_slice %arg3[%add3A_176] : memref<1600000xi32, #tpu.memory_space<hbm>> -> memref<2000xi32, #tpu.memory_space<hbm>>
      %dma_wait3A_282 = tpu.memref_slice %arg3[%add3A_176] : memref<1600000xi32, #tpu.memory_space<hbm>> -> memref<2000xi32, #tpu.memory_space<hbm>>
      tpu.wait_dma2 semaphore(%run_scoped3A : memref<!tpu.dma_semaphore, #tpu.memory_space<semaphore_mem>>) src(%dma_wait3A_282 : memref<2000xi32, #tpu.memory_space<hbm>>) dst(%arg15 : memref<2000xi32, #tpu.memory_space<vmem>>)
      tpu.yield
    }) : () -> ()
    "tpu.region"() ({
      %run_scoped3A = tpu.sem_alloc : memref<!tpu.dma_semaphore, #tpu.memory_space<semaphore_mem>>
      %dma_start3A = tpu.memref_slice %arg4[%add3A_176] : memref<1600000xf32, #tpu.memory_space<hbm>> -> memref<2000xf32, #tpu.memory_space<hbm>>
      %dma_start3A_281 = tpu.memref_slice %arg4[%add3A_176] : memref<1600000xf32, #tpu.memory_space<hbm>> -> memref<2000xf32, #tpu.memory_space<hbm>>
      tpu.enqueue_dma source(%dma_start3A_281 : memref<2000xf32, #tpu.memory_space<hbm>>) target(%arg16 : memref<2000xf32, #tpu.memory_space<vmem>>) target_semaphore(%run_scoped3A : memref<!tpu.dma_semaphore, #tpu.memory_space<semaphore_mem>>)
      %dma_wait3A = tpu.memref_slice %arg4[%add3A_176] : memref<1600000xf32, #tpu.memory_space<hbm>> -> memref<2000xf32, #tpu.memory_space<hbm>>
      %dma_wait3A_282 = tpu.memref_slice %arg4[%add3A_176] : memref<1600000xf32, #tpu.memory_space<hbm>> -> memref<2000xf32, #tpu.memory_space<hbm>>
      tpu.wait_dma2 semaphore(%run_scoped3A : memref<!tpu.dma_semaphore, #tpu.memory_space<semaphore_mem>>) src(%dma_wait3A_282 : memref<2000xf32, #tpu.memory_space<hbm>>) dst(%arg16 : memref<2000xf32, #tpu.memory_space<vmem>>)
      tpu.yield
    }) : () -> ()
    %scan3A_177 = arith.constant 0 : i32
    %scan3A_178 = arith.constant 0 : i32
    %scan3A_179 = arith.constant 125 : i32
    %scan3A_180 = arith.addi %scan3A_178, %scan3A_179 : i32
    %scan3A_181 = arith.constant 1 : i32
    scf.for %scan3A_281 = %scan3A_178 to %scan3A_180 step %scan3A_181  : i32 {
      %mul3A_282 = arith.constant 16 : i32
      %mul3A_283 = arith.muli %scan3A_281, %mul3A_282 : i32
      %get3A_284 = arith.index_cast %mul3A_283 : i32 to index
      %get3A_285 = tpu.vector_load %arg14[%get3A_284] {strides = array<i32>} : memref<2000xi32, #tpu.memory_space<vmem>>, vector<16xi32>,
      %get3A_286 = arith.index_cast %mul3A_283 : i32 to index
      %get3A_287 = tpu.vector_load %arg15[%get3A_286] {strides = array<i32>} : memref<2000xi32, #tpu.memory_space<vmem>>, vector<16xi32>,
      %sub3A_288 = arith.subi %get3A_285, %broadcast_in_dim3A : vector<16xi32>
      %max3A_289 = arith.maxsi %sub3A_288, %broadcast_in_dim3A_22 : vector<16xi32>
      %min3A_290 = arith.minsi %max3A_289, %broadcast_in_dim3A_28 : vector<16xi32>
      %sub3A_291 = arith.subi %get3A_287, %broadcast_in_dim3A : vector<16xi32>
      %max3A_292 = arith.maxsi %sub3A_291, %broadcast_in_dim3A_22 : vector<16xi32>
      %min3A_293 = arith.minsi %max3A_292, %broadcast_in_dim3A_28 : vector<16xi32>
      %gather3A = tpu.vector_load_idx %arg11[%min3A_290] : memref<3136xi32, #tpu.memory_space<vmem>>[vector<16xi32>], vector<16xi32>,
      %gather3A_294 = tpu.vector_load_idx %arg11[%min3A_293] : memref<3136xi32, #tpu.memory_space<vmem>>[vector<16xi32>], vector<16xi32>,
      %get3A_295 = arith.index_cast %mul3A_283 : i32 to index
      %get3A_296 = tpu.vector_load %arg16[%get3A_295] {strides = array<i32>} : memref<2000xf32, #tpu.memory_space<vmem>>, vector<16xf32>,
      %add3A_297 = arith.addi %gather3A, %gather3A_294 : vector<16xi32>
      %gt3A = arith.cmpi sgt, %add3A_297, %broadcast_in_dim3A_22 : vector<16xi32>
      %swap3A = arith.index_cast %mul3A_283 : i32 to index
      %swap3A_298 = tpu.vector_load %arg17[%swap3A] {strides = array<i32>} : memref<2000xi32, #tpu.memory_space<vmem>>, vector<16xi32>,
      tpu.vector_store %arg17[%swap3A], %gather3A {strides = array<i32>} : memref<2000xi32, #tpu.memory_space<vmem>>, vector<16xi32>,
      %swap3A_299 = arith.index_cast %mul3A_283 : i32 to index
      %swap3A_300 = tpu.vector_load %arg18[%swap3A_299] {strides = array<i32>} : memref<2000xi32, #tpu.memory_space<vmem>>, vector<16xi32>,
      tpu.vector_store %arg18[%swap3A_299], %gather3A_294 {strides = array<i32>} : memref<2000xi32, #tpu.memory_space<vmem>>, vector<16xi32>,
      %select_n3A_301 = arith.select %gt3A, %get3A_296, %broadcast_in_dim3A_24 : vector<16xi1>, vector<16xf32>
      %swap3A_302 = arith.index_cast %mul3A_283 : i32 to index
      %swap3A_303 = tpu.vector_load %arg19[%swap3A_302] {strides = array<i32>} : memref<2000xf32, #tpu.memory_space<vmem>>, vector<16xf32>,
      tpu.vector_store %arg19[%swap3A_302], %select_n3A_301 {strides = array<i32>} : memref<2000xf32, #tpu.memory_space<vmem>>, vector<16xf32>,
    }
    %scan3A_182 = arith.constant 125 : i32
    "tpu.region"() ({
      %run_scoped3A = tpu.sem_alloc : memref<!tpu.dma_semaphore, #tpu.memory_space<semaphore_mem>>
      %dma_start3A = tpu.memref_slice %arg7[%add3A_176] : memref<1600000xi32, #tpu.memory_space<hbm>> -> memref<2000xi32, #tpu.memory_space<hbm>>
      %dma_start3A_281 = tpu.memref_slice %arg7[%add3A_176] : memref<1600000xi32, #tpu.memory_space<hbm>> -> memref<2000xi32, #tpu.memory_space<hbm>>
      tpu.enqueue_dma source(%arg17 : memref<2000xi32, #tpu.memory_space<vmem>>) target(%dma_start3A_281 : memref<2000xi32, #tpu.memory_space<hbm>>) target_semaphore(%run_scoped3A : memref<!tpu.dma_semaphore, #tpu.memory_space<semaphore_mem>>)
      %dma_wait3A = tpu.memref_slice %arg7[%add3A_176] : memref<1600000xi32, #tpu.memory_space<hbm>> -> memref<2000xi32, #tpu.memory_space<hbm>>
      %dma_wait3A_282 = tpu.memref_slice %arg7[%add3A_176] : memref<1600000xi32, #tpu.memory_space<hbm>> -> memref<2000xi32, #tpu.memory_space<hbm>>
      tpu.wait_dma2 semaphore(%run_scoped3A : memref<!tpu.dma_semaphore, #tpu.memory_space<semaphore_mem>>) src(%arg17 : memref<2000xi32, #tpu.memory_space<vmem>>) dst(%dma_wait3A_282 : memref<2000xi32, #tpu.memory_space<hbm>>)
      tpu.yield
    }) : () -> ()
    "tpu.region"() ({
      %run_scoped3A = tpu.sem_alloc : memref<!tpu.dma_semaphore, #tpu.memory_space<semaphore_mem>>
      %dma_start3A = tpu.memref_slice %arg8[%add3A_176] : memref<1600000xi32, #tpu.memory_space<hbm>> -> memref<2000xi32, #tpu.memory_space<hbm>>
      %dma_start3A_281 = tpu.memref_slice %arg8[%add3A_176] : memref<1600000xi32, #tpu.memory_space<hbm>> -> memref<2000xi32, #tpu.memory_space<hbm>>
      tpu.enqueue_dma source(%arg18 : memref<2000xi32, #tpu.memory_space<vmem>>) target(%dma_start3A_281 : memref<2000xi32, #tpu.memory_space<hbm>>) target_semaphore(%run_scoped3A : memref<!tpu.dma_semaphore, #tpu.memory_space<semaphore_mem>>)
      %dma_wait3A = tpu.memref_slice %arg8[%add3A_176] : memref<1600000xi32, #tpu.memory_space<hbm>> -> memref<2000xi32, #tpu.memory_space<hbm>>
      %dma_wait3A_282 = tpu.memref_slice %arg8[%add3A_176] : memref<1600000xi32, #tpu.memory_space<hbm>> -> memref<2000xi32, #tpu.memory_space<hbm>>
      tpu.wait_dma2 semaphore(%run_scoped3A : memref<!tpu.dma_semaphore, #tpu.memory_space<semaphore_mem>>) src(%arg18 : memref<2000xi32, #tpu.memory_space<vmem>>) dst(%dma_wait3A_282 : memref<2000xi32, #tpu.memory_space<hbm>>)
      tpu.yield
    }) : () -> ()
    "tpu.region"() ({
      %run_scoped3A = tpu.sem_alloc : memref<!tpu.dma_semaphore, #tpu.memory_space<semaphore_mem>>
      %dma_start3A = tpu.memref_slice %arg10[%add3A_176] : memref<1600000xf32, #tpu.memory_space<hbm>> -> memref<2000xf32, #tpu.memory_space<hbm>>
      %dma_start3A_281 = tpu.memref_slice %arg10[%add3A_176] : memref<1600000xf32, #tpu.memory_space<hbm>> -> memref<2000xf32, #tpu.memory_space<hbm>>
      tpu.enqueue_dma source(%arg19 : memref<2000xf32, #tpu.memory_space<vmem>>) target(%dma_start3A_281 : memref<2000xf32, #tpu.memory_space<hbm>>) target_semaphore(%run_scoped3A : memref<!tpu.dma_semaphore, #tpu.memory_space<semaphore_mem>>)
      %dma_wait3A = tpu.memref_slice %arg10[%add3A_176] : memref<1600000xf32, #tpu.memory_space<hbm>> -> memref<2000xf32, #tpu.memory_space<hbm>>
      %dma_wait3A_282 = tpu.memref_slice %arg10[%add3A_176] : memref<1600000xf32, #tpu.memory_space<hbm>> -> memref<2000xf32, #tpu.memory_space<hbm>>
      tpu.wait_dma2 semaphore(%run_scoped3A : memref<!tpu.dma_semaphore, #tpu.memory_space<semaphore_mem>>) src(%arg19 : memref<2000xf32, #tpu.memory_space<vmem>>) dst(%dma_wait3A_282 : memref<2000xf32, #tpu.memory_space<hbm>>)
      tpu.yield
    }) : () -> ()
    %add3A_183 = arith.constant 30000 : i32
    %add3A_184 = arith.addi %mul3A_2, %add3A_183 : i32
    "tpu.region"() ({
      %run_scoped3A = tpu.sem_alloc : memref<!tpu.dma_semaphore, #tpu.memory_space<semaphore_mem>>
      %dma_start3A = tpu.memref_slice %arg2[%add3A_184] : memref<1600000xi32, #tpu.memory_space<hbm>> -> memref<2000xi32, #tpu.memory_space<hbm>>
      %dma_start3A_281 = tpu.memref_slice %arg2[%add3A_184] : memref<1600000xi32, #tpu.memory_space<hbm>> -> memref<2000xi32, #tpu.memory_space<hbm>>
      tpu.enqueue_dma source(%dma_start3A_281 : memref<2000xi32, #tpu.memory_space<hbm>>) target(%arg14 : memref<2000xi32, #tpu.memory_space<vmem>>) target_semaphore(%run_scoped3A : memref<!tpu.dma_semaphore, #tpu.memory_space<semaphore_mem>>)
      %dma_wait3A = tpu.memref_slice %arg2[%add3A_184] : memref<1600000xi32, #tpu.memory_space<hbm>> -> memref<2000xi32, #tpu.memory_space<hbm>>
      %dma_wait3A_282 = tpu.memref_slice %arg2[%add3A_184] : memref<1600000xi32, #tpu.memory_space<hbm>> -> memref<2000xi32, #tpu.memory_space<hbm>>
      tpu.wait_dma2 semaphore(%run_scoped3A : memref<!tpu.dma_semaphore, #tpu.memory_space<semaphore_mem>>) src(%dma_wait3A_282 : memref<2000xi32, #tpu.memory_space<hbm>>) dst(%arg14 : memref<2000xi32, #tpu.memory_space<vmem>>)
      tpu.yield
    }) : () -> ()
    "tpu.region"() ({
      %run_scoped3A = tpu.sem_alloc : memref<!tpu.dma_semaphore, #tpu.memory_space<semaphore_mem>>
      %dma_start3A = tpu.memref_slice %arg3[%add3A_184] : memref<1600000xi32, #tpu.memory_space<hbm>> -> memref<2000xi32, #tpu.memory_space<hbm>>
      %dma_start3A_281 = tpu.memref_slice %arg3[%add3A_184] : memref<1600000xi32, #tpu.memory_space<hbm>> -> memref<2000xi32, #tpu.memory_space<hbm>>
      tpu.enqueue_dma source(%dma_start3A_281 : memref<2000xi32, #tpu.memory_space<hbm>>) target(%arg15 : memref<2000xi32, #tpu.memory_space<vmem>>) target_semaphore(%run_scoped3A : memref<!tpu.dma_semaphore, #tpu.memory_space<semaphore_mem>>)
      %dma_wait3A = tpu.memref_slice %arg3[%add3A_184] : memref<1600000xi32, #tpu.memory_space<hbm>> -> memref<2000xi32, #tpu.memory_space<hbm>>
      %dma_wait3A_282 = tpu.memref_slice %arg3[%add3A_184] : memref<1600000xi32, #tpu.memory_space<hbm>> -> memref<2000xi32, #tpu.memory_space<hbm>>
      tpu.wait_dma2 semaphore(%run_scoped3A : memref<!tpu.dma_semaphore, #tpu.memory_space<semaphore_mem>>) src(%dma_wait3A_282 : memref<2000xi32, #tpu.memory_space<hbm>>) dst(%arg15 : memref<2000xi32, #tpu.memory_space<vmem>>)
      tpu.yield
    }) : () -> ()
    "tpu.region"() ({
      %run_scoped3A = tpu.sem_alloc : memref<!tpu.dma_semaphore, #tpu.memory_space<semaphore_mem>>
      %dma_start3A = tpu.memref_slice %arg4[%add3A_184] : memref<1600000xf32, #tpu.memory_space<hbm>> -> memref<2000xf32, #tpu.memory_space<hbm>>
      %dma_start3A_281 = tpu.memref_slice %arg4[%add3A_184] : memref<1600000xf32, #tpu.memory_space<hbm>> -> memref<2000xf32, #tpu.memory_space<hbm>>
      tpu.enqueue_dma source(%dma_start3A_281 : memref<2000xf32, #tpu.memory_space<hbm>>) target(%arg16 : memref<2000xf32, #tpu.memory_space<vmem>>) target_semaphore(%run_scoped3A : memref<!tpu.dma_semaphore, #tpu.memory_space<semaphore_mem>>)
      %dma_wait3A = tpu.memref_slice %arg4[%add3A_184] : memref<1600000xf32, #tpu.memory_space<hbm>> -> memref<2000xf32, #tpu.memory_space<hbm>>
      %dma_wait3A_282 = tpu.memref_slice %arg4[%add3A_184] : memref<1600000xf32, #tpu.memory_space<hbm>> -> memref<2000xf32, #tpu.memory_space<hbm>>
      tpu.wait_dma2 semaphore(%run_scoped3A : memref<!tpu.dma_semaphore, #tpu.memory_space<semaphore_mem>>) src(%dma_wait3A_282 : memref<2000xf32, #tpu.memory_space<hbm>>) dst(%arg16 : memref<2000xf32, #tpu.memory_space<vmem>>)
      tpu.yield
    }) : () -> ()
    %scan3A_185 = arith.constant 0 : i32
    %scan3A_186 = arith.constant 0 : i32
    %scan3A_187 = arith.constant 125 : i32
    %scan3A_188 = arith.addi %scan3A_186, %scan3A_187 : i32
    %scan3A_189 = arith.constant 1 : i32
    scf.for %scan3A_281 = %scan3A_186 to %scan3A_188 step %scan3A_189  : i32 {
      %mul3A_282 = arith.constant 16 : i32
      %mul3A_283 = arith.muli %scan3A_281, %mul3A_282 : i32
      %get3A_284 = arith.index_cast %mul3A_283 : i32 to index
      %get3A_285 = tpu.vector_load %arg14[%get3A_284] {strides = array<i32>} : memref<2000xi32, #tpu.memory_space<vmem>>, vector<16xi32>,
      %get3A_286 = arith.index_cast %mul3A_283 : i32 to index
      %get3A_287 = tpu.vector_load %arg15[%get3A_286] {strides = array<i32>} : memref<2000xi32, #tpu.memory_space<vmem>>, vector<16xi32>,
      %sub3A_288 = arith.subi %get3A_285, %broadcast_in_dim3A : vector<16xi32>
      %max3A_289 = arith.maxsi %sub3A_288, %broadcast_in_dim3A_22 : vector<16xi32>
      %min3A_290 = arith.minsi %max3A_289, %broadcast_in_dim3A_28 : vector<16xi32>
      %sub3A_291 = arith.subi %get3A_287, %broadcast_in_dim3A : vector<16xi32>
      %max3A_292 = arith.maxsi %sub3A_291, %broadcast_in_dim3A_22 : vector<16xi32>
      %min3A_293 = arith.minsi %max3A_292, %broadcast_in_dim3A_28 : vector<16xi32>
      %gather3A = tpu.vector_load_idx %arg11[%min3A_290] : memref<3136xi32, #tpu.memory_space<vmem>>[vector<16xi32>], vector<16xi32>,
      %gather3A_294 = tpu.vector_load_idx %arg11[%min3A_293] : memref<3136xi32, #tpu.memory_space<vmem>>[vector<16xi32>], vector<16xi32>,
      %get3A_295 = arith.index_cast %mul3A_283 : i32 to index
      %get3A_296 = tpu.vector_load %arg16[%get3A_295] {strides = array<i32>} : memref<2000xf32, #tpu.memory_space<vmem>>, vector<16xf32>,
      %add3A_297 = arith.addi %gather3A, %gather3A_294 : vector<16xi32>
      %gt3A = arith.cmpi sgt, %add3A_297, %broadcast_in_dim3A_22 : vector<16xi32>
      %swap3A = arith.index_cast %mul3A_283 : i32 to index
      %swap3A_298 = tpu.vector_load %arg17[%swap3A] {strides = array<i32>} : memref<2000xi32, #tpu.memory_space<vmem>>, vector<16xi32>,
      tpu.vector_store %arg17[%swap3A], %gather3A {strides = array<i32>} : memref<2000xi32, #tpu.memory_space<vmem>>, vector<16xi32>,
      %swap3A_299 = arith.index_cast %mul3A_283 : i32 to index
      %swap3A_300 = tpu.vector_load %arg18[%swap3A_299] {strides = array<i32>} : memref<2000xi32, #tpu.memory_space<vmem>>, vector<16xi32>,
      tpu.vector_store %arg18[%swap3A_299], %gather3A_294 {strides = array<i32>} : memref<2000xi32, #tpu.memory_space<vmem>>, vector<16xi32>,
      %select_n3A_301 = arith.select %gt3A, %get3A_296, %broadcast_in_dim3A_24 : vector<16xi1>, vector<16xf32>
      %swap3A_302 = arith.index_cast %mul3A_283 : i32 to index
      %swap3A_303 = tpu.vector_load %arg19[%swap3A_302] {strides = array<i32>} : memref<2000xf32, #tpu.memory_space<vmem>>, vector<16xf32>,
      tpu.vector_store %arg19[%swap3A_302], %select_n3A_301 {strides = array<i32>} : memref<2000xf32, #tpu.memory_space<vmem>>, vector<16xf32>,
    }
    %scan3A_190 = arith.constant 125 : i32
    "tpu.region"() ({
      %run_scoped3A = tpu.sem_alloc : memref<!tpu.dma_semaphore, #tpu.memory_space<semaphore_mem>>
      %dma_start3A = tpu.memref_slice %arg7[%add3A_184] : memref<1600000xi32, #tpu.memory_space<hbm>> -> memref<2000xi32, #tpu.memory_space<hbm>>
      %dma_start3A_281 = tpu.memref_slice %arg7[%add3A_184] : memref<1600000xi32, #tpu.memory_space<hbm>> -> memref<2000xi32, #tpu.memory_space<hbm>>
      tpu.enqueue_dma source(%arg17 : memref<2000xi32, #tpu.memory_space<vmem>>) target(%dma_start3A_281 : memref<2000xi32, #tpu.memory_space<hbm>>) target_semaphore(%run_scoped3A : memref<!tpu.dma_semaphore, #tpu.memory_space<semaphore_mem>>)
      %dma_wait3A = tpu.memref_slice %arg7[%add3A_184] : memref<1600000xi32, #tpu.memory_space<hbm>> -> memref<2000xi32, #tpu.memory_space<hbm>>
      %dma_wait3A_282 = tpu.memref_slice %arg7[%add3A_184] : memref<1600000xi32, #tpu.memory_space<hbm>> -> memref<2000xi32, #tpu.memory_space<hbm>>
      tpu.wait_dma2 semaphore(%run_scoped3A : memref<!tpu.dma_semaphore, #tpu.memory_space<semaphore_mem>>) src(%arg17 : memref<2000xi32, #tpu.memory_space<vmem>>) dst(%dma_wait3A_282 : memref<2000xi32, #tpu.memory_space<hbm>>)
      tpu.yield
    }) : () -> ()
    "tpu.region"() ({
      %run_scoped3A = tpu.sem_alloc : memref<!tpu.dma_semaphore, #tpu.memory_space<semaphore_mem>>
      %dma_start3A = tpu.memref_slice %arg8[%add3A_184] : memref<1600000xi32, #tpu.memory_space<hbm>> -> memref<2000xi32, #tpu.memory_space<hbm>>
      %dma_start3A_281 = tpu.memref_slice %arg8[%add3A_184] : memref<1600000xi32, #tpu.memory_space<hbm>> -> memref<2000xi32, #tpu.memory_space<hbm>>
      tpu.enqueue_dma source(%arg18 : memref<2000xi32, #tpu.memory_space<vmem>>) target(%dma_start3A_281 : memref<2000xi32, #tpu.memory_space<hbm>>) target_semaphore(%run_scoped3A : memref<!tpu.dma_semaphore, #tpu.memory_space<semaphore_mem>>)
      %dma_wait3A = tpu.memref_slice %arg8[%add3A_184] : memref<1600000xi32, #tpu.memory_space<hbm>> -> memref<2000xi32, #tpu.memory_space<hbm>>
      %dma_wait3A_282 = tpu.memref_slice %arg8[%add3A_184] : memref<1600000xi32, #tpu.memory_space<hbm>> -> memref<2000xi32, #tpu.memory_space<hbm>>
      tpu.wait_dma2 semaphore(%run_scoped3A : memref<!tpu.dma_semaphore, #tpu.memory_space<semaphore_mem>>) src(%arg18 : memref<2000xi32, #tpu.memory_space<vmem>>) dst(%dma_wait3A_282 : memref<2000xi32, #tpu.memory_space<hbm>>)
      tpu.yield
    }) : () -> ()
    "tpu.region"() ({
      %run_scoped3A = tpu.sem_alloc : memref<!tpu.dma_semaphore, #tpu.memory_space<semaphore_mem>>
      %dma_start3A = tpu.memref_slice %arg10[%add3A_184] : memref<1600000xf32, #tpu.memory_space<hbm>> -> memref<2000xf32, #tpu.memory_space<hbm>>
      %dma_start3A_281 = tpu.memref_slice %arg10[%add3A_184] : memref<1600000xf32, #tpu.memory_space<hbm>> -> memref<2000xf32, #tpu.memory_space<hbm>>
      tpu.enqueue_dma source(%arg19 : memref<2000xf32, #tpu.memory_space<vmem>>) target(%dma_start3A_281 : memref<2000xf32, #tpu.memory_space<hbm>>) target_semaphore(%run_scoped3A : memref<!tpu.dma_semaphore, #tpu.memory_space<semaphore_mem>>)
      %dma_wait3A = tpu.memref_slice %arg10[%add3A_184] : memref<1600000xf32, #tpu.memory_space<hbm>> -> memref<2000xf32, #tpu.memory_space<hbm>>
      %dma_wait3A_282 = tpu.memref_slice %arg10[%add3A_184] : memref<1600000xf32, #tpu.memory_space<hbm>> -> memref<2000xf32, #tpu.memory_space<hbm>>
      tpu.wait_dma2 semaphore(%run_scoped3A : memref<!tpu.dma_semaphore, #tpu.memory_space<semaphore_mem>>) src(%arg19 : memref<2000xf32, #tpu.memory_space<vmem>>) dst(%dma_wait3A_282 : memref<2000xf32, #tpu.memory_space<hbm>>)
      tpu.yield
    }) : () -> ()
    %add3A_191 = arith.constant 32000 : i32
    %add3A_192 = arith.addi %mul3A_2, %add3A_191 : i32
    "tpu.region"() ({
      %run_scoped3A = tpu.sem_alloc : memref<!tpu.dma_semaphore, #tpu.memory_space<semaphore_mem>>
      %dma_start3A = tpu.memref_slice %arg2[%add3A_192] : memref<1600000xi32, #tpu.memory_space<hbm>> -> memref<2000xi32, #tpu.memory_space<hbm>>
      %dma_start3A_281 = tpu.memref_slice %arg2[%add3A_192] : memref<1600000xi32, #tpu.memory_space<hbm>> -> memref<2000xi32, #tpu.memory_space<hbm>>
      tpu.enqueue_dma source(%dma_start3A_281 : memref<2000xi32, #tpu.memory_space<hbm>>) target(%arg14 : memref<2000xi32, #tpu.memory_space<vmem>>) target_semaphore(%run_scoped3A : memref<!tpu.dma_semaphore, #tpu.memory_space<semaphore_mem>>)
      %dma_wait3A = tpu.memref_slice %arg2[%add3A_192] : memref<1600000xi32, #tpu.memory_space<hbm>> -> memref<2000xi32, #tpu.memory_space<hbm>>
      %dma_wait3A_282 = tpu.memref_slice %arg2[%add3A_192] : memref<1600000xi32, #tpu.memory_space<hbm>> -> memref<2000xi32, #tpu.memory_space<hbm>>
      tpu.wait_dma2 semaphore(%run_scoped3A : memref<!tpu.dma_semaphore, #tpu.memory_space<semaphore_mem>>) src(%dma_wait3A_282 : memref<2000xi32, #tpu.memory_space<hbm>>) dst(%arg14 : memref<2000xi32, #tpu.memory_space<vmem>>)
      tpu.yield
    }) : () -> ()
    "tpu.region"() ({
      %run_scoped3A = tpu.sem_alloc : memref<!tpu.dma_semaphore, #tpu.memory_space<semaphore_mem>>
      %dma_start3A = tpu.memref_slice %arg3[%add3A_192] : memref<1600000xi32, #tpu.memory_space<hbm>> -> memref<2000xi32, #tpu.memory_space<hbm>>
      %dma_start3A_281 = tpu.memref_slice %arg3[%add3A_192] : memref<1600000xi32, #tpu.memory_space<hbm>> -> memref<2000xi32, #tpu.memory_space<hbm>>
      tpu.enqueue_dma source(%dma_start3A_281 : memref<2000xi32, #tpu.memory_space<hbm>>) target(%arg15 : memref<2000xi32, #tpu.memory_space<vmem>>) target_semaphore(%run_scoped3A : memref<!tpu.dma_semaphore, #tpu.memory_space<semaphore_mem>>)
      %dma_wait3A = tpu.memref_slice %arg3[%add3A_192] : memref<1600000xi32, #tpu.memory_space<hbm>> -> memref<2000xi32, #tpu.memory_space<hbm>>
      %dma_wait3A_282 = tpu.memref_slice %arg3[%add3A_192] : memref<1600000xi32, #tpu.memory_space<hbm>> -> memref<2000xi32, #tpu.memory_space<hbm>>
      tpu.wait_dma2 semaphore(%run_scoped3A : memref<!tpu.dma_semaphore, #tpu.memory_space<semaphore_mem>>) src(%dma_wait3A_282 : memref<2000xi32, #tpu.memory_space<hbm>>) dst(%arg15 : memref<2000xi32, #tpu.memory_space<vmem>>)
      tpu.yield
    }) : () -> ()
    "tpu.region"() ({
      %run_scoped3A = tpu.sem_alloc : memref<!tpu.dma_semaphore, #tpu.memory_space<semaphore_mem>>
      %dma_start3A = tpu.memref_slice %arg4[%add3A_192] : memref<1600000xf32, #tpu.memory_space<hbm>> -> memref<2000xf32, #tpu.memory_space<hbm>>
      %dma_start3A_281 = tpu.memref_slice %arg4[%add3A_192] : memref<1600000xf32, #tpu.memory_space<hbm>> -> memref<2000xf32, #tpu.memory_space<hbm>>
      tpu.enqueue_dma source(%dma_start3A_281 : memref<2000xf32, #tpu.memory_space<hbm>>) target(%arg16 : memref<2000xf32, #tpu.memory_space<vmem>>) target_semaphore(%run_scoped3A : memref<!tpu.dma_semaphore, #tpu.memory_space<semaphore_mem>>)
      %dma_wait3A = tpu.memref_slice %arg4[%add3A_192] : memref<1600000xf32, #tpu.memory_space<hbm>> -> memref<2000xf32, #tpu.memory_space<hbm>>
      %dma_wait3A_282 = tpu.memref_slice %arg4[%add3A_192] : memref<1600000xf32, #tpu.memory_space<hbm>> -> memref<2000xf32, #tpu.memory_space<hbm>>
      tpu.wait_dma2 semaphore(%run_scoped3A : memref<!tpu.dma_semaphore, #tpu.memory_space<semaphore_mem>>) src(%dma_wait3A_282 : memref<2000xf32, #tpu.memory_space<hbm>>) dst(%arg16 : memref<2000xf32, #tpu.memory_space<vmem>>)
      tpu.yield
    }) : () -> ()
    %scan3A_193 = arith.constant 0 : i32
    %scan3A_194 = arith.constant 0 : i32
    %scan3A_195 = arith.constant 125 : i32
    %scan3A_196 = arith.addi %scan3A_194, %scan3A_195 : i32
    %scan3A_197 = arith.constant 1 : i32
    scf.for %scan3A_281 = %scan3A_194 to %scan3A_196 step %scan3A_197  : i32 {
      %mul3A_282 = arith.constant 16 : i32
      %mul3A_283 = arith.muli %scan3A_281, %mul3A_282 : i32
      %get3A_284 = arith.index_cast %mul3A_283 : i32 to index
      %get3A_285 = tpu.vector_load %arg14[%get3A_284] {strides = array<i32>} : memref<2000xi32, #tpu.memory_space<vmem>>, vector<16xi32>,
      %get3A_286 = arith.index_cast %mul3A_283 : i32 to index
      %get3A_287 = tpu.vector_load %arg15[%get3A_286] {strides = array<i32>} : memref<2000xi32, #tpu.memory_space<vmem>>, vector<16xi32>,
      %sub3A_288 = arith.subi %get3A_285, %broadcast_in_dim3A : vector<16xi32>
      %max3A_289 = arith.maxsi %sub3A_288, %broadcast_in_dim3A_22 : vector<16xi32>
      %min3A_290 = arith.minsi %max3A_289, %broadcast_in_dim3A_28 : vector<16xi32>
      %sub3A_291 = arith.subi %get3A_287, %broadcast_in_dim3A : vector<16xi32>
      %max3A_292 = arith.maxsi %sub3A_291, %broadcast_in_dim3A_22 : vector<16xi32>
      %min3A_293 = arith.minsi %max3A_292, %broadcast_in_dim3A_28 : vector<16xi32>
      %gather3A = tpu.vector_load_idx %arg11[%min3A_290] : memref<3136xi32, #tpu.memory_space<vmem>>[vector<16xi32>], vector<16xi32>,
      %gather3A_294 = tpu.vector_load_idx %arg11[%min3A_293] : memref<3136xi32, #tpu.memory_space<vmem>>[vector<16xi32>], vector<16xi32>,
      %get3A_295 = arith.index_cast %mul3A_283 : i32 to index
      %get3A_296 = tpu.vector_load %arg16[%get3A_295] {strides = array<i32>} : memref<2000xf32, #tpu.memory_space<vmem>>, vector<16xf32>,
      %add3A_297 = arith.addi %gather3A, %gather3A_294 : vector<16xi32>
      %gt3A = arith.cmpi sgt, %add3A_297, %broadcast_in_dim3A_22 : vector<16xi32>
      %swap3A = arith.index_cast %mul3A_283 : i32 to index
      %swap3A_298 = tpu.vector_load %arg17[%swap3A] {strides = array<i32>} : memref<2000xi32, #tpu.memory_space<vmem>>, vector<16xi32>,
      tpu.vector_store %arg17[%swap3A], %gather3A {strides = array<i32>} : memref<2000xi32, #tpu.memory_space<vmem>>, vector<16xi32>,
      %swap3A_299 = arith.index_cast %mul3A_283 : i32 to index
      %swap3A_300 = tpu.vector_load %arg18[%swap3A_299] {strides = array<i32>} : memref<2000xi32, #tpu.memory_space<vmem>>, vector<16xi32>,
      tpu.vector_store %arg18[%swap3A_299], %gather3A_294 {strides = array<i32>} : memref<2000xi32, #tpu.memory_space<vmem>>, vector<16xi32>,
      %select_n3A_301 = arith.select %gt3A, %get3A_296, %broadcast_in_dim3A_24 : vector<16xi1>, vector<16xf32>
      %swap3A_302 = arith.index_cast %mul3A_283 : i32 to index
      %swap3A_303 = tpu.vector_load %arg19[%swap3A_302] {strides = array<i32>} : memref<2000xf32, #tpu.memory_space<vmem>>, vector<16xf32>,
      tpu.vector_store %arg19[%swap3A_302], %select_n3A_301 {strides = array<i32>} : memref<2000xf32, #tpu.memory_space<vmem>>, vector<16xf32>,
    }
    %scan3A_198 = arith.constant 125 : i32
    "tpu.region"() ({
      %run_scoped3A = tpu.sem_alloc : memref<!tpu.dma_semaphore, #tpu.memory_space<semaphore_mem>>
      %dma_start3A = tpu.memref_slice %arg7[%add3A_192] : memref<1600000xi32, #tpu.memory_space<hbm>> -> memref<2000xi32, #tpu.memory_space<hbm>>
      %dma_start3A_281 = tpu.memref_slice %arg7[%add3A_192] : memref<1600000xi32, #tpu.memory_space<hbm>> -> memref<2000xi32, #tpu.memory_space<hbm>>
      tpu.enqueue_dma source(%arg17 : memref<2000xi32, #tpu.memory_space<vmem>>) target(%dma_start3A_281 : memref<2000xi32, #tpu.memory_space<hbm>>) target_semaphore(%run_scoped3A : memref<!tpu.dma_semaphore, #tpu.memory_space<semaphore_mem>>)
      %dma_wait3A = tpu.memref_slice %arg7[%add3A_192] : memref<1600000xi32, #tpu.memory_space<hbm>> -> memref<2000xi32, #tpu.memory_space<hbm>>
      %dma_wait3A_282 = tpu.memref_slice %arg7[%add3A_192] : memref<1600000xi32, #tpu.memory_space<hbm>> -> memref<2000xi32, #tpu.memory_space<hbm>>
      tpu.wait_dma2 semaphore(%run_scoped3A : memref<!tpu.dma_semaphore, #tpu.memory_space<semaphore_mem>>) src(%arg17 : memref<2000xi32, #tpu.memory_space<vmem>>) dst(%dma_wait3A_282 : memref<2000xi32, #tpu.memory_space<hbm>>)
      tpu.yield
    }) : () -> ()
    "tpu.region"() ({
      %run_scoped3A = tpu.sem_alloc : memref<!tpu.dma_semaphore, #tpu.memory_space<semaphore_mem>>
      %dma_start3A = tpu.memref_slice %arg8[%add3A_192] : memref<1600000xi32, #tpu.memory_space<hbm>> -> memref<2000xi32, #tpu.memory_space<hbm>>
      %dma_start3A_281 = tpu.memref_slice %arg8[%add3A_192] : memref<1600000xi32, #tpu.memory_space<hbm>> -> memref<2000xi32, #tpu.memory_space<hbm>>
      tpu.enqueue_dma source(%arg18 : memref<2000xi32, #tpu.memory_space<vmem>>) target(%dma_start3A_281 : memref<2000xi32, #tpu.memory_space<hbm>>) target_semaphore(%run_scoped3A : memref<!tpu.dma_semaphore, #tpu.memory_space<semaphore_mem>>)
      %dma_wait3A = tpu.memref_slice %arg8[%add3A_192] : memref<1600000xi32, #tpu.memory_space<hbm>> -> memref<2000xi32, #tpu.memory_space<hbm>>
      %dma_wait3A_282 = tpu.memref_slice %arg8[%add3A_192] : memref<1600000xi32, #tpu.memory_space<hbm>> -> memref<2000xi32, #tpu.memory_space<hbm>>
      tpu.wait_dma2 semaphore(%run_scoped3A : memref<!tpu.dma_semaphore, #tpu.memory_space<semaphore_mem>>) src(%arg18 : memref<2000xi32, #tpu.memory_space<vmem>>) dst(%dma_wait3A_282 : memref<2000xi32, #tpu.memory_space<hbm>>)
      tpu.yield
    }) : () -> ()
    "tpu.region"() ({
      %run_scoped3A = tpu.sem_alloc : memref<!tpu.dma_semaphore, #tpu.memory_space<semaphore_mem>>
      %dma_start3A = tpu.memref_slice %arg10[%add3A_192] : memref<1600000xf32, #tpu.memory_space<hbm>> -> memref<2000xf32, #tpu.memory_space<hbm>>
      %dma_start3A_281 = tpu.memref_slice %arg10[%add3A_192] : memref<1600000xf32, #tpu.memory_space<hbm>> -> memref<2000xf32, #tpu.memory_space<hbm>>
      tpu.enqueue_dma source(%arg19 : memref<2000xf32, #tpu.memory_space<vmem>>) target(%dma_start3A_281 : memref<2000xf32, #tpu.memory_space<hbm>>) target_semaphore(%run_scoped3A : memref<!tpu.dma_semaphore, #tpu.memory_space<semaphore_mem>>)
      %dma_wait3A = tpu.memref_slice %arg10[%add3A_192] : memref<1600000xf32, #tpu.memory_space<hbm>> -> memref<2000xf32, #tpu.memory_space<hbm>>
      %dma_wait3A_282 = tpu.memref_slice %arg10[%add3A_192] : memref<1600000xf32, #tpu.memory_space<hbm>> -> memref<2000xf32, #tpu.memory_space<hbm>>
      tpu.wait_dma2 semaphore(%run_scoped3A : memref<!tpu.dma_semaphore, #tpu.memory_space<semaphore_mem>>) src(%arg19 : memref<2000xf32, #tpu.memory_space<vmem>>) dst(%dma_wait3A_282 : memref<2000xf32, #tpu.memory_space<hbm>>)
      tpu.yield
    }) : () -> ()
    %add3A_199 = arith.constant 34000 : i32
    %add3A_200 = arith.addi %mul3A_2, %add3A_199 : i32
    "tpu.region"() ({
      %run_scoped3A = tpu.sem_alloc : memref<!tpu.dma_semaphore, #tpu.memory_space<semaphore_mem>>
      %dma_start3A = tpu.memref_slice %arg2[%add3A_200] : memref<1600000xi32, #tpu.memory_space<hbm>> -> memref<2000xi32, #tpu.memory_space<hbm>>
      %dma_start3A_281 = tpu.memref_slice %arg2[%add3A_200] : memref<1600000xi32, #tpu.memory_space<hbm>> -> memref<2000xi32, #tpu.memory_space<hbm>>
      tpu.enqueue_dma source(%dma_start3A_281 : memref<2000xi32, #tpu.memory_space<hbm>>) target(%arg14 : memref<2000xi32, #tpu.memory_space<vmem>>) target_semaphore(%run_scoped3A : memref<!tpu.dma_semaphore, #tpu.memory_space<semaphore_mem>>)
      %dma_wait3A = tpu.memref_slice %arg2[%add3A_200] : memref<1600000xi32, #tpu.memory_space<hbm>> -> memref<2000xi32, #tpu.memory_space<hbm>>
      %dma_wait3A_282 = tpu.memref_slice %arg2[%add3A_200] : memref<1600000xi32, #tpu.memory_space<hbm>> -> memref<2000xi32, #tpu.memory_space<hbm>>
      tpu.wait_dma2 semaphore(%run_scoped3A : memref<!tpu.dma_semaphore, #tpu.memory_space<semaphore_mem>>) src(%dma_wait3A_282 : memref<2000xi32, #tpu.memory_space<hbm>>) dst(%arg14 : memref<2000xi32, #tpu.memory_space<vmem>>)
      tpu.yield
    }) : () -> ()
    "tpu.region"() ({
      %run_scoped3A = tpu.sem_alloc : memref<!tpu.dma_semaphore, #tpu.memory_space<semaphore_mem>>
      %dma_start3A = tpu.memref_slice %arg3[%add3A_200] : memref<1600000xi32, #tpu.memory_space<hbm>> -> memref<2000xi32, #tpu.memory_space<hbm>>
      %dma_start3A_281 = tpu.memref_slice %arg3[%add3A_200] : memref<1600000xi32, #tpu.memory_space<hbm>> -> memref<2000xi32, #tpu.memory_space<hbm>>
      tpu.enqueue_dma source(%dma_start3A_281 : memref<2000xi32, #tpu.memory_space<hbm>>) target(%arg15 : memref<2000xi32, #tpu.memory_space<vmem>>) target_semaphore(%run_scoped3A : memref<!tpu.dma_semaphore, #tpu.memory_space<semaphore_mem>>)
      %dma_wait3A = tpu.memref_slice %arg3[%add3A_200] : memref<1600000xi32, #tpu.memory_space<hbm>> -> memref<2000xi32, #tpu.memory_space<hbm>>
      %dma_wait3A_282 = tpu.memref_slice %arg3[%add3A_200] : memref<1600000xi32, #tpu.memory_space<hbm>> -> memref<2000xi32, #tpu.memory_space<hbm>>
      tpu.wait_dma2 semaphore(%run_scoped3A : memref<!tpu.dma_semaphore, #tpu.memory_space<semaphore_mem>>) src(%dma_wait3A_282 : memref<2000xi32, #tpu.memory_space<hbm>>) dst(%arg15 : memref<2000xi32, #tpu.memory_space<vmem>>)
      tpu.yield
    }) : () -> ()
    "tpu.region"() ({
      %run_scoped3A = tpu.sem_alloc : memref<!tpu.dma_semaphore, #tpu.memory_space<semaphore_mem>>
      %dma_start3A = tpu.memref_slice %arg4[%add3A_200] : memref<1600000xf32, #tpu.memory_space<hbm>> -> memref<2000xf32, #tpu.memory_space<hbm>>
      %dma_start3A_281 = tpu.memref_slice %arg4[%add3A_200] : memref<1600000xf32, #tpu.memory_space<hbm>> -> memref<2000xf32, #tpu.memory_space<hbm>>
      tpu.enqueue_dma source(%dma_start3A_281 : memref<2000xf32, #tpu.memory_space<hbm>>) target(%arg16 : memref<2000xf32, #tpu.memory_space<vmem>>) target_semaphore(%run_scoped3A : memref<!tpu.dma_semaphore, #tpu.memory_space<semaphore_mem>>)
      %dma_wait3A = tpu.memref_slice %arg4[%add3A_200] : memref<1600000xf32, #tpu.memory_space<hbm>> -> memref<2000xf32, #tpu.memory_space<hbm>>
      %dma_wait3A_282 = tpu.memref_slice %arg4[%add3A_200] : memref<1600000xf32, #tpu.memory_space<hbm>> -> memref<2000xf32, #tpu.memory_space<hbm>>
      tpu.wait_dma2 semaphore(%run_scoped3A : memref<!tpu.dma_semaphore, #tpu.memory_space<semaphore_mem>>) src(%dma_wait3A_282 : memref<2000xf32, #tpu.memory_space<hbm>>) dst(%arg16 : memref<2000xf32, #tpu.memory_space<vmem>>)
      tpu.yield
    }) : () -> ()
    %scan3A_201 = arith.constant 0 : i32
    %scan3A_202 = arith.constant 0 : i32
    %scan3A_203 = arith.constant 125 : i32
    %scan3A_204 = arith.addi %scan3A_202, %scan3A_203 : i32
    %scan3A_205 = arith.constant 1 : i32
    scf.for %scan3A_281 = %scan3A_202 to %scan3A_204 step %scan3A_205  : i32 {
      %mul3A_282 = arith.constant 16 : i32
      %mul3A_283 = arith.muli %scan3A_281, %mul3A_282 : i32
      %get3A_284 = arith.index_cast %mul3A_283 : i32 to index
      %get3A_285 = tpu.vector_load %arg14[%get3A_284] {strides = array<i32>} : memref<2000xi32, #tpu.memory_space<vmem>>, vector<16xi32>,
      %get3A_286 = arith.index_cast %mul3A_283 : i32 to index
      %get3A_287 = tpu.vector_load %arg15[%get3A_286] {strides = array<i32>} : memref<2000xi32, #tpu.memory_space<vmem>>, vector<16xi32>,
      %sub3A_288 = arith.subi %get3A_285, %broadcast_in_dim3A : vector<16xi32>
      %max3A_289 = arith.maxsi %sub3A_288, %broadcast_in_dim3A_22 : vector<16xi32>
      %min3A_290 = arith.minsi %max3A_289, %broadcast_in_dim3A_28 : vector<16xi32>
      %sub3A_291 = arith.subi %get3A_287, %broadcast_in_dim3A : vector<16xi32>
      %max3A_292 = arith.maxsi %sub3A_291, %broadcast_in_dim3A_22 : vector<16xi32>
      %min3A_293 = arith.minsi %max3A_292, %broadcast_in_dim3A_28 : vector<16xi32>
      %gather3A = tpu.vector_load_idx %arg11[%min3A_290] : memref<3136xi32, #tpu.memory_space<vmem>>[vector<16xi32>], vector<16xi32>,
      %gather3A_294 = tpu.vector_load_idx %arg11[%min3A_293] : memref<3136xi32, #tpu.memory_space<vmem>>[vector<16xi32>], vector<16xi32>,
      %get3A_295 = arith.index_cast %mul3A_283 : i32 to index
      %get3A_296 = tpu.vector_load %arg16[%get3A_295] {strides = array<i32>} : memref<2000xf32, #tpu.memory_space<vmem>>, vector<16xf32>,
      %add3A_297 = arith.addi %gather3A, %gather3A_294 : vector<16xi32>
      %gt3A = arith.cmpi sgt, %add3A_297, %broadcast_in_dim3A_22 : vector<16xi32>
      %swap3A = arith.index_cast %mul3A_283 : i32 to index
      %swap3A_298 = tpu.vector_load %arg17[%swap3A] {strides = array<i32>} : memref<2000xi32, #tpu.memory_space<vmem>>, vector<16xi32>,
      tpu.vector_store %arg17[%swap3A], %gather3A {strides = array<i32>} : memref<2000xi32, #tpu.memory_space<vmem>>, vector<16xi32>,
      %swap3A_299 = arith.index_cast %mul3A_283 : i32 to index
      %swap3A_300 = tpu.vector_load %arg18[%swap3A_299] {strides = array<i32>} : memref<2000xi32, #tpu.memory_space<vmem>>, vector<16xi32>,
      tpu.vector_store %arg18[%swap3A_299], %gather3A_294 {strides = array<i32>} : memref<2000xi32, #tpu.memory_space<vmem>>, vector<16xi32>,
      %select_n3A_301 = arith.select %gt3A, %get3A_296, %broadcast_in_dim3A_24 : vector<16xi1>, vector<16xf32>
      %swap3A_302 = arith.index_cast %mul3A_283 : i32 to index
      %swap3A_303 = tpu.vector_load %arg19[%swap3A_302] {strides = array<i32>} : memref<2000xf32, #tpu.memory_space<vmem>>, vector<16xf32>,
      tpu.vector_store %arg19[%swap3A_302], %select_n3A_301 {strides = array<i32>} : memref<2000xf32, #tpu.memory_space<vmem>>, vector<16xf32>,
    }
    %scan3A_206 = arith.constant 125 : i32
    "tpu.region"() ({
      %run_scoped3A = tpu.sem_alloc : memref<!tpu.dma_semaphore, #tpu.memory_space<semaphore_mem>>
      %dma_start3A = tpu.memref_slice %arg7[%add3A_200] : memref<1600000xi32, #tpu.memory_space<hbm>> -> memref<2000xi32, #tpu.memory_space<hbm>>
      %dma_start3A_281 = tpu.memref_slice %arg7[%add3A_200] : memref<1600000xi32, #tpu.memory_space<hbm>> -> memref<2000xi32, #tpu.memory_space<hbm>>
      tpu.enqueue_dma source(%arg17 : memref<2000xi32, #tpu.memory_space<vmem>>) target(%dma_start3A_281 : memref<2000xi32, #tpu.memory_space<hbm>>) target_semaphore(%run_scoped3A : memref<!tpu.dma_semaphore, #tpu.memory_space<semaphore_mem>>)
      %dma_wait3A = tpu.memref_slice %arg7[%add3A_200] : memref<1600000xi32, #tpu.memory_space<hbm>> -> memref<2000xi32, #tpu.memory_space<hbm>>
      %dma_wait3A_282 = tpu.memref_slice %arg7[%add3A_200] : memref<1600000xi32, #tpu.memory_space<hbm>> -> memref<2000xi32, #tpu.memory_space<hbm>>
      tpu.wait_dma2 semaphore(%run_scoped3A : memref<!tpu.dma_semaphore, #tpu.memory_space<semaphore_mem>>) src(%arg17 : memref<2000xi32, #tpu.memory_space<vmem>>) dst(%dma_wait3A_282 : memref<2000xi32, #tpu.memory_space<hbm>>)
      tpu.yield
    }) : () -> ()
    "tpu.region"() ({
      %run_scoped3A = tpu.sem_alloc : memref<!tpu.dma_semaphore, #tpu.memory_space<semaphore_mem>>
      %dma_start3A = tpu.memref_slice %arg8[%add3A_200] : memref<1600000xi32, #tpu.memory_space<hbm>> -> memref<2000xi32, #tpu.memory_space<hbm>>
      %dma_start3A_281 = tpu.memref_slice %arg8[%add3A_200] : memref<1600000xi32, #tpu.memory_space<hbm>> -> memref<2000xi32, #tpu.memory_space<hbm>>
      tpu.enqueue_dma source(%arg18 : memref<2000xi32, #tpu.memory_space<vmem>>) target(%dma_start3A_281 : memref<2000xi32, #tpu.memory_space<hbm>>) target_semaphore(%run_scoped3A : memref<!tpu.dma_semaphore, #tpu.memory_space<semaphore_mem>>)
      %dma_wait3A = tpu.memref_slice %arg8[%add3A_200] : memref<1600000xi32, #tpu.memory_space<hbm>> -> memref<2000xi32, #tpu.memory_space<hbm>>
      %dma_wait3A_282 = tpu.memref_slice %arg8[%add3A_200] : memref<1600000xi32, #tpu.memory_space<hbm>> -> memref<2000xi32, #tpu.memory_space<hbm>>
      tpu.wait_dma2 semaphore(%run_scoped3A : memref<!tpu.dma_semaphore, #tpu.memory_space<semaphore_mem>>) src(%arg18 : memref<2000xi32, #tpu.memory_space<vmem>>) dst(%dma_wait3A_282 : memref<2000xi32, #tpu.memory_space<hbm>>)
      tpu.yield
    }) : () -> ()
    "tpu.region"() ({
      %run_scoped3A = tpu.sem_alloc : memref<!tpu.dma_semaphore, #tpu.memory_space<semaphore_mem>>
      %dma_start3A = tpu.memref_slice %arg10[%add3A_200] : memref<1600000xf32, #tpu.memory_space<hbm>> -> memref<2000xf32, #tpu.memory_space<hbm>>
      %dma_start3A_281 = tpu.memref_slice %arg10[%add3A_200] : memref<1600000xf32, #tpu.memory_space<hbm>> -> memref<2000xf32, #tpu.memory_space<hbm>>
      tpu.enqueue_dma source(%arg19 : memref<2000xf32, #tpu.memory_space<vmem>>) target(%dma_start3A_281 : memref<2000xf32, #tpu.memory_space<hbm>>) target_semaphore(%run_scoped3A : memref<!tpu.dma_semaphore, #tpu.memory_space<semaphore_mem>>)
      %dma_wait3A = tpu.memref_slice %arg10[%add3A_200] : memref<1600000xf32, #tpu.memory_space<hbm>> -> memref<2000xf32, #tpu.memory_space<hbm>>
      %dma_wait3A_282 = tpu.memref_slice %arg10[%add3A_200] : memref<1600000xf32, #tpu.memory_space<hbm>> -> memref<2000xf32, #tpu.memory_space<hbm>>
      tpu.wait_dma2 semaphore(%run_scoped3A : memref<!tpu.dma_semaphore, #tpu.memory_space<semaphore_mem>>) src(%arg19 : memref<2000xf32, #tpu.memory_space<vmem>>) dst(%dma_wait3A_282 : memref<2000xf32, #tpu.memory_space<hbm>>)
      tpu.yield
    }) : () -> ()
    %add3A_207 = arith.constant 36000 : i32
    %add3A_208 = arith.addi %mul3A_2, %add3A_207 : i32
    "tpu.region"() ({
      %run_scoped3A = tpu.sem_alloc : memref<!tpu.dma_semaphore, #tpu.memory_space<semaphore_mem>>
      %dma_start3A = tpu.memref_slice %arg2[%add3A_208] : memref<1600000xi32, #tpu.memory_space<hbm>> -> memref<2000xi32, #tpu.memory_space<hbm>>
      %dma_start3A_281 = tpu.memref_slice %arg2[%add3A_208] : memref<1600000xi32, #tpu.memory_space<hbm>> -> memref<2000xi32, #tpu.memory_space<hbm>>
      tpu.enqueue_dma source(%dma_start3A_281 : memref<2000xi32, #tpu.memory_space<hbm>>) target(%arg14 : memref<2000xi32, #tpu.memory_space<vmem>>) target_semaphore(%run_scoped3A : memref<!tpu.dma_semaphore, #tpu.memory_space<semaphore_mem>>)
      %dma_wait3A = tpu.memref_slice %arg2[%add3A_208] : memref<1600000xi32, #tpu.memory_space<hbm>> -> memref<2000xi32, #tpu.memory_space<hbm>>
      %dma_wait3A_282 = tpu.memref_slice %arg2[%add3A_208] : memref<1600000xi32, #tpu.memory_space<hbm>> -> memref<2000xi32, #tpu.memory_space<hbm>>
      tpu.wait_dma2 semaphore(%run_scoped3A : memref<!tpu.dma_semaphore, #tpu.memory_space<semaphore_mem>>) src(%dma_wait3A_282 : memref<2000xi32, #tpu.memory_space<hbm>>) dst(%arg14 : memref<2000xi32, #tpu.memory_space<vmem>>)
      tpu.yield
    }) : () -> ()
    "tpu.region"() ({
      %run_scoped3A = tpu.sem_alloc : memref<!tpu.dma_semaphore, #tpu.memory_space<semaphore_mem>>
      %dma_start3A = tpu.memref_slice %arg3[%add3A_208] : memref<1600000xi32, #tpu.memory_space<hbm>> -> memref<2000xi32, #tpu.memory_space<hbm>>
      %dma_start3A_281 = tpu.memref_slice %arg3[%add3A_208] : memref<1600000xi32, #tpu.memory_space<hbm>> -> memref<2000xi32, #tpu.memory_space<hbm>>
      tpu.enqueue_dma source(%dma_start3A_281 : memref<2000xi32, #tpu.memory_space<hbm>>) target(%arg15 : memref<2000xi32, #tpu.memory_space<vmem>>) target_semaphore(%run_scoped3A : memref<!tpu.dma_semaphore, #tpu.memory_space<semaphore_mem>>)
      %dma_wait3A = tpu.memref_slice %arg3[%add3A_208] : memref<1600000xi32, #tpu.memory_space<hbm>> -> memref<2000xi32, #tpu.memory_space<hbm>>
      %dma_wait3A_282 = tpu.memref_slice %arg3[%add3A_208] : memref<1600000xi32, #tpu.memory_space<hbm>> -> memref<2000xi32, #tpu.memory_space<hbm>>
      tpu.wait_dma2 semaphore(%run_scoped3A : memref<!tpu.dma_semaphore, #tpu.memory_space<semaphore_mem>>) src(%dma_wait3A_282 : memref<2000xi32, #tpu.memory_space<hbm>>) dst(%arg15 : memref<2000xi32, #tpu.memory_space<vmem>>)
      tpu.yield
    }) : () -> ()
    "tpu.region"() ({
      %run_scoped3A = tpu.sem_alloc : memref<!tpu.dma_semaphore, #tpu.memory_space<semaphore_mem>>
      %dma_start3A = tpu.memref_slice %arg4[%add3A_208] : memref<1600000xf32, #tpu.memory_space<hbm>> -> memref<2000xf32, #tpu.memory_space<hbm>>
      %dma_start3A_281 = tpu.memref_slice %arg4[%add3A_208] : memref<1600000xf32, #tpu.memory_space<hbm>> -> memref<2000xf32, #tpu.memory_space<hbm>>
      tpu.enqueue_dma source(%dma_start3A_281 : memref<2000xf32, #tpu.memory_space<hbm>>) target(%arg16 : memref<2000xf32, #tpu.memory_space<vmem>>) target_semaphore(%run_scoped3A : memref<!tpu.dma_semaphore, #tpu.memory_space<semaphore_mem>>)
      %dma_wait3A = tpu.memref_slice %arg4[%add3A_208] : memref<1600000xf32, #tpu.memory_space<hbm>> -> memref<2000xf32, #tpu.memory_space<hbm>>
      %dma_wait3A_282 = tpu.memref_slice %arg4[%add3A_208] : memref<1600000xf32, #tpu.memory_space<hbm>> -> memref<2000xf32, #tpu.memory_space<hbm>>
      tpu.wait_dma2 semaphore(%run_scoped3A : memref<!tpu.dma_semaphore, #tpu.memory_space<semaphore_mem>>) src(%dma_wait3A_282 : memref<2000xf32, #tpu.memory_space<hbm>>) dst(%arg16 : memref<2000xf32, #tpu.memory_space<vmem>>)
      tpu.yield
    }) : () -> ()
    %scan3A_209 = arith.constant 0 : i32
    %scan3A_210 = arith.constant 0 : i32
    %scan3A_211 = arith.constant 125 : i32
    %scan3A_212 = arith.addi %scan3A_210, %scan3A_211 : i32
    %scan3A_213 = arith.constant 1 : i32
    scf.for %scan3A_281 = %scan3A_210 to %scan3A_212 step %scan3A_213  : i32 {
      %mul3A_282 = arith.constant 16 : i32
      %mul3A_283 = arith.muli %scan3A_281, %mul3A_282 : i32
      %get3A_284 = arith.index_cast %mul3A_283 : i32 to index
      %get3A_285 = tpu.vector_load %arg14[%get3A_284] {strides = array<i32>} : memref<2000xi32, #tpu.memory_space<vmem>>, vector<16xi32>,
      %get3A_286 = arith.index_cast %mul3A_283 : i32 to index
      %get3A_287 = tpu.vector_load %arg15[%get3A_286] {strides = array<i32>} : memref<2000xi32, #tpu.memory_space<vmem>>, vector<16xi32>,
      %sub3A_288 = arith.subi %get3A_285, %broadcast_in_dim3A : vector<16xi32>
      %max3A_289 = arith.maxsi %sub3A_288, %broadcast_in_dim3A_22 : vector<16xi32>
      %min3A_290 = arith.minsi %max3A_289, %broadcast_in_dim3A_28 : vector<16xi32>
      %sub3A_291 = arith.subi %get3A_287, %broadcast_in_dim3A : vector<16xi32>
      %max3A_292 = arith.maxsi %sub3A_291, %broadcast_in_dim3A_22 : vector<16xi32>
      %min3A_293 = arith.minsi %max3A_292, %broadcast_in_dim3A_28 : vector<16xi32>
      %gather3A = tpu.vector_load_idx %arg11[%min3A_290] : memref<3136xi32, #tpu.memory_space<vmem>>[vector<16xi32>], vector<16xi32>,
      %gather3A_294 = tpu.vector_load_idx %arg11[%min3A_293] : memref<3136xi32, #tpu.memory_space<vmem>>[vector<16xi32>], vector<16xi32>,
      %get3A_295 = arith.index_cast %mul3A_283 : i32 to index
      %get3A_296 = tpu.vector_load %arg16[%get3A_295] {strides = array<i32>} : memref<2000xf32, #tpu.memory_space<vmem>>, vector<16xf32>,
      %add3A_297 = arith.addi %gather3A, %gather3A_294 : vector<16xi32>
      %gt3A = arith.cmpi sgt, %add3A_297, %broadcast_in_dim3A_22 : vector<16xi32>
      %swap3A = arith.index_cast %mul3A_283 : i32 to index
      %swap3A_298 = tpu.vector_load %arg17[%swap3A] {strides = array<i32>} : memref<2000xi32, #tpu.memory_space<vmem>>, vector<16xi32>,
      tpu.vector_store %arg17[%swap3A], %gather3A {strides = array<i32>} : memref<2000xi32, #tpu.memory_space<vmem>>, vector<16xi32>,
      %swap3A_299 = arith.index_cast %mul3A_283 : i32 to index
      %swap3A_300 = tpu.vector_load %arg18[%swap3A_299] {strides = array<i32>} : memref<2000xi32, #tpu.memory_space<vmem>>, vector<16xi32>,
      tpu.vector_store %arg18[%swap3A_299], %gather3A_294 {strides = array<i32>} : memref<2000xi32, #tpu.memory_space<vmem>>, vector<16xi32>,
      %select_n3A_301 = arith.select %gt3A, %get3A_296, %broadcast_in_dim3A_24 : vector<16xi1>, vector<16xf32>
      %swap3A_302 = arith.index_cast %mul3A_283 : i32 to index
      %swap3A_303 = tpu.vector_load %arg19[%swap3A_302] {strides = array<i32>} : memref<2000xf32, #tpu.memory_space<vmem>>, vector<16xf32>,
      tpu.vector_store %arg19[%swap3A_302], %select_n3A_301 {strides = array<i32>} : memref<2000xf32, #tpu.memory_space<vmem>>, vector<16xf32>,
    }
    %scan3A_214 = arith.constant 125 : i32
    "tpu.region"() ({
      %run_scoped3A = tpu.sem_alloc : memref<!tpu.dma_semaphore, #tpu.memory_space<semaphore_mem>>
      %dma_start3A = tpu.memref_slice %arg7[%add3A_208] : memref<1600000xi32, #tpu.memory_space<hbm>> -> memref<2000xi32, #tpu.memory_space<hbm>>
      %dma_start3A_281 = tpu.memref_slice %arg7[%add3A_208] : memref<1600000xi32, #tpu.memory_space<hbm>> -> memref<2000xi32, #tpu.memory_space<hbm>>
      tpu.enqueue_dma source(%arg17 : memref<2000xi32, #tpu.memory_space<vmem>>) target(%dma_start3A_281 : memref<2000xi32, #tpu.memory_space<hbm>>) target_semaphore(%run_scoped3A : memref<!tpu.dma_semaphore, #tpu.memory_space<semaphore_mem>>)
      %dma_wait3A = tpu.memref_slice %arg7[%add3A_208] : memref<1600000xi32, #tpu.memory_space<hbm>> -> memref<2000xi32, #tpu.memory_space<hbm>>
      %dma_wait3A_282 = tpu.memref_slice %arg7[%add3A_208] : memref<1600000xi32, #tpu.memory_space<hbm>> -> memref<2000xi32, #tpu.memory_space<hbm>>
      tpu.wait_dma2 semaphore(%run_scoped3A : memref<!tpu.dma_semaphore, #tpu.memory_space<semaphore_mem>>) src(%arg17 : memref<2000xi32, #tpu.memory_space<vmem>>) dst(%dma_wait3A_282 : memref<2000xi32, #tpu.memory_space<hbm>>)
      tpu.yield
    }) : () -> ()
    "tpu.region"() ({
      %run_scoped3A = tpu.sem_alloc : memref<!tpu.dma_semaphore, #tpu.memory_space<semaphore_mem>>
      %dma_start3A = tpu.memref_slice %arg8[%add3A_208] : memref<1600000xi32, #tpu.memory_space<hbm>> -> memref<2000xi32, #tpu.memory_space<hbm>>
      %dma_start3A_281 = tpu.memref_slice %arg8[%add3A_208] : memref<1600000xi32, #tpu.memory_space<hbm>> -> memref<2000xi32, #tpu.memory_space<hbm>>
      tpu.enqueue_dma source(%arg18 : memref<2000xi32, #tpu.memory_space<vmem>>) target(%dma_start3A_281 : memref<2000xi32, #tpu.memory_space<hbm>>) target_semaphore(%run_scoped3A : memref<!tpu.dma_semaphore, #tpu.memory_space<semaphore_mem>>)
      %dma_wait3A = tpu.memref_slice %arg8[%add3A_208] : memref<1600000xi32, #tpu.memory_space<hbm>> -> memref<2000xi32, #tpu.memory_space<hbm>>
      %dma_wait3A_282 = tpu.memref_slice %arg8[%add3A_208] : memref<1600000xi32, #tpu.memory_space<hbm>> -> memref<2000xi32, #tpu.memory_space<hbm>>
      tpu.wait_dma2 semaphore(%run_scoped3A : memref<!tpu.dma_semaphore, #tpu.memory_space<semaphore_mem>>) src(%arg18 : memref<2000xi32, #tpu.memory_space<vmem>>) dst(%dma_wait3A_282 : memref<2000xi32, #tpu.memory_space<hbm>>)
      tpu.yield
    }) : () -> ()
    "tpu.region"() ({
      %run_scoped3A = tpu.sem_alloc : memref<!tpu.dma_semaphore, #tpu.memory_space<semaphore_mem>>
      %dma_start3A = tpu.memref_slice %arg10[%add3A_208] : memref<1600000xf32, #tpu.memory_space<hbm>> -> memref<2000xf32, #tpu.memory_space<hbm>>
      %dma_start3A_281 = tpu.memref_slice %arg10[%add3A_208] : memref<1600000xf32, #tpu.memory_space<hbm>> -> memref<2000xf32, #tpu.memory_space<hbm>>
      tpu.enqueue_dma source(%arg19 : memref<2000xf32, #tpu.memory_space<vmem>>) target(%dma_start3A_281 : memref<2000xf32, #tpu.memory_space<hbm>>) target_semaphore(%run_scoped3A : memref<!tpu.dma_semaphore, #tpu.memory_space<semaphore_mem>>)
      %dma_wait3A = tpu.memref_slice %arg10[%add3A_208] : memref<1600000xf32, #tpu.memory_space<hbm>> -> memref<2000xf32, #tpu.memory_space<hbm>>
      %dma_wait3A_282 = tpu.memref_slice %arg10[%add3A_208] : memref<1600000xf32, #tpu.memory_space<hbm>> -> memref<2000xf32, #tpu.memory_space<hbm>>
      tpu.wait_dma2 semaphore(%run_scoped3A : memref<!tpu.dma_semaphore, #tpu.memory_space<semaphore_mem>>) src(%arg19 : memref<2000xf32, #tpu.memory_space<vmem>>) dst(%dma_wait3A_282 : memref<2000xf32, #tpu.memory_space<hbm>>)
      tpu.yield
    }) : () -> ()
    %add3A_215 = arith.constant 38000 : i32
    %add3A_216 = arith.addi %mul3A_2, %add3A_215 : i32
    "tpu.region"() ({
      %run_scoped3A = tpu.sem_alloc : memref<!tpu.dma_semaphore, #tpu.memory_space<semaphore_mem>>
      %dma_start3A = tpu.memref_slice %arg2[%add3A_216] : memref<1600000xi32, #tpu.memory_space<hbm>> -> memref<2000xi32, #tpu.memory_space<hbm>>
      %dma_start3A_281 = tpu.memref_slice %arg2[%add3A_216] : memref<1600000xi32, #tpu.memory_space<hbm>> -> memref<2000xi32, #tpu.memory_space<hbm>>
      tpu.enqueue_dma source(%dma_start3A_281 : memref<2000xi32, #tpu.memory_space<hbm>>) target(%arg14 : memref<2000xi32, #tpu.memory_space<vmem>>) target_semaphore(%run_scoped3A : memref<!tpu.dma_semaphore, #tpu.memory_space<semaphore_mem>>)
      %dma_wait3A = tpu.memref_slice %arg2[%add3A_216] : memref<1600000xi32, #tpu.memory_space<hbm>> -> memref<2000xi32, #tpu.memory_space<hbm>>
      %dma_wait3A_282 = tpu.memref_slice %arg2[%add3A_216] : memref<1600000xi32, #tpu.memory_space<hbm>> -> memref<2000xi32, #tpu.memory_space<hbm>>
      tpu.wait_dma2 semaphore(%run_scoped3A : memref<!tpu.dma_semaphore, #tpu.memory_space<semaphore_mem>>) src(%dma_wait3A_282 : memref<2000xi32, #tpu.memory_space<hbm>>) dst(%arg14 : memref<2000xi32, #tpu.memory_space<vmem>>)
      tpu.yield
    }) : () -> ()
    "tpu.region"() ({
      %run_scoped3A = tpu.sem_alloc : memref<!tpu.dma_semaphore, #tpu.memory_space<semaphore_mem>>
      %dma_start3A = tpu.memref_slice %arg3[%add3A_216] : memref<1600000xi32, #tpu.memory_space<hbm>> -> memref<2000xi32, #tpu.memory_space<hbm>>
      %dma_start3A_281 = tpu.memref_slice %arg3[%add3A_216] : memref<1600000xi32, #tpu.memory_space<hbm>> -> memref<2000xi32, #tpu.memory_space<hbm>>
      tpu.enqueue_dma source(%dma_start3A_281 : memref<2000xi32, #tpu.memory_space<hbm>>) target(%arg15 : memref<2000xi32, #tpu.memory_space<vmem>>) target_semaphore(%run_scoped3A : memref<!tpu.dma_semaphore, #tpu.memory_space<semaphore_mem>>)
      %dma_wait3A = tpu.memref_slice %arg3[%add3A_216] : memref<1600000xi32, #tpu.memory_space<hbm>> -> memref<2000xi32, #tpu.memory_space<hbm>>
      %dma_wait3A_282 = tpu.memref_slice %arg3[%add3A_216] : memref<1600000xi32, #tpu.memory_space<hbm>> -> memref<2000xi32, #tpu.memory_space<hbm>>
      tpu.wait_dma2 semaphore(%run_scoped3A : memref<!tpu.dma_semaphore, #tpu.memory_space<semaphore_mem>>) src(%dma_wait3A_282 : memref<2000xi32, #tpu.memory_space<hbm>>) dst(%arg15 : memref<2000xi32, #tpu.memory_space<vmem>>)
      tpu.yield
    }) : () -> ()
    "tpu.region"() ({
      %run_scoped3A = tpu.sem_alloc : memref<!tpu.dma_semaphore, #tpu.memory_space<semaphore_mem>>
      %dma_start3A = tpu.memref_slice %arg4[%add3A_216] : memref<1600000xf32, #tpu.memory_space<hbm>> -> memref<2000xf32, #tpu.memory_space<hbm>>
      %dma_start3A_281 = tpu.memref_slice %arg4[%add3A_216] : memref<1600000xf32, #tpu.memory_space<hbm>> -> memref<2000xf32, #tpu.memory_space<hbm>>
      tpu.enqueue_dma source(%dma_start3A_281 : memref<2000xf32, #tpu.memory_space<hbm>>) target(%arg16 : memref<2000xf32, #tpu.memory_space<vmem>>) target_semaphore(%run_scoped3A : memref<!tpu.dma_semaphore, #tpu.memory_space<semaphore_mem>>)
      %dma_wait3A = tpu.memref_slice %arg4[%add3A_216] : memref<1600000xf32, #tpu.memory_space<hbm>> -> memref<2000xf32, #tpu.memory_space<hbm>>
      %dma_wait3A_282 = tpu.memref_slice %arg4[%add3A_216] : memref<1600000xf32, #tpu.memory_space<hbm>> -> memref<2000xf32, #tpu.memory_space<hbm>>
      tpu.wait_dma2 semaphore(%run_scoped3A : memref<!tpu.dma_semaphore, #tpu.memory_space<semaphore_mem>>) src(%dma_wait3A_282 : memref<2000xf32, #tpu.memory_space<hbm>>) dst(%arg16 : memref<2000xf32, #tpu.memory_space<vmem>>)
      tpu.yield
    }) : () -> ()
    %scan3A_217 = arith.constant 0 : i32
    %scan3A_218 = arith.constant 0 : i32
    %scan3A_219 = arith.constant 125 : i32
    %scan3A_220 = arith.addi %scan3A_218, %scan3A_219 : i32
    %scan3A_221 = arith.constant 1 : i32
    scf.for %scan3A_281 = %scan3A_218 to %scan3A_220 step %scan3A_221  : i32 {
      %mul3A_282 = arith.constant 16 : i32
      %mul3A_283 = arith.muli %scan3A_281, %mul3A_282 : i32
      %get3A_284 = arith.index_cast %mul3A_283 : i32 to index
      %get3A_285 = tpu.vector_load %arg14[%get3A_284] {strides = array<i32>} : memref<2000xi32, #tpu.memory_space<vmem>>, vector<16xi32>,
      %get3A_286 = arith.index_cast %mul3A_283 : i32 to index
      %get3A_287 = tpu.vector_load %arg15[%get3A_286] {strides = array<i32>} : memref<2000xi32, #tpu.memory_space<vmem>>, vector<16xi32>,
      %sub3A_288 = arith.subi %get3A_285, %broadcast_in_dim3A : vector<16xi32>
      %max3A_289 = arith.maxsi %sub3A_288, %broadcast_in_dim3A_22 : vector<16xi32>
      %min3A_290 = arith.minsi %max3A_289, %broadcast_in_dim3A_28 : vector<16xi32>
      %sub3A_291 = arith.subi %get3A_287, %broadcast_in_dim3A : vector<16xi32>
      %max3A_292 = arith.maxsi %sub3A_291, %broadcast_in_dim3A_22 : vector<16xi32>
      %min3A_293 = arith.minsi %max3A_292, %broadcast_in_dim3A_28 : vector<16xi32>
      %gather3A = tpu.vector_load_idx %arg11[%min3A_290] : memref<3136xi32, #tpu.memory_space<vmem>>[vector<16xi32>], vector<16xi32>,
      %gather3A_294 = tpu.vector_load_idx %arg11[%min3A_293] : memref<3136xi32, #tpu.memory_space<vmem>>[vector<16xi32>], vector<16xi32>,
      %get3A_295 = arith.index_cast %mul3A_283 : i32 to index
      %get3A_296 = tpu.vector_load %arg16[%get3A_295] {strides = array<i32>} : memref<2000xf32, #tpu.memory_space<vmem>>, vector<16xf32>,
      %add3A_297 = arith.addi %gather3A, %gather3A_294 : vector<16xi32>
      %gt3A = arith.cmpi sgt, %add3A_297, %broadcast_in_dim3A_22 : vector<16xi32>
      %swap3A = arith.index_cast %mul3A_283 : i32 to index
      %swap3A_298 = tpu.vector_load %arg17[%swap3A] {strides = array<i32>} : memref<2000xi32, #tpu.memory_space<vmem>>, vector<16xi32>,
      tpu.vector_store %arg17[%swap3A], %gather3A {strides = array<i32>} : memref<2000xi32, #tpu.memory_space<vmem>>, vector<16xi32>,
      %swap3A_299 = arith.index_cast %mul3A_283 : i32 to index
      %swap3A_300 = tpu.vector_load %arg18[%swap3A_299] {strides = array<i32>} : memref<2000xi32, #tpu.memory_space<vmem>>, vector<16xi32>,
      tpu.vector_store %arg18[%swap3A_299], %gather3A_294 {strides = array<i32>} : memref<2000xi32, #tpu.memory_space<vmem>>, vector<16xi32>,
      %select_n3A_301 = arith.select %gt3A, %get3A_296, %broadcast_in_dim3A_24 : vector<16xi1>, vector<16xf32>
      %swap3A_302 = arith.index_cast %mul3A_283 : i32 to index
      %swap3A_303 = tpu.vector_load %arg19[%swap3A_302] {strides = array<i32>} : memref<2000xf32, #tpu.memory_space<vmem>>, vector<16xf32>,
      tpu.vector_store %arg19[%swap3A_302], %select_n3A_301 {strides = array<i32>} : memref<2000xf32, #tpu.memory_space<vmem>>, vector<16xf32>,
    }
    %scan3A_222 = arith.constant 125 : i32
    "tpu.region"() ({
      %run_scoped3A = tpu.sem_alloc : memref<!tpu.dma_semaphore, #tpu.memory_space<semaphore_mem>>
      %dma_start3A = tpu.memref_slice %arg7[%add3A_216] : memref<1600000xi32, #tpu.memory_space<hbm>> -> memref<2000xi32, #tpu.memory_space<hbm>>
      %dma_start3A_281 = tpu.memref_slice %arg7[%add3A_216] : memref<1600000xi32, #tpu.memory_space<hbm>> -> memref<2000xi32, #tpu.memory_space<hbm>>
      tpu.enqueue_dma source(%arg17 : memref<2000xi32, #tpu.memory_space<vmem>>) target(%dma_start3A_281 : memref<2000xi32, #tpu.memory_space<hbm>>) target_semaphore(%run_scoped3A : memref<!tpu.dma_semaphore, #tpu.memory_space<semaphore_mem>>)
      %dma_wait3A = tpu.memref_slice %arg7[%add3A_216] : memref<1600000xi32, #tpu.memory_space<hbm>> -> memref<2000xi32, #tpu.memory_space<hbm>>
      %dma_wait3A_282 = tpu.memref_slice %arg7[%add3A_216] : memref<1600000xi32, #tpu.memory_space<hbm>> -> memref<2000xi32, #tpu.memory_space<hbm>>
      tpu.wait_dma2 semaphore(%run_scoped3A : memref<!tpu.dma_semaphore, #tpu.memory_space<semaphore_mem>>) src(%arg17 : memref<2000xi32, #tpu.memory_space<vmem>>) dst(%dma_wait3A_282 : memref<2000xi32, #tpu.memory_space<hbm>>)
      tpu.yield
    }) : () -> ()
    "tpu.region"() ({
      %run_scoped3A = tpu.sem_alloc : memref<!tpu.dma_semaphore, #tpu.memory_space<semaphore_mem>>
      %dma_start3A = tpu.memref_slice %arg8[%add3A_216] : memref<1600000xi32, #tpu.memory_space<hbm>> -> memref<2000xi32, #tpu.memory_space<hbm>>
      %dma_start3A_281 = tpu.memref_slice %arg8[%add3A_216] : memref<1600000xi32, #tpu.memory_space<hbm>> -> memref<2000xi32, #tpu.memory_space<hbm>>
      tpu.enqueue_dma source(%arg18 : memref<2000xi32, #tpu.memory_space<vmem>>) target(%dma_start3A_281 : memref<2000xi32, #tpu.memory_space<hbm>>) target_semaphore(%run_scoped3A : memref<!tpu.dma_semaphore, #tpu.memory_space<semaphore_mem>>)
      %dma_wait3A = tpu.memref_slice %arg8[%add3A_216] : memref<1600000xi32, #tpu.memory_space<hbm>> -> memref<2000xi32, #tpu.memory_space<hbm>>
      %dma_wait3A_282 = tpu.memref_slice %arg8[%add3A_216] : memref<1600000xi32, #tpu.memory_space<hbm>> -> memref<2000xi32, #tpu.memory_space<hbm>>
      tpu.wait_dma2 semaphore(%run_scoped3A : memref<!tpu.dma_semaphore, #tpu.memory_space<semaphore_mem>>) src(%arg18 : memref<2000xi32, #tpu.memory_space<vmem>>) dst(%dma_wait3A_282 : memref<2000xi32, #tpu.memory_space<hbm>>)
      tpu.yield
    }) : () -> ()
    "tpu.region"() ({
      %run_scoped3A = tpu.sem_alloc : memref<!tpu.dma_semaphore, #tpu.memory_space<semaphore_mem>>
      %dma_start3A = tpu.memref_slice %arg10[%add3A_216] : memref<1600000xf32, #tpu.memory_space<hbm>> -> memref<2000xf32, #tpu.memory_space<hbm>>
      %dma_start3A_281 = tpu.memref_slice %arg10[%add3A_216] : memref<1600000xf32, #tpu.memory_space<hbm>> -> memref<2000xf32, #tpu.memory_space<hbm>>
      tpu.enqueue_dma source(%arg19 : memref<2000xf32, #tpu.memory_space<vmem>>) target(%dma_start3A_281 : memref<2000xf32, #tpu.memory_space<hbm>>) target_semaphore(%run_scoped3A : memref<!tpu.dma_semaphore, #tpu.memory_space<semaphore_mem>>)
      %dma_wait3A = tpu.memref_slice %arg10[%add3A_216] : memref<1600000xf32, #tpu.memory_space<hbm>> -> memref<2000xf32, #tpu.memory_space<hbm>>
      %dma_wait3A_282 = tpu.memref_slice %arg10[%add3A_216] : memref<1600000xf32, #tpu.memory_space<hbm>> -> memref<2000xf32, #tpu.memory_space<hbm>>
      tpu.wait_dma2 semaphore(%run_scoped3A : memref<!tpu.dma_semaphore, #tpu.memory_space<semaphore_mem>>) src(%arg19 : memref<2000xf32, #tpu.memory_space<vmem>>) dst(%dma_wait3A_282 : memref<2000xf32, #tpu.memory_space<hbm>>)
      tpu.yield
    }) : () -> ()
    %add3A_223 = arith.constant 40000 : i32
    %add3A_224 = arith.addi %mul3A_2, %add3A_223 : i32
    "tpu.region"() ({
      %run_scoped3A = tpu.sem_alloc : memref<!tpu.dma_semaphore, #tpu.memory_space<semaphore_mem>>
      %dma_start3A = tpu.memref_slice %arg2[%add3A_224] : memref<1600000xi32, #tpu.memory_space<hbm>> -> memref<2000xi32, #tpu.memory_space<hbm>>
      %dma_start3A_281 = tpu.memref_slice %arg2[%add3A_224] : memref<1600000xi32, #tpu.memory_space<hbm>> -> memref<2000xi32, #tpu.memory_space<hbm>>
      tpu.enqueue_dma source(%dma_start3A_281 : memref<2000xi32, #tpu.memory_space<hbm>>) target(%arg14 : memref<2000xi32, #tpu.memory_space<vmem>>) target_semaphore(%run_scoped3A : memref<!tpu.dma_semaphore, #tpu.memory_space<semaphore_mem>>)
      %dma_wait3A = tpu.memref_slice %arg2[%add3A_224] : memref<1600000xi32, #tpu.memory_space<hbm>> -> memref<2000xi32, #tpu.memory_space<hbm>>
      %dma_wait3A_282 = tpu.memref_slice %arg2[%add3A_224] : memref<1600000xi32, #tpu.memory_space<hbm>> -> memref<2000xi32, #tpu.memory_space<hbm>>
      tpu.wait_dma2 semaphore(%run_scoped3A : memref<!tpu.dma_semaphore, #tpu.memory_space<semaphore_mem>>) src(%dma_wait3A_282 : memref<2000xi32, #tpu.memory_space<hbm>>) dst(%arg14 : memref<2000xi32, #tpu.memory_space<vmem>>)
      tpu.yield
    }) : () -> ()
    "tpu.region"() ({
      %run_scoped3A = tpu.sem_alloc : memref<!tpu.dma_semaphore, #tpu.memory_space<semaphore_mem>>
      %dma_start3A = tpu.memref_slice %arg3[%add3A_224] : memref<1600000xi32, #tpu.memory_space<hbm>> -> memref<2000xi32, #tpu.memory_space<hbm>>
      %dma_start3A_281 = tpu.memref_slice %arg3[%add3A_224] : memref<1600000xi32, #tpu.memory_space<hbm>> -> memref<2000xi32, #tpu.memory_space<hbm>>
      tpu.enqueue_dma source(%dma_start3A_281 : memref<2000xi32, #tpu.memory_space<hbm>>) target(%arg15 : memref<2000xi32, #tpu.memory_space<vmem>>) target_semaphore(%run_scoped3A : memref<!tpu.dma_semaphore, #tpu.memory_space<semaphore_mem>>)
      %dma_wait3A = tpu.memref_slice %arg3[%add3A_224] : memref<1600000xi32, #tpu.memory_space<hbm>> -> memref<2000xi32, #tpu.memory_space<hbm>>
      %dma_wait3A_282 = tpu.memref_slice %arg3[%add3A_224] : memref<1600000xi32, #tpu.memory_space<hbm>> -> memref<2000xi32, #tpu.memory_space<hbm>>
      tpu.wait_dma2 semaphore(%run_scoped3A : memref<!tpu.dma_semaphore, #tpu.memory_space<semaphore_mem>>) src(%dma_wait3A_282 : memref<2000xi32, #tpu.memory_space<hbm>>) dst(%arg15 : memref<2000xi32, #tpu.memory_space<vmem>>)
      tpu.yield
    }) : () -> ()
    "tpu.region"() ({
      %run_scoped3A = tpu.sem_alloc : memref<!tpu.dma_semaphore, #tpu.memory_space<semaphore_mem>>
      %dma_start3A = tpu.memref_slice %arg4[%add3A_224] : memref<1600000xf32, #tpu.memory_space<hbm>> -> memref<2000xf32, #tpu.memory_space<hbm>>
      %dma_start3A_281 = tpu.memref_slice %arg4[%add3A_224] : memref<1600000xf32, #tpu.memory_space<hbm>> -> memref<2000xf32, #tpu.memory_space<hbm>>
      tpu.enqueue_dma source(%dma_start3A_281 : memref<2000xf32, #tpu.memory_space<hbm>>) target(%arg16 : memref<2000xf32, #tpu.memory_space<vmem>>) target_semaphore(%run_scoped3A : memref<!tpu.dma_semaphore, #tpu.memory_space<semaphore_mem>>)
      %dma_wait3A = tpu.memref_slice %arg4[%add3A_224] : memref<1600000xf32, #tpu.memory_space<hbm>> -> memref<2000xf32, #tpu.memory_space<hbm>>
      %dma_wait3A_282 = tpu.memref_slice %arg4[%add3A_224] : memref<1600000xf32, #tpu.memory_space<hbm>> -> memref<2000xf32, #tpu.memory_space<hbm>>
      tpu.wait_dma2 semaphore(%run_scoped3A : memref<!tpu.dma_semaphore, #tpu.memory_space<semaphore_mem>>) src(%dma_wait3A_282 : memref<2000xf32, #tpu.memory_space<hbm>>) dst(%arg16 : memref<2000xf32, #tpu.memory_space<vmem>>)
      tpu.yield
    }) : () -> ()
    %scan3A_225 = arith.constant 0 : i32
    %scan3A_226 = arith.constant 0 : i32
    %scan3A_227 = arith.constant 125 : i32
    %scan3A_228 = arith.addi %scan3A_226, %scan3A_227 : i32
    %scan3A_229 = arith.constant 1 : i32
    scf.for %scan3A_281 = %scan3A_226 to %scan3A_228 step %scan3A_229  : i32 {
      %mul3A_282 = arith.constant 16 : i32
      %mul3A_283 = arith.muli %scan3A_281, %mul3A_282 : i32
      %get3A_284 = arith.index_cast %mul3A_283 : i32 to index
      %get3A_285 = tpu.vector_load %arg14[%get3A_284] {strides = array<i32>} : memref<2000xi32, #tpu.memory_space<vmem>>, vector<16xi32>,
      %get3A_286 = arith.index_cast %mul3A_283 : i32 to index
      %get3A_287 = tpu.vector_load %arg15[%get3A_286] {strides = array<i32>} : memref<2000xi32, #tpu.memory_space<vmem>>, vector<16xi32>,
      %sub3A_288 = arith.subi %get3A_285, %broadcast_in_dim3A : vector<16xi32>
      %max3A_289 = arith.maxsi %sub3A_288, %broadcast_in_dim3A_22 : vector<16xi32>
      %min3A_290 = arith.minsi %max3A_289, %broadcast_in_dim3A_28 : vector<16xi32>
      %sub3A_291 = arith.subi %get3A_287, %broadcast_in_dim3A : vector<16xi32>
      %max3A_292 = arith.maxsi %sub3A_291, %broadcast_in_dim3A_22 : vector<16xi32>
      %min3A_293 = arith.minsi %max3A_292, %broadcast_in_dim3A_28 : vector<16xi32>
      %gather3A = tpu.vector_load_idx %arg11[%min3A_290] : memref<3136xi32, #tpu.memory_space<vmem>>[vector<16xi32>], vector<16xi32>,
      %gather3A_294 = tpu.vector_load_idx %arg11[%min3A_293] : memref<3136xi32, #tpu.memory_space<vmem>>[vector<16xi32>], vector<16xi32>,
      %get3A_295 = arith.index_cast %mul3A_283 : i32 to index
      %get3A_296 = tpu.vector_load %arg16[%get3A_295] {strides = array<i32>} : memref<2000xf32, #tpu.memory_space<vmem>>, vector<16xf32>,
      %add3A_297 = arith.addi %gather3A, %gather3A_294 : vector<16xi32>
      %gt3A = arith.cmpi sgt, %add3A_297, %broadcast_in_dim3A_22 : vector<16xi32>
      %swap3A = arith.index_cast %mul3A_283 : i32 to index
      %swap3A_298 = tpu.vector_load %arg17[%swap3A] {strides = array<i32>} : memref<2000xi32, #tpu.memory_space<vmem>>, vector<16xi32>,
      tpu.vector_store %arg17[%swap3A], %gather3A {strides = array<i32>} : memref<2000xi32, #tpu.memory_space<vmem>>, vector<16xi32>,
      %swap3A_299 = arith.index_cast %mul3A_283 : i32 to index
      %swap3A_300 = tpu.vector_load %arg18[%swap3A_299] {strides = array<i32>} : memref<2000xi32, #tpu.memory_space<vmem>>, vector<16xi32>,
      tpu.vector_store %arg18[%swap3A_299], %gather3A_294 {strides = array<i32>} : memref<2000xi32, #tpu.memory_space<vmem>>, vector<16xi32>,
      %select_n3A_301 = arith.select %gt3A, %get3A_296, %broadcast_in_dim3A_24 : vector<16xi1>, vector<16xf32>
      %swap3A_302 = arith.index_cast %mul3A_283 : i32 to index
      %swap3A_303 = tpu.vector_load %arg19[%swap3A_302] {strides = array<i32>} : memref<2000xf32, #tpu.memory_space<vmem>>, vector<16xf32>,
      tpu.vector_store %arg19[%swap3A_302], %select_n3A_301 {strides = array<i32>} : memref<2000xf32, #tpu.memory_space<vmem>>, vector<16xf32>,
    }
    %scan3A_230 = arith.constant 125 : i32
    "tpu.region"() ({
      %run_scoped3A = tpu.sem_alloc : memref<!tpu.dma_semaphore, #tpu.memory_space<semaphore_mem>>
      %dma_start3A = tpu.memref_slice %arg7[%add3A_224] : memref<1600000xi32, #tpu.memory_space<hbm>> -> memref<2000xi32, #tpu.memory_space<hbm>>
      %dma_start3A_281 = tpu.memref_slice %arg7[%add3A_224] : memref<1600000xi32, #tpu.memory_space<hbm>> -> memref<2000xi32, #tpu.memory_space<hbm>>
      tpu.enqueue_dma source(%arg17 : memref<2000xi32, #tpu.memory_space<vmem>>) target(%dma_start3A_281 : memref<2000xi32, #tpu.memory_space<hbm>>) target_semaphore(%run_scoped3A : memref<!tpu.dma_semaphore, #tpu.memory_space<semaphore_mem>>)
      %dma_wait3A = tpu.memref_slice %arg7[%add3A_224] : memref<1600000xi32, #tpu.memory_space<hbm>> -> memref<2000xi32, #tpu.memory_space<hbm>>
      %dma_wait3A_282 = tpu.memref_slice %arg7[%add3A_224] : memref<1600000xi32, #tpu.memory_space<hbm>> -> memref<2000xi32, #tpu.memory_space<hbm>>
      tpu.wait_dma2 semaphore(%run_scoped3A : memref<!tpu.dma_semaphore, #tpu.memory_space<semaphore_mem>>) src(%arg17 : memref<2000xi32, #tpu.memory_space<vmem>>) dst(%dma_wait3A_282 : memref<2000xi32, #tpu.memory_space<hbm>>)
      tpu.yield
    }) : () -> ()
    "tpu.region"() ({
      %run_scoped3A = tpu.sem_alloc : memref<!tpu.dma_semaphore, #tpu.memory_space<semaphore_mem>>
      %dma_start3A = tpu.memref_slice %arg8[%add3A_224] : memref<1600000xi32, #tpu.memory_space<hbm>> -> memref<2000xi32, #tpu.memory_space<hbm>>
      %dma_start3A_281 = tpu.memref_slice %arg8[%add3A_224] : memref<1600000xi32, #tpu.memory_space<hbm>> -> memref<2000xi32, #tpu.memory_space<hbm>>
      tpu.enqueue_dma source(%arg18 : memref<2000xi32, #tpu.memory_space<vmem>>) target(%dma_start3A_281 : memref<2000xi32, #tpu.memory_space<hbm>>) target_semaphore(%run_scoped3A : memref<!tpu.dma_semaphore, #tpu.memory_space<semaphore_mem>>)
      %dma_wait3A = tpu.memref_slice %arg8[%add3A_224] : memref<1600000xi32, #tpu.memory_space<hbm>> -> memref<2000xi32, #tpu.memory_space<hbm>>
      %dma_wait3A_282 = tpu.memref_slice %arg8[%add3A_224] : memref<1600000xi32, #tpu.memory_space<hbm>> -> memref<2000xi32, #tpu.memory_space<hbm>>
      tpu.wait_dma2 semaphore(%run_scoped3A : memref<!tpu.dma_semaphore, #tpu.memory_space<semaphore_mem>>) src(%arg18 : memref<2000xi32, #tpu.memory_space<vmem>>) dst(%dma_wait3A_282 : memref<2000xi32, #tpu.memory_space<hbm>>)
      tpu.yield
    }) : () -> ()
    "tpu.region"() ({
      %run_scoped3A = tpu.sem_alloc : memref<!tpu.dma_semaphore, #tpu.memory_space<semaphore_mem>>
      %dma_start3A = tpu.memref_slice %arg10[%add3A_224] : memref<1600000xf32, #tpu.memory_space<hbm>> -> memref<2000xf32, #tpu.memory_space<hbm>>
      %dma_start3A_281 = tpu.memref_slice %arg10[%add3A_224] : memref<1600000xf32, #tpu.memory_space<hbm>> -> memref<2000xf32, #tpu.memory_space<hbm>>
      tpu.enqueue_dma source(%arg19 : memref<2000xf32, #tpu.memory_space<vmem>>) target(%dma_start3A_281 : memref<2000xf32, #tpu.memory_space<hbm>>) target_semaphore(%run_scoped3A : memref<!tpu.dma_semaphore, #tpu.memory_space<semaphore_mem>>)
      %dma_wait3A = tpu.memref_slice %arg10[%add3A_224] : memref<1600000xf32, #tpu.memory_space<hbm>> -> memref<2000xf32, #tpu.memory_space<hbm>>
      %dma_wait3A_282 = tpu.memref_slice %arg10[%add3A_224] : memref<1600000xf32, #tpu.memory_space<hbm>> -> memref<2000xf32, #tpu.memory_space<hbm>>
      tpu.wait_dma2 semaphore(%run_scoped3A : memref<!tpu.dma_semaphore, #tpu.memory_space<semaphore_mem>>) src(%arg19 : memref<2000xf32, #tpu.memory_space<vmem>>) dst(%dma_wait3A_282 : memref<2000xf32, #tpu.memory_space<hbm>>)
      tpu.yield
    }) : () -> ()
    %add3A_231 = arith.constant 42000 : i32
    %add3A_232 = arith.addi %mul3A_2, %add3A_231 : i32
    "tpu.region"() ({
      %run_scoped3A = tpu.sem_alloc : memref<!tpu.dma_semaphore, #tpu.memory_space<semaphore_mem>>
      %dma_start3A = tpu.memref_slice %arg2[%add3A_232] : memref<1600000xi32, #tpu.memory_space<hbm>> -> memref<2000xi32, #tpu.memory_space<hbm>>
      %dma_start3A_281 = tpu.memref_slice %arg2[%add3A_232] : memref<1600000xi32, #tpu.memory_space<hbm>> -> memref<2000xi32, #tpu.memory_space<hbm>>
      tpu.enqueue_dma source(%dma_start3A_281 : memref<2000xi32, #tpu.memory_space<hbm>>) target(%arg14 : memref<2000xi32, #tpu.memory_space<vmem>>) target_semaphore(%run_scoped3A : memref<!tpu.dma_semaphore, #tpu.memory_space<semaphore_mem>>)
      %dma_wait3A = tpu.memref_slice %arg2[%add3A_232] : memref<1600000xi32, #tpu.memory_space<hbm>> -> memref<2000xi32, #tpu.memory_space<hbm>>
      %dma_wait3A_282 = tpu.memref_slice %arg2[%add3A_232] : memref<1600000xi32, #tpu.memory_space<hbm>> -> memref<2000xi32, #tpu.memory_space<hbm>>
      tpu.wait_dma2 semaphore(%run_scoped3A : memref<!tpu.dma_semaphore, #tpu.memory_space<semaphore_mem>>) src(%dma_wait3A_282 : memref<2000xi32, #tpu.memory_space<hbm>>) dst(%arg14 : memref<2000xi32, #tpu.memory_space<vmem>>)
      tpu.yield
    }) : () -> ()
    "tpu.region"() ({
      %run_scoped3A = tpu.sem_alloc : memref<!tpu.dma_semaphore, #tpu.memory_space<semaphore_mem>>
      %dma_start3A = tpu.memref_slice %arg3[%add3A_232] : memref<1600000xi32, #tpu.memory_space<hbm>> -> memref<2000xi32, #tpu.memory_space<hbm>>
      %dma_start3A_281 = tpu.memref_slice %arg3[%add3A_232] : memref<1600000xi32, #tpu.memory_space<hbm>> -> memref<2000xi32, #tpu.memory_space<hbm>>
      tpu.enqueue_dma source(%dma_start3A_281 : memref<2000xi32, #tpu.memory_space<hbm>>) target(%arg15 : memref<2000xi32, #tpu.memory_space<vmem>>) target_semaphore(%run_scoped3A : memref<!tpu.dma_semaphore, #tpu.memory_space<semaphore_mem>>)
      %dma_wait3A = tpu.memref_slice %arg3[%add3A_232] : memref<1600000xi32, #tpu.memory_space<hbm>> -> memref<2000xi32, #tpu.memory_space<hbm>>
      %dma_wait3A_282 = tpu.memref_slice %arg3[%add3A_232] : memref<1600000xi32, #tpu.memory_space<hbm>> -> memref<2000xi32, #tpu.memory_space<hbm>>
      tpu.wait_dma2 semaphore(%run_scoped3A : memref<!tpu.dma_semaphore, #tpu.memory_space<semaphore_mem>>) src(%dma_wait3A_282 : memref<2000xi32, #tpu.memory_space<hbm>>) dst(%arg15 : memref<2000xi32, #tpu.memory_space<vmem>>)
      tpu.yield
    }) : () -> ()
    "tpu.region"() ({
      %run_scoped3A = tpu.sem_alloc : memref<!tpu.dma_semaphore, #tpu.memory_space<semaphore_mem>>
      %dma_start3A = tpu.memref_slice %arg4[%add3A_232] : memref<1600000xf32, #tpu.memory_space<hbm>> -> memref<2000xf32, #tpu.memory_space<hbm>>
      %dma_start3A_281 = tpu.memref_slice %arg4[%add3A_232] : memref<1600000xf32, #tpu.memory_space<hbm>> -> memref<2000xf32, #tpu.memory_space<hbm>>
      tpu.enqueue_dma source(%dma_start3A_281 : memref<2000xf32, #tpu.memory_space<hbm>>) target(%arg16 : memref<2000xf32, #tpu.memory_space<vmem>>) target_semaphore(%run_scoped3A : memref<!tpu.dma_semaphore, #tpu.memory_space<semaphore_mem>>)
      %dma_wait3A = tpu.memref_slice %arg4[%add3A_232] : memref<1600000xf32, #tpu.memory_space<hbm>> -> memref<2000xf32, #tpu.memory_space<hbm>>
      %dma_wait3A_282 = tpu.memref_slice %arg4[%add3A_232] : memref<1600000xf32, #tpu.memory_space<hbm>> -> memref<2000xf32, #tpu.memory_space<hbm>>
      tpu.wait_dma2 semaphore(%run_scoped3A : memref<!tpu.dma_semaphore, #tpu.memory_space<semaphore_mem>>) src(%dma_wait3A_282 : memref<2000xf32, #tpu.memory_space<hbm>>) dst(%arg16 : memref<2000xf32, #tpu.memory_space<vmem>>)
      tpu.yield
    }) : () -> ()
    %scan3A_233 = arith.constant 0 : i32
    %scan3A_234 = arith.constant 0 : i32
    %scan3A_235 = arith.constant 125 : i32
    %scan3A_236 = arith.addi %scan3A_234, %scan3A_235 : i32
    %scan3A_237 = arith.constant 1 : i32
    scf.for %scan3A_281 = %scan3A_234 to %scan3A_236 step %scan3A_237  : i32 {
      %mul3A_282 = arith.constant 16 : i32
      %mul3A_283 = arith.muli %scan3A_281, %mul3A_282 : i32
      %get3A_284 = arith.index_cast %mul3A_283 : i32 to index
      %get3A_285 = tpu.vector_load %arg14[%get3A_284] {strides = array<i32>} : memref<2000xi32, #tpu.memory_space<vmem>>, vector<16xi32>,
      %get3A_286 = arith.index_cast %mul3A_283 : i32 to index
      %get3A_287 = tpu.vector_load %arg15[%get3A_286] {strides = array<i32>} : memref<2000xi32, #tpu.memory_space<vmem>>, vector<16xi32>,
      %sub3A_288 = arith.subi %get3A_285, %broadcast_in_dim3A : vector<16xi32>
      %max3A_289 = arith.maxsi %sub3A_288, %broadcast_in_dim3A_22 : vector<16xi32>
      %min3A_290 = arith.minsi %max3A_289, %broadcast_in_dim3A_28 : vector<16xi32>
      %sub3A_291 = arith.subi %get3A_287, %broadcast_in_dim3A : vector<16xi32>
      %max3A_292 = arith.maxsi %sub3A_291, %broadcast_in_dim3A_22 : vector<16xi32>
      %min3A_293 = arith.minsi %max3A_292, %broadcast_in_dim3A_28 : vector<16xi32>
      %gather3A = tpu.vector_load_idx %arg11[%min3A_290] : memref<3136xi32, #tpu.memory_space<vmem>>[vector<16xi32>], vector<16xi32>,
      %gather3A_294 = tpu.vector_load_idx %arg11[%min3A_293] : memref<3136xi32, #tpu.memory_space<vmem>>[vector<16xi32>], vector<16xi32>,
      %get3A_295 = arith.index_cast %mul3A_283 : i32 to index
      %get3A_296 = tpu.vector_load %arg16[%get3A_295] {strides = array<i32>} : memref<2000xf32, #tpu.memory_space<vmem>>, vector<16xf32>,
      %add3A_297 = arith.addi %gather3A, %gather3A_294 : vector<16xi32>
      %gt3A = arith.cmpi sgt, %add3A_297, %broadcast_in_dim3A_22 : vector<16xi32>
      %swap3A = arith.index_cast %mul3A_283 : i32 to index
      %swap3A_298 = tpu.vector_load %arg17[%swap3A] {strides = array<i32>} : memref<2000xi32, #tpu.memory_space<vmem>>, vector<16xi32>,
      tpu.vector_store %arg17[%swap3A], %gather3A {strides = array<i32>} : memref<2000xi32, #tpu.memory_space<vmem>>, vector<16xi32>,
      %swap3A_299 = arith.index_cast %mul3A_283 : i32 to index
      %swap3A_300 = tpu.vector_load %arg18[%swap3A_299] {strides = array<i32>} : memref<2000xi32, #tpu.memory_space<vmem>>, vector<16xi32>,
      tpu.vector_store %arg18[%swap3A_299], %gather3A_294 {strides = array<i32>} : memref<2000xi32, #tpu.memory_space<vmem>>, vector<16xi32>,
      %select_n3A_301 = arith.select %gt3A, %get3A_296, %broadcast_in_dim3A_24 : vector<16xi1>, vector<16xf32>
      %swap3A_302 = arith.index_cast %mul3A_283 : i32 to index
      %swap3A_303 = tpu.vector_load %arg19[%swap3A_302] {strides = array<i32>} : memref<2000xf32, #tpu.memory_space<vmem>>, vector<16xf32>,
      tpu.vector_store %arg19[%swap3A_302], %select_n3A_301 {strides = array<i32>} : memref<2000xf32, #tpu.memory_space<vmem>>, vector<16xf32>,
    }
    %scan3A_238 = arith.constant 125 : i32
    "tpu.region"() ({
      %run_scoped3A = tpu.sem_alloc : memref<!tpu.dma_semaphore, #tpu.memory_space<semaphore_mem>>
      %dma_start3A = tpu.memref_slice %arg7[%add3A_232] : memref<1600000xi32, #tpu.memory_space<hbm>> -> memref<2000xi32, #tpu.memory_space<hbm>>
      %dma_start3A_281 = tpu.memref_slice %arg7[%add3A_232] : memref<1600000xi32, #tpu.memory_space<hbm>> -> memref<2000xi32, #tpu.memory_space<hbm>>
      tpu.enqueue_dma source(%arg17 : memref<2000xi32, #tpu.memory_space<vmem>>) target(%dma_start3A_281 : memref<2000xi32, #tpu.memory_space<hbm>>) target_semaphore(%run_scoped3A : memref<!tpu.dma_semaphore, #tpu.memory_space<semaphore_mem>>)
      %dma_wait3A = tpu.memref_slice %arg7[%add3A_232] : memref<1600000xi32, #tpu.memory_space<hbm>> -> memref<2000xi32, #tpu.memory_space<hbm>>
      %dma_wait3A_282 = tpu.memref_slice %arg7[%add3A_232] : memref<1600000xi32, #tpu.memory_space<hbm>> -> memref<2000xi32, #tpu.memory_space<hbm>>
      tpu.wait_dma2 semaphore(%run_scoped3A : memref<!tpu.dma_semaphore, #tpu.memory_space<semaphore_mem>>) src(%arg17 : memref<2000xi32, #tpu.memory_space<vmem>>) dst(%dma_wait3A_282 : memref<2000xi32, #tpu.memory_space<hbm>>)
      tpu.yield
    }) : () -> ()
    "tpu.region"() ({
      %run_scoped3A = tpu.sem_alloc : memref<!tpu.dma_semaphore, #tpu.memory_space<semaphore_mem>>
      %dma_start3A = tpu.memref_slice %arg8[%add3A_232] : memref<1600000xi32, #tpu.memory_space<hbm>> -> memref<2000xi32, #tpu.memory_space<hbm>>
      %dma_start3A_281 = tpu.memref_slice %arg8[%add3A_232] : memref<1600000xi32, #tpu.memory_space<hbm>> -> memref<2000xi32, #tpu.memory_space<hbm>>
      tpu.enqueue_dma source(%arg18 : memref<2000xi32, #tpu.memory_space<vmem>>) target(%dma_start3A_281 : memref<2000xi32, #tpu.memory_space<hbm>>) target_semaphore(%run_scoped3A : memref<!tpu.dma_semaphore, #tpu.memory_space<semaphore_mem>>)
      %dma_wait3A = tpu.memref_slice %arg8[%add3A_232] : memref<1600000xi32, #tpu.memory_space<hbm>> -> memref<2000xi32, #tpu.memory_space<hbm>>
      %dma_wait3A_282 = tpu.memref_slice %arg8[%add3A_232] : memref<1600000xi32, #tpu.memory_space<hbm>> -> memref<2000xi32, #tpu.memory_space<hbm>>
      tpu.wait_dma2 semaphore(%run_scoped3A : memref<!tpu.dma_semaphore, #tpu.memory_space<semaphore_mem>>) src(%arg18 : memref<2000xi32, #tpu.memory_space<vmem>>) dst(%dma_wait3A_282 : memref<2000xi32, #tpu.memory_space<hbm>>)
      tpu.yield
    }) : () -> ()
    "tpu.region"() ({
      %run_scoped3A = tpu.sem_alloc : memref<!tpu.dma_semaphore, #tpu.memory_space<semaphore_mem>>
      %dma_start3A = tpu.memref_slice %arg10[%add3A_232] : memref<1600000xf32, #tpu.memory_space<hbm>> -> memref<2000xf32, #tpu.memory_space<hbm>>
      %dma_start3A_281 = tpu.memref_slice %arg10[%add3A_232] : memref<1600000xf32, #tpu.memory_space<hbm>> -> memref<2000xf32, #tpu.memory_space<hbm>>
      tpu.enqueue_dma source(%arg19 : memref<2000xf32, #tpu.memory_space<vmem>>) target(%dma_start3A_281 : memref<2000xf32, #tpu.memory_space<hbm>>) target_semaphore(%run_scoped3A : memref<!tpu.dma_semaphore, #tpu.memory_space<semaphore_mem>>)
      %dma_wait3A = tpu.memref_slice %arg10[%add3A_232] : memref<1600000xf32, #tpu.memory_space<hbm>> -> memref<2000xf32, #tpu.memory_space<hbm>>
      %dma_wait3A_282 = tpu.memref_slice %arg10[%add3A_232] : memref<1600000xf32, #tpu.memory_space<hbm>> -> memref<2000xf32, #tpu.memory_space<hbm>>
      tpu.wait_dma2 semaphore(%run_scoped3A : memref<!tpu.dma_semaphore, #tpu.memory_space<semaphore_mem>>) src(%arg19 : memref<2000xf32, #tpu.memory_space<vmem>>) dst(%dma_wait3A_282 : memref<2000xf32, #tpu.memory_space<hbm>>)
      tpu.yield
    }) : () -> ()
    %add3A_239 = arith.constant 44000 : i32
    %add3A_240 = arith.addi %mul3A_2, %add3A_239 : i32
    "tpu.region"() ({
      %run_scoped3A = tpu.sem_alloc : memref<!tpu.dma_semaphore, #tpu.memory_space<semaphore_mem>>
      %dma_start3A = tpu.memref_slice %arg2[%add3A_240] : memref<1600000xi32, #tpu.memory_space<hbm>> -> memref<2000xi32, #tpu.memory_space<hbm>>
      %dma_start3A_281 = tpu.memref_slice %arg2[%add3A_240] : memref<1600000xi32, #tpu.memory_space<hbm>> -> memref<2000xi32, #tpu.memory_space<hbm>>
      tpu.enqueue_dma source(%dma_start3A_281 : memref<2000xi32, #tpu.memory_space<hbm>>) target(%arg14 : memref<2000xi32, #tpu.memory_space<vmem>>) target_semaphore(%run_scoped3A : memref<!tpu.dma_semaphore, #tpu.memory_space<semaphore_mem>>)
      %dma_wait3A = tpu.memref_slice %arg2[%add3A_240] : memref<1600000xi32, #tpu.memory_space<hbm>> -> memref<2000xi32, #tpu.memory_space<hbm>>
      %dma_wait3A_282 = tpu.memref_slice %arg2[%add3A_240] : memref<1600000xi32, #tpu.memory_space<hbm>> -> memref<2000xi32, #tpu.memory_space<hbm>>
      tpu.wait_dma2 semaphore(%run_scoped3A : memref<!tpu.dma_semaphore, #tpu.memory_space<semaphore_mem>>) src(%dma_wait3A_282 : memref<2000xi32, #tpu.memory_space<hbm>>) dst(%arg14 : memref<2000xi32, #tpu.memory_space<vmem>>)
      tpu.yield
    }) : () -> ()
    "tpu.region"() ({
      %run_scoped3A = tpu.sem_alloc : memref<!tpu.dma_semaphore, #tpu.memory_space<semaphore_mem>>
      %dma_start3A = tpu.memref_slice %arg3[%add3A_240] : memref<1600000xi32, #tpu.memory_space<hbm>> -> memref<2000xi32, #tpu.memory_space<hbm>>
      %dma_start3A_281 = tpu.memref_slice %arg3[%add3A_240] : memref<1600000xi32, #tpu.memory_space<hbm>> -> memref<2000xi32, #tpu.memory_space<hbm>>
      tpu.enqueue_dma source(%dma_start3A_281 : memref<2000xi32, #tpu.memory_space<hbm>>) target(%arg15 : memref<2000xi32, #tpu.memory_space<vmem>>) target_semaphore(%run_scoped3A : memref<!tpu.dma_semaphore, #tpu.memory_space<semaphore_mem>>)
      %dma_wait3A = tpu.memref_slice %arg3[%add3A_240] : memref<1600000xi32, #tpu.memory_space<hbm>> -> memref<2000xi32, #tpu.memory_space<hbm>>
      %dma_wait3A_282 = tpu.memref_slice %arg3[%add3A_240] : memref<1600000xi32, #tpu.memory_space<hbm>> -> memref<2000xi32, #tpu.memory_space<hbm>>
      tpu.wait_dma2 semaphore(%run_scoped3A : memref<!tpu.dma_semaphore, #tpu.memory_space<semaphore_mem>>) src(%dma_wait3A_282 : memref<2000xi32, #tpu.memory_space<hbm>>) dst(%arg15 : memref<2000xi32, #tpu.memory_space<vmem>>)
      tpu.yield
    }) : () -> ()
    "tpu.region"() ({
      %run_scoped3A = tpu.sem_alloc : memref<!tpu.dma_semaphore, #tpu.memory_space<semaphore_mem>>
      %dma_start3A = tpu.memref_slice %arg4[%add3A_240] : memref<1600000xf32, #tpu.memory_space<hbm>> -> memref<2000xf32, #tpu.memory_space<hbm>>
      %dma_start3A_281 = tpu.memref_slice %arg4[%add3A_240] : memref<1600000xf32, #tpu.memory_space<hbm>> -> memref<2000xf32, #tpu.memory_space<hbm>>
      tpu.enqueue_dma source(%dma_start3A_281 : memref<2000xf32, #tpu.memory_space<hbm>>) target(%arg16 : memref<2000xf32, #tpu.memory_space<vmem>>) target_semaphore(%run_scoped3A : memref<!tpu.dma_semaphore, #tpu.memory_space<semaphore_mem>>)
      %dma_wait3A = tpu.memref_slice %arg4[%add3A_240] : memref<1600000xf32, #tpu.memory_space<hbm>> -> memref<2000xf32, #tpu.memory_space<hbm>>
      %dma_wait3A_282 = tpu.memref_slice %arg4[%add3A_240] : memref<1600000xf32, #tpu.memory_space<hbm>> -> memref<2000xf32, #tpu.memory_space<hbm>>
      tpu.wait_dma2 semaphore(%run_scoped3A : memref<!tpu.dma_semaphore, #tpu.memory_space<semaphore_mem>>) src(%dma_wait3A_282 : memref<2000xf32, #tpu.memory_space<hbm>>) dst(%arg16 : memref<2000xf32, #tpu.memory_space<vmem>>)
      tpu.yield
    }) : () -> ()
    %scan3A_241 = arith.constant 0 : i32
    %scan3A_242 = arith.constant 0 : i32
    %scan3A_243 = arith.constant 125 : i32
    %scan3A_244 = arith.addi %scan3A_242, %scan3A_243 : i32
    %scan3A_245 = arith.constant 1 : i32
    scf.for %scan3A_281 = %scan3A_242 to %scan3A_244 step %scan3A_245  : i32 {
      %mul3A_282 = arith.constant 16 : i32
      %mul3A_283 = arith.muli %scan3A_281, %mul3A_282 : i32
      %get3A_284 = arith.index_cast %mul3A_283 : i32 to index
      %get3A_285 = tpu.vector_load %arg14[%get3A_284] {strides = array<i32>} : memref<2000xi32, #tpu.memory_space<vmem>>, vector<16xi32>,
      %get3A_286 = arith.index_cast %mul3A_283 : i32 to index
      %get3A_287 = tpu.vector_load %arg15[%get3A_286] {strides = array<i32>} : memref<2000xi32, #tpu.memory_space<vmem>>, vector<16xi32>,
      %sub3A_288 = arith.subi %get3A_285, %broadcast_in_dim3A : vector<16xi32>
      %max3A_289 = arith.maxsi %sub3A_288, %broadcast_in_dim3A_22 : vector<16xi32>
      %min3A_290 = arith.minsi %max3A_289, %broadcast_in_dim3A_28 : vector<16xi32>
      %sub3A_291 = arith.subi %get3A_287, %broadcast_in_dim3A : vector<16xi32>
      %max3A_292 = arith.maxsi %sub3A_291, %broadcast_in_dim3A_22 : vector<16xi32>
      %min3A_293 = arith.minsi %max3A_292, %broadcast_in_dim3A_28 : vector<16xi32>
      %gather3A = tpu.vector_load_idx %arg11[%min3A_290] : memref<3136xi32, #tpu.memory_space<vmem>>[vector<16xi32>], vector<16xi32>,
      %gather3A_294 = tpu.vector_load_idx %arg11[%min3A_293] : memref<3136xi32, #tpu.memory_space<vmem>>[vector<16xi32>], vector<16xi32>,
      %get3A_295 = arith.index_cast %mul3A_283 : i32 to index
      %get3A_296 = tpu.vector_load %arg16[%get3A_295] {strides = array<i32>} : memref<2000xf32, #tpu.memory_space<vmem>>, vector<16xf32>,
      %add3A_297 = arith.addi %gather3A, %gather3A_294 : vector<16xi32>
      %gt3A = arith.cmpi sgt, %add3A_297, %broadcast_in_dim3A_22 : vector<16xi32>
      %swap3A = arith.index_cast %mul3A_283 : i32 to index
      %swap3A_298 = tpu.vector_load %arg17[%swap3A] {strides = array<i32>} : memref<2000xi32, #tpu.memory_space<vmem>>, vector<16xi32>,
      tpu.vector_store %arg17[%swap3A], %gather3A {strides = array<i32>} : memref<2000xi32, #tpu.memory_space<vmem>>, vector<16xi32>,
      %swap3A_299 = arith.index_cast %mul3A_283 : i32 to index
      %swap3A_300 = tpu.vector_load %arg18[%swap3A_299] {strides = array<i32>} : memref<2000xi32, #tpu.memory_space<vmem>>, vector<16xi32>,
      tpu.vector_store %arg18[%swap3A_299], %gather3A_294 {strides = array<i32>} : memref<2000xi32, #tpu.memory_space<vmem>>, vector<16xi32>,
      %select_n3A_301 = arith.select %gt3A, %get3A_296, %broadcast_in_dim3A_24 : vector<16xi1>, vector<16xf32>
      %swap3A_302 = arith.index_cast %mul3A_283 : i32 to index
      %swap3A_303 = tpu.vector_load %arg19[%swap3A_302] {strides = array<i32>} : memref<2000xf32, #tpu.memory_space<vmem>>, vector<16xf32>,
      tpu.vector_store %arg19[%swap3A_302], %select_n3A_301 {strides = array<i32>} : memref<2000xf32, #tpu.memory_space<vmem>>, vector<16xf32>,
    }
    %scan3A_246 = arith.constant 125 : i32
    "tpu.region"() ({
      %run_scoped3A = tpu.sem_alloc : memref<!tpu.dma_semaphore, #tpu.memory_space<semaphore_mem>>
      %dma_start3A = tpu.memref_slice %arg7[%add3A_240] : memref<1600000xi32, #tpu.memory_space<hbm>> -> memref<2000xi32, #tpu.memory_space<hbm>>
      %dma_start3A_281 = tpu.memref_slice %arg7[%add3A_240] : memref<1600000xi32, #tpu.memory_space<hbm>> -> memref<2000xi32, #tpu.memory_space<hbm>>
      tpu.enqueue_dma source(%arg17 : memref<2000xi32, #tpu.memory_space<vmem>>) target(%dma_start3A_281 : memref<2000xi32, #tpu.memory_space<hbm>>) target_semaphore(%run_scoped3A : memref<!tpu.dma_semaphore, #tpu.memory_space<semaphore_mem>>)
      %dma_wait3A = tpu.memref_slice %arg7[%add3A_240] : memref<1600000xi32, #tpu.memory_space<hbm>> -> memref<2000xi32, #tpu.memory_space<hbm>>
      %dma_wait3A_282 = tpu.memref_slice %arg7[%add3A_240] : memref<1600000xi32, #tpu.memory_space<hbm>> -> memref<2000xi32, #tpu.memory_space<hbm>>
      tpu.wait_dma2 semaphore(%run_scoped3A : memref<!tpu.dma_semaphore, #tpu.memory_space<semaphore_mem>>) src(%arg17 : memref<2000xi32, #tpu.memory_space<vmem>>) dst(%dma_wait3A_282 : memref<2000xi32, #tpu.memory_space<hbm>>)
      tpu.yield
    }) : () -> ()
    "tpu.region"() ({
      %run_scoped3A = tpu.sem_alloc : memref<!tpu.dma_semaphore, #tpu.memory_space<semaphore_mem>>
      %dma_start3A = tpu.memref_slice %arg8[%add3A_240] : memref<1600000xi32, #tpu.memory_space<hbm>> -> memref<2000xi32, #tpu.memory_space<hbm>>
      %dma_start3A_281 = tpu.memref_slice %arg8[%add3A_240] : memref<1600000xi32, #tpu.memory_space<hbm>> -> memref<2000xi32, #tpu.memory_space<hbm>>
      tpu.enqueue_dma source(%arg18 : memref<2000xi32, #tpu.memory_space<vmem>>) target(%dma_start3A_281 : memref<2000xi32, #tpu.memory_space<hbm>>) target_semaphore(%run_scoped3A : memref<!tpu.dma_semaphore, #tpu.memory_space<semaphore_mem>>)
      %dma_wait3A = tpu.memref_slice %arg8[%add3A_240] : memref<1600000xi32, #tpu.memory_space<hbm>> -> memref<2000xi32, #tpu.memory_space<hbm>>
      %dma_wait3A_282 = tpu.memref_slice %arg8[%add3A_240] : memref<1600000xi32, #tpu.memory_space<hbm>> -> memref<2000xi32, #tpu.memory_space<hbm>>
      tpu.wait_dma2 semaphore(%run_scoped3A : memref<!tpu.dma_semaphore, #tpu.memory_space<semaphore_mem>>) src(%arg18 : memref<2000xi32, #tpu.memory_space<vmem>>) dst(%dma_wait3A_282 : memref<2000xi32, #tpu.memory_space<hbm>>)
      tpu.yield
    }) : () -> ()
    "tpu.region"() ({
      %run_scoped3A = tpu.sem_alloc : memref<!tpu.dma_semaphore, #tpu.memory_space<semaphore_mem>>
      %dma_start3A = tpu.memref_slice %arg10[%add3A_240] : memref<1600000xf32, #tpu.memory_space<hbm>> -> memref<2000xf32, #tpu.memory_space<hbm>>
      %dma_start3A_281 = tpu.memref_slice %arg10[%add3A_240] : memref<1600000xf32, #tpu.memory_space<hbm>> -> memref<2000xf32, #tpu.memory_space<hbm>>
      tpu.enqueue_dma source(%arg19 : memref<2000xf32, #tpu.memory_space<vmem>>) target(%dma_start3A_281 : memref<2000xf32, #tpu.memory_space<hbm>>) target_semaphore(%run_scoped3A : memref<!tpu.dma_semaphore, #tpu.memory_space<semaphore_mem>>)
      %dma_wait3A = tpu.memref_slice %arg10[%add3A_240] : memref<1600000xf32, #tpu.memory_space<hbm>> -> memref<2000xf32, #tpu.memory_space<hbm>>
      %dma_wait3A_282 = tpu.memref_slice %arg10[%add3A_240] : memref<1600000xf32, #tpu.memory_space<hbm>> -> memref<2000xf32, #tpu.memory_space<hbm>>
      tpu.wait_dma2 semaphore(%run_scoped3A : memref<!tpu.dma_semaphore, #tpu.memory_space<semaphore_mem>>) src(%arg19 : memref<2000xf32, #tpu.memory_space<vmem>>) dst(%dma_wait3A_282 : memref<2000xf32, #tpu.memory_space<hbm>>)
      tpu.yield
    }) : () -> ()
    %add3A_247 = arith.constant 46000 : i32
    %add3A_248 = arith.addi %mul3A_2, %add3A_247 : i32
    "tpu.region"() ({
      %run_scoped3A = tpu.sem_alloc : memref<!tpu.dma_semaphore, #tpu.memory_space<semaphore_mem>>
      %dma_start3A = tpu.memref_slice %arg2[%add3A_248] : memref<1600000xi32, #tpu.memory_space<hbm>> -> memref<2000xi32, #tpu.memory_space<hbm>>
      %dma_start3A_281 = tpu.memref_slice %arg2[%add3A_248] : memref<1600000xi32, #tpu.memory_space<hbm>> -> memref<2000xi32, #tpu.memory_space<hbm>>
      tpu.enqueue_dma source(%dma_start3A_281 : memref<2000xi32, #tpu.memory_space<hbm>>) target(%arg14 : memref<2000xi32, #tpu.memory_space<vmem>>) target_semaphore(%run_scoped3A : memref<!tpu.dma_semaphore, #tpu.memory_space<semaphore_mem>>)
      %dma_wait3A = tpu.memref_slice %arg2[%add3A_248] : memref<1600000xi32, #tpu.memory_space<hbm>> -> memref<2000xi32, #tpu.memory_space<hbm>>
      %dma_wait3A_282 = tpu.memref_slice %arg2[%add3A_248] : memref<1600000xi32, #tpu.memory_space<hbm>> -> memref<2000xi32, #tpu.memory_space<hbm>>
      tpu.wait_dma2 semaphore(%run_scoped3A : memref<!tpu.dma_semaphore, #tpu.memory_space<semaphore_mem>>) src(%dma_wait3A_282 : memref<2000xi32, #tpu.memory_space<hbm>>) dst(%arg14 : memref<2000xi32, #tpu.memory_space<vmem>>)
      tpu.yield
    }) : () -> ()
    "tpu.region"() ({
      %run_scoped3A = tpu.sem_alloc : memref<!tpu.dma_semaphore, #tpu.memory_space<semaphore_mem>>
      %dma_start3A = tpu.memref_slice %arg3[%add3A_248] : memref<1600000xi32, #tpu.memory_space<hbm>> -> memref<2000xi32, #tpu.memory_space<hbm>>
      %dma_start3A_281 = tpu.memref_slice %arg3[%add3A_248] : memref<1600000xi32, #tpu.memory_space<hbm>> -> memref<2000xi32, #tpu.memory_space<hbm>>
      tpu.enqueue_dma source(%dma_start3A_281 : memref<2000xi32, #tpu.memory_space<hbm>>) target(%arg15 : memref<2000xi32, #tpu.memory_space<vmem>>) target_semaphore(%run_scoped3A : memref<!tpu.dma_semaphore, #tpu.memory_space<semaphore_mem>>)
      %dma_wait3A = tpu.memref_slice %arg3[%add3A_248] : memref<1600000xi32, #tpu.memory_space<hbm>> -> memref<2000xi32, #tpu.memory_space<hbm>>
      %dma_wait3A_282 = tpu.memref_slice %arg3[%add3A_248] : memref<1600000xi32, #tpu.memory_space<hbm>> -> memref<2000xi32, #tpu.memory_space<hbm>>
      tpu.wait_dma2 semaphore(%run_scoped3A : memref<!tpu.dma_semaphore, #tpu.memory_space<semaphore_mem>>) src(%dma_wait3A_282 : memref<2000xi32, #tpu.memory_space<hbm>>) dst(%arg15 : memref<2000xi32, #tpu.memory_space<vmem>>)
      tpu.yield
    }) : () -> ()
    "tpu.region"() ({
      %run_scoped3A = tpu.sem_alloc : memref<!tpu.dma_semaphore, #tpu.memory_space<semaphore_mem>>
      %dma_start3A = tpu.memref_slice %arg4[%add3A_248] : memref<1600000xf32, #tpu.memory_space<hbm>> -> memref<2000xf32, #tpu.memory_space<hbm>>
      %dma_start3A_281 = tpu.memref_slice %arg4[%add3A_248] : memref<1600000xf32, #tpu.memory_space<hbm>> -> memref<2000xf32, #tpu.memory_space<hbm>>
      tpu.enqueue_dma source(%dma_start3A_281 : memref<2000xf32, #tpu.memory_space<hbm>>) target(%arg16 : memref<2000xf32, #tpu.memory_space<vmem>>) target_semaphore(%run_scoped3A : memref<!tpu.dma_semaphore, #tpu.memory_space<semaphore_mem>>)
      %dma_wait3A = tpu.memref_slice %arg4[%add3A_248] : memref<1600000xf32, #tpu.memory_space<hbm>> -> memref<2000xf32, #tpu.memory_space<hbm>>
      %dma_wait3A_282 = tpu.memref_slice %arg4[%add3A_248] : memref<1600000xf32, #tpu.memory_space<hbm>> -> memref<2000xf32, #tpu.memory_space<hbm>>
      tpu.wait_dma2 semaphore(%run_scoped3A : memref<!tpu.dma_semaphore, #tpu.memory_space<semaphore_mem>>) src(%dma_wait3A_282 : memref<2000xf32, #tpu.memory_space<hbm>>) dst(%arg16 : memref<2000xf32, #tpu.memory_space<vmem>>)
      tpu.yield
    }) : () -> ()
    %scan3A_249 = arith.constant 0 : i32
    %scan3A_250 = arith.constant 0 : i32
    %scan3A_251 = arith.constant 125 : i32
    %scan3A_252 = arith.addi %scan3A_250, %scan3A_251 : i32
    %scan3A_253 = arith.constant 1 : i32
    scf.for %scan3A_281 = %scan3A_250 to %scan3A_252 step %scan3A_253  : i32 {
      %mul3A_282 = arith.constant 16 : i32
      %mul3A_283 = arith.muli %scan3A_281, %mul3A_282 : i32
      %get3A_284 = arith.index_cast %mul3A_283 : i32 to index
      %get3A_285 = tpu.vector_load %arg14[%get3A_284] {strides = array<i32>} : memref<2000xi32, #tpu.memory_space<vmem>>, vector<16xi32>,
      %get3A_286 = arith.index_cast %mul3A_283 : i32 to index
      %get3A_287 = tpu.vector_load %arg15[%get3A_286] {strides = array<i32>} : memref<2000xi32, #tpu.memory_space<vmem>>, vector<16xi32>,
      %sub3A_288 = arith.subi %get3A_285, %broadcast_in_dim3A : vector<16xi32>
      %max3A_289 = arith.maxsi %sub3A_288, %broadcast_in_dim3A_22 : vector<16xi32>
      %min3A_290 = arith.minsi %max3A_289, %broadcast_in_dim3A_28 : vector<16xi32>
      %sub3A_291 = arith.subi %get3A_287, %broadcast_in_dim3A : vector<16xi32>
      %max3A_292 = arith.maxsi %sub3A_291, %broadcast_in_dim3A_22 : vector<16xi32>
      %min3A_293 = arith.minsi %max3A_292, %broadcast_in_dim3A_28 : vector<16xi32>
      %gather3A = tpu.vector_load_idx %arg11[%min3A_290] : memref<3136xi32, #tpu.memory_space<vmem>>[vector<16xi32>], vector<16xi32>,
      %gather3A_294 = tpu.vector_load_idx %arg11[%min3A_293] : memref<3136xi32, #tpu.memory_space<vmem>>[vector<16xi32>], vector<16xi32>,
      %get3A_295 = arith.index_cast %mul3A_283 : i32 to index
      %get3A_296 = tpu.vector_load %arg16[%get3A_295] {strides = array<i32>} : memref<2000xf32, #tpu.memory_space<vmem>>, vector<16xf32>,
      %add3A_297 = arith.addi %gather3A, %gather3A_294 : vector<16xi32>
      %gt3A = arith.cmpi sgt, %add3A_297, %broadcast_in_dim3A_22 : vector<16xi32>
      %swap3A = arith.index_cast %mul3A_283 : i32 to index
      %swap3A_298 = tpu.vector_load %arg17[%swap3A] {strides = array<i32>} : memref<2000xi32, #tpu.memory_space<vmem>>, vector<16xi32>,
      tpu.vector_store %arg17[%swap3A], %gather3A {strides = array<i32>} : memref<2000xi32, #tpu.memory_space<vmem>>, vector<16xi32>,
      %swap3A_299 = arith.index_cast %mul3A_283 : i32 to index
      %swap3A_300 = tpu.vector_load %arg18[%swap3A_299] {strides = array<i32>} : memref<2000xi32, #tpu.memory_space<vmem>>, vector<16xi32>,
      tpu.vector_store %arg18[%swap3A_299], %gather3A_294 {strides = array<i32>} : memref<2000xi32, #tpu.memory_space<vmem>>, vector<16xi32>,
      %select_n3A_301 = arith.select %gt3A, %get3A_296, %broadcast_in_dim3A_24 : vector<16xi1>, vector<16xf32>
      %swap3A_302 = arith.index_cast %mul3A_283 : i32 to index
      %swap3A_303 = tpu.vector_load %arg19[%swap3A_302] {strides = array<i32>} : memref<2000xf32, #tpu.memory_space<vmem>>, vector<16xf32>,
      tpu.vector_store %arg19[%swap3A_302], %select_n3A_301 {strides = array<i32>} : memref<2000xf32, #tpu.memory_space<vmem>>, vector<16xf32>,
    }
    %scan3A_254 = arith.constant 125 : i32
    "tpu.region"() ({
      %run_scoped3A = tpu.sem_alloc : memref<!tpu.dma_semaphore, #tpu.memory_space<semaphore_mem>>
      %dma_start3A = tpu.memref_slice %arg7[%add3A_248] : memref<1600000xi32, #tpu.memory_space<hbm>> -> memref<2000xi32, #tpu.memory_space<hbm>>
      %dma_start3A_281 = tpu.memref_slice %arg7[%add3A_248] : memref<1600000xi32, #tpu.memory_space<hbm>> -> memref<2000xi32, #tpu.memory_space<hbm>>
      tpu.enqueue_dma source(%arg17 : memref<2000xi32, #tpu.memory_space<vmem>>) target(%dma_start3A_281 : memref<2000xi32, #tpu.memory_space<hbm>>) target_semaphore(%run_scoped3A : memref<!tpu.dma_semaphore, #tpu.memory_space<semaphore_mem>>)
      %dma_wait3A = tpu.memref_slice %arg7[%add3A_248] : memref<1600000xi32, #tpu.memory_space<hbm>> -> memref<2000xi32, #tpu.memory_space<hbm>>
      %dma_wait3A_282 = tpu.memref_slice %arg7[%add3A_248] : memref<1600000xi32, #tpu.memory_space<hbm>> -> memref<2000xi32, #tpu.memory_space<hbm>>
      tpu.wait_dma2 semaphore(%run_scoped3A : memref<!tpu.dma_semaphore, #tpu.memory_space<semaphore_mem>>) src(%arg17 : memref<2000xi32, #tpu.memory_space<vmem>>) dst(%dma_wait3A_282 : memref<2000xi32, #tpu.memory_space<hbm>>)
      tpu.yield
    }) : () -> ()
    "tpu.region"() ({
      %run_scoped3A = tpu.sem_alloc : memref<!tpu.dma_semaphore, #tpu.memory_space<semaphore_mem>>
      %dma_start3A = tpu.memref_slice %arg8[%add3A_248] : memref<1600000xi32, #tpu.memory_space<hbm>> -> memref<2000xi32, #tpu.memory_space<hbm>>
      %dma_start3A_281 = tpu.memref_slice %arg8[%add3A_248] : memref<1600000xi32, #tpu.memory_space<hbm>> -> memref<2000xi32, #tpu.memory_space<hbm>>
      tpu.enqueue_dma source(%arg18 : memref<2000xi32, #tpu.memory_space<vmem>>) target(%dma_start3A_281 : memref<2000xi32, #tpu.memory_space<hbm>>) target_semaphore(%run_scoped3A : memref<!tpu.dma_semaphore, #tpu.memory_space<semaphore_mem>>)
      %dma_wait3A = tpu.memref_slice %arg8[%add3A_248] : memref<1600000xi32, #tpu.memory_space<hbm>> -> memref<2000xi32, #tpu.memory_space<hbm>>
      %dma_wait3A_282 = tpu.memref_slice %arg8[%add3A_248] : memref<1600000xi32, #tpu.memory_space<hbm>> -> memref<2000xi32, #tpu.memory_space<hbm>>
      tpu.wait_dma2 semaphore(%run_scoped3A : memref<!tpu.dma_semaphore, #tpu.memory_space<semaphore_mem>>) src(%arg18 : memref<2000xi32, #tpu.memory_space<vmem>>) dst(%dma_wait3A_282 : memref<2000xi32, #tpu.memory_space<hbm>>)
      tpu.yield
    }) : () -> ()
    "tpu.region"() ({
      %run_scoped3A = tpu.sem_alloc : memref<!tpu.dma_semaphore, #tpu.memory_space<semaphore_mem>>
      %dma_start3A = tpu.memref_slice %arg10[%add3A_248] : memref<1600000xf32, #tpu.memory_space<hbm>> -> memref<2000xf32, #tpu.memory_space<hbm>>
      %dma_start3A_281 = tpu.memref_slice %arg10[%add3A_248] : memref<1600000xf32, #tpu.memory_space<hbm>> -> memref<2000xf32, #tpu.memory_space<hbm>>
      tpu.enqueue_dma source(%arg19 : memref<2000xf32, #tpu.memory_space<vmem>>) target(%dma_start3A_281 : memref<2000xf32, #tpu.memory_space<hbm>>) target_semaphore(%run_scoped3A : memref<!tpu.dma_semaphore, #tpu.memory_space<semaphore_mem>>)
      %dma_wait3A = tpu.memref_slice %arg10[%add3A_248] : memref<1600000xf32, #tpu.memory_space<hbm>> -> memref<2000xf32, #tpu.memory_space<hbm>>
      %dma_wait3A_282 = tpu.memref_slice %arg10[%add3A_248] : memref<1600000xf32, #tpu.memory_space<hbm>> -> memref<2000xf32, #tpu.memory_space<hbm>>
      tpu.wait_dma2 semaphore(%run_scoped3A : memref<!tpu.dma_semaphore, #tpu.memory_space<semaphore_mem>>) src(%arg19 : memref<2000xf32, #tpu.memory_space<vmem>>) dst(%dma_wait3A_282 : memref<2000xf32, #tpu.memory_space<hbm>>)
      tpu.yield
    }) : () -> ()
    %add3A_255 = arith.constant 48000 : i32
    %add3A_256 = arith.addi %mul3A_2, %add3A_255 : i32
    "tpu.region"() ({
      %run_scoped3A = tpu.sem_alloc : memref<!tpu.dma_semaphore, #tpu.memory_space<semaphore_mem>>
      %dma_start3A = tpu.memref_slice %arg2[%add3A_256] : memref<1600000xi32, #tpu.memory_space<hbm>> -> memref<2000xi32, #tpu.memory_space<hbm>>
      %dma_start3A_281 = tpu.memref_slice %arg2[%add3A_256] : memref<1600000xi32, #tpu.memory_space<hbm>> -> memref<2000xi32, #tpu.memory_space<hbm>>
      tpu.enqueue_dma source(%dma_start3A_281 : memref<2000xi32, #tpu.memory_space<hbm>>) target(%arg14 : memref<2000xi32, #tpu.memory_space<vmem>>) target_semaphore(%run_scoped3A : memref<!tpu.dma_semaphore, #tpu.memory_space<semaphore_mem>>)
      %dma_wait3A = tpu.memref_slice %arg2[%add3A_256] : memref<1600000xi32, #tpu.memory_space<hbm>> -> memref<2000xi32, #tpu.memory_space<hbm>>
      %dma_wait3A_282 = tpu.memref_slice %arg2[%add3A_256] : memref<1600000xi32, #tpu.memory_space<hbm>> -> memref<2000xi32, #tpu.memory_space<hbm>>
      tpu.wait_dma2 semaphore(%run_scoped3A : memref<!tpu.dma_semaphore, #tpu.memory_space<semaphore_mem>>) src(%dma_wait3A_282 : memref<2000xi32, #tpu.memory_space<hbm>>) dst(%arg14 : memref<2000xi32, #tpu.memory_space<vmem>>)
      tpu.yield
    }) : () -> ()
    "tpu.region"() ({
      %run_scoped3A = tpu.sem_alloc : memref<!tpu.dma_semaphore, #tpu.memory_space<semaphore_mem>>
      %dma_start3A = tpu.memref_slice %arg3[%add3A_256] : memref<1600000xi32, #tpu.memory_space<hbm>> -> memref<2000xi32, #tpu.memory_space<hbm>>
      %dma_start3A_281 = tpu.memref_slice %arg3[%add3A_256] : memref<1600000xi32, #tpu.memory_space<hbm>> -> memref<2000xi32, #tpu.memory_space<hbm>>
      tpu.enqueue_dma source(%dma_start3A_281 : memref<2000xi32, #tpu.memory_space<hbm>>) target(%arg15 : memref<2000xi32, #tpu.memory_space<vmem>>) target_semaphore(%run_scoped3A : memref<!tpu.dma_semaphore, #tpu.memory_space<semaphore_mem>>)
      %dma_wait3A = tpu.memref_slice %arg3[%add3A_256] : memref<1600000xi32, #tpu.memory_space<hbm>> -> memref<2000xi32, #tpu.memory_space<hbm>>
      %dma_wait3A_282 = tpu.memref_slice %arg3[%add3A_256] : memref<1600000xi32, #tpu.memory_space<hbm>> -> memref<2000xi32, #tpu.memory_space<hbm>>
      tpu.wait_dma2 semaphore(%run_scoped3A : memref<!tpu.dma_semaphore, #tpu.memory_space<semaphore_mem>>) src(%dma_wait3A_282 : memref<2000xi32, #tpu.memory_space<hbm>>) dst(%arg15 : memref<2000xi32, #tpu.memory_space<vmem>>)
      tpu.yield
    }) : () -> ()
    "tpu.region"() ({
      %run_scoped3A = tpu.sem_alloc : memref<!tpu.dma_semaphore, #tpu.memory_space<semaphore_mem>>
      %dma_start3A = tpu.memref_slice %arg4[%add3A_256] : memref<1600000xf32, #tpu.memory_space<hbm>> -> memref<2000xf32, #tpu.memory_space<hbm>>
      %dma_start3A_281 = tpu.memref_slice %arg4[%add3A_256] : memref<1600000xf32, #tpu.memory_space<hbm>> -> memref<2000xf32, #tpu.memory_space<hbm>>
      tpu.enqueue_dma source(%dma_start3A_281 : memref<2000xf32, #tpu.memory_space<hbm>>) target(%arg16 : memref<2000xf32, #tpu.memory_space<vmem>>) target_semaphore(%run_scoped3A : memref<!tpu.dma_semaphore, #tpu.memory_space<semaphore_mem>>)
      %dma_wait3A = tpu.memref_slice %arg4[%add3A_256] : memref<1600000xf32, #tpu.memory_space<hbm>> -> memref<2000xf32, #tpu.memory_space<hbm>>
      %dma_wait3A_282 = tpu.memref_slice %arg4[%add3A_256] : memref<1600000xf32, #tpu.memory_space<hbm>> -> memref<2000xf32, #tpu.memory_space<hbm>>
      tpu.wait_dma2 semaphore(%run_scoped3A : memref<!tpu.dma_semaphore, #tpu.memory_space<semaphore_mem>>) src(%dma_wait3A_282 : memref<2000xf32, #tpu.memory_space<hbm>>) dst(%arg16 : memref<2000xf32, #tpu.memory_space<vmem>>)
      tpu.yield
    }) : () -> ()
    %scan3A_257 = arith.constant 0 : i32
    %scan3A_258 = arith.constant 0 : i32
    %scan3A_259 = arith.constant 125 : i32
    %scan3A_260 = arith.addi %scan3A_258, %scan3A_259 : i32
    %scan3A_261 = arith.constant 1 : i32
    scf.for %scan3A_281 = %scan3A_258 to %scan3A_260 step %scan3A_261  : i32 {
      %mul3A_282 = arith.constant 16 : i32
      %mul3A_283 = arith.muli %scan3A_281, %mul3A_282 : i32
      %get3A_284 = arith.index_cast %mul3A_283 : i32 to index
      %get3A_285 = tpu.vector_load %arg14[%get3A_284] {strides = array<i32>} : memref<2000xi32, #tpu.memory_space<vmem>>, vector<16xi32>,
      %get3A_286 = arith.index_cast %mul3A_283 : i32 to index
      %get3A_287 = tpu.vector_load %arg15[%get3A_286] {strides = array<i32>} : memref<2000xi32, #tpu.memory_space<vmem>>, vector<16xi32>,
      %sub3A_288 = arith.subi %get3A_285, %broadcast_in_dim3A : vector<16xi32>
      %max3A_289 = arith.maxsi %sub3A_288, %broadcast_in_dim3A_22 : vector<16xi32>
      %min3A_290 = arith.minsi %max3A_289, %broadcast_in_dim3A_28 : vector<16xi32>
      %sub3A_291 = arith.subi %get3A_287, %broadcast_in_dim3A : vector<16xi32>
      %max3A_292 = arith.maxsi %sub3A_291, %broadcast_in_dim3A_22 : vector<16xi32>
      %min3A_293 = arith.minsi %max3A_292, %broadcast_in_dim3A_28 : vector<16xi32>
      %gather3A = tpu.vector_load_idx %arg11[%min3A_290] : memref<3136xi32, #tpu.memory_space<vmem>>[vector<16xi32>], vector<16xi32>,
      %gather3A_294 = tpu.vector_load_idx %arg11[%min3A_293] : memref<3136xi32, #tpu.memory_space<vmem>>[vector<16xi32>], vector<16xi32>,
      %get3A_295 = arith.index_cast %mul3A_283 : i32 to index
      %get3A_296 = tpu.vector_load %arg16[%get3A_295] {strides = array<i32>} : memref<2000xf32, #tpu.memory_space<vmem>>, vector<16xf32>,
      %add3A_297 = arith.addi %gather3A, %gather3A_294 : vector<16xi32>
      %gt3A = arith.cmpi sgt, %add3A_297, %broadcast_in_dim3A_22 : vector<16xi32>
      %swap3A = arith.index_cast %mul3A_283 : i32 to index
      %swap3A_298 = tpu.vector_load %arg17[%swap3A] {strides = array<i32>} : memref<2000xi32, #tpu.memory_space<vmem>>, vector<16xi32>,
      tpu.vector_store %arg17[%swap3A], %gather3A {strides = array<i32>} : memref<2000xi32, #tpu.memory_space<vmem>>, vector<16xi32>,
      %swap3A_299 = arith.index_cast %mul3A_283 : i32 to index
      %swap3A_300 = tpu.vector_load %arg18[%swap3A_299] {strides = array<i32>} : memref<2000xi32, #tpu.memory_space<vmem>>, vector<16xi32>,
      tpu.vector_store %arg18[%swap3A_299], %gather3A_294 {strides = array<i32>} : memref<2000xi32, #tpu.memory_space<vmem>>, vector<16xi32>,
      %select_n3A_301 = arith.select %gt3A, %get3A_296, %broadcast_in_dim3A_24 : vector<16xi1>, vector<16xf32>
      %swap3A_302 = arith.index_cast %mul3A_283 : i32 to index
      %swap3A_303 = tpu.vector_load %arg19[%swap3A_302] {strides = array<i32>} : memref<2000xf32, #tpu.memory_space<vmem>>, vector<16xf32>,
      tpu.vector_store %arg19[%swap3A_302], %select_n3A_301 {strides = array<i32>} : memref<2000xf32, #tpu.memory_space<vmem>>, vector<16xf32>,
    }
    %scan3A_262 = arith.constant 125 : i32
    "tpu.region"() ({
      %run_scoped3A = tpu.sem_alloc : memref<!tpu.dma_semaphore, #tpu.memory_space<semaphore_mem>>
      %dma_start3A = tpu.memref_slice %arg7[%add3A_256] : memref<1600000xi32, #tpu.memory_space<hbm>> -> memref<2000xi32, #tpu.memory_space<hbm>>
      %dma_start3A_281 = tpu.memref_slice %arg7[%add3A_256] : memref<1600000xi32, #tpu.memory_space<hbm>> -> memref<2000xi32, #tpu.memory_space<hbm>>
      tpu.enqueue_dma source(%arg17 : memref<2000xi32, #tpu.memory_space<vmem>>) target(%dma_start3A_281 : memref<2000xi32, #tpu.memory_space<hbm>>) target_semaphore(%run_scoped3A : memref<!tpu.dma_semaphore, #tpu.memory_space<semaphore_mem>>)
      %dma_wait3A = tpu.memref_slice %arg7[%add3A_256] : memref<1600000xi32, #tpu.memory_space<hbm>> -> memref<2000xi32, #tpu.memory_space<hbm>>
      %dma_wait3A_282 = tpu.memref_slice %arg7[%add3A_256] : memref<1600000xi32, #tpu.memory_space<hbm>> -> memref<2000xi32, #tpu.memory_space<hbm>>
      tpu.wait_dma2 semaphore(%run_scoped3A : memref<!tpu.dma_semaphore, #tpu.memory_space<semaphore_mem>>) src(%arg17 : memref<2000xi32, #tpu.memory_space<vmem>>) dst(%dma_wait3A_282 : memref<2000xi32, #tpu.memory_space<hbm>>)
      tpu.yield
    }) : () -> ()
    "tpu.region"() ({
      %run_scoped3A = tpu.sem_alloc : memref<!tpu.dma_semaphore, #tpu.memory_space<semaphore_mem>>
      %dma_start3A = tpu.memref_slice %arg8[%add3A_256] : memref<1600000xi32, #tpu.memory_space<hbm>> -> memref<2000xi32, #tpu.memory_space<hbm>>
      %dma_start3A_281 = tpu.memref_slice %arg8[%add3A_256] : memref<1600000xi32, #tpu.memory_space<hbm>> -> memref<2000xi32, #tpu.memory_space<hbm>>
      tpu.enqueue_dma source(%arg18 : memref<2000xi32, #tpu.memory_space<vmem>>) target(%dma_start3A_281 : memref<2000xi32, #tpu.memory_space<hbm>>) target_semaphore(%run_scoped3A : memref<!tpu.dma_semaphore, #tpu.memory_space<semaphore_mem>>)
      %dma_wait3A = tpu.memref_slice %arg8[%add3A_256] : memref<1600000xi32, #tpu.memory_space<hbm>> -> memref<2000xi32, #tpu.memory_space<hbm>>
      %dma_wait3A_282 = tpu.memref_slice %arg8[%add3A_256] : memref<1600000xi32, #tpu.memory_space<hbm>> -> memref<2000xi32, #tpu.memory_space<hbm>>
      tpu.wait_dma2 semaphore(%run_scoped3A : memref<!tpu.dma_semaphore, #tpu.memory_space<semaphore_mem>>) src(%arg18 : memref<2000xi32, #tpu.memory_space<vmem>>) dst(%dma_wait3A_282 : memref<2000xi32, #tpu.memory_space<hbm>>)
      tpu.yield
    }) : () -> ()
    "tpu.region"() ({
      %run_scoped3A = tpu.sem_alloc : memref<!tpu.dma_semaphore, #tpu.memory_space<semaphore_mem>>
      %dma_start3A = tpu.memref_slice %arg10[%add3A_256] : memref<1600000xf32, #tpu.memory_space<hbm>> -> memref<2000xf32, #tpu.memory_space<hbm>>
      %dma_start3A_281 = tpu.memref_slice %arg10[%add3A_256] : memref<1600000xf32, #tpu.memory_space<hbm>> -> memref<2000xf32, #tpu.memory_space<hbm>>
      tpu.enqueue_dma source(%arg19 : memref<2000xf32, #tpu.memory_space<vmem>>) target(%dma_start3A_281 : memref<2000xf32, #tpu.memory_space<hbm>>) target_semaphore(%run_scoped3A : memref<!tpu.dma_semaphore, #tpu.memory_space<semaphore_mem>>)
      %dma_wait3A = tpu.memref_slice %arg10[%add3A_256] : memref<1600000xf32, #tpu.memory_space<hbm>> -> memref<2000xf32, #tpu.memory_space<hbm>>
      %dma_wait3A_282 = tpu.memref_slice %arg10[%add3A_256] : memref<1600000xf32, #tpu.memory_space<hbm>> -> memref<2000xf32, #tpu.memory_space<hbm>>
      tpu.wait_dma2 semaphore(%run_scoped3A : memref<!tpu.dma_semaphore, #tpu.memory_space<semaphore_mem>>) src(%arg19 : memref<2000xf32, #tpu.memory_space<vmem>>) dst(%dma_wait3A_282 : memref<2000xf32, #tpu.memory_space<hbm>>)
      tpu.yield
    }) : () -> ()
    %jit3A_263 = arith.constant 2 : i32
    %eq3A = arith.constant 0 : i32
    %eq3A_264 = arith.cmpi eq, %jit3A_263, %eq3A : i32
    %jit3A_265 = arith.constant 1 : i32
    %select_n3A_266 = arith.select %eq3A_264, %jit3A_265, %jit3A_263 : i32
    %rem3A_267 = arith.remsi %add3A, %select_n3A_266 : i32
    %ne3A_268 = arith.constant 0 : i32
    %ne3A_269 = arith.cmpi ne, %rem3A_267, %ne3A_268 : i32
    %lt3A_270 = arith.constant 0 : i32
    %lt3A_271 = arith.cmpi slt, %rem3A_267, %lt3A_270 : i32
    %lt3A_272 = arith.constant 0 : i32
    %lt3A_273 = arith.cmpi slt, %select_n3A_266, %lt3A_272 : i32
    %ne3A_274 = arith.xori %lt3A_271, %lt3A_273 : i1
    %and3A_275 = arith.andi %ne3A_274, %ne3A_269 : i1
    %add3A_276 = arith.addi %rem3A_267, %select_n3A_266 : i32
    %select_n3A_277 = arith.select %and3A_275, %add3A_276, %rem3A_267 : i32
    %eq3A_278 = arith.constant 0 : i32
    %eq3A_279 = arith.cmpi eq, %select_n3A_277, %eq3A_278 : i32
    %convert_element_type3A = arith.extui %eq3A_279 : i1 to i32
    %cond3A = arith.constant 0 : i32
    %cond3A_280 = arith.cmpi ne, %convert_element_type3A, %cond3A : i32
    scf.if %cond3A_280 {
      "tpu.region"() ({
        %run_scoped3A = tpu.sem_alloc : memref<!tpu.dma_semaphore, #tpu.memory_space<semaphore_mem>>
        %dma_start3A = arith.constant 0 : i32
        %dma_start3A_301 = tpu.memref_slice %arg13[%dma_start3A] : memref<144xi32, #tpu.memory_space<vmem>> -> memref<128xi32, #tpu.memory_space<vmem>>
        %dma_start3A_302 = arith.constant 0 : i32
        %dma_start3A_303 = tpu.memref_slice %arg13[%dma_start3A_302] : memref<144xi32, #tpu.memory_space<vmem>> -> memref<128xi32, #tpu.memory_space<vmem>>
        tpu.enqueue_dma source(%arg6 : memref<128xi32, #tpu.memory_space<hbm>>) target(%dma_start3A_303 : memref<128xi32, #tpu.memory_space<vmem>>) target_semaphore(%run_scoped3A : memref<!tpu.dma_semaphore, #tpu.memory_space<semaphore_mem>>)
        %dma_wait3A = arith.constant 0 : i32
        %dma_wait3A_304 = tpu.memref_slice %arg13[%dma_wait3A] : memref<144xi32, #tpu.memory_space<vmem>> -> memref<128xi32, #tpu.memory_space<vmem>>
        %dma_wait3A_305 = arith.constant 0 : i32
        %dma_wait3A_306 = tpu.memref_slice %arg13[%dma_wait3A_305] : memref<144xi32, #tpu.memory_space<vmem>> -> memref<128xi32, #tpu.memory_space<vmem>>
        tpu.wait_dma2 semaphore(%run_scoped3A : memref<!tpu.dma_semaphore, #tpu.memory_space<semaphore_mem>>) src(%arg6 : memref<128xi32, #tpu.memory_space<hbm>>) dst(%dma_wait3A_306 : memref<128xi32, #tpu.memory_space<vmem>>)
        tpu.yield
      }) : () -> ()
      %broadcast_in_dim3A_281 = arith.constant 1073741824 : i32
      %broadcast_in_dim3A_282 = vector.broadcast %broadcast_in_dim3A_281 : i32 to vector<16xi32>
      %swap3A = arith.constant 128 : index
      %swap3A_283 = tpu.vector_load %arg13[%swap3A] {strides = array<i32>} : memref<144xi32, #tpu.memory_space<vmem>>, vector<16xi32>,
      tpu.vector_store %arg13[%swap3A], %broadcast_in_dim3A_282 {strides = array<i32>} : memref<144xi32, #tpu.memory_space<vmem>>, vector<16xi32>,
      %mul3A_284 = arith.constant 8 : i32
      %mul3A_285 = arith.muli %select_n3A, %mul3A_284 : i32
      %get3A_286 = arith.index_cast %mul3A_285 : i32 to index
      %get3A_287 = tpu.vector_load %arg13[%get3A_286] {strides = array<i32>} : memref<144xi32, #tpu.memory_space<vmem>>, vector<16xi32>,
      %sub3A_288 = arith.subi %get3A_287, %broadcast_in_dim3A : vector<16xi32>
      %max3A_289 = arith.maxsi %sub3A_288, %broadcast_in_dim3A_22 : vector<16xi32>
      %min3A_290 = arith.minsi %max3A_289, %broadcast_in_dim3A_28 : vector<16xi32>
      %gather3A = tpu.vector_load_idx %arg11[%min3A_290] : memref<3136xi32, #tpu.memory_space<vmem>>[vector<16xi32>], vector<16xi32>,
      %reduce_max3A = arith.constant true
      %reduce_max3A_291 = vector.broadcast %reduce_max3A : i1 to vector<16xi1>
      %reduce_max3A_292 = arith.constant -2147483648 : i32
      %reduce_max3A_293 = vector.broadcast %reduce_max3A_292 : i32 to vector<16xi32>
      %reduce_max3A_294 = arith.xori %gather3A, %reduce_max3A_293 : vector<16xi32>
      %reduce_max3A_295 = tpu.scan <max>, %reduce_max3A_294 masked %reduce_max3A_291 : vector<16xi32>, vector<16xi1> -> vector<16xi32>
      %reduce_max3A_296 = arith.xori %reduce_max3A_295, %reduce_max3A_293 : vector<16xi32>
      %reduce_max3A_297 = vector.extract %reduce_max3A_296[15] : i32 from vector<16xi32>
      %broadcast_in_dim3A_298 = vector.broadcast %reduce_max3A_297 : i32 to vector<16xi32>
      %swap3A_299 = arith.constant 0 : index
      %swap3A_300 = tpu.vector_load %arg20[%swap3A_299] {strides = array<i32>} : memref<16xi32, #tpu.memory_space<vmem>>, vector<16xi32>,
      tpu.vector_store %arg20[%swap3A_299], %broadcast_in_dim3A_298 {strides = array<i32>} : memref<16xi32, #tpu.memory_space<vmem>>, vector<16xi32>,
      "tpu.region"() ({
        %run_scoped3A = tpu.sem_alloc : memref<!tpu.dma_semaphore, #tpu.memory_space<semaphore_mem>>
        %dma_start3A = arith.constant 0 : i32
        %dma_start3A_301 = tpu.memref_slice %arg9[%select_n3A, %dma_start3A] : memref<16x16xi32, #tpu.memory_space<hbm>> -> memref<1x16xi32, #tpu.memory_space<hbm>>
        %dma_start3A_302 = tpu.memref_squeeze %dma_start3A_301 : memref<1x16xi32, #tpu.memory_space<hbm>> -> memref<16xi32, #tpu.memory_space<hbm>>
        %dma_start3A_303 = arith.constant 0 : i32
        %dma_start3A_304 = tpu.memref_slice %arg9[%select_n3A, %dma_start3A_303] : memref<16x16xi32, #tpu.memory_space<hbm>> -> memref<1x16xi32, #tpu.memory_space<hbm>>
        %dma_start3A_305 = tpu.memref_squeeze %dma_start3A_304 : memref<1x16xi32, #tpu.memory_space<hbm>> -> memref<16xi32, #tpu.memory_space<hbm>>
        tpu.enqueue_dma source(%arg20 : memref<16xi32, #tpu.memory_space<vmem>>) target(%dma_start3A_305 : memref<16xi32, #tpu.memory_space<hbm>>) target_semaphore(%run_scoped3A : memref<!tpu.dma_semaphore, #tpu.memory_space<semaphore_mem>>)
        %dma_wait3A = arith.constant 0 : i32
        %dma_wait3A_306 = tpu.memref_slice %arg9[%select_n3A, %dma_wait3A] : memref<16x16xi32, #tpu.memory_space<hbm>> -> memref<1x16xi32, #tpu.memory_space<hbm>>
        %dma_wait3A_307 = tpu.memref_squeeze %dma_wait3A_306 : memref<1x16xi32, #tpu.memory_space<hbm>> -> memref<16xi32, #tpu.memory_space<hbm>>
        %dma_wait3A_308 = arith.constant 0 : i32
        %dma_wait3A_309 = tpu.memref_slice %arg9[%select_n3A, %dma_wait3A_308] : memref<16x16xi32, #tpu.memory_space<hbm>> -> memref<1x16xi32, #tpu.memory_space<hbm>>
        %dma_wait3A_310 = tpu.memref_squeeze %dma_wait3A_309 : memref<1x16xi32, #tpu.memory_space<hbm>> -> memref<16xi32, #tpu.memory_space<hbm>>
        tpu.wait_dma2 semaphore(%run_scoped3A : memref<!tpu.dma_semaphore, #tpu.memory_space<semaphore_mem>>) src(%arg20 : memref<16xi32, #tpu.memory_space<vmem>>) dst(%dma_wait3A_310 : memref<16xi32, #tpu.memory_space<hbm>>)
        tpu.yield
      }) : () -> ()
    } else {
    }
    return
  }
}

</mosaic_0001>

<sc_bundles>
// kernel: _sc_call.3.cloned.1.call-start
scs
__scs_entry_jumppad:
0x0: {  	(pc) =	sbr.rel $0x88, $3  }
0x1: {  	(tag) =	ssettag $0x0;
	lr =	simm.s32 $0x1  }
0x2: {  	[smem:$0x3F9C] =	sst lr;
	_ =	strace $0xD0000000  }
0x3: {  	_ = 	snop  }
0x4: {  	_ = 	snop  }
0x5: {  	_ = 	snop  }
0x6: {  	_ = 	snop  }
0x7: {  	_ = 	snop  }
__scs_overlays_trampoline_lowered:
0x8: {  	[smem:$0x3FAB] =	sst s0  }
0x9: {  	[smem:$0x3FAC] =	sst s1  }
0xa: {  	[smem:$0x3FAD] =	sst s2  }
0xb: {  	[smem:$0x3FAE] =	sst s3  }
0xc: {  	[smem:$0x3FAF] =	sst s4  }
0xd: {  	[smem:$0x3FB0] =	sst s5  }
0xe: {  	[smem:$0x3FB1] =	sst s6  }
0xf: {  	[smem:$0x3FB2] =	sst s7  }
0x10: {  	[smem:$0x3FB3] =	sst s8  }
0x11: {  	[smem:$0x3FB4] =	sst s9;
	s0 =	simm.s32 @!p0 $0x0  }
0x12: {  	s1 =	sld [smem:$0x3F9A];
	s0 =	simm.s32 @p0 $0x1  }
0x13: {  	[smem:$0x3FB5] =	sst s0;
	s0 =	simm.s32 @!p1 $0x0  }
0x14: {  	s2 =	sld [smem:$0x3F99];
	s0 =	simm.s32 @p1 $0x1  }
0x15: {  	[smem:$0x3FB6] =	sst s0;
	s0 =	simm.s32 @!p2 $0x0  }
0x16: {  	s3 =	sld [smem:$0x3FDB];
	s0 =	simm.s32 @p2 $0x1  }
0x17: {  	s4 =	simm.s32 $0x1BF5;
	[smem:$0x3FB8] =	sst s0  }
0x18: {  	s0 =	sld [smem:$0x3F9B];
	_ =	swait.ge [sflag:s4], $0x0  }
0x19: {  	s7 =	sld [smem:$0x3F9C]  }
0x1a: {  	s8 =	sadd.s32 $0xFFFFE003, lr  }
0x1b: {  	s9 =	sadd.s32 $0xFFFFFEF7, lr;
	s5 =	simm.s32 $0xFFFFFFFF;
	p2 =	slt.u32 s8, $0xFFFFF086  }
0x1c: {  	p1 =	slt.u32 s9, $0xF7A;
	s5 =	simm.s32 @!p2 $0x0  }
0x1d: {  	s5 =	simm.s32 @p1 $0x1;
	p0 =	seq.s32 s7, s2  }
0x1e: {  	s7 =	smul.u32 @!p0 $0xF7A, s2;
	p2 =	seq.s32 @!p0 s5, $0x0  }
0x1f: {  	s9 =	smul.u32 $0xF7A, s1;
	s8 =	simm.s32 @!p0 $0x1BF5;
	p2 =	por !p2, p0  }
0x20: {  	[sflag:s8] =	ssyncset.s32 @!p0 $0xFFFFF086;
	s6 =	sadd.s32 @!p0 s3, s7;
	s7 =	simm.s32 @!p0 $0x108  }
0x21: {  	s3 =	sadd.s32 s3, s9;
	s6 =	sadd.s32 @!p0 $0x88, s6;
	s7 =	simm.s32 @p2 $0x1082  }
0x22: {  	[simem:s7], [sflag:s8] =	dma.local @!p0 [hbm:s6], $0xF7A  }
0x23: {  	s9 =	sor.u32 $0xD0000000, s2;
	s6 =	simm.s32 $0x108;
	_ =	swait.ge @!p0 [sflag:s8], $0x0  }
0x24: {  	s3 =	sadd.s32 $0x88, s3;
	s6 =	simm.s32 @!p1 $0x1082;
	[sflag:s4] =	ssyncset.s32 $0xFFFFF086  }
0x25: {  	[simem:s6], [sflag:s4] =	dma.local [hbm:s3], $0xF7A  }
0x26: {  	[smem:$0x3F9C] =	sst s1;
	(tag) =	ssettag s2;
	_ =	strace s9  }
0x27: {  	s1 =	sld [smem:$0x3FAC]  }
0x28: {  	s2 =	sld [smem:$0x3FAD]  }
0x29: {  	s4 =	sld [smem:$0x3FAF]  }
0x2a: {  	p0 =	seq.s32 s5, $0x0;
	s5 =	sld [smem:$0x3FB0]  }
0x2b: {  	s6 =	sld [smem:$0x3FB1]  }
0x2c: {  	s7 =	sld [smem:$0x3FB2]  }
0x2d: {  	s3 =	simm.s32 $0x108;
	s8 =	sld [smem:$0x3FB3]  }
0x2e: {  	s3 =	simm.s32 @!p0 $0x1082;
	s9 =	sld [smem:$0x3FB4]  }
0x2f: {  	lr =	sadd.s32 s0, s3;
	s0 =	sld [smem:$0x3FAB]  }
0x30: {  	s3 =	sld [smem:$0x3FAE]  }
0x31: {  	[smem:$0x3FB7] =	sst s10  }
0x32: {  	s10 =	sld [smem:$0x3FB5];
	_ =	sdelay $0x3  }
0x33: {  	p0 =	seq.s32 s10, $0x1;
	s10 =	sld [smem:$0x3FB7];
	_ =	sdelay $0x3  }
0x34: {  	[smem:$0x3FB7] =	sst s10  }
0x35: {  	s10 =	sld [smem:$0x3FB6];
	_ =	sdelay $0x3  }
0x36: {  	p1 =	seq.s32 s10, $0x1;
	s10 =	sld [smem:$0x3FB7];
	_ =	sdelay $0x3  }
0x37: {  	[smem:$0x3FB7] =	sst s10  }
0x38: {  	s10 =	sld [smem:$0x3FB8]  }
0x39: {  	_ = 	snop;
	(pc) =	sbr.ind lr, $3  }
0x3a: {  	_ = 	snop  }
0x3b: {  	_ = 	snop  }
0x3c: {  	p2 =	seq.s32 s10, $0x1;
	s10 =	sld [smem:$0x3FB7]  }
0x3d: {  	_ =	shalt  }
0x3e: {  	_ =	shalt  }
0x3f: {  	_ =	shalt  }
0x40: {  	_ =	shalt  }
0x41: {  	_ =	shalt  }
0x42: {  	_ =	shalt  }
0x43: {  	_ =	shalt  }
0x44: {  	_ =	shalt  }
0x45: {  	_ =	shalt  }
0x46: {  	_ =	shalt  }
0x47: {  	_ =	shalt  }
0x48: {  	_ =	shalt  }
0x49: {  	_ =	shalt  }
0x4a: {  	_ =	shalt  }
0x4b: {  	_ =	shalt  }
0x4c: {  	_ =	shalt  }
0x4d: {  	_ =	shalt  }
0x4e: {  	_ =	shalt  }
0x4f: {  	_ =	shalt  }
0x50: {  	_ =	shalt  }
0x51: {  	_ =	shalt  }
0x52: {  	_ =	shalt  }
0x53: {  	_ =	shalt  }
0x54: {  	_ =	shalt  }
0x55: {  	_ =	shalt  }
0x56: {  	_ =	shalt  }
0x57: {  	_ =	shalt  }
0x58: {  	_ =	shalt  }
0x59: {  	_ =	shalt  }
0x5a: {  	_ =	shalt  }
0x5b: {  	_ =	shalt  }
0x5c: {  	_ =	shalt  }
0x5d: {  	_ =	shalt  }
0x5e: {  	_ =	shalt  }
0x5f: {  	_ =	shalt  }
0x60: {  	_ =	shalt  }
0x61: {  	_ =	shalt  }
0x62: {  	_ =	shalt  }
0x63: {  	_ =	shalt  }
0x64: {  	_ =	shalt  }
0x65: {  	_ =	shalt  }
0x66: {  	_ =	shalt  }
0x67: {  	_ =	shalt  }
0x68: {  	_ =	shalt  }
0x69: {  	_ =	shalt  }
0x6a: {  	_ =	shalt  }
0x6b: {  	_ =	shalt  }
0x6c: {  	_ =	shalt  }
0x6d: {  	_ =	shalt  }
0x6e: {  	_ =	shalt  }
0x6f: {  	_ =	shalt  }
0x70: {  	_ =	shalt  }
0x71: {  	_ =	shalt  }
0x72: {  	_ =	shalt  }
0x73: {  	_ =	shalt  }
0x74: {  	_ =	shalt  }
0x75: {  	_ =	shalt  }
0x76: {  	_ =	shalt  }
0x77: {  	_ =	shalt  }
0x78: {  	_ =	shalt  }
0x79: {  	_ =	shalt  }
0x7a: {  	_ =	shalt  }
0x7b: {  	_ =	shalt  }
0x7c: {  	_ =	shalt  }
0x7d: {  	_ =	shalt  }
0x7e: {  	_ =	shalt  }
0x7f: {  	_ =	shalt  }
0x80: {  	_ =	shalt  }
0x81: {  	_ =	shalt  }
0x82: {  	_ =	shalt  }
0x83: {  	_ =	shalt  }
0x84: {  	_ =	shalt  }
0x85: {  	_ =	shalt  }
0x86: {  	_ =	shalt  }
0x87: {  	_ =	shalt  }
.Lfunc_end0:
.L_simem_size_0:
called_computation_lowered:
.L_overlay_start_0:
0x88: {  	s2 =	sld [smem:$0x3FD9]  }
0x89: {  	s3 =	sld [smem:$0x3FFE];
	_ =	sdelay $0x1  }
0x8a: {  	s1 =	srdreg.scid  }
0x8b: {  	s0 =	sand.u32 $0x1, s1  }
0x8c: {  	s15 =	sshll.u32 s0, $0xA;
	s2 =	sadd.s32 s3, s2  }
0x8d: {  	s2 =	sadd.s32 s2, s15  }
0x8e: {  	[smem:$0x3FC3] =	sst s2  }
0x8f: {  	_ = 	snop  }
0x90: {  	s2 =	sld [smem:$0x3FC9]  }
0x91: {  	s16 =	sld [smem:$0x3FC8]  }
0x92: {  	s4 =	sld [smem:$0x3FD0]  }
0x93: {  	s5 =	sld [smem:$0x3FC7]  }
0x94: {  	s6 =	sld [smem:$0x3FC6]  }
0x95: {  	s8 =	simm.s32 $0xA;
	s9 =	simm.s32 $0x10;
	s7 =	sld [smem:$0x3FC5]  }
0x96: {  	[smem:s9], [sflag:s8] =	dma.local [hbm:s4], $0x1  }
0x97: {  	_ =	swait.eq [sflag:s8], $0x1  }
0x98: {  	s17 =	sld [smem:$0x10]  }
0x99: {  	s18 =	sld [smem:$0x11];
	[sflag:s8] =	ssyncset.done $0x0  }
0x9a: {  	s10 =	sld [smem:$0x12];
	[sflag:s8] =	ssyncadd.s32 $0xFFFFFFFF  }
0x9b: {  	s19 =	sld [smem:$0x13];
	(tm) =	ssettm $0x1  }
0x9c: {  	s11 =	sld [smem:$0x3FFB];
	_ =	sdelay $0x3  }
0x9d: {  	_ =	strace s11  }
0x9e: {  	s11 =	sld [smem:$0x3FFC];
	_ =	sdelay $0x3  }
0x9f: {  	_ =	strace s11  }
0xa0: {  	s11 =	sld [smem:$0x3FFD];
	_ =	sdelay $0x3  }
0xa1: {  	_ =	strace s11  }
0xa2: {  	_ =	strace $0x8FFFFFFF  }
0xa3: {  	s20 =	sld [smem:$0x3FDB];
	_ =	sdelay $0x1  }
0xa4: {  	s12 =	simm.s32 $_scs_section_size  }
0xa5: {  	s13 =	simm.s32 $_size__tile_overlayer_lowered;
	s14 =	simm.s32 $_tile_overlayer_lowered  }
0xa6: {  	s23 =	simm.s32 $0x1BFF;
	s22 =	sshll.u32 s14, $0x1;
	s11 =	sadd.s32 s12, s20  }
0xa7: {  	s21 =	sshll.u32 s13, $0x1;
	s15 =	simm.s32 $0x0;
	s13 =	sadd.s32 s22, s11  }
0xa8: {  	[timem:s15], [sflag:s23] =	dma.local [hbm:s13], s21  }
0xa9: {  	_ =	swait.ge [sflag:s23], s21  }
0xaa: {  	s12 =	ssub.s32 $0x0, s21;
	[sflag:s23] =	ssyncset.done $0x0  }
0xab: {  	[sflag:s23] =	ssyncadd.s32 s12;
	_ =	sdelay $0x1  }
0xac: {  	s24 =	simm.s32 $0x1B8B  }
0xad: {  	_ =	swait.ge [sflag:s24], $0x1  }
0xae: {  	[sflag:s24] =	ssyncset.done $0x0  }
0xaf: {  	s25 =	simm.s32 $0x1B8E;
	[sflag:s24] =	ssyncadd.s32 $0xFFFFFFFF  }
0xb0: {  	s26 =	simm.s32 $execute0_lowered;
	[smem:$0x3FD2] =	sst s25  }
0xb1: {  	s12 =	sshll.u32 s26, $0x1;
	_ =	strace $0x80000046;
	[dreg:$0x1] =	wrdreg $0xFFFFFFFF  }
0xb2: {  	s28 =	simm.s32 $_size_execute0_lowered;
	s11 =	sadd.s32 s11, s12;
	[dreg:$0x0] =	wrdreg $0x0  }
0xb3: {  	s12 =	sshll.u32 s28, $0x1;
	[dreg:$0x2] =	wrdreg s11  }
0xb4: {  	[dreg:$0x3] =	wrdreg s12  }
0xb5: {  	[dreg:$0x4] =	wrdreg $0xC0  }
0xb6: {  	_ =	task [dreg:s15], $0x5FFFF  }
0xb7: {  	[dreg:$0x1] =	wrdreg $0xFFFFFFFF  }
0xb8: {  	[dreg:$0x0] =	wrdreg $0x60  }
0xb9: {  	[dreg:$0x2] =	wrdreg s2  }
0xba: {  	[dreg:$0x3] =	wrdreg s16  }
0xbb: {  	[dreg:$0x4] =	wrdreg s5  }
0xbc: {  	[dreg:$0x5] =	wrdreg s6  }
0xbd: {  	[dreg:$0x6] =	wrdreg s7  }
0xbe: {  	[dreg:$0x7] =	wrdreg s17  }
0xbf: {  	[dreg:$0x8] =	wrdreg s18  }
0xc0: {  	[dreg:$0x9] =	wrdreg s10  }
0xc1: {  	[dreg:$0xa] =	wrdreg s19  }
0xc2: {  	[dreg:$0xb] =	wrdreg $0x9  }
0xc3: {  	_ =	task.clear_ibuf [dreg:s15], $0xCFFFF;
	_ =	strace $0x90000046  }
0xc4: {  	s29 =	simm.s32 $0x9;
	_ =	strace $0x80000048  }
0xc5: {  	_ =	swait.ge [sflag:s29], $0x1  }
0xc6: {  	[sflag:s29] =	ssyncadd.s32 $0xFFFFFFFF  }
0xc7: {  	_ =	strace $0x90000048  }
0xc8: {  	_ =	sfence  }
0xc9: {  	s30 =	sld [smem:$0x0];
	_ =	sdelay $0x2  }
0xca: {  	s31 =	sshll.u32 s1, $0xD;
	s1 =	sshrl.u32 s1, $0x2  }
0xcb: {  	s3 =	sand.u32 $0x4000, s31;
	s1 =	sadd.s32 s1, s30  }
0xcc: {  	s0 =	sor.u32 s3, s0;
	s1 =	sshll.u32 s1, $0x11  }
0xcd: {  	s0 =	sor.u32 s1, s0  }
0xce: {  	s0 =	sadd.s32 $0x8F2B, s0  }
0xcf: {  	[sflag:s0] =	ssyncadd.remote.s32 $0x1  }
0xd0: {  	_ =	sfence.sel $0xFFFF  }
0xd1: {  	[dreg:$0x0] =	wrdreg $0xFFFFFFFF;
	(pc) =	sbr.abs _section_cstart, $3  }
0xd2: {  	[dreg:$0x1] =	wrdreg $0xFFFFFFFF  }
0xd3: {  	_ =	task.clear_ibuf [dreg:s15], $0x2FFFF;
	_ =	strace $0x9FFFFFFF  }
0xd4: {  	(tm) =	ssettm $0x7FFFFFFF  }
0xd5: {  	_ =	shalt  }
tec
execute0_lowered:
.L_overlay_start_1:
0x0: {  	(tag) =	ssettag $0x1  }
0x1: {  	s1 =	srdreg.scid;
	s12 =	stileid.u32  }
0x2: {  	s0 =	rddreg [dreg:$0x0];
	s3 =	sand.u32 $0x1, s1;
	s17 =	sshll.u32 s12, $0x1  }
0x3: {  	s2 =	rddreg [dreg:$0x1];
	s1 =	sor.u32 s3, s17  }
0x4: {  	s4 =	rddreg [dreg:$0x2];
	s8 =	smul.u32 $0xC350, s1  }
0x5: {  	s6 =	rddreg [dreg:$0x5]  }
0x6: {  	s7 =	rddreg [dreg:$0x6];
	s9 =	sshrl.u32 s8, $0x3  }
0x7: {  	s5 =	rddreg [dreg:$0x8];
	s1 =	simm.s32 $0x0;
	s11 =	sadd.s32 $0xFA, s9  }
0x8: {  	[smem:$0x7FF] =	sst s1;
	s19 =	sadd.s32 s0, s11  }
0x9: {  	s20 =	sadd.s32 s2, s11;
	[dreg:$0xa] =	wrdreg s19  }
0xa: {  	s21 =	sadd.s32 s4, s11;
	[dreg:$0xb] =	wrdreg s20  }
0xb: {  	s22 =	sadd.s32 s6, s11;
	[dreg:$0xc] =	wrdreg s21  }
0xc: {  	s13 =	sadd.s32 s7, s11;
	[dreg:$0xd] =	wrdreg s22  }
0xd: {  	s23 =	sadd.s32 $0x1F4, s9;
	s11 =	sadd.s32 s5, s11;
	[dreg:$0xe] =	wrdreg s13  }
0xe: {  	s24 =	sadd.s32 s0, s23;
	[dreg:$0xf] =	wrdreg s11  }
0xf: {  	s10 =	ssub.s32 $0x2, s3;
	s25 =	sadd.s32 s2, s23;
	[dreg:$0x10] =	wrdreg s24  }
0x10: {  	s18 =	sshrl.u32 s10, $0x1;
	s26 =	sadd.s32 s4, s23;
	[dreg:$0x11] =	wrdreg s25  }
0x11: {  	s8 =	ssub.s32 s10, s18;
	s14 =	sadd.s32 s7, s23;
	[dreg:$0x12] =	wrdreg s26  }
0x12: {  	s15 =	sadd.s32 $0x2EE, s9;
	s10 =	sadd.s32 s5, s23;
	[dreg:$0x14] =	wrdreg s14  }
0x13: {  	s16 =	sadd.s32 s0, s15;
	[dreg:$0x15] =	wrdreg s10  }
0x14: {  	s17 =	sadd.s32 s2, s15;
	[dreg:$0x16] =	wrdreg s16  }
0x15: {  	s18 =	sadd.s32 s4, s15;
	[dreg:$0x17] =	wrdreg s17  }
0x16: {  	s13 =	sadd.s32 s6, s23;
	[dreg:$0x18] =	wrdreg s18  }
0x17: {  	s19 =	sadd.s32 s6, s15;
	[dreg:$0x13] =	wrdreg s13  }
0x18: {  	s20 =	sadd.s32 s7, s15;
	[dreg:$0x19] =	wrdreg s19  }
0x19: {  	s21 =	sadd.s32 $0x3E8, s9;
	s10 =	sadd.s32 s5, s15;
	[dreg:$0x1a] =	wrdreg s20  }
0x1a: {  	[dreg:$0x1b] =	wrdreg s10;
	s22 =	sadd.s32 s0, s21  }
0x1b: {  	s23 =	sadd.s32 s2, s21;
	[dreg:$0x1c] =	wrdreg s22  }
0x1c: {  	s24 =	sadd.s32 s4, s21;
	[dreg:$0x1d] =	wrdreg s23  }
0x1d: {  	s25 =	sadd.s32 s6, s21;
	[dreg:$0x1e] =	wrdreg s24  }
0x1e: {  	s14 =	sadd.s32 s7, s21;
	[dreg:$0x1f] =	wrdreg s25  }
0x1f: {  	s26 =	sadd.s32 $0x4E2, s9;
	s11 =	sadd.s32 s5, s21;
	[smem:$0x78D] =	sst s14  }
0x20: {  	s15 =	sadd.s32 s0, s26;
	[smem:$0x78E] =	sst s11  }
0x21: {  	s16 =	sadd.s32 s2, s26;
	[smem:$0x78F] =	sst s15  }
0x22: {  	s17 =	sadd.s32 s4, s26;
	[smem:$0x790] =	sst s16  }
0x23: {  	s18 =	sadd.s32 s6, s26;
	[smem:$0x791] =	sst s17  }
0x24: {  	s19 =	sadd.s32 s7, s26;
	[smem:$0x792] =	sst s18  }
0x25: {  	s10 =	sadd.s32 s5, s26;
	s20 =	sadd.s32 $0x5DC, s9;
	[smem:$0x793] =	sst s19  }
0x26: {  	[smem:$0x794] =	sst s10;
	s21 =	sadd.s32 s0, s20  }
0x27: {  	s22 =	sadd.s32 s2, s20;
	[smem:$0x795] =	sst s21  }
0x28: {  	s23 =	sadd.s32 s4, s20;
	[smem:$0x796] =	sst s22  }
0x29: {  	s24 =	sadd.s32 s6, s20;
	[smem:$0x797] =	sst s23  }
0x2a: {  	s25 =	sadd.s32 s7, s20;
	[smem:$0x798] =	sst s24  }
0x2b: {  	s26 =	sadd.s32 $0x6D6, s9;
	s10 =	sadd.s32 s5, s20;
	[smem:$0x799] =	sst s25  }
0x2c: {  	s13 =	sadd.s32 s0, s26;
	[smem:$0x79A] =	sst s10  }
0x2d: {  	s14 =	sadd.s32 s2, s26;
	[smem:$0x79B] =	sst s13  }
0x2e: {  	s15 =	sadd.s32 s4, s26;
	[smem:$0x79C] =	sst s14  }
0x2f: {  	s16 =	sadd.s32 s6, s26;
	[smem:$0x79D] =	sst s15  }
0x30: {  	s18 =	sadd.s32 s7, s26;
	[smem:$0x79E] =	sst s16  }
0x31: {  	s17 =	sadd.s32 $0x7D0, s9;
	s11 =	sadd.s32 s5, s26;
	[smem:$0x79F] =	sst s18  }
0x32: {  	[smem:$0x7A0] =	sst s11;
	s19 =	sadd.s32 s0, s17  }
0x33: {  	s20 =	sadd.s32 s2, s17;
	[smem:$0x7A1] =	sst s19  }
0x34: {  	s21 =	sadd.s32 s4, s17;
	[smem:$0x7A2] =	sst s20  }
0x35: {  	s22 =	sadd.s32 s6, s17;
	[smem:$0x7A3] =	sst s21  }
0x36: {  	s23 =	sadd.s32 s7, s17;
	[smem:$0x7A4] =	sst s22  }
0x37: {  	s10 =	sadd.s32 s5, s17;
	s24 =	sadd.s32 $0x8CA, s9;
	[smem:$0x7A5] =	sst s23  }
0x38: {  	[smem:$0x7A6] =	sst s10;
	s25 =	sadd.s32 s0, s24  }
0x39: {  	s26 =	sadd.s32 s2, s24;
	[smem:$0x7A7] =	sst s25  }
0x3a: {  	s13 =	sadd.s32 s4, s24;
	[smem:$0x7A8] =	sst s26  }
0x3b: {  	s14 =	sadd.s32 s6, s24;
	[smem:$0x7A9] =	sst s13  }
0x3c: {  	s15 =	sadd.s32 s7, s24;
	[smem:$0x7AA] =	sst s14  }
0x3d: {  	s16 =	sadd.s32 $0x9C4, s9;
	s10 =	sadd.s32 s5, s24;
	[smem:$0x7AB] =	sst s15  }
0x3e: {  	s17 =	sadd.s32 s0, s16;
	[smem:$0x7AC] =	sst s10  }
0x3f: {  	s18 =	sadd.s32 s2, s16;
	[smem:$0x7AD] =	sst s17  }
0x40: {  	s19 =	sadd.s32 s4, s16;
	[smem:$0x7AE] =	sst s18  }
0x41: {  	s20 =	sadd.s32 s6, s16;
	[smem:$0x7AF] =	sst s19  }
0x42: {  	s22 =	sadd.s32 s7, s16;
	[smem:$0x7B0] =	sst s20  }
0x43: {  	s21 =	sadd.s32 $0xABE, s9;
	s11 =	sadd.s32 s5, s16;
	[smem:$0x7B1] =	sst s22  }
0x44: {  	[smem:$0x7B2] =	sst s11;
	s23 =	sadd.s32 s0, s21  }
0x45: {  	s24 =	sadd.s32 s2, s21;
	[smem:$0x7B3] =	sst s23  }
0x46: {  	s25 =	sadd.s32 s4, s21;
	[smem:$0x7B4] =	sst s24  }
0x47: {  	s26 =	sadd.s32 s6, s21;
	[smem:$0x7B5] =	sst s25  }
0x48: {  	s13 =	sadd.s32 s7, s21;
	[smem:$0x7B6] =	sst s26  }
0x49: {  	s10 =	sadd.s32 s5, s21;
	s14 =	sadd.s32 $0xBB8, s9;
	[smem:$0x7B7] =	sst s13  }
0x4a: {  	[smem:$0x7B8] =	sst s10;
	s15 =	sadd.s32 s0, s14  }
0x4b: {  	s16 =	sadd.s32 s2, s14;
	[smem:$0x7B9] =	sst s15  }
0x4c: {  	s17 =	sadd.s32 s4, s14;
	[smem:$0x7BA] =	sst s16  }
0x4d: {  	s18 =	sadd.s32 s6, s14;
	[smem:$0x7BB] =	sst s17  }
0x4e: {  	s19 =	sadd.s32 s7, s14;
	[smem:$0x7BC] =	sst s18  }
0x4f: {  	s20 =	sadd.s32 $0xCB2, s9;
	s10 =	sadd.s32 s5, s14;
	[smem:$0x7BD] =	sst s19  }
0x50: {  	s21 =	sadd.s32 s0, s20;
	[smem:$0x7BE] =	sst s10  }
0x51: {  	s22 =	sadd.s32 s2, s20;
	[smem:$0x7BF] =	sst s21  }
0x52: {  	s23 =	sadd.s32 s4, s20;
	[smem:$0x7C0] =	sst s22  }
0x53: {  	s24 =	sadd.s32 s6, s20;
	[smem:$0x7C1] =	sst s23  }
0x54: {  	s26 =	sadd.s32 s7, s20;
	[smem:$0x7C2] =	sst s24  }
0x55: {  	s25 =	sadd.s32 $0xDAC, s9;
	s11 =	sadd.s32 s5, s20;
	[smem:$0x7C3] =	sst s26  }
0x56: {  	[smem:$0x7C4] =	sst s11;
	s13 =	sadd.s32 s0, s25  }
0x57: {  	s14 =	sadd.s32 s2, s25;
	[smem:$0x7C5] =	sst s13  }
0x58: {  	s15 =	sadd.s32 s4, s25;
	[smem:$0x7C6] =	sst s14  }
0x59: {  	s16 =	sadd.s32 s6, s25;
	[smem:$0x7C7] =	sst s15  }
0x5a: {  	s17 =	sadd.s32 s7, s25;
	[smem:$0x7C8] =	sst s16  }
0x5b: {  	s10 =	sadd.s32 s5, s25;
	s18 =	sadd.s32 $0xEA6, s9;
	[smem:$0x7C9] =	sst s17  }
0x5c: {  	[smem:$0x7CA] =	sst s10;
	s19 =	sadd.s32 s0, s18  }
0x5d: {  	s20 =	sadd.s32 s2, s18;
	[smem:$0x7CB] =	sst s19  }
0x5e: {  	s21 =	sadd.s32 s4, s18;
	[smem:$0x7CC] =	sst s20  }
0x5f: {  	s22 =	sadd.s32 s6, s18;
	[smem:$0x7CD] =	sst s21  }
0x60: {  	s23 =	sadd.s32 s7, s18;
	[smem:$0x7CE] =	sst s22  }
0x61: {  	s24 =	sadd.s32 $0xFA0, s9;
	s10 =	sadd.s32 s5, s18;
	[smem:$0x7CF] =	sst s23  }
0x62: {  	s25 =	sadd.s32 s0, s24;
	[smem:$0x7D0] =	sst s10  }
0x63: {  	s26 =	sadd.s32 s2, s24;
	[smem:$0x7D1] =	sst s25  }
0x64: {  	s13 =	sadd.s32 s4, s24;
	[smem:$0x7D2] =	sst s26  }
0x65: {  	s14 =	sadd.s32 s6, s24;
	[smem:$0x7D3] =	sst s13  }
0x66: {  	s16 =	sadd.s32 s7, s24;
	[smem:$0x7D4] =	sst s14  }
0x67: {  	s15 =	sadd.s32 $0x109A, s9;
	s11 =	sadd.s32 s5, s24;
	[smem:$0x7D5] =	sst s16  }
0x68: {  	[smem:$0x7D6] =	sst s11;
	s17 =	sadd.s32 s0, s15  }
0x69: {  	s18 =	sadd.s32 s2, s15;
	[smem:$0x7D7] =	sst s17  }
0x6a: {  	s19 =	sadd.s32 s4, s15;
	[smem:$0x7D8] =	sst s18  }
0x6b: {  	s20 =	sadd.s32 s6, s15;
	[smem:$0x7D9] =	sst s19  }
0x6c: {  	s21 =	sadd.s32 s7, s15;
	[smem:$0x7DA] =	sst s20  }
0x6d: {  	s10 =	sadd.s32 s5, s15;
	s22 =	sadd.s32 $0x1194, s9;
	[smem:$0x7DB] =	sst s21  }
0x6e: {  	[smem:$0x7DC] =	sst s10;
	s23 =	sadd.s32 s0, s22  }
0x6f: {  	s24 =	sadd.s32 s2, s22;
	[smem:$0x7DD] =	sst s23  }
0x70: {  	s25 =	sadd.s32 s4, s22;
	[smem:$0x7DE] =	sst s24  }
0x71: {  	s26 =	sadd.s32 s6, s22;
	[smem:$0x7DF] =	sst s25  }
0x72: {  	s13 =	sadd.s32 s7, s22;
	[smem:$0x7E0] =	sst s26  }
0x73: {  	s14 =	sadd.s32 $0x128E, s9;
	s10 =	sadd.s32 s5, s22;
	[smem:$0x7E1] =	sst s13  }
0x74: {  	s15 =	sadd.s32 s0, s14;
	[smem:$0x7E2] =	sst s10  }
0x75: {  	s16 =	sadd.s32 s2, s14;
	[smem:$0x7E3] =	sst s15  }
0x76: {  	s17 =	sadd.s32 s4, s14;
	[smem:$0x7E4] =	sst s16  }
0x77: {  	s18 =	sadd.s32 s6, s14;
	[smem:$0x7E5] =	sst s17  }
0x78: {  	s20 =	sadd.s32 s7, s14;
	[smem:$0x7E6] =	sst s18  }
0x79: {  	s19 =	sadd.s32 $0x1388, s9;
	s11 =	sadd.s32 s5, s14;
	[smem:$0x7E7] =	sst s20  }
0x7a: {  	[smem:$0x7E8] =	sst s11;
	s21 =	sadd.s32 s0, s19  }
0x7b: {  	s22 =	sadd.s32 s2, s19;
	[smem:$0x7E9] =	sst s21  }
0x7c: {  	s23 =	sadd.s32 s4, s19;
	[smem:$0x7EA] =	sst s22  }
0x7d: {  	s24 =	sadd.s32 s6, s19;
	[smem:$0x7EB] =	sst s23  }
0x7e: {  	s25 =	sadd.s32 s7, s19;
	[smem:$0x7EC] =	sst s24  }
0x7f: {  	s10 =	sadd.s32 s5, s19;
	s26 =	sadd.s32 $0x1482, s9;
	[smem:$0x7ED] =	sst s25  }
0x80: {  	[smem:$0x7EE] =	sst s10;
	s13 =	sadd.s32 s0, s26  }
0x81: {  	s14 =	sadd.s32 s2, s26;
	[smem:$0x7EF] =	sst s13  }
0x82: {  	s15 =	sadd.s32 s4, s26;
	[smem:$0x7F0] =	sst s14  }
0x83: {  	s16 =	sadd.s32 s6, s26;
	[smem:$0x7F1] =	sst s15  }
0x84: {  	s17 =	sadd.s32 s7, s26;
	[smem:$0x7F2] =	sst s16  }
0x85: {  	s18 =	sadd.s32 $0x157C, s9;
	s10 =	sadd.s32 s5, s26;
	[smem:$0x7F3] =	sst s17  }
0x86: {  	s19 =	sadd.s32 s0, s18;
	[smem:$0x7F4] =	sst s10  }
0x87: {  	s20 =	sadd.s32 s2, s18;
	[smem:$0x7F5] =	sst s19  }
0x88: {  	s21 =	sadd.s32 s4, s18;
	[smem:$0x7F6] =	sst s20  }
0x89: {  	s22 =	sadd.s32 s6, s18;
	[smem:$0x7F7] =	sst s21  }
0x8a: {  	p0 =	sne.s32 s3, $0x0;
	s24 =	sadd.s32 s7, s18;
	[smem:$0x7F8] =	sst s22  }
0x8b: {  	s3 =	smax.u32 s8, $0x1;
	s11 =	sadd.s32 s5, s18;
	[smem:$0x7F9] =	sst s24  }
0x8c: {  	s8 =	simm.s32 $0x1E00;
	s23 =	sadd.s32 $0x1676, s9;
	[smem:$0x7FA] =	sst s11  }
0x8d: {  	s25 =	sadd.s32 s0, s23;
	s26 =	sadd.s32 s2, s23;
	s13 =	sadd.s32 s4, s23  }
0x8e: {  	s17 =	sadd.s32 s6, s23;
	s18 =	sadd.s32 s7, s23;
	s19 =	sadd.s32 s5, s23  }
0x8f: {  	s20 =	sadd.s32 s0, s9;
	s21 =	sadd.s32 s2, s9;
	s22 =	sadd.s32 s4, s9  }
0x90: {  	s23 =	sadd.s32 s6, s9;
	s24 =	sadd.s32 s7, s9;
	s14 =	rddreg [dreg:$0x7]  }
0x91: {  	s15 =	sshll.u32 s12, $0x4;
	s16 =	smul.u32 $0xC35, s12;
	[smem:$0x7FB] =	sst s25  }
0x92: {  	s10 =	simm.s32 $0x2E00;
	s11 =	simm.s32 $0x3600;
	[smem:$0x7FC] =	sst s26  }
0x93: {  	[smem:$0x7FD] =	sst s13;
	s25 =	sadd.s32 s5, s9;
	s9 =	sadd.s32 $0x1770, s9  }
0x94: {  	s26 =	sadd.s32 s0, s9;
	s28 =	sadd.s32 s2, s9;
	s29 =	sadd.s32 s4, s9  }
0x95: {  	s30 =	sadd.s32 s6, s9;
	s31 =	sadd.s32 s7, s9;
	s0 =	sadd.s32 s5, s9  }
0x96: {  	s2 =	sadd.s32 s14, s15;
	_ =	strace $0x80000047;
	s4 =	sshll.u32 s12, $0x5  }
0x97: {  	s5 =	simm.s32 $0x1;
	s6 =	simm.s32 $0xE00;
	s7 =	simm.s32 $0x1600  }
0x98: {  	v1 =	vimm.s32 $0x0;
	v2 =	vimm.s32 $0x1;
	s9 =	simm.s32 $0x2600;
	v0 =	vmov s16;
	s12 =	simm.s32 $0x0;
	s4 =	sshrl.u32 @!p0 s4, $0x2  }
.LBB2_1:
0x99: {  	s13 =	simm.s32 $0x40;
	s14 =	simm.s32 $0x0  }
.LBB2_2:
0x9a: {  	p1 =	sne.s32 s13, $0x30C0;
	[tilespmem:s14+$0x0] =	vst v1;
	s14 =	smov.u32 s13;
	s13 =	sadd.s32 $0x40, s13  }
.Ltmp0:
0x9b: {  	(pc) =	sbr.rel @p1 .LBB2_2-.Ltmp0, $2  }
0x9c: {  	_ =	sdelay $0x2  }
0x9d: {  	s14 =	sshra.s32 s14, $0x2  }
0x9e: {  	[tilespmem:s14+$0x0] =	vst v1;
	s13 =	simm.s32 $0x0;
	s16 =	rddreg [dreg:$0x3];
	s15 =	simm.s32 $0xC80  }
0x9f: {  	[tilespmem:s15], [sflag:$0x1] =	stream.linear.gather [hbm4b:s16+s13], $0x80, $0x38;
	[tilespmem:$0x3E80] =	vst v63  }
0xa0: {  	_ =	swait.ge [sflag:s5], $0x80  }
0xa1: {  	[sflag:s5] =	ssyncset.done $0x0  }
0xa2: {  	[sflag:s5] =	ssyncadd.s32 $0xFFFFFF80  }
0xa3: {  	v3 =	vld [tilespmem:$0xC80];
	_ =	sdelay $0x4  }
0xa4: {  	v3 =	vsub.s32 v3, v0  }
0xa5: {  	vm0 =	vgt.s32 v3, $0x0  }
0xa6: {  	vm1 =	vlt.u32 v3, $0xC35;
	v3 =	vnsel vm0, $0x0, v3  }
0xa7: {  	v3 =	vmin.u32 v3, $0xC3F;
	_ =	sdelay $0x4  }
0xa8: {  	[tilespmem:v3+s13+$0x0] =	vst.idx.msk vm1, v2  }
0xa9: {  	v3 =	vld [tilespmem:$0xC90];
	_ =	sdelay $0x4  }
0xaa: {  	v3 =	vsub.s32 v3, v0  }
0xab: {  	vm5 =	vgt.s32 v3, $0x0  }
0xac: {  	vm6 =	vlt.u32 v3, $0xC35;
	v3 =	vnsel vm5, $0x0, v3  }
0xad: {  	v3 =	vmin.u32 v3, $0xC3F;
	_ =	sdelay $0x4  }
0xae: {  	[tilespmem:v3+s13+$0x0] =	vst.idx.msk vm6, v2  }
0xaf: {  	v3 =	vld [tilespmem:$0xCA0];
	_ =	sdelay $0x4  }
0xb0: {  	v3 =	vsub.s32 v3, v0  }
0xb1: {  	vm7 =	vgt.s32 v3, $0x0  }
0xb2: {  	vm8 =	vlt.u32 v3, $0xC35;
	v3 =	vnsel vm7, $0x0, v3  }
0xb3: {  	v3 =	vmin.u32 v3, $0xC3F;
	_ =	sdelay $0x4  }
0xb4: {  	[tilespmem:v3+s13+$0x0] =	vst.idx.msk vm8, v2  }
0xb5: {  	v3 =	vld [tilespmem:$0xCB0];
	_ =	sdelay $0x4  }
0xb6: {  	v3 =	vsub.s32 v3, v0  }
0xb7: {  	vm9 =	vgt.s32 v3, $0x0  }
0xb8: {  	vm10 =	vlt.u32 v3, $0xC35;
	v3 =	vnsel vm9, $0x0, v3  }
0xb9: {  	v3 =	vmin.u32 v3, $0xC3F;
	_ =	sdelay $0x4  }
0xba: {  	[tilespmem:v3+s13+$0x0] =	vst.idx.msk vm10, v2  }
0xbb: {  	[tilespmem:s6], [sflag:$0x1] =	stream.linear.gather [hbm4b:s20+s13], $0x7D0, $0x38;
	[tilespmem:$0x3E80] =	vst v63  }
0xbc: {  	_ =	swait.ge [sflag:s5], $0x7D0  }
0xbd: {  	[sflag:s5] =	ssyncset.done $0x0  }
0xbe: {  	[sflag:s5] =	ssyncadd.s32 $0xFFFFF830  }
0xbf: {  	[tilespmem:s7], [sflag:$0x1] =	stream.linear.gather [hbm4b:s21+s13], $0x7D0, $0x38;
	[tilespmem:$0x3E80] =	vst v63  }
0xc0: {  	_ =	swait.ge [sflag:s5], $0x7D0  }
0xc1: {  	[sflag:s5] =	ssyncset.done $0x0  }
0xc2: {  	[sflag:s5] =	ssyncadd.s32 $0xFFFFF830  }
0xc3: {  	[tilespmem:s8], [sflag:$0x1] =	stream.linear.gather [hbm4b:s22+s13], $0x7D0, $0x38;
	[tilespmem:$0x3E80] =	vst v63  }
0xc4: {  	_ =	swait.ge [sflag:s5], $0x7D0  }
0xc5: {  	[sflag:s5] =	ssyncset.done $0x0  }
0xc6: {  	s14 =	simm.s32 $0x0;
	[sflag:s5] =	ssyncadd.s32 $0xFFFFF830  }
0xc7: {  	v3 =	vld [tilespmem:s14+$0xE00]  }
0xc8: {  	v4 =	vld [tilespmem:s14+$0x1600];
	_ =	sdelay $0x3  }
0xc9: {  	v3 =	vsub.s32 v3, v0  }
0xca: {  	v4 =	vsub.s32 v4, v0;
	vm11 =	vgt.s32 v3, $0x0  }
0xcb: {  	vm12 =	vgt.s32 v4, $0x0;
	v3 =	vnsel vm11, $0x0, v3  }
0xcc: {  	v4 =	vnsel vm12, $0x0, v4;
	v3 =	vmin.u32 v3, $0xC3F  }
0xcd: {  	v4 =	vmin.u32 v4, $0xC3F  }
0xce: {  	s13 =	simm.s32 $0x10  }
0xcf: {  	v5 =	vld [tilespmem:s13+$0xE00]  }
0xd0: {  	v6 =	vld [tilespmem:s13+$0x1600]  }
0xd1: {  	v3 =	vld.idx.msk [tilespmem:v3+s1+$0x0], $0xffff  }
0xd2: {  	v4 =	vld.idx.msk [tilespmem:v4+s1+$0x0], $0xffff;
	_ =	sdelay $0x2  }
0xd3: {  	v5 =	vsub.s32 v5, v0  }
0xd4: {  	v7 =	vld [tilespmem:s14+$0x1E00];
	v6 =	vsub.s32 v6, v0;
	vm13 =	vgt.s32 v5, $0x0  }
0xd5: {  	vm14 =	vgt.s32 v6, $0x0;
	v5 =	vnsel vm13, $0x0, v5;
	[tilespmem:s14+$0x2600] =	vst v3;
	v3 =	vadd.s32 v3, v4  }
0xd6: {  	v6 =	vnsel vm14, $0x0, v6;
	vm15 =	vgt.s32 v3, $0x0;
	v3 =	vmin.u32 v5, $0xC3F  }
0xd7: {  	[tilespmem:s14+$0x2E00] =	vst v4;
	v4 =	vmin.u32 v6, $0xC3F  }
0xd8: {  	s15 =	simm.s32 $0x20  }
0xd9: {  	s16 =	simm.s32 $0xC0;
	v5 =	vld [tilespmem:s15+$0xE00];
	v6 =	vnsel vm15, $0x0, v7  }
.LBB2_4:
0xda: {  	p1 =	sne.s32 s16, $0x1F00;
	v7 =	vld [tilespmem:s15+$0x1600];
	[tilespmem:s14+$0x3600] =	vst v6;
	s14 =	smov.u32 s13;
	s13 =	smov.u32 s15  }
0xdb: {  	v6 =	vld.idx.msk [tilespmem:v3+s1+$0x0], $0xffff  }
0xdc: {  	v8 =	vld.idx.msk [tilespmem:v4+s1+$0x0], $0xffff;
	_ =	sdelay $0x1  }
0xdd: {  	v3 =	vsub.s32 v5, v0  }
0xde: {  	vm0 =	vgt.s32 v3, $0x0;
	v4 =	vsub.s32 v7, v0;
	v7 =	vld [tilespmem:s14+$0x1E00]  }
.Ltmp1:
0xdf: {  	v3 =	vnsel vm0, $0x0, v3;
	vm0 =	vgt.s32 v4, $0x0;
	(pc) =	sbr.rel @p1 .LBB2_4-.Ltmp1, $4  }
0xe0: {  	v3 =	vmin.u32 v3, $0xC3F;
	v4 =	vnsel vm0, $0x0, v4;
	[tilespmem:s14+$0x2600] =	vst v6  }
0xe1: {  	v5 =	vadd.s32 v6, v8;
	v4 =	vmin.u32 v4, $0xC3F;
	[tilespmem:s14+$0x2E00] =	vst v8  }
0xe2: {  	s15 =	sshra.s32 s16, $0x2;
	vm0 =	vgt.s32 v5, $0x0  }
0xe3: {  	s16 =	sadd.s32 $0x40, s16;
	v5 =	vld [tilespmem:s15+$0xE00];
	v6 =	vnsel vm0, $0x0, v7  }
0xe4: {  	_ =	sdelay $0x1  }
0xe5: {  	v7 =	vld [tilespmem:s15+$0x1600]  }
0xe6: {  	[tilespmem:s14+$0x3600] =	vst v6  }
0xe7: {  	v3 =	vld.idx.msk [tilespmem:v3+s1+$0x0], $0xffff  }
0xe8: {  	v4 =	vld.idx.msk [tilespmem:v4+s1+$0x0], $0xffff  }
0xe9: {  	v5 =	vsub.s32 v5, v0  }
0xea: {  	vm0 =	vgt.s32 v5, $0x0;
	v6 =	vsub.s32 v7, v0;
	v7 =	vld [tilespmem:s13+$0x1E00]  }
0xeb: {  	v5 =	vnsel vm0, $0x0, v5;
	vm9 =	vgt.s32 v6, $0x0  }
0xec: {  	v5 =	vmin.u32 v5, $0xC3F;
	v6 =	vnsel vm9, $0x0, v6  }
0xed: {  	v8 =	vadd.s32 v3, v4;
	v6 =	vmin.u32 v6, $0xC3F  }
0xee: {  	[tilespmem:s13+$0x2600] =	vst v3;
	vm10 =	vgt.s32 v8, $0x0  }
0xef: {  	[tilespmem:s13+$0x2E00] =	vst v4;
	v3 =	vnsel vm10, $0x0, v7  }
0xf0: {  	[tilespmem:s13+$0x3600] =	vst v3  }
0xf1: {  	v3 =	vld.idx.msk [tilespmem:v5+s1+$0x0], $0xffff  }
0xf2: {  	v4 =	vld.idx.msk [tilespmem:v6+s1+$0x0], $0xffff;
	_ =	sdelay $0x1  }
0xf3: {  	v5 =	vld [tilespmem:s15+$0x1E00];
	_ =	sdelay $0x2  }
0xf4: {  	v6 =	vadd.s32 v3, v4  }
0xf5: {  	[tilespmem:s15+$0x2600] =	vst v3;
	vm11 =	vgt.s32 v6, $0x0  }
0xf6: {  	[tilespmem:s15+$0x2E00] =	vst v4;
	v3 =	vnsel vm11, $0x0, v5  }
0xf7: {  	s13 =	simm.s32 $0x0;
	[tilespmem:s15+$0x3600] =	vst v3  }
0xf8: {  	[hbm4b:s23+s13] =	stream.linear.scatter [tilespmem:s9], [sflag:$0x1], $0x7D0, $0x38;
	[tilespmem:$0x3E80] =	vst v63  }
0xf9: {  	_ =	swait.ge [sflag:s5], $0x7D0  }
0xfa: {  	[sflag:s5] =	ssyncset.done $0x0  }
0xfb: {  	[sflag:s5] =	ssyncadd.s32 $0xFFFFF830  }
0xfc: {  	[hbm4b:s24+s13] =	stream.linear.scatter [tilespmem:s10], [sflag:$0x1], $0x7D0, $0x38;
	[tilespmem:$0x3E80] =	vst v63  }
0xfd: {  	_ =	swait.ge [sflag:s5], $0x7D0  }
0xfe: {  	[sflag:s5] =	ssyncset.done $0x0  }
0xff: {  	[sflag:s5] =	ssyncadd.s32 $0xFFFFF830  }
0x100: {  	[hbm4b:s25+s13] =	stream.linear.scatter [tilespmem:s11], [sflag:$0x1], $0x7D0, $0x38;
	[tilespmem:$0x3E80] =	vst v63  }
0x101: {  	_ =	swait.ge [sflag:s5], $0x7D0  }
0x102: {  	[sflag:s5] =	ssyncset.done $0x0  }
0x103: {  	s16 =	rddreg [dreg:$0xa];
	[sflag:s5] =	ssyncadd.s32 $0xFFFFF830  }
0x104: {  	[tilespmem:s6], [sflag:$0x1] =	stream.linear.gather [hbm4b:s16+s13], $0x7D0, $0x38;
	[tilespmem:$0x3E80] =	vst v63  }
0x105: {  	_ =	swait.ge [sflag:s5], $0x7D0  }
0x106: {  	[sflag:s5] =	ssyncset.done $0x0  }
0x107: {  	s15 =	rddreg [dreg:$0xb];
	[sflag:s5] =	ssyncadd.s32 $0xFFFFF830  }
0x108: {  	[tilespmem:s7], [sflag:$0x1] =	stream.linear.gather [hbm4b:s15+s13], $0x7D0, $0x38;
	[tilespmem:$0x3E80] =	vst v63  }
0x109: {  	_ =	swait.ge [sflag:s5], $0x7D0  }
0x10a: {  	[sflag:s5] =	ssyncset.done $0x0  }
0x10b: {  	s16 =	rddreg [dreg:$0xc];
	[sflag:s5] =	ssyncadd.s32 $0xFFFFF830  }
0x10c: {  	[tilespmem:s8], [sflag:$0x1] =	stream.linear.gather [hbm4b:s16+s13], $0x7D0, $0x38;
	[tilespmem:$0x3E80] =	vst v63  }
0x10d: {  	_ =	swait.ge [sflag:s5], $0x7D0  }
0x10e: {  	[sflag:s5] =	ssyncset.done $0x0  }
0x10f: {  	s14 =	simm.s32 $0x0;
	[sflag:s5] =	ssyncadd.s32 $0xFFFFF830  }
0x110: {  	v3 =	vld [tilespmem:s14+$0xE00]  }
0x111: {  	v4 =	vld [tilespmem:s14+$0x1600];
	_ =	sdelay $0x3  }
0x112: {  	v3 =	vsub.s32 v3, v0  }
0x113: {  	v4 =	vsub.s32 v4, v0;
	vm12 =	vgt.s32 v3, $0x0  }
0x114: {  	vm13 =	vgt.s32 v4, $0x0;
	v3 =	vnsel vm12, $0x0, v3  }
0x115: {  	v4 =	vnsel vm13, $0x0, v4;
	v3 =	vmin.u32 v3, $0xC3F  }
0x116: {  	v4 =	vmin.u32 v4, $0xC3F  }
0x117: {  	s13 =	simm.s32 $0x10  }
0x118: {  	v5 =	vld [tilespmem:s13+$0xE00]  }
0x119: {  	v6 =	vld [tilespmem:s13+$0x1600]  }
0x11a: {  	v3 =	vld.idx.msk [tilespmem:v3+s1+$0x0], $0xffff  }
0x11b: {  	v4 =	vld.idx.msk [tilespmem:v4+s1+$0x0], $0xffff;
	_ =	sdelay $0x2  }
0x11c: {  	v5 =	vsub.s32 v5, v0  }
0x11d: {  	v7 =	vld [tilespmem:s14+$0x1E00];
	v6 =	vsub.s32 v6, v0;
	vm14 =	vgt.s32 v5, $0x0  }
0x11e: {  	vm1 =	vgt.s32 v6, $0x0;
	v5 =	vnsel vm14, $0x0, v5;
	[tilespmem:s14+$0x2600] =	vst v3;
	v3 =	vadd.s32 v3, v4  }
0x11f: {  	v6 =	vnsel vm1, $0x0, v6;
	vm15 =	vgt.s32 v3, $0x0;
	v3 =	vmin.u32 v5, $0xC3F  }
0x120: {  	[tilespmem:s14+$0x2E00] =	vst v4;
	v4 =	vmin.u32 v6, $0xC3F  }
0x121: {  	s15 =	simm.s32 $0x20  }
0x122: {  	s16 =	simm.s32 $0xC0;
	v5 =	vld [tilespmem:s15+$0xE00];
	v6 =	vnsel vm15, $0x0, v7  }
.LBB2_6:
0x123: {  	p1 =	sne.s32 s16, $0x1F00;
	v7 =	vld [tilespmem:s15+$0x1600];
	[tilespmem:s14+$0x3600] =	vst v6;
	s14 =	smov.u32 s13;
	s13 =	smov.u32 s15  }
0x124: {  	v6 =	vld.idx.msk [tilespmem:v3+s1+$0x0], $0xffff  }
0x125: {  	v8 =	vld.idx.msk [tilespmem:v4+s1+$0x0], $0xffff;
	_ =	sdelay $0x1  }
0x126: {  	v3 =	vsub.s32 v5, v0  }
0x127: {  	vm0 =	vgt.s32 v3, $0x0;
	v4 =	vsub.s32 v7, v0;
	v7 =	vld [tilespmem:s14+$0x1E00]  }
.Ltmp2:
0x128: {  	v3 =	vnsel vm0, $0x0, v3;
	vm0 =	vgt.s32 v4, $0x0;
	(pc) =	sbr.rel @p1 .LBB2_6-.Ltmp2, $4  }
0x129: {  	v3 =	vmin.u32 v3, $0xC3F;
	v4 =	vnsel vm0, $0x0, v4;
	[tilespmem:s14+$0x2600] =	vst v6  }
0x12a: {  	v5 =	vadd.s32 v6, v8;
	v4 =	vmin.u32 v4, $0xC3F;
	[tilespmem:s14+$0x2E00] =	vst v8  }
0x12b: {  	s15 =	sshra.s32 s16, $0x2;
	vm0 =	vgt.s32 v5, $0x0  }
0x12c: {  	s16 =	sadd.s32 $0x40, s16;
	v5 =	vld [tilespmem:s15+$0xE00];
	v6 =	vnsel vm0, $0x0, v7  }
0x12d: {  	_ =	sdelay $0x1  }
0x12e: {  	v7 =	vld [tilespmem:s15+$0x1600]  }
0x12f: {  	[tilespmem:s14+$0x3600] =	vst v6  }
0x130: {  	v3 =	vld.idx.msk [tilespmem:v3+s1+$0x0], $0xffff  }
0x131: {  	v4 =	vld.idx.msk [tilespmem:v4+s1+$0x0], $0xffff  }
0x132: {  	v5 =	vsub.s32 v5, v0  }
0x133: {  	vm0 =	vgt.s32 v5, $0x0;
	v6 =	vsub.s32 v7, v0;
	v7 =	vld [tilespmem:s13+$0x1E00]  }
0x134: {  	v5 =	vnsel vm0, $0x0, v5;
	vm9 =	vgt.s32 v6, $0x0  }
0x135: {  	v5 =	vmin.u32 v5, $0xC3F;
	v6 =	vnsel vm9, $0x0, v6  }
0x136: {  	v8 =	vadd.s32 v3, v4;
	v6 =	vmin.u32 v6, $0xC3F  }
0x137: {  	[tilespmem:s13+$0x2600] =	vst v3;
	vm10 =	vgt.s32 v8, $0x0  }
0x138: {  	[tilespmem:s13+$0x2E00] =	vst v4;
	v3 =	vnsel vm10, $0x0, v7  }
0x139: {  	[tilespmem:s13+$0x3600] =	vst v3  }
0x13a: {  	v3 =	vld.idx.msk [tilespmem:v5+s1+$0x0], $0xffff  }
0x13b: {  	v4 =	vld.idx.msk [tilespmem:v6+s1+$0x0], $0xffff;
	_ =	sdelay $0x1  }
0x13c: {  	v5 =	vld [tilespmem:s15+$0x1E00];
	_ =	sdelay $0x2  }
0x13d: {  	v6 =	vadd.s32 v3, v4  }
0x13e: {  	[tilespmem:s15+$0x2600] =	vst v3;
	vm11 =	vgt.s32 v6, $0x0  }
0x13f: {  	[tilespmem:s15+$0x2E00] =	vst v4;
	v3 =	vnsel vm11, $0x0, v5  }
0x140: {  	s13 =	simm.s32 $0x0;
	[tilespmem:s15+$0x3600] =	vst v3;
	s15 =	rddreg [dreg:$0xd]  }
0x141: {  	[hbm4b:s15+s13] =	stream.linear.scatter [tilespmem:s9], [sflag:$0x1], $0x7D0, $0x38;
	[tilespmem:$0x3E80] =	vst v63  }
0x142: {  	_ =	swait.ge [sflag:s5], $0x7D0  }
0x143: {  	[sflag:s5] =	ssyncset.done $0x0  }
0x144: {  	s16 =	rddreg [dreg:$0xe];
	[sflag:s5] =	ssyncadd.s32 $0xFFFFF830  }
0x145: {  	[hbm4b:s16+s13] =	stream.linear.scatter [tilespmem:s10], [sflag:$0x1], $0x7D0, $0x38;
	[tilespmem:$0x3E80] =	vst v63  }
0x146: {  	_ =	swait.ge [sflag:s5], $0x7D0  }
0x147: {  	[sflag:s5] =	ssyncset.done $0x0  }
0x148: {  	s15 =	rddreg [dreg:$0xf];
	[sflag:s5] =	ssyncadd.s32 $0xFFFFF830  }
0x149: {  	[hbm4b:s15+s13] =	stream.linear.scatter [tilespmem:s11], [sflag:$0x1], $0x7D0, $0x38;
	[tilespmem:$0x3E80] =	vst v63  }
0x14a: {  	_ =	swait.ge [sflag:s5], $0x7D0  }
0x14b: {  	[sflag:s5] =	ssyncset.done $0x0  }
0x14c: {  	s16 =	rddreg [dreg:$0x10];
	[sflag:s5] =	ssyncadd.s32 $0xFFFFF830  }
0x14d: {  	[tilespmem:s6], [sflag:$0x1] =	stream.linear.gather [hbm4b:s16+s13], $0x7D0, $0x38;
	[tilespmem:$0x3E80] =	vst v63  }
0x14e: {  	_ =	swait.ge [sflag:s5], $0x7D0  }
0x14f: {  	[sflag:s5] =	ssyncset.done $0x0  }
0x150: {  	s15 =	rddreg [dreg:$0x11];
	[sflag:s5] =	ssyncadd.s32 $0xFFFFF830  }
0x151: {  	[tilespmem:s7], [sflag:$0x1] =	stream.linear.gather [hbm4b:s15+s13], $0x7D0, $0x38;
	[tilespmem:$0x3E80] =	vst v63  }
0x152: {  	_ =	swait.ge [sflag:s5], $0x7D0  }
0x153: {  	[sflag:s5] =	ssyncset.done $0x0  }
0x154: {  	s16 =	rddreg [dreg:$0x12];
	[sflag:s5] =	ssyncadd.s32 $0xFFFFF830  }
0x155: {  	[tilespmem:s8], [sflag:$0x1] =	stream.linear.gather [hbm4b:s16+s13], $0x7D0, $0x38;
	[tilespmem:$0x3E80] =	vst v63  }
0x156: {  	_ =	swait.ge [sflag:s5], $0x7D0  }
0x157: {  	[sflag:s5] =	ssyncset.done $0x0  }
0x158: {  	s14 =	simm.s32 $0x0;
	[sflag:s5] =	ssyncadd.s32 $0xFFFFF830  }
0x159: {  	v3 =	vld [tilespmem:s14+$0xE00]  }
0x15a: {  	v4 =	vld [tilespmem:s14+$0x1600];
	_ =	sdelay $0x3  }
0x15b: {  	v3 =	vsub.s32 v3, v0  }
0x15c: {  	v4 =	vsub.s32 v4, v0;
	vm12 =	vgt.s32 v3, $0x0  }
0x15d: {  	vm13 =	vgt.s32 v4, $0x0;
	v3 =	vnsel vm12, $0x0, v3  }
0x15e: {  	v4 =	vnsel vm13, $0x0, v4;
	v3 =	vmin.u32 v3, $0xC3F  }
0x15f: {  	v4 =	vmin.u32 v4, $0xC3F  }
0x160: {  	s13 =	simm.s32 $0x10  }
0x161: {  	v5 =	vld [tilespmem:s13+$0xE00]  }
0x162: {  	v6 =	vld [tilespmem:s13+$0x1600]  }
0x163: {  	v3 =	vld.idx.msk [tilespmem:v3+s1+$0x0], $0xffff  }
0x164: {  	v4 =	vld.idx.msk [tilespmem:v4+s1+$0x0], $0xffff;
	_ =	sdelay $0x2  }
0x165: {  	v5 =	vsub.s32 v5, v0  }
0x166: {  	v7 =	vld [tilespmem:s14+$0x1E00];
	v6 =	vsub.s32 v6, v0;
	vm14 =	vgt.s32 v5, $0x0  }
0x167: {  	vm1 =	vgt.s32 v6, $0x0;
	v5 =	vnsel vm14, $0x0, v5;
	[tilespmem:s14+$0x2600] =	vst v3;
	v3 =	vadd.s32 v3, v4  }
0x168: {  	v6 =	vnsel vm1, $0x0, v6;
	vm15 =	vgt.s32 v3, $0x0;
	v3 =	vmin.u32 v5, $0xC3F  }
0x169: {  	[tilespmem:s14+$0x2E00] =	vst v4;
	v4 =	vmin.u32 v6, $0xC3F  }
0x16a: {  	s15 =	simm.s32 $0x20  }
0x16b: {  	s16 =	simm.s32 $0xC0;
	v5 =	vld [tilespmem:s15+$0xE00];
	v6 =	vnsel vm15, $0x0, v7  }
.LBB2_8:
0x16c: {  	p1 =	sne.s32 s16, $0x1F00;
	v7 =	vld [tilespmem:s15+$0x1600];
	[tilespmem:s14+$0x3600] =	vst v6;
	s14 =	smov.u32 s13;
	s13 =	smov.u32 s15  }
0x16d: {  	v6 =	vld.idx.msk [tilespmem:v3+s1+$0x0], $0xffff  }
0x16e: {  	v8 =	vld.idx.msk [tilespmem:v4+s1+$0x0], $0xffff;
	_ =	sdelay $0x1  }
0x16f: {  	v3 =	vsub.s32 v5, v0  }
0x170: {  	vm0 =	vgt.s32 v3, $0x0;
	v4 =	vsub.s32 v7, v0;
	v7 =	vld [tilespmem:s14+$0x1E00]  }
.Ltmp3:
0x171: {  	v3 =	vnsel vm0, $0x0, v3;
	vm0 =	vgt.s32 v4, $0x0;
	(pc) =	sbr.rel @p1 .LBB2_8-.Ltmp3, $4  }
0x172: {  	v3 =	vmin.u32 v3, $0xC3F;
	v4 =	vnsel vm0, $0x0, v4;
	[tilespmem:s14+$0x2600] =	vst v6  }
0x173: {  	v5 =	vadd.s32 v6, v8;
	v4 =	vmin.u32 v4, $0xC3F;
	[tilespmem:s14+$0x2E00] =	vst v8  }
0x174: {  	s15 =	sshra.s32 s16, $0x2;
	vm0 =	vgt.s32 v5, $0x0  }
0x175: {  	s16 =	sadd.s32 $0x40, s16;
	v5 =	vld [tilespmem:s15+$0xE00];
	v6 =	vnsel vm0, $0x0, v7  }
0x176: {  	_ =	sdelay $0x1  }
0x177: {  	v7 =	vld [tilespmem:s15+$0x1600]  }
0x178: {  	[tilespmem:s14+$0x3600] =	vst v6  }
0x179: {  	v3 =	vld.idx.msk [tilespmem:v3+s1+$0x0], $0xffff  }
0x17a: {  	v4 =	vld.idx.msk [tilespmem:v4+s1+$0x0], $0xffff  }
0x17b: {  	v5 =	vsub.s32 v5, v0  }
0x17c: {  	vm0 =	vgt.s32 v5, $0x0;
	v6 =	vsub.s32 v7, v0;
	v7 =	vld [tilespmem:s13+$0x1E00]  }
0x17d: {  	v5 =	vnsel vm0, $0x0, v5;
	vm9 =	vgt.s32 v6, $0x0  }
0x17e: {  	v5 =	vmin.u32 v5, $0xC3F;
	v6 =	vnsel vm9, $0x0, v6  }
0x17f: {  	v8 =	vadd.s32 v3, v4;
	v6 =	vmin.u32 v6, $0xC3F  }
0x180: {  	[tilespmem:s13+$0x2600] =	vst v3;
	vm10 =	vgt.s32 v8, $0x0  }
0x181: {  	[tilespmem:s13+$0x2E00] =	vst v4;
	v3 =	vnsel vm10, $0x0, v7  }
0x182: {  	[tilespmem:s13+$0x3600] =	vst v3  }
0x183: {  	v3 =	vld.idx.msk [tilespmem:v5+s1+$0x0], $0xffff  }
0x184: {  	v4 =	vld.idx.msk [tilespmem:v6+s1+$0x0], $0xffff;
	_ =	sdelay $0x1  }
0x185: {  	v5 =	vld [tilespmem:s15+$0x1E00];
	_ =	sdelay $0x2  }
0x186: {  	v6 =	vadd.s32 v3, v4  }
0x187: {  	[tilespmem:s15+$0x2600] =	vst v3;
	vm11 =	vgt.s32 v6, $0x0  }
0x188: {  	[tilespmem:s15+$0x2E00] =	vst v4;
	v3 =	vnsel vm11, $0x0, v5  }
0x189: {  	s13 =	simm.s32 $0x0;
	[tilespmem:s15+$0x3600] =	vst v3;
	s15 =	rddreg [dreg:$0x13]  }
0x18a: {  	[hbm4b:s15+s13] =	stream.linear.scatter [tilespmem:s9], [sflag:$0x1], $0x7D0, $0x38;
	[tilespmem:$0x3E80] =	vst v63  }
0x18b: {  	_ =	swait.ge [sflag:s5], $0x7D0  }
0x18c: {  	[sflag:s5] =	ssyncset.done $0x0  }
0x18d: {  	s16 =	rddreg [dreg:$0x14];
	[sflag:s5] =	ssyncadd.s32 $0xFFFFF830  }
0x18e: {  	[hbm4b:s16+s13] =	stream.linear.scatter [tilespmem:s10], [sflag:$0x1], $0x7D0, $0x38;
	[tilespmem:$0x3E80] =	vst v63  }
0x18f: {  	_ =	swait.ge [sflag:s5], $0x7D0  }
0x190: {  	[sflag:s5] =	ssyncset.done $0x0  }
0x191: {  	s15 =	rddreg [dreg:$0x15];
	[sflag:s5] =	ssyncadd.s32 $0xFFFFF830  }
0x192: {  	[hbm4b:s15+s13] =	stream.linear.scatter [tilespmem:s11], [sflag:$0x1], $0x7D0, $0x38;
	[tilespmem:$0x3E80] =	vst v63  }
0x193: {  	_ =	swait.ge [sflag:s5], $0x7D0  }
0x194: {  	[sflag:s5] =	ssyncset.done $0x0  }
0x195: {  	s16 =	rddreg [dreg:$0x16];
	[sflag:s5] =	ssyncadd.s32 $0xFFFFF830  }
0x196: {  	[tilespmem:s6], [sflag:$0x1] =	stream.linear.gather [hbm4b:s16+s13], $0x7D0, $0x38;
	[tilespmem:$0x3E80] =	vst v63  }
0x197: {  	_ =	swait.ge [sflag:s5], $0x7D0  }
0x198: {  	[sflag:s5] =	ssyncset.done $0x0  }
0x199: {  	s15 =	rddreg [dreg:$0x17];
	[sflag:s5] =	ssyncadd.s32 $0xFFFFF830  }
0x19a: {  	[tilespmem:s7], [sflag:$0x1] =	stream.linear.gather [hbm4b:s15+s13], $0x7D0, $0x38;
	[tilespmem:$0x3E80] =	vst v63  }
0x19b: {  	_ =	swait.ge [sflag:s5], $0x7D0  }
0x19c: {  	[sflag:s5] =	ssyncset.done $0x0  }
0x19d: {  	s16 =	rddreg [dreg:$0x18];
	[sflag:s5] =	ssyncadd.s32 $0xFFFFF830  }
0x19e: {  	[tilespmem:s8], [sflag:$0x1] =	stream.linear.gather [hbm4b:s16+s13], $0x7D0, $0x38;
	[tilespmem:$0x3E80] =	vst v63  }
0x19f: {  	_ =	swait.ge [sflag:s5], $0x7D0  }
0x1a0: {  	[sflag:s5] =	ssyncset.done $0x0  }
0x1a1: {  	s14 =	simm.s32 $0x0;
	[sflag:s5] =	ssyncadd.s32 $0xFFFFF830  }
0x1a2: {  	v3 =	vld [tilespmem:s14+$0xE00]  }
0x1a3: {  	v4 =	vld [tilespmem:s14+$0x1600];
	_ =	sdelay $0x3  }
0x1a4: {  	v3 =	vsub.s32 v3, v0  }
0x1a5: {  	v4 =	vsub.s32 v4, v0;
	vm12 =	vgt.s32 v3, $0x0  }
0x1a6: {  	vm13 =	vgt.s32 v4, $0x0;
	v3 =	vnsel vm12, $0x0, v3  }
0x1a7: {  	v4 =	vnsel vm13, $0x0, v4;
	v3 =	vmin.u32 v3, $0xC3F  }
0x1a8: {  	v4 =	vmin.u32 v4, $0xC3F  }
0x1a9: {  	s13 =	simm.s32 $0x10  }
0x1aa: {  	v5 =	vld [tilespmem:s13+$0xE00]  }
0x1ab: {  	v6 =	vld [tilespmem:s13+$0x1600]  }
0x1ac: {  	v3 =	vld.idx.msk [tilespmem:v3+s1+$0x0], $0xffff  }
0x1ad: {  	v4 =	vld.idx.msk [tilespmem:v4+s1+$0x0], $0xffff;
	_ =	sdelay $0x2  }
0x1ae: {  	v5 =	vsub.s32 v5, v0  }
0x1af: {  	v7 =	vld [tilespmem:s14+$0x1E00];
	v6 =	vsub.s32 v6, v0;
	vm14 =	vgt.s32 v5, $0x0  }
0x1b0: {  	vm1 =	vgt.s32 v6, $0x0;
	v5 =	vnsel vm14, $0x0, v5;
	[tilespmem:s14+$0x2600] =	vst v3;
	v3 =	vadd.s32 v3, v4  }
0x1b1: {  	v6 =	vnsel vm1, $0x0, v6;
	vm15 =	vgt.s32 v3, $0x0;
	v3 =	vmin.u32 v5, $0xC3F  }
0x1b2: {  	[tilespmem:s14+$0x2E00] =	vst v4;
	v4 =	vmin.u32 v6, $0xC3F  }
0x1b3: {  	s15 =	simm.s32 $0x20  }
0x1b4: {  	s16 =	simm.s32 $0xC0;
	v5 =	vld [tilespmem:s15+$0xE00];
	v6 =	vnsel vm15, $0x0, v7  }
.LBB2_10:
0x1b5: {  	p1 =	sne.s32 s16, $0x1F00;
	v7 =	vld [tilespmem:s15+$0x1600];
	[tilespmem:s14+$0x3600] =	vst v6;
	s14 =	smov.u32 s13;
	s13 =	smov.u32 s15  }
0x1b6: {  	v6 =	vld.idx.msk [tilespmem:v3+s1+$0x0], $0xffff  }
0x1b7: {  	v8 =	vld.idx.msk [tilespmem:v4+s1+$0x0], $0xffff;
	_ =	sdelay $0x1  }
0x1b8: {  	v3 =	vsub.s32 v5, v0  }
0x1b9: {  	vm0 =	vgt.s32 v3, $0x0;
	v4 =	vsub.s32 v7, v0;
	v7 =	vld [tilespmem:s14+$0x1E00]  }
.Ltmp4:
0x1ba: {  	v3 =	vnsel vm0, $0x0, v3;
	vm0 =	vgt.s32 v4, $0x0;
	(pc) =	sbr.rel @p1 .LBB2_10-.Ltmp4, $4  }
0x1bb: {  	v3 =	vmin.u32 v3, $0xC3F;
	v4 =	vnsel vm0, $0x0, v4;
	[tilespmem:s14+$0x2600] =	vst v6  }
0x1bc: {  	v5 =	vadd.s32 v6, v8;
	v4 =	vmin.u32 v4, $0xC3F;
	[tilespmem:s14+$0x2E00] =	vst v8  }
0x1bd: {  	s15 =	sshra.s32 s16, $0x2;
	vm0 =	vgt.s32 v5, $0x0  }
0x1be: {  	s16 =	sadd.s32 $0x40, s16;
	v5 =	vld [tilespmem:s15+$0xE00];
	v6 =	vnsel vm0, $0x0, v7  }
0x1bf: {  	_ =	sdelay $0x1  }
0x1c0: {  	v7 =	vld [tilespmem:s15+$0x1600]  }
0x1c1: {  	[tilespmem:s14+$0x3600] =	vst v6  }
0x1c2: {  	v3 =	vld.idx.msk [tilespmem:v3+s1+$0x0], $0xffff  }
0x1c3: {  	v4 =	vld.idx.msk [tilespmem:v4+s1+$0x0], $0xffff  }
0x1c4: {  	v5 =	vsub.s32 v5, v0  }
0x1c5: {  	vm0 =	vgt.s32 v5, $0x0;
	v6 =	vsub.s32 v7, v0;
	v7 =	vld [tilespmem:s13+$0x1E00]  }
0x1c6: {  	v5 =	vnsel vm0, $0x0, v5;
	vm9 =	vgt.s32 v6, $0x0  }
0x1c7: {  	v5 =	vmin.u32 v5, $0xC3F;
	v6 =	vnsel vm9, $0x0, v6  }
0x1c8: {  	v8 =	vadd.s32 v3, v4;
	v6 =	vmin.u32 v6, $0xC3F  }
0x1c9: {  	[tilespmem:s13+$0x2600] =	vst v3;
	vm10 =	vgt.s32 v8, $0x0  }
0x1ca: {  	[tilespmem:s13+$0x2E00] =	vst v4;
	v3 =	vnsel vm10, $0x0, v7  }
0x1cb: {  	[tilespmem:s13+$0x3600] =	vst v3  }
0x1cc: {  	v3 =	vld.idx.msk [tilespmem:v5+s1+$0x0], $0xffff  }
0x1cd: {  	v4 =	vld.idx.msk [tilespmem:v6+s1+$0x0], $0xffff;
	_ =	sdelay $0x1  }
0x1ce: {  	v5 =	vld [tilespmem:s15+$0x1E00];
	_ =	sdelay $0x2  }
0x1cf: {  	v6 =	vadd.s32 v3, v4  }
0x1d0: {  	[tilespmem:s15+$0x2600] =	vst v3;
	vm11 =	vgt.s32 v6, $0x0  }
0x1d1: {  	[tilespmem:s15+$0x2E00] =	vst v4;
	v3 =	vnsel vm11, $0x0, v5  }
0x1d2: {  	s13 =	simm.s32 $0x0;
	[tilespmem:s15+$0x3600] =	vst v3;
	s15 =	rddreg [dreg:$0x19]  }
0x1d3: {  	[hbm4b:s15+s13] =	stream.linear.scatter [tilespmem:s9], [sflag:$0x1], $0x7D0, $0x38;
	[tilespmem:$0x3E80] =	vst v63  }
0x1d4: {  	_ =	swait.ge [sflag:s5], $0x7D0  }
0x1d5: {  	[sflag:s5] =	ssyncset.done $0x0  }
0x1d6: {  	s16 =	rddreg [dreg:$0x1a];
	[sflag:s5] =	ssyncadd.s32 $0xFFFFF830  }
0x1d7: {  	[hbm4b:s16+s13] =	stream.linear.scatter [tilespmem:s10], [sflag:$0x1], $0x7D0, $0x38;
	[tilespmem:$0x3E80] =	vst v63  }
0x1d8: {  	_ =	swait.ge [sflag:s5], $0x7D0  }
0x1d9: {  	[sflag:s5] =	ssyncset.done $0x0  }
0x1da: {  	s15 =	rddreg [dreg:$0x1b];
	[sflag:s5] =	ssyncadd.s32 $0xFFFFF830  }
0x1db: {  	[hbm4b:s15+s13] =	stream.linear.scatter [tilespmem:s11], [sflag:$0x1], $0x7D0, $0x38;
	[tilespmem:$0x3E80] =	vst v63  }
0x1dc: {  	_ =	swait.ge [sflag:s5], $0x7D0  }
0x1dd: {  	[sflag:s5] =	ssyncset.done $0x0  }
0x1de: {  	s16 =	rddreg [dreg:$0x1c];
	[sflag:s5] =	ssyncadd.s32 $0xFFFFF830  }
0x1df: {  	[tilespmem:s6], [sflag:$0x1] =	stream.linear.gather [hbm4b:s16+s13], $0x7D0, $0x38;
	[tilespmem:$0x3E80] =	vst v63  }
0x1e0: {  	_ =	swait.ge [sflag:s5], $0x7D0  }
0x1e1: {  	[sflag:s5] =	ssyncset.done $0x0  }
0x1e2: {  	s15 =	rddreg [dreg:$0x1d];
	[sflag:s5] =	ssyncadd.s32 $0xFFFFF830  }
0x1e3: {  	[tilespmem:s7], [sflag:$0x1] =	stream.linear.gather [hbm4b:s15+s13], $0x7D0, $0x38;
	[tilespmem:$0x3E80] =	vst v63  }
0x1e4: {  	_ =	swait.ge [sflag:s5], $0x7D0  }
0x1e5: {  	[sflag:s5] =	ssyncset.done $0x0  }
0x1e6: {  	s16 =	rddreg [dreg:$0x1e];
	[sflag:s5] =	ssyncadd.s32 $0xFFFFF830  }
0x1e7: {  	[tilespmem:s8], [sflag:$0x1] =	stream.linear.gather [hbm4b:s16+s13], $0x7D0, $0x38;
	[tilespmem:$0x3E80] =	vst v63  }
0x1e8: {  	_ =	swait.ge [sflag:s5], $0x7D0  }
0x1e9: {  	[sflag:s5] =	ssyncset.done $0x0  }
0x1ea: {  	s14 =	simm.s32 $0x0;
	[sflag:s5] =	ssyncadd.s32 $0xFFFFF830  }
0x1eb: {  	v3 =	vld [tilespmem:s14+$0xE00]  }
0x1ec: {  	v4 =	vld [tilespmem:s14+$0x1600];
	_ =	sdelay $0x3  }
0x1ed: {  	v3 =	vsub.s32 v3, v0  }
0x1ee: {  	v4 =	vsub.s32 v4, v0;
	vm12 =	vgt.s32 v3, $0x0  }
0x1ef: {  	vm13 =	vgt.s32 v4, $0x0;
	v3 =	vnsel vm12, $0x0, v3  }
0x1f0: {  	v4 =	vnsel vm13, $0x0, v4;
	v3 =	vmin.u32 v3, $0xC3F  }
0x1f1: {  	v4 =	vmin.u32 v4, $0xC3F  }
0x1f2: {  	s13 =	simm.s32 $0x10  }
0x1f3: {  	v5 =	vld [tilespmem:s13+$0xE00]  }
0x1f4: {  	v6 =	vld [tilespmem:s13+$0x1600]  }
0x1f5: {  	v3 =	vld.idx.msk [tilespmem:v3+s1+$0x0], $0xffff  }
0x1f6: {  	v4 =	vld.idx.msk [tilespmem:v4+s1+$0x0], $0xffff;
	_ =	sdelay $0x2  }
0x1f7: {  	v5 =	vsub.s32 v5, v0  }
0x1f8: {  	v7 =	vld [tilespmem:s14+$0x1E00];
	v6 =	vsub.s32 v6, v0;
	vm14 =	vgt.s32 v5, $0x0  }
0x1f9: {  	vm1 =	vgt.s32 v6, $0x0;
	v5 =	vnsel vm14, $0x0, v5;
	[tilespmem:s14+$0x2600] =	vst v3;
	v3 =	vadd.s32 v3, v4  }
0x1fa: {  	v6 =	vnsel vm1, $0x0, v6;
	vm15 =	vgt.s32 v3, $0x0;
	v3 =	vmin.u32 v5, $0xC3F  }
0x1fb: {  	[tilespmem:s14+$0x2E00] =	vst v4;
	v4 =	vmin.u32 v6, $0xC3F  }
0x1fc: {  	s15 =	simm.s32 $0x20  }
0x1fd: {  	s16 =	simm.s32 $0xC0;
	v5 =	vld [tilespmem:s15+$0xE00];
	v6 =	vnsel vm15, $0x0, v7  }
.LBB2_12:
0x1fe: {  	p1 =	sne.s32 s16, $0x1F00;
	v7 =	vld [tilespmem:s15+$0x1600];
	[tilespmem:s14+$0x3600] =	vst v6;
	s14 =	smov.u32 s13;
	s13 =	smov.u32 s15  }
0x1ff: {  	v6 =	vld.idx.msk [tilespmem:v3+s1+$0x0], $0xffff  }
0x200: {  	v8 =	vld.idx.msk [tilespmem:v4+s1+$0x0], $0xffff;
	_ =	sdelay $0x1  }
0x201: {  	v3 =	vsub.s32 v5, v0  }
0x202: {  	vm0 =	vgt.s32 v3, $0x0;
	v4 =	vsub.s32 v7, v0;
	v7 =	vld [tilespmem:s14+$0x1E00]  }
.Ltmp5:
0x203: {  	v3 =	vnsel vm0, $0x0, v3;
	vm0 =	vgt.s32 v4, $0x0;
	(pc) =	sbr.rel @p1 .LBB2_12-.Ltmp5, $4  }
0x204: {  	v3 =	vmin.u32 v3, $0xC3F;
	v4 =	vnsel vm0, $0x0, v4;
	[tilespmem:s14+$0x2600] =	vst v6  }
0x205: {  	v5 =	vadd.s32 v6, v8;
	v4 =	vmin.u32 v4, $0xC3F;
	[tilespmem:s14+$0x2E00] =	vst v8  }
0x206: {  	s15 =	sshra.s32 s16, $0x2;
	vm0 =	vgt.s32 v5, $0x0  }
0x207: {  	s16 =	sadd.s32 $0x40, s16;
	v5 =	vld [tilespmem:s15+$0xE00];
	v6 =	vnsel vm0, $0x0, v7  }
0x208: {  	_ =	sdelay $0x1  }
0x209: {  	v7 =	vld [tilespmem:s15+$0x1600]  }
0x20a: {  	[tilespmem:s14+$0x3600] =	vst v6  }
0x20b: {  	v3 =	vld.idx.msk [tilespmem:v3+s1+$0x0], $0xffff  }
0x20c: {  	v4 =	vld.idx.msk [tilespmem:v4+s1+$0x0], $0xffff  }
0x20d: {  	v5 =	vsub.s32 v5, v0  }
0x20e: {  	vm0 =	vgt.s32 v5, $0x0;
	v6 =	vsub.s32 v7, v0;
	v7 =	vld [tilespmem:s13+$0x1E00]  }
0x20f: {  	v5 =	vnsel vm0, $0x0, v5;
	vm9 =	vgt.s32 v6, $0x0  }
0x210: {  	v5 =	vmin.u32 v5, $0xC3F;
	v6 =	vnsel vm9, $0x0, v6  }
0x211: {  	v8 =	vadd.s32 v3, v4;
	v6 =	vmin.u32 v6, $0xC3F  }
0x212: {  	[tilespmem:s13+$0x2600] =	vst v3;
	vm10 =	vgt.s32 v8, $0x0  }
0x213: {  	[tilespmem:s13+$0x2E00] =	vst v4;
	v3 =	vnsel vm10, $0x0, v7  }
0x214: {  	[tilespmem:s13+$0x3600] =	vst v3  }
0x215: {  	v3 =	vld.idx.msk [tilespmem:v5+s1+$0x0], $0xffff  }
0x216: {  	v4 =	vld.idx.msk [tilespmem:v6+s1+$0x0], $0xffff;
	_ =	sdelay $0x1  }
0x217: {  	v5 =	vld [tilespmem:s15+$0x1E00];
	_ =	sdelay $0x2  }
0x218: {  	v6 =	vadd.s32 v3, v4  }
0x219: {  	[tilespmem:s15+$0x2600] =	vst v3;
	vm11 =	vgt.s32 v6, $0x0  }
0x21a: {  	[tilespmem:s15+$0x2E00] =	vst v4;
	v3 =	vnsel vm11, $0x0, v5  }
0x21b: {  	s13 =	simm.s32 $0x0;
	[tilespmem:s15+$0x3600] =	vst v3;
	s15 =	rddreg [dreg:$0x1f]  }
0x21c: {  	[hbm4b:s15+s13] =	stream.linear.scatter [tilespmem:s9], [sflag:$0x1], $0x7D0, $0x38;
	[tilespmem:$0x3E80] =	vst v63  }
0x21d: {  	_ =	swait.ge [sflag:s5], $0x7D0  }
0x21e: {  	s16 =	sld [smem:$0x78D]  }
0x21f: {  	[sflag:s5] =	ssyncset.done $0x0  }
0x220: {  	[sflag:s5] =	ssyncadd.s32 $0xFFFFF830  }
0x221: {  	[hbm4b:s16+s13] =	stream.linear.scatter [tilespmem:s10], [sflag:$0x1], $0x7D0, $0x38;
	[tilespmem:$0x3E80] =	vst v63  }
0x222: {  	_ =	swait.ge [sflag:s5], $0x7D0  }
0x223: {  	s15 =	sld [smem:$0x78E]  }
0x224: {  	[sflag:s5] =	ssyncset.done $0x0  }
0x225: {  	[sflag:s5] =	ssyncadd.s32 $0xFFFFF830  }
0x226: {  	[hbm4b:s15+s13] =	stream.linear.scatter [tilespmem:s11], [sflag:$0x1], $0x7D0, $0x38;
	[tilespmem:$0x3E80] =	vst v63  }
0x227: {  	_ =	swait.ge [sflag:s5], $0x7D0  }
0x228: {  	s16 =	sld [smem:$0x78F]  }
0x229: {  	[sflag:s5] =	ssyncset.done $0x0  }
0x22a: {  	[sflag:s5] =	ssyncadd.s32 $0xFFFFF830  }
0x22b: {  	[tilespmem:s6], [sflag:$0x1] =	stream.linear.gather [hbm4b:s16+s13], $0x7D0, $0x38;
	[tilespmem:$0x3E80] =	vst v63  }
0x22c: {  	_ =	swait.ge [sflag:s5], $0x7D0  }
0x22d: {  	s15 =	sld [smem:$0x790]  }
0x22e: {  	[sflag:s5] =	ssyncset.done $0x0  }
0x22f: {  	[sflag:s5] =	ssyncadd.s32 $0xFFFFF830  }
0x230: {  	[tilespmem:s7], [sflag:$0x1] =	stream.linear.gather [hbm4b:s15+s13], $0x7D0, $0x38;
	[tilespmem:$0x3E80] =	vst v63  }
0x231: {  	_ =	swait.ge [sflag:s5], $0x7D0  }
0x232: {  	s16 =	sld [smem:$0x791]  }
0x233: {  	[sflag:s5] =	ssyncset.done $0x0  }
0x234: {  	[sflag:s5] =	ssyncadd.s32 $0xFFFFF830  }
0x235: {  	[tilespmem:s8], [sflag:$0x1] =	stream.linear.gather [hbm4b:s16+s13], $0x7D0, $0x38;
	[tilespmem:$0x3E80] =	vst v63  }
0x236: {  	_ =	swait.ge [sflag:s5], $0x7D0  }
0x237: {  	[sflag:s5] =	ssyncset.done $0x0  }
0x238: {  	s14 =	simm.s32 $0x0;
	[sflag:s5] =	ssyncadd.s32 $0xFFFFF830  }
0x239: {  	v3 =	vld [tilespmem:s14+$0xE00]  }
0x23a: {  	v4 =	vld [tilespmem:s14+$0x1600];
	_ =	sdelay $0x3  }
0x23b: {  	v3 =	vsub.s32 v3, v0  }
0x23c: {  	v4 =	vsub.s32 v4, v0;
	vm12 =	vgt.s32 v3, $0x0  }
0x23d: {  	vm13 =	vgt.s32 v4, $0x0;
	v3 =	vnsel vm12, $0x0, v3  }
0x23e: {  	v4 =	vnsel vm13, $0x0, v4;
	v3 =	vmin.u32 v3, $0xC3F  }
0x23f: {  	v4 =	vmin.u32 v4, $0xC3F  }
0x240: {  	s13 =	simm.s32 $0x10  }
0x241: {  	v5 =	vld [tilespmem:s13+$0xE00]  }
0x242: {  	v6 =	vld [tilespmem:s13+$0x1600]  }
0x243: {  	v3 =	vld.idx.msk [tilespmem:v3+s1+$0x0], $0xffff  }
0x244: {  	v4 =	vld.idx.msk [tilespmem:v4+s1+$0x0], $0xffff;
	_ =	sdelay $0x2  }
0x245: {  	v5 =	vsub.s32 v5, v0  }
0x246: {  	v7 =	vld [tilespmem:s14+$0x1E00];
	v6 =	vsub.s32 v6, v0;
	vm14 =	vgt.s32 v5, $0x0  }
0x247: {  	vm1 =	vgt.s32 v6, $0x0;
	v5 =	vnsel vm14, $0x0, v5;
	[tilespmem:s14+$0x2600] =	vst v3;
	v3 =	vadd.s32 v3, v4  }
0x248: {  	v6 =	vnsel vm1, $0x0, v6;
	vm15 =	vgt.s32 v3, $0x0;
	v3 =	vmin.u32 v5, $0xC3F  }
0x249: {  	[tilespmem:s14+$0x2E00] =	vst v4;
	v4 =	vmin.u32 v6, $0xC3F  }
0x24a: {  	s15 =	simm.s32 $0x20  }
0x24b: {  	s16 =	simm.s32 $0xC0;
	v5 =	vld [tilespmem:s15+$0xE00];
	v6 =	vnsel vm15, $0x0, v7  }
.LBB2_14:
0x24c: {  	p1 =	sne.s32 s16, $0x1F00;
	v7 =	vld [tilespmem:s15+$0x1600];
	[tilespmem:s14+$0x3600] =	vst v6;
	s14 =	smov.u32 s13;
	s13 =	smov.u32 s15  }
0x24d: {  	v6 =	vld.idx.msk [tilespmem:v3+s1+$0x0], $0xffff  }
0x24e: {  	v8 =	vld.idx.msk [tilespmem:v4+s1+$0x0], $0xffff;
	_ =	sdelay $0x1  }
0x24f: {  	v3 =	vsub.s32 v5, v0  }
0x250: {  	vm0 =	vgt.s32 v3, $0x0;
	v4 =	vsub.s32 v7, v0;
	v7 =	vld [tilespmem:s14+$0x1E00]  }
.Ltmp6:
0x251: {  	v3 =	vnsel vm0, $0x0, v3;
	vm0 =	vgt.s32 v4, $0x0;
	(pc) =	sbr.rel @p1 .LBB2_14-.Ltmp6, $4  }
0x252: {  	v3 =	vmin.u32 v3, $0xC3F;
	v4 =	vnsel vm0, $0x0, v4;
	[tilespmem:s14+$0x2600] =	vst v6  }
0x253: {  	v5 =	vadd.s32 v6, v8;
	v4 =	vmin.u32 v4, $0xC3F;
	[tilespmem:s14+$0x2E00] =	vst v8  }
0x254: {  	s15 =	sshra.s32 s16, $0x2;
	vm0 =	vgt.s32 v5, $0x0  }
0x255: {  	s16 =	sadd.s32 $0x40, s16;
	v5 =	vld [tilespmem:s15+$0xE00];
	v6 =	vnsel vm0, $0x0, v7  }
0x256: {  	_ =	sdelay $0x1  }
0x257: {  	v7 =	vld [tilespmem:s15+$0x1600]  }
0x258: {  	[tilespmem:s14+$0x3600] =	vst v6  }
0x259: {  	v3 =	vld.idx.msk [tilespmem:v3+s1+$0x0], $0xffff  }
0x25a: {  	v4 =	vld.idx.msk [tilespmem:v4+s1+$0x0], $0xffff  }
0x25b: {  	v5 =	vsub.s32 v5, v0  }
0x25c: {  	vm0 =	vgt.s32 v5, $0x0;
	v6 =	vsub.s32 v7, v0;
	v7 =	vld [tilespmem:s13+$0x1E00]  }
0x25d: {  	v5 =	vnsel vm0, $0x0, v5;
	vm9 =	vgt.s32 v6, $0x0  }
0x25e: {  	v5 =	vmin.u32 v5, $0xC3F;
	v6 =	vnsel vm9, $0x0, v6  }
0x25f: {  	v8 =	vadd.s32 v3, v4;
	v6 =	vmin.u32 v6, $0xC3F  }
0x260: {  	[tilespmem:s13+$0x2600] =	vst v3;
	vm10 =	vgt.s32 v8, $0x0  }
0x261: {  	[tilespmem:s13+$0x2E00] =	vst v4;
	v3 =	vnsel vm10, $0x0, v7  }
0x262: {  	[tilespmem:s13+$0x3600] =	vst v3  }
0x263: {  	v3 =	vld.idx.msk [tilespmem:v5+s1+$0x0], $0xffff  }
0x264: {  	v4 =	vld.idx.msk [tilespmem:v6+s1+$0x0], $0xffff;
	_ =	sdelay $0x1  }
0x265: {  	v5 =	vld [tilespmem:s15+$0x1E00];
	_ =	sdelay $0x2  }
0x266: {  	v6 =	vadd.s32 v3, v4  }
0x267: {  	[tilespmem:s15+$0x2600] =	vst v3;
	vm11 =	vgt.s32 v6, $0x0  }
0x268: {  	[tilespmem:s15+$0x2E00] =	vst v4;
	v3 =	vnsel vm11, $0x0, v5  }
0x269: {  	[tilespmem:s15+$0x3600] =	vst v3;
	s15 =	sld [smem:$0x792];
	_ =	sdelay $0x1  }
0x26a: {  	s13 =	simm.s32 $0x0  }
0x26b: {  	[hbm4b:s15+s13] =	stream.linear.scatter [tilespmem:s9], [sflag:$0x1], $0x7D0, $0x38;
	[tilespmem:$0x3E80] =	vst v63  }
0x26c: {  	_ =	swait.ge [sflag:s5], $0x7D0  }
0x26d: {  	s16 =	sld [smem:$0x793]  }
0x26e: {  	[sflag:s5] =	ssyncset.done $0x0  }
0x26f: {  	[sflag:s5] =	ssyncadd.s32 $0xFFFFF830  }
0x270: {  	[hbm4b:s16+s13] =	stream.linear.scatter [tilespmem:s10], [sflag:$0x1], $0x7D0, $0x38;
	[tilespmem:$0x3E80] =	vst v63  }
0x271: {  	_ =	swait.ge [sflag:s5], $0x7D0  }
0x272: {  	s15 =	sld [smem:$0x794]  }
0x273: {  	[sflag:s5] =	ssyncset.done $0x0  }
0x274: {  	[sflag:s5] =	ssyncadd.s32 $0xFFFFF830  }
0x275: {  	[hbm4b:s15+s13] =	stream.linear.scatter [tilespmem:s11], [sflag:$0x1], $0x7D0, $0x38;
	[tilespmem:$0x3E80] =	vst v63  }
0x276: {  	_ =	swait.ge [sflag:s5], $0x7D0  }
0x277: {  	s16 =	sld [smem:$0x795]  }
0x278: {  	[sflag:s5] =	ssyncset.done $0x0  }
0x279: {  	[sflag:s5] =	ssyncadd.s32 $0xFFFFF830  }
0x27a: {  	[tilespmem:s6], [sflag:$0x1] =	stream.linear.gather [hbm4b:s16+s13], $0x7D0, $0x38;
	[tilespmem:$0x3E80] =	vst v63  }
0x27b: {  	_ =	swait.ge [sflag:s5], $0x7D0  }
0x27c: {  	s15 =	sld [smem:$0x796]  }
0x27d: {  	[sflag:s5] =	ssyncset.done $0x0  }
0x27e: {  	[sflag:s5] =	ssyncadd.s32 $0xFFFFF830  }
0x27f: {  	[tilespmem:s7], [sflag:$0x1] =	stream.linear.gather [hbm4b:s15+s13], $0x7D0, $0x38;
	[tilespmem:$0x3E80] =	vst v63  }
0x280: {  	_ =	swait.ge [sflag:s5], $0x7D0  }
0x281: {  	s16 =	sld [smem:$0x797]  }
0x282: {  	[sflag:s5] =	ssyncset.done $0x0  }
0x283: {  	[sflag:s5] =	ssyncadd.s32 $0xFFFFF830  }
0x284: {  	[tilespmem:s8], [sflag:$0x1] =	stream.linear.gather [hbm4b:s16+s13], $0x7D0, $0x38;
	[tilespmem:$0x3E80] =	vst v63  }
0x285: {  	_ =	swait.ge [sflag:s5], $0x7D0  }
0x286: {  	[sflag:s5] =	ssyncset.done $0x0  }
0x287: {  	s14 =	simm.s32 $0x0;
	[sflag:s5] =	ssyncadd.s32 $0xFFFFF830  }
0x288: {  	v3 =	vld [tilespmem:s14+$0xE00]  }
0x289: {  	v4 =	vld [tilespmem:s14+$0x1600];
	_ =	sdelay $0x3  }
0x28a: {  	v3 =	vsub.s32 v3, v0  }
0x28b: {  	v4 =	vsub.s32 v4, v0;
	vm12 =	vgt.s32 v3, $0x0  }
0x28c: {  	vm13 =	vgt.s32 v4, $0x0;
	v3 =	vnsel vm12, $0x0, v3  }
0x28d: {  	v4 =	vnsel vm13, $0x0, v4;
	v3 =	vmin.u32 v3, $0xC3F  }
0x28e: {  	v4 =	vmin.u32 v4, $0xC3F  }
0x28f: {  	s13 =	simm.s32 $0x10  }
0x290: {  	v5 =	vld [tilespmem:s13+$0xE00]  }
0x291: {  	v6 =	vld [tilespmem:s13+$0x1600]  }
0x292: {  	v3 =	vld.idx.msk [tilespmem:v3+s1+$0x0], $0xffff  }
0x293: {  	v4 =	vld.idx.msk [tilespmem:v4+s1+$0x0], $0xffff;
	_ =	sdelay $0x2  }
0x294: {  	v5 =	vsub.s32 v5, v0  }
0x295: {  	v7 =	vld [tilespmem:s14+$0x1E00];
	v6 =	vsub.s32 v6, v0;
	vm14 =	vgt.s32 v5, $0x0  }
0x296: {  	vm1 =	vgt.s32 v6, $0x0;
	v5 =	vnsel vm14, $0x0, v5;
	[tilespmem:s14+$0x2600] =	vst v3;
	v3 =	vadd.s32 v3, v4  }
0x297: {  	v6 =	vnsel vm1, $0x0, v6;
	vm15 =	vgt.s32 v3, $0x0;
	v3 =	vmin.u32 v5, $0xC3F  }
0x298: {  	[tilespmem:s14+$0x2E00] =	vst v4;
	v4 =	vmin.u32 v6, $0xC3F  }
0x299: {  	s15 =	simm.s32 $0x20  }
0x29a: {  	s16 =	simm.s32 $0xC0;
	v5 =	vld [tilespmem:s15+$0xE00];
	v6 =	vnsel vm15, $0x0, v7  }
.LBB2_16:
0x29b: {  	p1 =	sne.s32 s16, $0x1F00;
	v7 =	vld [tilespmem:s15+$0x1600];
	[tilespmem:s14+$0x3600] =	vst v6;
	s14 =	smov.u32 s13;
	s13 =	smov.u32 s15  }
0x29c: {  	v6 =	vld.idx.msk [tilespmem:v3+s1+$0x0], $0xffff  }
0x29d: {  	v8 =	vld.idx.msk [tilespmem:v4+s1+$0x0], $0xffff;
	_ =	sdelay $0x1  }
0x29e: {  	v3 =	vsub.s32 v5, v0  }
0x29f: {  	vm0 =	vgt.s32 v3, $0x0;
	v4 =	vsub.s32 v7, v0;
	v7 =	vld [tilespmem:s14+$0x1E00]  }
.Ltmp7:
0x2a0: {  	v3 =	vnsel vm0, $0x0, v3;
	vm0 =	vgt.s32 v4, $0x0;
	(pc) =	sbr.rel @p1 .LBB2_16-.Ltmp7, $4  }
0x2a1: {  	v3 =	vmin.u32 v3, $0xC3F;
	v4 =	vnsel vm0, $0x0, v4;
	[tilespmem:s14+$0x2600] =	vst v6  }
0x2a2: {  	v5 =	vadd.s32 v6, v8;
	v4 =	vmin.u32 v4, $0xC3F;
	[tilespmem:s14+$0x2E00] =	vst v8  }
0x2a3: {  	s15 =	sshra.s32 s16, $0x2;
	vm0 =	vgt.s32 v5, $0x0  }
0x2a4: {  	s16 =	sadd.s32 $0x40, s16;
	v5 =	vld [tilespmem:s15+$0xE00];
	v6 =	vnsel vm0, $0x0, v7  }
0x2a5: {  	_ =	sdelay $0x1  }
0x2a6: {  	v7 =	vld [tilespmem:s15+$0x1600]  }
0x2a7: {  	[tilespmem:s14+$0x3600] =	vst v6  }
0x2a8: {  	v3 =	vld.idx.msk [tilespmem:v3+s1+$0x0], $0xffff  }
0x2a9: {  	v4 =	vld.idx.msk [tilespmem:v4+s1+$0x0], $0xffff  }
0x2aa: {  	v5 =	vsub.s32 v5, v0  }
0x2ab: {  	vm0 =	vgt.s32 v5, $0x0;
	v6 =	vsub.s32 v7, v0;
	v7 =	vld [tilespmem:s13+$0x1E00]  }
0x2ac: {  	v5 =	vnsel vm0, $0x0, v5;
	vm9 =	vgt.s32 v6, $0x0  }
0x2ad: {  	v5 =	vmin.u32 v5, $0xC3F;
	v6 =	vnsel vm9, $0x0, v6  }
0x2ae: {  	v8 =	vadd.s32 v3, v4;
	v6 =	vmin.u32 v6, $0xC3F  }
0x2af: {  	[tilespmem:s13+$0x2600] =	vst v3;
	vm10 =	vgt.s32 v8, $0x0  }
0x2b0: {  	[tilespmem:s13+$0x2E00] =	vst v4;
	v3 =	vnsel vm10, $0x0, v7  }
0x2b1: {  	[tilespmem:s13+$0x3600] =	vst v3  }
0x2b2: {  	v3 =	vld.idx.msk [tilespmem:v5+s1+$0x0], $0xffff  }
0x2b3: {  	v4 =	vld.idx.msk [tilespmem:v6+s1+$0x0], $0xffff;
	_ =	sdelay $0x1  }
0x2b4: {  	v5 =	vld [tilespmem:s15+$0x1E00];
	_ =	sdelay $0x2  }
0x2b5: {  	v6 =	vadd.s32 v3, v4  }
0x2b6: {  	[tilespmem:s15+$0x2600] =	vst v3;
	vm11 =	vgt.s32 v6, $0x0  }
0x2b7: {  	[tilespmem:s15+$0x2E00] =	vst v4;
	v3 =	vnsel vm11, $0x0, v5  }
0x2b8: {  	[tilespmem:s15+$0x3600] =	vst v3;
	s15 =	sld [smem:$0x798];
	_ =	sdelay $0x1  }
0x2b9: {  	s13 =	simm.s32 $0x0  }
0x2ba: {  	[hbm4b:s15+s13] =	stream.linear.scatter [tilespmem:s9], [sflag:$0x1], $0x7D0, $0x38;
	[tilespmem:$0x3E80] =	vst v63  }
0x2bb: {  	_ =	swait.ge [sflag:s5], $0x7D0  }
0x2bc: {  	s16 =	sld [smem:$0x799]  }
0x2bd: {  	[sflag:s5] =	ssyncset.done $0x0  }
0x2be: {  	[sflag:s5] =	ssyncadd.s32 $0xFFFFF830  }
0x2bf: {  	[hbm4b:s16+s13] =	stream.linear.scatter [tilespmem:s10], [sflag:$0x1], $0x7D0, $0x38;
	[tilespmem:$0x3E80] =	vst v63  }
0x2c0: {  	_ =	swait.ge [sflag:s5], $0x7D0  }
0x2c1: {  	s15 =	sld [smem:$0x79A]  }
0x2c2: {  	[sflag:s5] =	ssyncset.done $0x0  }
0x2c3: {  	[sflag:s5] =	ssyncadd.s32 $0xFFFFF830  }
0x2c4: {  	[hbm4b:s15+s13] =	stream.linear.scatter [tilespmem:s11], [sflag:$0x1], $0x7D0, $0x38;
	[tilespmem:$0x3E80] =	vst v63  }
0x2c5: {  	_ =	swait.ge [sflag:s5], $0x7D0  }
0x2c6: {  	s16 =	sld [smem:$0x79B]  }
0x2c7: {  	[sflag:s5] =	ssyncset.done $0x0  }
0x2c8: {  	[sflag:s5] =	ssyncadd.s32 $0xFFFFF830  }
0x2c9: {  	[tilespmem:s6], [sflag:$0x1] =	stream.linear.gather [hbm4b:s16+s13], $0x7D0, $0x38;
	[tilespmem:$0x3E80] =	vst v63  }
0x2ca: {  	_ =	swait.ge [sflag:s5], $0x7D0  }
0x2cb: {  	s15 =	sld [smem:$0x79C]  }
0x2cc: {  	[sflag:s5] =	ssyncset.done $0x0  }
0x2cd: {  	[sflag:s5] =	ssyncadd.s32 $0xFFFFF830  }
0x2ce: {  	[tilespmem:s7], [sflag:$0x1] =	stream.linear.gather [hbm4b:s15+s13], $0x7D0, $0x38;
	[tilespmem:$0x3E80] =	vst v63  }
0x2cf: {  	_ =	swait.ge [sflag:s5], $0x7D0  }
0x2d0: {  	s16 =	sld [smem:$0x79D]  }
0x2d1: {  	[sflag:s5] =	ssyncset.done $0x0  }
0x2d2: {  	[sflag:s5] =	ssyncadd.s32 $0xFFFFF830  }
0x2d3: {  	[tilespmem:s8], [sflag:$0x1] =	stream.linear.gather [hbm4b:s16+s13], $0x7D0, $0x38;
	[tilespmem:$0x3E80] =	vst v63  }
0x2d4: {  	_ =	swait.ge [sflag:s5], $0x7D0  }
0x2d5: {  	[sflag:s5] =	ssyncset.done $0x0  }
0x2d6: {  	s14 =	simm.s32 $0x0;
	[sflag:s5] =	ssyncadd.s32 $0xFFFFF830  }
0x2d7: {  	v3 =	vld [tilespmem:s14+$0xE00]  }
0x2d8: {  	v4 =	vld [tilespmem:s14+$0x1600];
	_ =	sdelay $0x3  }
0x2d9: {  	v3 =	vsub.s32 v3, v0  }
0x2da: {  	v4 =	vsub.s32 v4, v0;
	vm12 =	vgt.s32 v3, $0x0  }
0x2db: {  	vm13 =	vgt.s32 v4, $0x0;
	v3 =	vnsel vm12, $0x0, v3  }
0x2dc: {  	v4 =	vnsel vm13, $0x0, v4;
	v3 =	vmin.u32 v3, $0xC3F  }
0x2dd: {  	v4 =	vmin.u32 v4, $0xC3F  }
0x2de: {  	s13 =	simm.s32 $0x10  }
0x2df: {  	v5 =	vld [tilespmem:s13+$0xE00]  }
0x2e0: {  	v6 =	vld [tilespmem:s13+$0x1600]  }
0x2e1: {  	v3 =	vld.idx.msk [tilespmem:v3+s1+$0x0], $0xffff  }
0x2e2: {  	v4 =	vld.idx.msk [tilespmem:v4+s1+$0x0], $0xffff;
	_ =	sdelay $0x2  }
0x2e3: {  	v5 =	vsub.s32 v5, v0  }
0x2e4: {  	v7 =	vld [tilespmem:s14+$0x1E00];
	v6 =	vsub.s32 v6, v0;
	vm14 =	vgt.s32 v5, $0x0  }
0x2e5: {  	vm1 =	vgt.s32 v6, $0x0;
	v5 =	vnsel vm14, $0x0, v5;
	[tilespmem:s14+$0x2600] =	vst v3;
	v3 =	vadd.s32 v3, v4  }
0x2e6: {  	v6 =	vnsel vm1, $0x0, v6;
	vm15 =	vgt.s32 v3, $0x0;
	v3 =	vmin.u32 v5, $0xC3F  }
0x2e7: {  	[tilespmem:s14+$0x2E00] =	vst v4;
	v4 =	vmin.u32 v6, $0xC3F  }
0x2e8: {  	s15 =	simm.s32 $0x20  }
0x2e9: {  	s16 =	simm.s32 $0xC0;
	v5 =	vld [tilespmem:s15+$0xE00];
	v6 =	vnsel vm15, $0x0, v7  }
.LBB2_18:
0x2ea: {  	p1 =	sne.s32 s16, $0x1F00;
	v7 =	vld [tilespmem:s15+$0x1600];
	[tilespmem:s14+$0x3600] =	vst v6;
	s14 =	smov.u32 s13;
	s13 =	smov.u32 s15  }
0x2eb: {  	v6 =	vld.idx.msk [tilespmem:v3+s1+$0x0], $0xffff  }
0x2ec: {  	v8 =	vld.idx.msk [tilespmem:v4+s1+$0x0], $0xffff;
	_ =	sdelay $0x1  }
0x2ed: {  	v3 =	vsub.s32 v5, v0  }
0x2ee: {  	vm0 =	vgt.s32 v3, $0x0;
	v4 =	vsub.s32 v7, v0;
	v7 =	vld [tilespmem:s14+$0x1E00]  }
.Ltmp8:
0x2ef: {  	v3 =	vnsel vm0, $0x0, v3;
	vm0 =	vgt.s32 v4, $0x0;
	(pc) =	sbr.rel @p1 .LBB2_18-.Ltmp8, $4  }
0x2f0: {  	v3 =	vmin.u32 v3, $0xC3F;
	v4 =	vnsel vm0, $0x0, v4;
	[tilespmem:s14+$0x2600] =	vst v6  }
0x2f1: {  	v5 =	vadd.s32 v6, v8;
	v4 =	vmin.u32 v4, $0xC3F;
	[tilespmem:s14+$0x2E00] =	vst v8  }
0x2f2: {  	s15 =	sshra.s32 s16, $0x2;
	vm0 =	vgt.s32 v5, $0x0  }
0x2f3: {  	s16 =	sadd.s32 $0x40, s16;
	v5 =	vld [tilespmem:s15+$0xE00];
	v6 =	vnsel vm0, $0x0, v7  }
0x2f4: {  	_ =	sdelay $0x1  }
0x2f5: {  	v7 =	vld [tilespmem:s15+$0x1600]  }
0x2f6: {  	[tilespmem:s14+$0x3600] =	vst v6  }
0x2f7: {  	v3 =	vld.idx.msk [tilespmem:v3+s1+$0x0], $0xffff  }
0x2f8: {  	v4 =	vld.idx.msk [tilespmem:v4+s1+$0x0], $0xffff  }
0x2f9: {  	v5 =	vsub.s32 v5, v0  }
0x2fa: {  	vm0 =	vgt.s32 v5, $0x0;
	v6 =	vsub.s32 v7, v0;
	v7 =	vld [tilespmem:s13+$0x1E00]  }
0x2fb: {  	v5 =	vnsel vm0, $0x0, v5;
	vm9 =	vgt.s32 v6, $0x0  }
0x2fc: {  	v5 =	vmin.u32 v5, $0xC3F;
	v6 =	vnsel vm9, $0x0, v6  }
0x2fd: {  	v8 =	vadd.s32 v3, v4;
	v6 =	vmin.u32 v6, $0xC3F  }
0x2fe: {  	[tilespmem:s13+$0x2600] =	vst v3;
	vm10 =	vgt.s32 v8, $0x0  }
0x2ff: {  	[tilespmem:s13+$0x2E00] =	vst v4;
	v3 =	vnsel vm10, $0x0, v7  }
0x300: {  	[tilespmem:s13+$0x3600] =	vst v3  }
0x301: {  	v3 =	vld.idx.msk [tilespmem:v5+s1+$0x0], $0xffff  }
0x302: {  	v4 =	vld.idx.msk [tilespmem:v6+s1+$0x0], $0xffff;
	_ =	sdelay $0x1  }
0x303: {  	v5 =	vld [tilespmem:s15+$0x1E00];
	_ =	sdelay $0x2  }
0x304: {  	v6 =	vadd.s32 v3, v4  }
0x305: {  	[tilespmem:s15+$0x2600] =	vst v3;
	vm11 =	vgt.s32 v6, $0x0  }
0x306: {  	[tilespmem:s15+$0x2E00] =	vst v4;
	v3 =	vnsel vm11, $0x0, v5  }
0x307: {  	[tilespmem:s15+$0x3600] =	vst v3;
	s15 =	sld [smem:$0x79E];
	_ =	sdelay $0x1  }
0x308: {  	s13 =	simm.s32 $0x0  }
0x309: {  	[hbm4b:s15+s13] =	stream.linear.scatter [tilespmem:s9], [sflag:$0x1], $0x7D0, $0x38;
	[tilespmem:$0x3E80] =	vst v63  }
0x30a: {  	_ =	swait.ge [sflag:s5], $0x7D0  }
0x30b: {  	s16 =	sld [smem:$0x79F]  }
0x30c: {  	[sflag:s5] =	ssyncset.done $0x0  }
0x30d: {  	[sflag:s5] =	ssyncadd.s32 $0xFFFFF830  }
0x30e: {  	[hbm4b:s16+s13] =	stream.linear.scatter [tilespmem:s10], [sflag:$0x1], $0x7D0, $0x38;
	[tilespmem:$0x3E80] =	vst v63  }
0x30f: {  	_ =	swait.ge [sflag:s5], $0x7D0  }
0x310: {  	s15 =	sld [smem:$0x7A0]  }
0x311: {  	[sflag:s5] =	ssyncset.done $0x0  }
0x312: {  	[sflag:s5] =	ssyncadd.s32 $0xFFFFF830  }
0x313: {  	[hbm4b:s15+s13] =	stream.linear.scatter [tilespmem:s11], [sflag:$0x1], $0x7D0, $0x38;
	[tilespmem:$0x3E80] =	vst v63  }
0x314: {  	_ =	swait.ge [sflag:s5], $0x7D0  }
0x315: {  	s16 =	sld [smem:$0x7A1]  }
0x316: {  	[sflag:s5] =	ssyncset.done $0x0  }
0x317: {  	[sflag:s5] =	ssyncadd.s32 $0xFFFFF830  }
0x318: {  	[tilespmem:s6], [sflag:$0x1] =	stream.linear.gather [hbm4b:s16+s13], $0x7D0, $0x38;
	[tilespmem:$0x3E80] =	vst v63  }
0x319: {  	_ =	swait.ge [sflag:s5], $0x7D0  }
0x31a: {  	s15 =	sld [smem:$0x7A2]  }
0x31b: {  	[sflag:s5] =	ssyncset.done $0x0  }
0x31c: {  	[sflag:s5] =	ssyncadd.s32 $0xFFFFF830  }
0x31d: {  	[tilespmem:s7], [sflag:$0x1] =	stream.linear.gather [hbm4b:s15+s13], $0x7D0, $0x38;
	[tilespmem:$0x3E80] =	vst v63  }
0x31e: {  	_ =	swait.ge [sflag:s5], $0x7D0  }
0x31f: {  	s16 =	sld [smem:$0x7A3]  }
0x320: {  	[sflag:s5] =	ssyncset.done $0x0  }
0x321: {  	[sflag:s5] =	ssyncadd.s32 $0xFFFFF830  }
0x322: {  	[tilespmem:s8], [sflag:$0x1] =	stream.linear.gather [hbm4b:s16+s13], $0x7D0, $0x38;
	[tilespmem:$0x3E80] =	vst v63  }
0x323: {  	_ =	swait.ge [sflag:s5], $0x7D0  }
0x324: {  	[sflag:s5] =	ssyncset.done $0x0  }
0x325: {  	s14 =	simm.s32 $0x0;
	[sflag:s5] =	ssyncadd.s32 $0xFFFFF830  }
0x326: {  	v3 =	vld [tilespmem:s14+$0xE00]  }
0x327: {  	v4 =	vld [tilespmem:s14+$0x1600];
	_ =	sdelay $0x3  }
0x328: {  	v3 =	vsub.s32 v3, v0  }
0x329: {  	v4 =	vsub.s32 v4, v0;
	vm12 =	vgt.s32 v3, $0x0  }
0x32a: {  	vm13 =	vgt.s32 v4, $0x0;
	v3 =	vnsel vm12, $0x0, v3  }
0x32b: {  	v4 =	vnsel vm13, $0x0, v4;
	v3 =	vmin.u32 v3, $0xC3F  }
0x32c: {  	v4 =	vmin.u32 v4, $0xC3F  }
0x32d: {  	s13 =	simm.s32 $0x10  }
0x32e: {  	v5 =	vld [tilespmem:s13+$0xE00]  }
0x32f: {  	v6 =	vld [tilespmem:s13+$0x1600]  }
0x330: {  	v3 =	vld.idx.msk [tilespmem:v3+s1+$0x0], $0xffff  }
0x331: {  	v4 =	vld.idx.msk [tilespmem:v4+s1+$0x0], $0xffff;
	_ =	sdelay $0x2  }
0x332: {  	v5 =	vsub.s32 v5, v0  }
0x333: {  	v7 =	vld [tilespmem:s14+$0x1E00];
	v6 =	vsub.s32 v6, v0;
	vm14 =	vgt.s32 v5, $0x0  }
0x334: {  	vm1 =	vgt.s32 v6, $0x0;
	v5 =	vnsel vm14, $0x0, v5;
	[tilespmem:s14+$0x2600] =	vst v3;
	v3 =	vadd.s32 v3, v4  }
0x335: {  	v6 =	vnsel vm1, $0x0, v6;
	vm15 =	vgt.s32 v3, $0x0;
	v3 =	vmin.u32 v5, $0xC3F  }
0x336: {  	[tilespmem:s14+$0x2E00] =	vst v4;
	v4 =	vmin.u32 v6, $0xC3F  }
0x337: {  	s15 =	simm.s32 $0x20  }
0x338: {  	s16 =	simm.s32 $0xC0;
	v5 =	vld [tilespmem:s15+$0xE00];
	v6 =	vnsel vm15, $0x0, v7  }
.LBB2_20:
0x339: {  	p1 =	sne.s32 s16, $0x1F00;
	v7 =	vld [tilespmem:s15+$0x1600];
	[tilespmem:s14+$0x3600] =	vst v6;
	s14 =	smov.u32 s13;
	s13 =	smov.u32 s15  }
0x33a: {  	v6 =	vld.idx.msk [tilespmem:v3+s1+$0x0], $0xffff  }
0x33b: {  	v8 =	vld.idx.msk [tilespmem:v4+s1+$0x0], $0xffff;
	_ =	sdelay $0x1  }
0x33c: {  	v3 =	vsub.s32 v5, v0  }
0x33d: {  	vm0 =	vgt.s32 v3, $0x0;
	v4 =	vsub.s32 v7, v0;
	v7 =	vld [tilespmem:s14+$0x1E00]  }
.Ltmp9:
0x33e: {  	v3 =	vnsel vm0, $0x0, v3;
	vm0 =	vgt.s32 v4, $0x0;
	(pc) =	sbr.rel @p1 .LBB2_20-.Ltmp9, $4  }
0x33f: {  	v3 =	vmin.u32 v3, $0xC3F;
	v4 =	vnsel vm0, $0x0, v4;
	[tilespmem:s14+$0x2600] =	vst v6  }
0x340: {  	v5 =	vadd.s32 v6, v8;
	v4 =	vmin.u32 v4, $0xC3F;
	[tilespmem:s14+$0x2E00] =	vst v8  }
0x341: {  	s15 =	sshra.s32 s16, $0x2;
	vm0 =	vgt.s32 v5, $0x0  }
0x342: {  	s16 =	sadd.s32 $0x40, s16;
	v5 =	vld [tilespmem:s15+$0xE00];
	v6 =	vnsel vm0, $0x0, v7  }
0x343: {  	_ =	sdelay $0x1  }
0x344: {  	v7 =	vld [tilespmem:s15+$0x1600]  }
0x345: {  	[tilespmem:s14+$0x3600] =	vst v6  }
0x346: {  	v3 =	vld.idx.msk [tilespmem:v3+s1+$0x0], $0xffff  }
0x347: {  	v4 =	vld.idx.msk [tilespmem:v4+s1+$0x0], $0xffff  }
0x348: {  	v5 =	vsub.s32 v5, v0  }
0x349: {  	vm0 =	vgt.s32 v5, $0x0;
	v6 =	vsub.s32 v7, v0;
	v7 =	vld [tilespmem:s13+$0x1E00]  }
0x34a: {  	v5 =	vnsel vm0, $0x0, v5;
	vm9 =	vgt.s32 v6, $0x0  }
0x34b: {  	v5 =	vmin.u32 v5, $0xC3F;
	v6 =	vnsel vm9, $0x0, v6  }
0x34c: {  	v8 =	vadd.s32 v3, v4;
	v6 =	vmin.u32 v6, $0xC3F  }
0x34d: {  	[tilespmem:s13+$0x2600] =	vst v3;
	vm10 =	vgt.s32 v8, $0x0  }
0x34e: {  	[tilespmem:s13+$0x2E00] =	vst v4;
	v3 =	vnsel vm10, $0x0, v7  }
0x34f: {  	[tilespmem:s13+$0x3600] =	vst v3  }
0x350: {  	v3 =	vld.idx.msk [tilespmem:v5+s1+$0x0], $0xffff  }
0x351: {  	v4 =	vld.idx.msk [tilespmem:v6+s1+$0x0], $0xffff;
	_ =	sdelay $0x1  }
0x352: {  	v5 =	vld [tilespmem:s15+$0x1E00];
	_ =	sdelay $0x2  }
0x353: {  	v6 =	vadd.s32 v3, v4  }
0x354: {  	[tilespmem:s15+$0x2600] =	vst v3;
	vm11 =	vgt.s32 v6, $0x0  }
0x355: {  	[tilespmem:s15+$0x2E00] =	vst v4;
	v3 =	vnsel vm11, $0x0, v5  }
0x356: {  	[tilespmem:s15+$0x3600] =	vst v3;
	s15 =	sld [smem:$0x7A4];
	_ =	sdelay $0x1  }
0x357: {  	s13 =	simm.s32 $0x0  }
0x358: {  	[hbm4b:s15+s13] =	stream.linear.scatter [tilespmem:s9], [sflag:$0x1], $0x7D0, $0x38;
	[tilespmem:$0x3E80] =	vst v63  }
0x359: {  	_ =	swait.ge [sflag:s5], $0x7D0  }
0x35a: {  	s16 =	sld [smem:$0x7A5]  }
0x35b: {  	[sflag:s5] =	ssyncset.done $0x0  }
0x35c: {  	[sflag:s5] =	ssyncadd.s32 $0xFFFFF830  }
0x35d: {  	[hbm4b:s16+s13] =	stream.linear.scatter [tilespmem:s10], [sflag:$0x1], $0x7D0, $0x38;
	[tilespmem:$0x3E80] =	vst v63  }
0x35e: {  	_ =	swait.ge [sflag:s5], $0x7D0  }
0x35f: {  	s15 =	sld [smem:$0x7A6]  }
0x360: {  	[sflag:s5] =	ssyncset.done $0x0  }
0x361: {  	[sflag:s5] =	ssyncadd.s32 $0xFFFFF830  }
0x362: {  	[hbm4b:s15+s13] =	stream.linear.scatter [tilespmem:s11], [sflag:$0x1], $0x7D0, $0x38;
	[tilespmem:$0x3E80] =	vst v63  }
0x363: {  	_ =	swait.ge [sflag:s5], $0x7D0  }
0x364: {  	s16 =	sld [smem:$0x7A7]  }
0x365: {  	[sflag:s5] =	ssyncset.done $0x0  }
0x366: {  	[sflag:s5] =	ssyncadd.s32 $0xFFFFF830  }
0x367: {  	[tilespmem:s6], [sflag:$0x1] =	stream.linear.gather [hbm4b:s16+s13], $0x7D0, $0x38;
	[tilespmem:$0x3E80] =	vst v63  }
0x368: {  	_ =	swait.ge [sflag:s5], $0x7D0  }
0x369: {  	s15 =	sld [smem:$0x7A8]  }
0x36a: {  	[sflag:s5] =	ssyncset.done $0x0  }
0x36b: {  	[sflag:s5] =	ssyncadd.s32 $0xFFFFF830  }
0x36c: {  	[tilespmem:s7], [sflag:$0x1] =	stream.linear.gather [hbm4b:s15+s13], $0x7D0, $0x38;
	[tilespmem:$0x3E80] =	vst v63  }
0x36d: {  	_ =	swait.ge [sflag:s5], $0x7D0  }
0x36e: {  	s16 =	sld [smem:$0x7A9]  }
0x36f: {  	[sflag:s5] =	ssyncset.done $0x0  }
0x370: {  	[sflag:s5] =	ssyncadd.s32 $0xFFFFF830  }
0x371: {  	[tilespmem:s8], [sflag:$0x1] =	stream.linear.gather [hbm4b:s16+s13], $0x7D0, $0x38;
	[tilespmem:$0x3E80] =	vst v63  }
0x372: {  	_ =	swait.ge [sflag:s5], $0x7D0  }
0x373: {  	[sflag:s5] =	ssyncset.done $0x0  }
0x374: {  	s14 =	simm.s32 $0x0;
	[sflag:s5] =	ssyncadd.s32 $0xFFFFF830  }
0x375: {  	v3 =	vld [tilespmem:s14+$0xE00]  }
0x376: {  	v4 =	vld [tilespmem:s14+$0x1600];
	_ =	sdelay $0x3  }
0x377: {  	v3 =	vsub.s32 v3, v0  }
0x378: {  	v4 =	vsub.s32 v4, v0;
	vm12 =	vgt.s32 v3, $0x0  }
0x379: {  	vm13 =	vgt.s32 v4, $0x0;
	v3 =	vnsel vm12, $0x0, v3  }
0x37a: {  	v4 =	vnsel vm13, $0x0, v4;
	v3 =	vmin.u32 v3, $0xC3F  }
0x37b: {  	v4 =	vmin.u32 v4, $0xC3F  }
0x37c: {  	s13 =	simm.s32 $0x10  }
0x37d: {  	v5 =	vld [tilespmem:s13+$0xE00]  }
0x37e: {  	v6 =	vld [tilespmem:s13+$0x1600]  }
0x37f: {  	v3 =	vld.idx.msk [tilespmem:v3+s1+$0x0], $0xffff  }
0x380: {  	v4 =	vld.idx.msk [tilespmem:v4+s1+$0x0], $0xffff;
	_ =	sdelay $0x2  }
0x381: {  	v5 =	vsub.s32 v5, v0  }
0x382: {  	v7 =	vld [tilespmem:s14+$0x1E00];
	v6 =	vsub.s32 v6, v0;
	vm14 =	vgt.s32 v5, $0x0  }
0x383: {  	vm1 =	vgt.s32 v6, $0x0;
	v5 =	vnsel vm14, $0x0, v5;
	[tilespmem:s14+$0x2600] =	vst v3;
	v3 =	vadd.s32 v3, v4  }
0x384: {  	v6 =	vnsel vm1, $0x0, v6;
	vm15 =	vgt.s32 v3, $0x0;
	v3 =	vmin.u32 v5, $0xC3F  }
0x385: {  	[tilespmem:s14+$0x2E00] =	vst v4;
	v4 =	vmin.u32 v6, $0xC3F  }
0x386: {  	s15 =	simm.s32 $0x20  }
0x387: {  	s16 =	simm.s32 $0xC0;
	v5 =	vld [tilespmem:s15+$0xE00];
	v6 =	vnsel vm15, $0x0, v7  }
.LBB2_22:
0x388: {  	p1 =	sne.s32 s16, $0x1F00;
	v7 =	vld [tilespmem:s15+$0x1600];
	[tilespmem:s14+$0x3600] =	vst v6;
	s14 =	smov.u32 s13;
	s13 =	smov.u32 s15  }
0x389: {  	v6 =	vld.idx.msk [tilespmem:v3+s1+$0x0], $0xffff  }
0x38a: {  	v8 =	vld.idx.msk [tilespmem:v4+s1+$0x0], $0xffff;
	_ =	sdelay $0x1  }
0x38b: {  	v3 =	vsub.s32 v5, v0  }
0x38c: {  	vm0 =	vgt.s32 v3, $0x0;
	v4 =	vsub.s32 v7, v0;
	v7 =	vld [tilespmem:s14+$0x1E00]  }
.Ltmp10:
0x38d: {  	v3 =	vnsel vm0, $0x0, v3;
	vm0 =	vgt.s32 v4, $0x0;
	(pc) =	sbr.rel @p1 .LBB2_22-.Ltmp10, $4  }
0x38e: {  	v3 =	vmin.u32 v3, $0xC3F;
	v4 =	vnsel vm0, $0x0, v4;
	[tilespmem:s14+$0x2600] =	vst v6  }
0x38f: {  	v5 =	vadd.s32 v6, v8;
	v4 =	vmin.u32 v4, $0xC3F;
	[tilespmem:s14+$0x2E00] =	vst v8  }
0x390: {  	s15 =	sshra.s32 s16, $0x2;
	vm0 =	vgt.s32 v5, $0x0  }
0x391: {  	s16 =	sadd.s32 $0x40, s16;
	v5 =	vld [tilespmem:s15+$0xE00];
	v6 =	vnsel vm0, $0x0, v7  }
0x392: {  	_ =	sdelay $0x1  }
0x393: {  	v7 =	vld [tilespmem:s15+$0x1600]  }
0x394: {  	[tilespmem:s14+$0x3600] =	vst v6  }
0x395: {  	v3 =	vld.idx.msk [tilespmem:v3+s1+$0x0], $0xffff  }
0x396: {  	v4 =	vld.idx.msk [tilespmem:v4+s1+$0x0], $0xffff  }
0x397: {  	v5 =	vsub.s32 v5, v0  }
0x398: {  	vm0 =	vgt.s32 v5, $0x0;
	v6 =	vsub.s32 v7, v0;
	v7 =	vld [tilespmem:s13+$0x1E00]  }
0x399: {  	v5 =	vnsel vm0, $0x0, v5;
	vm9 =	vgt.s32 v6, $0x0  }
0x39a: {  	v5 =	vmin.u32 v5, $0xC3F;
	v6 =	vnsel vm9, $0x0, v6  }
0x39b: {  	v8 =	vadd.s32 v3, v4;
	v6 =	vmin.u32 v6, $0xC3F  }
0x39c: {  	[tilespmem:s13+$0x2600] =	vst v3;
	vm10 =	vgt.s32 v8, $0x0  }
0x39d: {  	[tilespmem:s13+$0x2E00] =	vst v4;
	v3 =	vnsel vm10, $0x0, v7  }
0x39e: {  	[tilespmem:s13+$0x3600] =	vst v3  }
0x39f: {  	v3 =	vld.idx.msk [tilespmem:v5+s1+$0x0], $0xffff  }
0x3a0: {  	v4 =	vld.idx.msk [tilespmem:v6+s1+$0x0], $0xffff;
	_ =	sdelay $0x1  }
0x3a1: {  	v5 =	vld [tilespmem:s15+$0x1E00];
	_ =	sdelay $0x2  }
0x3a2: {  	v6 =	vadd.s32 v3, v4  }
0x3a3: {  	[tilespmem:s15+$0x2600] =	vst v3;
	vm11 =	vgt.s32 v6, $0x0  }
0x3a4: {  	[tilespmem:s15+$0x2E00] =	vst v4;
	v3 =	vnsel vm11, $0x0, v5  }
0x3a5: {  	[tilespmem:s15+$0x3600] =	vst v3;
	s15 =	sld [smem:$0x7AA];
	_ =	sdelay $0x1  }
0x3a6: {  	s13 =	simm.s32 $0x0  }
0x3a7: {  	[hbm4b:s15+s13] =	stream.linear.scatter [tilespmem:s9], [sflag:$0x1], $0x7D0, $0x38;
	[tilespmem:$0x3E80] =	vst v63  }
0x3a8: {  	_ =	swait.ge [sflag:s5], $0x7D0  }
0x3a9: {  	s16 =	sld [smem:$0x7AB]  }
0x3aa: {  	[sflag:s5] =	ssyncset.done $0x0  }
0x3ab: {  	[sflag:s5] =	ssyncadd.s32 $0xFFFFF830  }
0x3ac: {  	[hbm4b:s16+s13] =	stream.linear.scatter [tilespmem:s10], [sflag:$0x1], $0x7D0, $0x38;
	[tilespmem:$0x3E80] =	vst v63  }
0x3ad: {  	_ =	swait.ge [sflag:s5], $0x7D0  }
0x3ae: {  	s15 =	sld [smem:$0x7AC]  }
0x3af: {  	[sflag:s5] =	ssyncset.done $0x0  }
0x3b0: {  	[sflag:s5] =	ssyncadd.s32 $0xFFFFF830  }
0x3b1: {  	[hbm4b:s15+s13] =	stream.linear.scatter [tilespmem:s11], [sflag:$0x1], $0x7D0, $0x38;
	[tilespmem:$0x3E80] =	vst v63  }
0x3b2: {  	_ =	swait.ge [sflag:s5], $0x7D0  }
0x3b3: {  	s16 =	sld [smem:$0x7AD]  }
0x3b4: {  	[sflag:s5] =	ssyncset.done $0x0  }
0x3b5: {  	[sflag:s5] =	ssyncadd.s32 $0xFFFFF830  }
0x3b6: {  	[tilespmem:s6], [sflag:$0x1] =	stream.linear.gather [hbm4b:s16+s13], $0x7D0, $0x38;
	[tilespmem:$0x3E80] =	vst v63  }
0x3b7: {  	_ =	swait.ge [sflag:s5], $0x7D0  }
0x3b8: {  	s15 =	sld [smem:$0x7AE]  }
0x3b9: {  	[sflag:s5] =	ssyncset.done $0x0  }
0x3ba: {  	[sflag:s5] =	ssyncadd.s32 $0xFFFFF830  }
0x3bb: {  	[tilespmem:s7], [sflag:$0x1] =	stream.linear.gather [hbm4b:s15+s13], $0x7D0, $0x38;
	[tilespmem:$0x3E80] =	vst v63  }
0x3bc: {  	_ =	swait.ge [sflag:s5], $0x7D0  }
0x3bd: {  	s16 =	sld [smem:$0x7AF]  }
0x3be: {  	[sflag:s5] =	ssyncset.done $0x0  }
0x3bf: {  	[sflag:s5] =	ssyncadd.s32 $0xFFFFF830  }
0x3c0: {  	[tilespmem:s8], [sflag:$0x1] =	stream.linear.gather [hbm4b:s16+s13], $0x7D0, $0x38;
	[tilespmem:$0x3E80] =	vst v63  }
0x3c1: {  	_ =	swait.ge [sflag:s5], $0x7D0  }
0x3c2: {  	[sflag:s5] =	ssyncset.done $0x0  }
0x3c3: {  	s14 =	simm.s32 $0x0;
	[sflag:s5] =	ssyncadd.s32 $0xFFFFF830  }
0x3c4: {  	v3 =	vld [tilespmem:s14+$0xE00]  }
0x3c5: {  	v4 =	vld [tilespmem:s14+$0x1600];
	_ =	sdelay $0x3  }
0x3c6: {  	v3 =	vsub.s32 v3, v0  }
0x3c7: {  	v4 =	vsub.s32 v4, v0;
	vm12 =	vgt.s32 v3, $0x0  }
0x3c8: {  	vm13 =	vgt.s32 v4, $0x0;
	v3 =	vnsel vm12, $0x0, v3  }
0x3c9: {  	v4 =	vnsel vm13, $0x0, v4;
	v3 =	vmin.u32 v3, $0xC3F  }
0x3ca: {  	v4 =	vmin.u32 v4, $0xC3F  }
0x3cb: {  	s13 =	simm.s32 $0x10  }
0x3cc: {  	v5 =	vld [tilespmem:s13+$0xE00]  }
0x3cd: {  	v6 =	vld [tilespmem:s13+$0x1600]  }
0x3ce: {  	v3 =	vld.idx.msk [tilespmem:v3+s1+$0x0], $0xffff  }
0x3cf: {  	v4 =	vld.idx.msk [tilespmem:v4+s1+$0x0], $0xffff;
	_ =	sdelay $0x2  }
0x3d0: {  	v5 =	vsub.s32 v5, v0  }
0x3d1: {  	v7 =	vld [tilespmem:s14+$0x1E00];
	v6 =	vsub.s32 v6, v0;
	vm14 =	vgt.s32 v5, $0x0  }
0x3d2: {  	vm1 =	vgt.s32 v6, $0x0;
	v5 =	vnsel vm14, $0x0, v5;
	[tilespmem:s14+$0x2600] =	vst v3;
	v3 =	vadd.s32 v3, v4  }
0x3d3: {  	v6 =	vnsel vm1, $0x0, v6;
	vm15 =	vgt.s32 v3, $0x0;
	v3 =	vmin.u32 v5, $0xC3F  }
0x3d4: {  	[tilespmem:s14+$0x2E00] =	vst v4;
	v4 =	vmin.u32 v6, $0xC3F  }
0x3d5: {  	s15 =	simm.s32 $0x20  }
0x3d6: {  	s16 =	simm.s32 $0xC0;
	v5 =	vld [tilespmem:s15+$0xE00];
	v6 =	vnsel vm15, $0x0, v7  }
.LBB2_24:
0x3d7: {  	p1 =	sne.s32 s16, $0x1F00;
	v7 =	vld [tilespmem:s15+$0x1600];
	[tilespmem:s14+$0x3600] =	vst v6;
	s14 =	smov.u32 s13;
	s13 =	smov.u32 s15  }
0x3d8: {  	v6 =	vld.idx.msk [tilespmem:v3+s1+$0x0], $0xffff  }
0x3d9: {  	v8 =	vld.idx.msk [tilespmem:v4+s1+$0x0], $0xffff;
	_ =	sdelay $0x1  }
0x3da: {  	v3 =	vsub.s32 v5, v0  }
0x3db: {  	vm0 =	vgt.s32 v3, $0x0;
	v4 =	vsub.s32 v7, v0;
	v7 =	vld [tilespmem:s14+$0x1E00]  }
.Ltmp11:
0x3dc: {  	v3 =	vnsel vm0, $0x0, v3;
	vm0 =	vgt.s32 v4, $0x0;
	(pc) =	sbr.rel @p1 .LBB2_24-.Ltmp11, $4  }
0x3dd: {  	v3 =	vmin.u32 v3, $0xC3F;
	v4 =	vnsel vm0, $0x0, v4;
	[tilespmem:s14+$0x2600] =	vst v6  }
0x3de: {  	v5 =	vadd.s32 v6, v8;
	v4 =	vmin.u32 v4, $0xC3F;
	[tilespmem:s14+$0x2E00] =	vst v8  }
0x3df: {  	s15 =	sshra.s32 s16, $0x2;
	vm0 =	vgt.s32 v5, $0x0  }
0x3e0: {  	s16 =	sadd.s32 $0x40, s16;
	v5 =	vld [tilespmem:s15+$0xE00];
	v6 =	vnsel vm0, $0x0, v7  }
0x3e1: {  	_ =	sdelay $0x1  }
0x3e2: {  	v7 =	vld [tilespmem:s15+$0x1600]  }
0x3e3: {  	[tilespmem:s14+$0x3600] =	vst v6  }
0x3e4: {  	v3 =	vld.idx.msk [tilespmem:v3+s1+$0x0], $0xffff  }
0x3e5: {  	v4 =	vld.idx.msk [tilespmem:v4+s1+$0x0], $0xffff  }
0x3e6: {  	v5 =	vsub.s32 v5, v0  }
0x3e7: {  	vm0 =	vgt.s32 v5, $0x0;
	v6 =	vsub.s32 v7, v0;
	v7 =	vld [tilespmem:s13+$0x1E00]  }
0x3e8: {  	v5 =	vnsel vm0, $0x0, v5;
	vm9 =	vgt.s32 v6, $0x0  }
0x3e9: {  	v5 =	vmin.u32 v5, $0xC3F;
	v6 =	vnsel vm9, $0x0, v6  }
0x3ea: {  	v8 =	vadd.s32 v3, v4;
	v6 =	vmin.u32 v6, $0xC3F  }
0x3eb: {  	[tilespmem:s13+$0x2600] =	vst v3;
	vm10 =	vgt.s32 v8, $0x0  }
0x3ec: {  	[tilespmem:s13+$0x2E00] =	vst v4;
	v3 =	vnsel vm10, $0x0, v7  }
0x3ed: {  	[tilespmem:s13+$0x3600] =	vst v3  }
0x3ee: {  	v3 =	vld.idx.msk [tilespmem:v5+s1+$0x0], $0xffff  }
0x3ef: {  	v4 =	vld.idx.msk [tilespmem:v6+s1+$0x0], $0xffff;
	_ =	sdelay $0x1  }
0x3f0: {  	v5 =	vld [tilespmem:s15+$0x1E00];
	_ =	sdelay $0x2  }
0x3f1: {  	v6 =	vadd.s32 v3, v4  }
0x3f2: {  	[tilespmem:s15+$0x2600] =	vst v3;
	vm11 =	vgt.s32 v6, $0x0  }
0x3f3: {  	[tilespmem:s15+$0x2E00] =	vst v4;
	v3 =	vnsel vm11, $0x0, v5  }
0x3f4: {  	[tilespmem:s15+$0x3600] =	vst v3;
	s15 =	sld [smem:$0x7B0];
	_ =	sdelay $0x1  }
0x3f5: {  	s13 =	simm.s32 $0x0  }
0x3f6: {  	[hbm4b:s15+s13] =	stream.linear.scatter [tilespmem:s9], [sflag:$0x1], $0x7D0, $0x38;
	[tilespmem:$0x3E80] =	vst v63  }
0x3f7: {  	_ =	swait.ge [sflag:s5], $0x7D0  }
0x3f8: {  	s16 =	sld [smem:$0x7B1]  }
0x3f9: {  	[sflag:s5] =	ssyncset.done $0x0  }
0x3fa: {  	[sflag:s5] =	ssyncadd.s32 $0xFFFFF830  }
0x3fb: {  	[hbm4b:s16+s13] =	stream.linear.scatter [tilespmem:s10], [sflag:$0x1], $0x7D0, $0x38;
	[tilespmem:$0x3E80] =	vst v63  }
0x3fc: {  	_ =	swait.ge [sflag:s5], $0x7D0  }
0x3fd: {  	s15 =	sld [smem:$0x7B2]  }
0x3fe: {  	[sflag:s5] =	ssyncset.done $0x0  }
0x3ff: {  	[sflag:s5] =	ssyncadd.s32 $0xFFFFF830  }
0x400: {  	[hbm4b:s15+s13] =	stream.linear.scatter [tilespmem:s11], [sflag:$0x1], $0x7D0, $0x38;
	[tilespmem:$0x3E80] =	vst v63  }
0x401: {  	_ =	swait.ge [sflag:s5], $0x7D0  }
0x402: {  	s16 =	sld [smem:$0x7B3]  }
0x403: {  	[sflag:s5] =	ssyncset.done $0x0  }
0x404: {  	[sflag:s5] =	ssyncadd.s32 $0xFFFFF830  }
0x405: {  	[tilespmem:s6], [sflag:$0x1] =	stream.linear.gather [hbm4b:s16+s13], $0x7D0, $0x38;
	[tilespmem:$0x3E80] =	vst v63  }
0x406: {  	_ =	swait.ge [sflag:s5], $0x7D0  }
0x407: {  	s15 =	sld [smem:$0x7B4]  }
0x408: {  	[sflag:s5] =	ssyncset.done $0x0  }
0x409: {  	[sflag:s5] =	ssyncadd.s32 $0xFFFFF830  }
0x40a: {  	[tilespmem:s7], [sflag:$0x1] =	stream.linear.gather [hbm4b:s15+s13], $0x7D0, $0x38;
	[tilespmem:$0x3E80] =	vst v63  }
0x40b: {  	_ =	swait.ge [sflag:s5], $0x7D0  }
0x40c: {  	s16 =	sld [smem:$0x7B5]  }
0x40d: {  	[sflag:s5] =	ssyncset.done $0x0  }
0x40e: {  	[sflag:s5] =	ssyncadd.s32 $0xFFFFF830  }
0x40f: {  	[tilespmem:s8], [sflag:$0x1] =	stream.linear.gather [hbm4b:s16+s13], $0x7D0, $0x38;
	[tilespmem:$0x3E80] =	vst v63  }
0x410: {  	_ =	swait.ge [sflag:s5], $0x7D0  }
0x411: {  	[sflag:s5] =	ssyncset.done $0x0  }
0x412: {  	s14 =	simm.s32 $0x0;
	[sflag:s5] =	ssyncadd.s32 $0xFFFFF830  }
0x413: {  	v3 =	vld [tilespmem:s14+$0xE00]  }
0x414: {  	v4 =	vld [tilespmem:s14+$0x1600];
	_ =	sdelay $0x3  }
0x415: {  	v3 =	vsub.s32 v3, v0  }
0x416: {  	v4 =	vsub.s32 v4, v0;
	vm12 =	vgt.s32 v3, $0x0  }
0x417: {  	vm13 =	vgt.s32 v4, $0x0;
	v3 =	vnsel vm12, $0x0, v3  }
0x418: {  	v4 =	vnsel vm13, $0x0, v4;
	v3 =	vmin.u32 v3, $0xC3F  }
0x419: {  	v4 =	vmin.u32 v4, $0xC3F  }
0x41a: {  	s13 =	simm.s32 $0x10  }
0x41b: {  	v5 =	vld [tilespmem:s13+$0xE00]  }
0x41c: {  	v6 =	vld [tilespmem:s13+$0x1600]  }
0x41d: {  	v3 =	vld.idx.msk [tilespmem:v3+s1+$0x0], $0xffff  }
0x41e: {  	v4 =	vld.idx.msk [tilespmem:v4+s1+$0x0], $0xffff;
	_ =	sdelay $0x2  }
0x41f: {  	v5 =	vsub.s32 v5, v0  }
0x420: {  	v7 =	vld [tilespmem:s14+$0x1E00];
	v6 =	vsub.s32 v6, v0;
	vm14 =	vgt.s32 v5, $0x0  }
0x421: {  	vm1 =	vgt.s32 v6, $0x0;
	v5 =	vnsel vm14, $0x0, v5;
	[tilespmem:s14+$0x2600] =	vst v3;
	v3 =	vadd.s32 v3, v4  }
0x422: {  	v6 =	vnsel vm1, $0x0, v6;
	vm15 =	vgt.s32 v3, $0x0;
	v3 =	vmin.u32 v5, $0xC3F  }
0x423: {  	[tilespmem:s14+$0x2E00] =	vst v4;
	v4 =	vmin.u32 v6, $0xC3F  }
0x424: {  	s15 =	simm.s32 $0x20  }
0x425: {  	s16 =	simm.s32 $0xC0;
	v5 =	vld [tilespmem:s15+$0xE00];
	v6 =	vnsel vm15, $0x0, v7  }
.LBB2_26:
0x426: {  	p1 =	sne.s32 s16, $0x1F00;
	v7 =	vld [tilespmem:s15+$0x1600];
	[tilespmem:s14+$0x3600] =	vst v6;
	s14 =	smov.u32 s13;
	s13 =	smov.u32 s15  }
0x427: {  	v6 =	vld.idx.msk [tilespmem:v3+s1+$0x0], $0xffff  }
0x428: {  	v8 =	vld.idx.msk [tilespmem:v4+s1+$0x0], $0xffff;
	_ =	sdelay $0x1  }
0x429: {  	v3 =	vsub.s32 v5, v0  }
0x42a: {  	vm0 =	vgt.s32 v3, $0x0;
	v4 =	vsub.s32 v7, v0;
	v7 =	vld [tilespmem:s14+$0x1E00]  }
.Ltmp12:
0x42b: {  	v3 =	vnsel vm0, $0x0, v3;
	vm0 =	vgt.s32 v4, $0x0;
	(pc) =	sbr.rel @p1 .LBB2_26-.Ltmp12, $4  }
0x42c: {  	v3 =	vmin.u32 v3, $0xC3F;
	v4 =	vnsel vm0, $0x0, v4;
	[tilespmem:s14+$0x2600] =	vst v6  }
0x42d: {  	v5 =	vadd.s32 v6, v8;
	v4 =	vmin.u32 v4, $0xC3F;
	[tilespmem:s14+$0x2E00] =	vst v8  }
0x42e: {  	s15 =	sshra.s32 s16, $0x2;
	vm0 =	vgt.s32 v5, $0x0  }
0x42f: {  	s16 =	sadd.s32 $0x40, s16;
	v5 =	vld [tilespmem:s15+$0xE00];
	v6 =	vnsel vm0, $0x0, v7  }
0x430: {  	_ =	sdelay $0x1  }
0x431: {  	v7 =	vld [tilespmem:s15+$0x1600]  }
0x432: {  	[tilespmem:s14+$0x3600] =	vst v6  }
0x433: {  	v3 =	vld.idx.msk [tilespmem:v3+s1+$0x0], $0xffff  }
0x434: {  	v4 =	vld.idx.msk [tilespmem:v4+s1+$0x0], $0xffff  }
0x435: {  	v5 =	vsub.s32 v5, v0  }
0x436: {  	vm0 =	vgt.s32 v5, $0x0;
	v6 =	vsub.s32 v7, v0;
	v7 =	vld [tilespmem:s13+$0x1E00]  }
0x437: {  	v5 =	vnsel vm0, $0x0, v5;
	vm9 =	vgt.s32 v6, $0x0  }
0x438: {  	v5 =	vmin.u32 v5, $0xC3F;
	v6 =	vnsel vm9, $0x0, v6  }
0x439: {  	v8 =	vadd.s32 v3, v4;
	v6 =	vmin.u32 v6, $0xC3F  }
0x43a: {  	[tilespmem:s13+$0x2600] =	vst v3;
	vm10 =	vgt.s32 v8, $0x0  }
0x43b: {  	[tilespmem:s13+$0x2E00] =	vst v4;
	v3 =	vnsel vm10, $0x0, v7  }
0x43c: {  	[tilespmem:s13+$0x3600] =	vst v3  }
0x43d: {  	v3 =	vld.idx.msk [tilespmem:v5+s1+$0x0], $0xffff  }
0x43e: {  	v4 =	vld.idx.msk [tilespmem:v6+s1+$0x0], $0xffff;
	_ =	sdelay $0x1  }
0x43f: {  	v5 =	vld [tilespmem:s15+$0x1E00];
	_ =	sdelay $0x2  }
0x440: {  	v6 =	vadd.s32 v3, v4  }
0x441: {  	[tilespmem:s15+$0x2600] =	vst v3;
	vm11 =	vgt.s32 v6, $0x0  }
0x442: {  	[tilespmem:s15+$0x2E00] =	vst v4;
	v3 =	vnsel vm11, $0x0, v5  }
0x443: {  	[tilespmem:s15+$0x3600] =	vst v3;
	s15 =	sld [smem:$0x7B6];
	_ =	sdelay $0x1  }
0x444: {  	s13 =	simm.s32 $0x0  }
0x445: {  	[hbm4b:s15+s13] =	stream.linear.scatter [tilespmem:s9], [sflag:$0x1], $0x7D0, $0x38;
	[tilespmem:$0x3E80] =	vst v63  }
0x446: {  	_ =	swait.ge [sflag:s5], $0x7D0  }
0x447: {  	s16 =	sld [smem:$0x7B7]  }
0x448: {  	[sflag:s5] =	ssyncset.done $0x0  }
0x449: {  	[sflag:s5] =	ssyncadd.s32 $0xFFFFF830  }
0x44a: {  	[hbm4b:s16+s13] =	stream.linear.scatter [tilespmem:s10], [sflag:$0x1], $0x7D0, $0x38;
	[tilespmem:$0x3E80] =	vst v63  }
0x44b: {  	_ =	swait.ge [sflag:s5], $0x7D0  }
0x44c: {  	s15 =	sld [smem:$0x7B8]  }
0x44d: {  	[sflag:s5] =	ssyncset.done $0x0  }
0x44e: {  	[sflag:s5] =	ssyncadd.s32 $0xFFFFF830  }
0x44f: {  	[hbm4b:s15+s13] =	stream.linear.scatter [tilespmem:s11], [sflag:$0x1], $0x7D0, $0x38;
	[tilespmem:$0x3E80] =	vst v63  }
0x450: {  	_ =	swait.ge [sflag:s5], $0x7D0  }
0x451: {  	s16 =	sld [smem:$0x7B9]  }
0x452: {  	[sflag:s5] =	ssyncset.done $0x0  }
0x453: {  	[sflag:s5] =	ssyncadd.s32 $0xFFFFF830  }
0x454: {  	[tilespmem:s6], [sflag:$0x1] =	stream.linear.gather [hbm4b:s16+s13], $0x7D0, $0x38;
	[tilespmem:$0x3E80] =	vst v63  }
0x455: {  	_ =	swait.ge [sflag:s5], $0x7D0  }
0x456: {  	s15 =	sld [smem:$0x7BA]  }
0x457: {  	[sflag:s5] =	ssyncset.done $0x0  }
0x458: {  	[sflag:s5] =	ssyncadd.s32 $0xFFFFF830  }
0x459: {  	[tilespmem:s7], [sflag:$0x1] =	stream.linear.gather [hbm4b:s15+s13], $0x7D0, $0x38;
	[tilespmem:$0x3E80] =	vst v63  }
0x45a: {  	_ =	swait.ge [sflag:s5], $0x7D0  }
0x45b: {  	s16 =	sld [smem:$0x7BB]  }
0x45c: {  	[sflag:s5] =	ssyncset.done $0x0  }
0x45d: {  	[sflag:s5] =	ssyncadd.s32 $0xFFFFF830  }
0x45e: {  	[tilespmem:s8], [sflag:$0x1] =	stream.linear.gather [hbm4b:s16+s13], $0x7D0, $0x38;
	[tilespmem:$0x3E80] =	vst v63  }
0x45f: {  	_ =	swait.ge [sflag:s5], $0x7D0  }
0x460: {  	[sflag:s5] =	ssyncset.done $0x0  }
0x461: {  	s14 =	simm.s32 $0x0;
	[sflag:s5] =	ssyncadd.s32 $0xFFFFF830  }
0x462: {  	v3 =	vld [tilespmem:s14+$0xE00]  }
0x463: {  	v4 =	vld [tilespmem:s14+$0x1600];
	_ =	sdelay $0x3  }
0x464: {  	v3 =	vsub.s32 v3, v0  }
0x465: {  	v4 =	vsub.s32 v4, v0;
	vm12 =	vgt.s32 v3, $0x0  }
0x466: {  	vm13 =	vgt.s32 v4, $0x0;
	v3 =	vnsel vm12, $0x0, v3  }
0x467: {  	v4 =	vnsel vm13, $0x0, v4;
	v3 =	vmin.u32 v3, $0xC3F  }
0x468: {  	v4 =	vmin.u32 v4, $0xC3F  }
0x469: {  	s13 =	simm.s32 $0x10  }
0x46a: {  	v5 =	vld [tilespmem:s13+$0xE00]  }
0x46b: {  	v6 =	vld [tilespmem:s13+$0x1600]  }
0x46c: {  	v3 =	vld.idx.msk [tilespmem:v3+s1+$0x0], $0xffff  }
0x46d: {  	v4 =	vld.idx.msk [tilespmem:v4+s1+$0x0], $0xffff;
	_ =	sdelay $0x2  }
0x46e: {  	v5 =	vsub.s32 v5, v0  }
0x46f: {  	v7 =	vld [tilespmem:s14+$0x1E00];
	v6 =	vsub.s32 v6, v0;
	vm14 =	vgt.s32 v5, $0x0  }
0x470: {  	vm1 =	vgt.s32 v6, $0x0;
	v5 =	vnsel vm14, $0x0, v5;
	[tilespmem:s14+$0x2600] =	vst v3;
	v3 =	vadd.s32 v3, v4  }
0x471: {  	v6 =	vnsel vm1, $0x0, v6;
	vm15 =	vgt.s32 v3, $0x0;
	v3 =	vmin.u32 v5, $0xC3F  }
0x472: {  	[tilespmem:s14+$0x2E00] =	vst v4;
	v4 =	vmin.u32 v6, $0xC3F  }
0x473: {  	s15 =	simm.s32 $0x20  }
0x474: {  	s16 =	simm.s32 $0xC0;
	v5 =	vld [tilespmem:s15+$0xE00];
	v6 =	vnsel vm15, $0x0, v7  }
.LBB2_28:
0x475: {  	p1 =	sne.s32 s16, $0x1F00;
	v7 =	vld [tilespmem:s15+$0x1600];
	[tilespmem:s14+$0x3600] =	vst v6;
	s14 =	smov.u32 s13;
	s13 =	smov.u32 s15  }
0x476: {  	v6 =	vld.idx.msk [tilespmem:v3+s1+$0x0], $0xffff  }
0x477: {  	v8 =	vld.idx.msk [tilespmem:v4+s1+$0x0], $0xffff;
	_ =	sdelay $0x1  }
0x478: {  	v3 =	vsub.s32 v5, v0  }
0x479: {  	vm0 =	vgt.s32 v3, $0x0;
	v4 =	vsub.s32 v7, v0;
	v7 =	vld [tilespmem:s14+$0x1E00]  }
.Ltmp13:
0x47a: {  	v3 =	vnsel vm0, $0x0, v3;
	vm0 =	vgt.s32 v4, $0x0;
	(pc) =	sbr.rel @p1 .LBB2_28-.Ltmp13, $4  }
0x47b: {  	v3 =	vmin.u32 v3, $0xC3F;
	v4 =	vnsel vm0, $0x0, v4;
	[tilespmem:s14+$0x2600] =	vst v6  }
0x47c: {  	v5 =	vadd.s32 v6, v8;
	v4 =	vmin.u32 v4, $0xC3F;
	[tilespmem:s14+$0x2E00] =	vst v8  }
0x47d: {  	s15 =	sshra.s32 s16, $0x2;
	vm0 =	vgt.s32 v5, $0x0  }
0x47e: {  	s16 =	sadd.s32 $0x40, s16;
	v5 =	vld [tilespmem:s15+$0xE00];
	v6 =	vnsel vm0, $0x0, v7  }
0x47f: {  	_ =	sdelay $0x1  }
0x480: {  	v7 =	vld [tilespmem:s15+$0x1600]  }
0x481: {  	[tilespmem:s14+$0x3600] =	vst v6  }
0x482: {  	v3 =	vld.idx.msk [tilespmem:v3+s1+$0x0], $0xffff  }
0x483: {  	v4 =	vld.idx.msk [tilespmem:v4+s1+$0x0], $0xffff  }
0x484: {  	v5 =	vsub.s32 v5, v0  }
0x485: {  	vm0 =	vgt.s32 v5, $0x0;
	v6 =	vsub.s32 v7, v0;
	v7 =	vld [tilespmem:s13+$0x1E00]  }
0x486: {  	v5 =	vnsel vm0, $0x0, v5;
	vm9 =	vgt.s32 v6, $0x0  }
0x487: {  	v5 =	vmin.u32 v5, $0xC3F;
	v6 =	vnsel vm9, $0x0, v6  }
0x488: {  	v8 =	vadd.s32 v3, v4;
	v6 =	vmin.u32 v6, $0xC3F  }
0x489: {  	[tilespmem:s13+$0x2600] =	vst v3;
	vm10 =	vgt.s32 v8, $0x0  }
0x48a: {  	[tilespmem:s13+$0x2E00] =	vst v4;
	v3 =	vnsel vm10, $0x0, v7  }
0x48b: {  	[tilespmem:s13+$0x3600] =	vst v3  }
0x48c: {  	v3 =	vld.idx.msk [tilespmem:v5+s1+$0x0], $0xffff  }
0x48d: {  	v4 =	vld.idx.msk [tilespmem:v6+s1+$0x0], $0xffff;
	_ =	sdelay $0x1  }
0x48e: {  	v5 =	vld [tilespmem:s15+$0x1E00];
	_ =	sdelay $0x2  }
0x48f: {  	v6 =	vadd.s32 v3, v4  }
0x490: {  	[tilespmem:s15+$0x2600] =	vst v3;
	vm11 =	vgt.s32 v6, $0x0  }
0x491: {  	[tilespmem:s15+$0x2E00] =	vst v4;
	v3 =	vnsel vm11, $0x0, v5  }
0x492: {  	[tilespmem:s15+$0x3600] =	vst v3;
	s15 =	sld [smem:$0x7BC];
	_ =	sdelay $0x1  }
0x493: {  	s13 =	simm.s32 $0x0  }
0x494: {  	[hbm4b:s15+s13] =	stream.linear.scatter [tilespmem:s9], [sflag:$0x1], $0x7D0, $0x38;
	[tilespmem:$0x3E80] =	vst v63  }
0x495: {  	_ =	swait.ge [sflag:s5], $0x7D0  }
0x496: {  	s16 =	sld [smem:$0x7BD]  }
0x497: {  	[sflag:s5] =	ssyncset.done $0x0  }
0x498: {  	[sflag:s5] =	ssyncadd.s32 $0xFFFFF830  }
0x499: {  	[hbm4b:s16+s13] =	stream.linear.scatter [tilespmem:s10], [sflag:$0x1], $0x7D0, $0x38;
	[tilespmem:$0x3E80] =	vst v63  }
0x49a: {  	_ =	swait.ge [sflag:s5], $0x7D0  }
0x49b: {  	s15 =	sld [smem:$0x7BE]  }
0x49c: {  	[sflag:s5] =	ssyncset.done $0x0  }
0x49d: {  	[sflag:s5] =	ssyncadd.s32 $0xFFFFF830  }
0x49e: {  	[hbm4b:s15+s13] =	stream.linear.scatter [tilespmem:s11], [sflag:$0x1], $0x7D0, $0x38;
	[tilespmem:$0x3E80] =	vst v63  }
0x49f: {  	_ =	swait.ge [sflag:s5], $0x7D0  }
0x4a0: {  	s16 =	sld [smem:$0x7BF]  }
0x4a1: {  	[sflag:s5] =	ssyncset.done $0x0  }
0x4a2: {  	[sflag:s5] =	ssyncadd.s32 $0xFFFFF830  }
0x4a3: {  	[tilespmem:s6], [sflag:$0x1] =	stream.linear.gather [hbm4b:s16+s13], $0x7D0, $0x38;
	[tilespmem:$0x3E80] =	vst v63  }
0x4a4: {  	_ =	swait.ge [sflag:s5], $0x7D0  }
0x4a5: {  	s15 =	sld [smem:$0x7C0]  }
0x4a6: {  	[sflag:s5] =	ssyncset.done $0x0  }
0x4a7: {  	[sflag:s5] =	ssyncadd.s32 $0xFFFFF830  }
0x4a8: {  	[tilespmem:s7], [sflag:$0x1] =	stream.linear.gather [hbm4b:s15+s13], $0x7D0, $0x38;
	[tilespmem:$0x3E80] =	vst v63  }
0x4a9: {  	_ =	swait.ge [sflag:s5], $0x7D0  }
0x4aa: {  	s16 =	sld [smem:$0x7C1]  }
0x4ab: {  	[sflag:s5] =	ssyncset.done $0x0  }
0x4ac: {  	[sflag:s5] =	ssyncadd.s32 $0xFFFFF830  }
0x4ad: {  	[tilespmem:s8], [sflag:$0x1] =	stream.linear.gather [hbm4b:s16+s13], $0x7D0, $0x38;
	[tilespmem:$0x3E80] =	vst v63  }
0x4ae: {  	_ =	swait.ge [sflag:s5], $0x7D0  }
0x4af: {  	[sflag:s5] =	ssyncset.done $0x0  }
0x4b0: {  	s14 =	simm.s32 $0x0;
	[sflag:s5] =	ssyncadd.s32 $0xFFFFF830  }
0x4b1: {  	v3 =	vld [tilespmem:s14+$0xE00]  }
0x4b2: {  	v4 =	vld [tilespmem:s14+$0x1600];
	_ =	sdelay $0x3  }
0x4b3: {  	v3 =	vsub.s32 v3, v0  }
0x4b4: {  	v4 =	vsub.s32 v4, v0;
	vm12 =	vgt.s32 v3, $0x0  }
0x4b5: {  	vm13 =	vgt.s32 v4, $0x0;
	v3 =	vnsel vm12, $0x0, v3  }
0x4b6: {  	v4 =	vnsel vm13, $0x0, v4;
	v3 =	vmin.u32 v3, $0xC3F  }
0x4b7: {  	v4 =	vmin.u32 v4, $0xC3F  }
0x4b8: {  	s13 =	simm.s32 $0x10  }
0x4b9: {  	v5 =	vld [tilespmem:s13+$0xE00]  }
0x4ba: {  	v6 =	vld [tilespmem:s13+$0x1600]  }
0x4bb: {  	v3 =	vld.idx.msk [tilespmem:v3+s1+$0x0], $0xffff  }
0x4bc: {  	v4 =	vld.idx.msk [tilespmem:v4+s1+$0x0], $0xffff;
	_ =	sdelay $0x2  }
0x4bd: {  	v5 =	vsub.s32 v5, v0  }
0x4be: {  	v7 =	vld [tilespmem:s14+$0x1E00];
	v6 =	vsub.s32 v6, v0;
	vm14 =	vgt.s32 v5, $0x0  }
0x4bf: {  	vm1 =	vgt.s32 v6, $0x0;
	v5 =	vnsel vm14, $0x0, v5;
	[tilespmem:s14+$0x2600] =	vst v3;
	v3 =	vadd.s32 v3, v4  }
0x4c0: {  	v6 =	vnsel vm1, $0x0, v6;
	vm15 =	vgt.s32 v3, $0x0;
	v3 =	vmin.u32 v5, $0xC3F  }
0x4c1: {  	[tilespmem:s14+$0x2E00] =	vst v4;
	v4 =	vmin.u32 v6, $0xC3F  }
0x4c2: {  	s15 =	simm.s32 $0x20  }
0x4c3: {  	s16 =	simm.s32 $0xC0;
	v5 =	vld [tilespmem:s15+$0xE00];
	v6 =	vnsel vm15, $0x0, v7  }
.LBB2_30:
0x4c4: {  	p1 =	sne.s32 s16, $0x1F00;
	v7 =	vld [tilespmem:s15+$0x1600];
	[tilespmem:s14+$0x3600] =	vst v6;
	s14 =	smov.u32 s13;
	s13 =	smov.u32 s15  }
0x4c5: {  	v6 =	vld.idx.msk [tilespmem:v3+s1+$0x0], $0xffff  }
0x4c6: {  	v8 =	vld.idx.msk [tilespmem:v4+s1+$0x0], $0xffff;
	_ =	sdelay $0x1  }
0x4c7: {  	v3 =	vsub.s32 v5, v0  }
0x4c8: {  	vm0 =	vgt.s32 v3, $0x0;
	v4 =	vsub.s32 v7, v0;
	v7 =	vld [tilespmem:s14+$0x1E00]  }
.Ltmp14:
0x4c9: {  	v3 =	vnsel vm0, $0x0, v3;
	vm0 =	vgt.s32 v4, $0x0;
	(pc) =	sbr.rel @p1 .LBB2_30-.Ltmp14, $4  }
0x4ca: {  	v3 =	vmin.u32 v3, $0xC3F;
	v4 =	vnsel vm0, $0x0, v4;
	[tilespmem:s14+$0x2600] =	vst v6  }
0x4cb: {  	v5 =	vadd.s32 v6, v8;
	v4 =	vmin.u32 v4, $0xC3F;
	[tilespmem:s14+$0x2E00] =	vst v8  }
0x4cc: {  	s15 =	sshra.s32 s16, $0x2;
	vm0 =	vgt.s32 v5, $0x0  }
0x4cd: {  	s16 =	sadd.s32 $0x40, s16;
	v5 =	vld [tilespmem:s15+$0xE00];
	v6 =	vnsel vm0, $0x0, v7  }
0x4ce: {  	_ =	sdelay $0x1  }
0x4cf: {  	v7 =	vld [tilespmem:s15+$0x1600]  }
0x4d0: {  	[tilespmem:s14+$0x3600] =	vst v6  }
0x4d1: {  	v3 =	vld.idx.msk [tilespmem:v3+s1+$0x0], $0xffff  }
0x4d2: {  	v4 =	vld.idx.msk [tilespmem:v4+s1+$0x0], $0xffff  }
0x4d3: {  	v5 =	vsub.s32 v5, v0  }
0x4d4: {  	vm0 =	vgt.s32 v5, $0x0;
	v6 =	vsub.s32 v7, v0;
	v7 =	vld [tilespmem:s13+$0x1E00]  }
0x4d5: {  	v5 =	vnsel vm0, $0x0, v5;
	vm9 =	vgt.s32 v6, $0x0  }
0x4d6: {  	v5 =	vmin.u32 v5, $0xC3F;
	v6 =	vnsel vm9, $0x0, v6  }
0x4d7: {  	v8 =	vadd.s32 v3, v4;
	v6 =	vmin.u32 v6, $0xC3F  }
0x4d8: {  	[tilespmem:s13+$0x2600] =	vst v3;
	vm10 =	vgt.s32 v8, $0x0  }
0x4d9: {  	[tilespmem:s13+$0x2E00] =	vst v4;
	v3 =	vnsel vm10, $0x0, v7  }
0x4da: {  	[tilespmem:s13+$0x3600] =	vst v3  }
0x4db: {  	v3 =	vld.idx.msk [tilespmem:v5+s1+$0x0], $0xffff  }
0x4dc: {  	v4 =	vld.idx.msk [tilespmem:v6+s1+$0x0], $0xffff;
	_ =	sdelay $0x1  }
0x4dd: {  	v5 =	vld [tilespmem:s15+$0x1E00];
	_ =	sdelay $0x2  }
0x4de: {  	v6 =	vadd.s32 v3, v4  }
0x4df: {  	[tilespmem:s15+$0x2600] =	vst v3;
	vm11 =	vgt.s32 v6, $0x0  }
0x4e0: {  	[tilespmem:s15+$0x2E00] =	vst v4;
	v3 =	vnsel vm11, $0x0, v5  }
0x4e1: {  	[tilespmem:s15+$0x3600] =	vst v3;
	s15 =	sld [smem:$0x7C2];
	_ =	sdelay $0x1  }
0x4e2: {  	s13 =	simm.s32 $0x0  }
0x4e3: {  	[hbm4b:s15+s13] =	stream.linear.scatter [tilespmem:s9], [sflag:$0x1], $0x7D0, $0x38;
	[tilespmem:$0x3E80] =	vst v63  }
0x4e4: {  	_ =	swait.ge [sflag:s5], $0x7D0  }
0x4e5: {  	s16 =	sld [smem:$0x7C3]  }
0x4e6: {  	[sflag:s5] =	ssyncset.done $0x0  }
0x4e7: {  	[sflag:s5] =	ssyncadd.s32 $0xFFFFF830  }
0x4e8: {  	[hbm4b:s16+s13] =	stream.linear.scatter [tilespmem:s10], [sflag:$0x1], $0x7D0, $0x38;
	[tilespmem:$0x3E80] =	vst v63  }
0x4e9: {  	_ =	swait.ge [sflag:s5], $0x7D0  }
0x4ea: {  	s15 =	sld [smem:$0x7C4]  }
0x4eb: {  	[sflag:s5] =	ssyncset.done $0x0  }
0x4ec: {  	[sflag:s5] =	ssyncadd.s32 $0xFFFFF830  }
0x4ed: {  	[hbm4b:s15+s13] =	stream.linear.scatter [tilespmem:s11], [sflag:$0x1], $0x7D0, $0x38;
	[tilespmem:$0x3E80] =	vst v63  }
0x4ee: {  	_ =	swait.ge [sflag:s5], $0x7D0  }
0x4ef: {  	s16 =	sld [smem:$0x7C5]  }
0x4f0: {  	[sflag:s5] =	ssyncset.done $0x0  }
0x4f1: {  	[sflag:s5] =	ssyncadd.s32 $0xFFFFF830  }
0x4f2: {  	[tilespmem:s6], [sflag:$0x1] =	stream.linear.gather [hbm4b:s16+s13], $0x7D0, $0x38;
	[tilespmem:$0x3E80] =	vst v63  }
0x4f3: {  	_ =	swait.ge [sflag:s5], $0x7D0  }
0x4f4: {  	s15 =	sld [smem:$0x7C6]  }
0x4f5: {  	[sflag:s5] =	ssyncset.done $0x0  }
0x4f6: {  	[sflag:s5] =	ssyncadd.s32 $0xFFFFF830  }
0x4f7: {  	[tilespmem:s7], [sflag:$0x1] =	stream.linear.gather [hbm4b:s15+s13], $0x7D0, $0x38;
	[tilespmem:$0x3E80] =	vst v63  }
0x4f8: {  	_ =	swait.ge [sflag:s5], $0x7D0  }
0x4f9: {  	s16 =	sld [smem:$0x7C7]  }
0x4fa: {  	[sflag:s5] =	ssyncset.done $0x0  }
0x4fb: {  	[sflag:s5] =	ssyncadd.s32 $0xFFFFF830  }
0x4fc: {  	[tilespmem:s8], [sflag:$0x1] =	stream.linear.gather [hbm4b:s16+s13], $0x7D0, $0x38;
	[tilespmem:$0x3E80] =	vst v63  }
0x4fd: {  	_ =	swait.ge [sflag:s5], $0x7D0  }
0x4fe: {  	[sflag:s5] =	ssyncset.done $0x0  }
0x4ff: {  	s14 =	simm.s32 $0x0;
	[sflag:s5] =	ssyncadd.s32 $0xFFFFF830  }
0x500: {  	v3 =	vld [tilespmem:s14+$0xE00]  }
0x501: {  	v4 =	vld [tilespmem:s14+$0x1600];
	_ =	sdelay $0x3  }
0x502: {  	v3 =	vsub.s32 v3, v0  }
0x503: {  	v4 =	vsub.s32 v4, v0;
	vm12 =	vgt.s32 v3, $0x0  }
0x504: {  	vm13 =	vgt.s32 v4, $0x0;
	v3 =	vnsel vm12, $0x0, v3  }
0x505: {  	v4 =	vnsel vm13, $0x0, v4;
	v3 =	vmin.u32 v3, $0xC3F  }
0x506: {  	v4 =	vmin.u32 v4, $0xC3F  }
0x507: {  	s13 =	simm.s32 $0x10  }
0x508: {  	v5 =	vld [tilespmem:s13+$0xE00]  }
0x509: {  	v6 =	vld [tilespmem:s13+$0x1600]  }
0x50a: {  	v3 =	vld.idx.msk [tilespmem:v3+s1+$0x0], $0xffff  }
0x50b: {  	v4 =	vld.idx.msk [tilespmem:v4+s1+$0x0], $0xffff;
	_ =	sdelay $0x2  }
0x50c: {  	v5 =	vsub.s32 v5, v0  }
0x50d: {  	v7 =	vld [tilespmem:s14+$0x1E00];
	v6 =	vsub.s32 v6, v0;
	vm14 =	vgt.s32 v5, $0x0  }
0x50e: {  	vm1 =	vgt.s32 v6, $0x0;
	v5 =	vnsel vm14, $0x0, v5;
	[tilespmem:s14+$0x2600] =	vst v3;
	v3 =	vadd.s32 v3, v4  }
0x50f: {  	v6 =	vnsel vm1, $0x0, v6;
	vm15 =	vgt.s32 v3, $0x0;
	v3 =	vmin.u32 v5, $0xC3F  }
0x510: {  	[tilespmem:s14+$0x2E00] =	vst v4;
	v4 =	vmin.u32 v6, $0xC3F  }
0x511: {  	s15 =	simm.s32 $0x20  }
0x512: {  	s16 =	simm.s32 $0xC0;
	v5 =	vld [tilespmem:s15+$0xE00];
	v6 =	vnsel vm15, $0x0, v7  }
.LBB2_32:
0x513: {  	p1 =	sne.s32 s16, $0x1F00;
	v7 =	vld [tilespmem:s15+$0x1600];
	[tilespmem:s14+$0x3600] =	vst v6;
	s14 =	smov.u32 s13;
	s13 =	smov.u32 s15  }
0x514: {  	v6 =	vld.idx.msk [tilespmem:v3+s1+$0x0], $0xffff  }
0x515: {  	v8 =	vld.idx.msk [tilespmem:v4+s1+$0x0], $0xffff;
	_ =	sdelay $0x1  }
0x516: {  	v3 =	vsub.s32 v5, v0  }
0x517: {  	vm0 =	vgt.s32 v3, $0x0;
	v4 =	vsub.s32 v7, v0;
	v7 =	vld [tilespmem:s14+$0x1E00]  }
.Ltmp15:
0x518: {  	v3 =	vnsel vm0, $0x0, v3;
	vm0 =	vgt.s32 v4, $0x0;
	(pc) =	sbr.rel @p1 .LBB2_32-.Ltmp15, $4  }
0x519: {  	v3 =	vmin.u32 v3, $0xC3F;
	v4 =	vnsel vm0, $0x0, v4;
	[tilespmem:s14+$0x2600] =	vst v6  }
0x51a: {  	v5 =	vadd.s32 v6, v8;
	v4 =	vmin.u32 v4, $0xC3F;
	[tilespmem:s14+$0x2E00] =	vst v8  }
0x51b: {  	s15 =	sshra.s32 s16, $0x2;
	vm0 =	vgt.s32 v5, $0x0  }
0x51c: {  	s16 =	sadd.s32 $0x40, s16;
	v5 =	vld [tilespmem:s15+$0xE00];
	v6 =	vnsel vm0, $0x0, v7  }
0x51d: {  	_ =	sdelay $0x1  }
0x51e: {  	v7 =	vld [tilespmem:s15+$0x1600]  }
0x51f: {  	[tilespmem:s14+$0x3600] =	vst v6  }
0x520: {  	v3 =	vld.idx.msk [tilespmem:v3+s1+$0x0], $0xffff  }
0x521: {  	v4 =	vld.idx.msk [tilespmem:v4+s1+$0x0], $0xffff  }
0x522: {  	v5 =	vsub.s32 v5, v0  }
0x523: {  	vm0 =	vgt.s32 v5, $0x0;
	v6 =	vsub.s32 v7, v0;
	v7 =	vld [tilespmem:s13+$0x1E00]  }
0x524: {  	v5 =	vnsel vm0, $0x0, v5;
	vm9 =	vgt.s32 v6, $0x0  }
0x525: {  	v5 =	vmin.u32 v5, $0xC3F;
	v6 =	vnsel vm9, $0x0, v6  }
0x526: {  	v8 =	vadd.s32 v3, v4;
	v6 =	vmin.u32 v6, $0xC3F  }
0x527: {  	[tilespmem:s13+$0x2600] =	vst v3;
	vm10 =	vgt.s32 v8, $0x0  }
0x528: {  	[tilespmem:s13+$0x2E00] =	vst v4;
	v3 =	vnsel vm10, $0x0, v7  }
0x529: {  	[tilespmem:s13+$0x3600] =	vst v3  }
0x52a: {  	v3 =	vld.idx.msk [tilespmem:v5+s1+$0x0], $0xffff  }
0x52b: {  	v4 =	vld.idx.msk [tilespmem:v6+s1+$0x0], $0xffff;
	_ =	sdelay $0x1  }
0x52c: {  	v5 =	vld [tilespmem:s15+$0x1E00];
	_ =	sdelay $0x2  }
0x52d: {  	v6 =	vadd.s32 v3, v4  }
0x52e: {  	[tilespmem:s15+$0x2600] =	vst v3;
	vm11 =	vgt.s32 v6, $0x0  }
0x52f: {  	[tilespmem:s15+$0x2E00] =	vst v4;
	v3 =	vnsel vm11, $0x0, v5  }
0x530: {  	[tilespmem:s15+$0x3600] =	vst v3;
	s15 =	sld [smem:$0x7C8];
	_ =	sdelay $0x1  }
0x531: {  	s13 =	simm.s32 $0x0  }
0x532: {  	[hbm4b:s15+s13] =	stream.linear.scatter [tilespmem:s9], [sflag:$0x1], $0x7D0, $0x38;
	[tilespmem:$0x3E80] =	vst v63  }
0x533: {  	_ =	swait.ge [sflag:s5], $0x7D0  }
0x534: {  	s16 =	sld [smem:$0x7C9]  }
0x535: {  	[sflag:s5] =	ssyncset.done $0x0  }
0x536: {  	[sflag:s5] =	ssyncadd.s32 $0xFFFFF830  }
0x537: {  	[hbm4b:s16+s13] =	stream.linear.scatter [tilespmem:s10], [sflag:$0x1], $0x7D0, $0x38;
	[tilespmem:$0x3E80] =	vst v63  }
0x538: {  	_ =	swait.ge [sflag:s5], $0x7D0  }
0x539: {  	s15 =	sld [smem:$0x7CA]  }
0x53a: {  	[sflag:s5] =	ssyncset.done $0x0  }
0x53b: {  	[sflag:s5] =	ssyncadd.s32 $0xFFFFF830  }
0x53c: {  	[hbm4b:s15+s13] =	stream.linear.scatter [tilespmem:s11], [sflag:$0x1], $0x7D0, $0x38;
	[tilespmem:$0x3E80] =	vst v63  }
0x53d: {  	_ =	swait.ge [sflag:s5], $0x7D0  }
0x53e: {  	s16 =	sld [smem:$0x7CB]  }
0x53f: {  	[sflag:s5] =	ssyncset.done $0x0  }
0x540: {  	[sflag:s5] =	ssyncadd.s32 $0xFFFFF830  }
0x541: {  	[tilespmem:s6], [sflag:$0x1] =	stream.linear.gather [hbm4b:s16+s13], $0x7D0, $0x38;
	[tilespmem:$0x3E80] =	vst v63  }
0x542: {  	_ =	swait.ge [sflag:s5], $0x7D0  }
0x543: {  	s15 =	sld [smem:$0x7CC]  }
0x544: {  	[sflag:s5] =	ssyncset.done $0x0  }
0x545: {  	[sflag:s5] =	ssyncadd.s32 $0xFFFFF830  }
0x546: {  	[tilespmem:s7], [sflag:$0x1] =	stream.linear.gather [hbm4b:s15+s13], $0x7D0, $0x38;
	[tilespmem:$0x3E80] =	vst v63  }
0x547: {  	_ =	swait.ge [sflag:s5], $0x7D0  }
0x548: {  	s16 =	sld [smem:$0x7CD]  }
0x549: {  	[sflag:s5] =	ssyncset.done $0x0  }
0x54a: {  	[sflag:s5] =	ssyncadd.s32 $0xFFFFF830  }
0x54b: {  	[tilespmem:s8], [sflag:$0x1] =	stream.linear.gather [hbm4b:s16+s13], $0x7D0, $0x38;
	[tilespmem:$0x3E80] =	vst v63  }
0x54c: {  	_ =	swait.ge [sflag:s5], $0x7D0  }
0x54d: {  	[sflag:s5] =	ssyncset.done $0x0  }
0x54e: {  	s14 =	simm.s32 $0x0;
	[sflag:s5] =	ssyncadd.s32 $0xFFFFF830  }
0x54f: {  	v3 =	vld [tilespmem:s14+$0xE00]  }
0x550: {  	v4 =	vld [tilespmem:s14+$0x1600];
	_ =	sdelay $0x3  }
0x551: {  	v3 =	vsub.s32 v3, v0  }
0x552: {  	v4 =	vsub.s32 v4, v0;
	vm12 =	vgt.s32 v3, $0x0  }
0x553: {  	vm13 =	vgt.s32 v4, $0x0;
	v3 =	vnsel vm12, $0x0, v3  }
0x554: {  	v4 =	vnsel vm13, $0x0, v4;
	v3 =	vmin.u32 v3, $0xC3F  }
0x555: {  	v4 =	vmin.u32 v4, $0xC3F  }
0x556: {  	s13 =	simm.s32 $0x10  }
0x557: {  	v5 =	vld [tilespmem:s13+$0xE00]  }
0x558: {  	v6 =	vld [tilespmem:s13+$0x1600]  }
0x559: {  	v3 =	vld.idx.msk [tilespmem:v3+s1+$0x0], $0xffff  }
0x55a: {  	v4 =	vld.idx.msk [tilespmem:v4+s1+$0x0], $0xffff;
	_ =	sdelay $0x2  }
0x55b: {  	v5 =	vsub.s32 v5, v0  }
0x55c: {  	v7 =	vld [tilespmem:s14+$0x1E00];
	v6 =	vsub.s32 v6, v0;
	vm14 =	vgt.s32 v5, $0x0  }
0x55d: {  	vm1 =	vgt.s32 v6, $0x0;
	v5 =	vnsel vm14, $0x0, v5;
	[tilespmem:s14+$0x2600] =	vst v3;
	v3 =	vadd.s32 v3, v4  }
0x55e: {  	v6 =	vnsel vm1, $0x0, v6;
	vm15 =	vgt.s32 v3, $0x0;
	v3 =	vmin.u32 v5, $0xC3F  }
0x55f: {  	[tilespmem:s14+$0x2E00] =	vst v4;
	v4 =	vmin.u32 v6, $0xC3F  }
0x560: {  	s15 =	simm.s32 $0x20  }
0x561: {  	s16 =	simm.s32 $0xC0;
	v5 =	vld [tilespmem:s15+$0xE00];
	v6 =	vnsel vm15, $0x0, v7  }
.LBB2_34:
0x562: {  	p1 =	sne.s32 s16, $0x1F00;
	v7 =	vld [tilespmem:s15+$0x1600];
	[tilespmem:s14+$0x3600] =	vst v6;
	s14 =	smov.u32 s13;
	s13 =	smov.u32 s15  }
0x563: {  	v6 =	vld.idx.msk [tilespmem:v3+s1+$0x0], $0xffff  }
0x564: {  	v8 =	vld.idx.msk [tilespmem:v4+s1+$0x0], $0xffff;
	_ =	sdelay $0x1  }
0x565: {  	v3 =	vsub.s32 v5, v0  }
0x566: {  	vm0 =	vgt.s32 v3, $0x0;
	v4 =	vsub.s32 v7, v0;
	v7 =	vld [tilespmem:s14+$0x1E00]  }
.Ltmp16:
0x567: {  	v3 =	vnsel vm0, $0x0, v3;
	vm0 =	vgt.s32 v4, $0x0;
	(pc) =	sbr.rel @p1 .LBB2_34-.Ltmp16, $4  }
0x568: {  	v3 =	vmin.u32 v3, $0xC3F;
	v4 =	vnsel vm0, $0x0, v4;
	[tilespmem:s14+$0x2600] =	vst v6  }
0x569: {  	v5 =	vadd.s32 v6, v8;
	v4 =	vmin.u32 v4, $0xC3F;
	[tilespmem:s14+$0x2E00] =	vst v8  }
0x56a: {  	s15 =	sshra.s32 s16, $0x2;
	vm0 =	vgt.s32 v5, $0x0  }
0x56b: {  	s16 =	sadd.s32 $0x40, s16;
	v5 =	vld [tilespmem:s15+$0xE00];
	v6 =	vnsel vm0, $0x0, v7  }
0x56c: {  	_ =	sdelay $0x1  }
0x56d: {  	v7 =	vld [tilespmem:s15+$0x1600]  }
0x56e: {  	[tilespmem:s14+$0x3600] =	vst v6  }
0x56f: {  	v3 =	vld.idx.msk [tilespmem:v3+s1+$0x0], $0xffff  }
0x570: {  	v4 =	vld.idx.msk [tilespmem:v4+s1+$0x0], $0xffff  }
0x571: {  	v5 =	vsub.s32 v5, v0  }
0x572: {  	vm0 =	vgt.s32 v5, $0x0;
	v6 =	vsub.s32 v7, v0;
	v7 =	vld [tilespmem:s13+$0x1E00]  }
0x573: {  	v5 =	vnsel vm0, $0x0, v5;
	vm9 =	vgt.s32 v6, $0x0  }
0x574: {  	v5 =	vmin.u32 v5, $0xC3F;
	v6 =	vnsel vm9, $0x0, v6  }
0x575: {  	v8 =	vadd.s32 v3, v4;
	v6 =	vmin.u32 v6, $0xC3F  }
0x576: {  	[tilespmem:s13+$0x2600] =	vst v3;
	vm10 =	vgt.s32 v8, $0x0  }
0x577: {  	[tilespmem:s13+$0x2E00] =	vst v4;
	v3 =	vnsel vm10, $0x0, v7  }
0x578: {  	[tilespmem:s13+$0x3600] =	vst v3  }
0x579: {  	v3 =	vld.idx.msk [tilespmem:v5+s1+$0x0], $0xffff  }
0x57a: {  	v4 =	vld.idx.msk [tilespmem:v6+s1+$0x0], $0xffff;
	_ =	sdelay $0x1  }
0x57b: {  	v5 =	vld [tilespmem:s15+$0x1E00];
	_ =	sdelay $0x2  }
0x57c: {  	v6 =	vadd.s32 v3, v4  }
0x57d: {  	[tilespmem:s15+$0x2600] =	vst v3;
	vm11 =	vgt.s32 v6, $0x0  }
0x57e: {  	[tilespmem:s15+$0x2E00] =	vst v4;
	v3 =	vnsel vm11, $0x0, v5  }
0x57f: {  	[tilespmem:s15+$0x3600] =	vst v3;
	s15 =	sld [smem:$0x7CE];
	_ =	sdelay $0x1  }
0x580: {  	s13 =	simm.s32 $0x0  }
0x581: {  	[hbm4b:s15+s13] =	stream.linear.scatter [tilespmem:s9], [sflag:$0x1], $0x7D0, $0x38;
	[tilespmem:$0x3E80] =	vst v63  }
0x582: {  	_ =	swait.ge [sflag:s5], $0x7D0  }
0x583: {  	s16 =	sld [smem:$0x7CF]  }
0x584: {  	[sflag:s5] =	ssyncset.done $0x0  }
0x585: {  	[sflag:s5] =	ssyncadd.s32 $0xFFFFF830  }
0x586: {  	[hbm4b:s16+s13] =	stream.linear.scatter [tilespmem:s10], [sflag:$0x1], $0x7D0, $0x38;
	[tilespmem:$0x3E80] =	vst v63  }
0x587: {  	_ =	swait.ge [sflag:s5], $0x7D0  }
0x588: {  	s15 =	sld [smem:$0x7D0]  }
0x589: {  	[sflag:s5] =	ssyncset.done $0x0  }
0x58a: {  	[sflag:s5] =	ssyncadd.s32 $0xFFFFF830  }
0x58b: {  	[hbm4b:s15+s13] =	stream.linear.scatter [tilespmem:s11], [sflag:$0x1], $0x7D0, $0x38;
	[tilespmem:$0x3E80] =	vst v63  }
0x58c: {  	_ =	swait.ge [sflag:s5], $0x7D0  }
0x58d: {  	s16 =	sld [smem:$0x7D1]  }
0x58e: {  	[sflag:s5] =	ssyncset.done $0x0  }
0x58f: {  	[sflag:s5] =	ssyncadd.s32 $0xFFFFF830  }
0x590: {  	[tilespmem:s6], [sflag:$0x1] =	stream.linear.gather [hbm4b:s16+s13], $0x7D0, $0x38;
	[tilespmem:$0x3E80] =	vst v63  }
0x591: {  	_ =	swait.ge [sflag:s5], $0x7D0  }
0x592: {  	s15 =	sld [smem:$0x7D2]  }
0x593: {  	[sflag:s5] =	ssyncset.done $0x0  }
0x594: {  	[sflag:s5] =	ssyncadd.s32 $0xFFFFF830  }
0x595: {  	[tilespmem:s7], [sflag:$0x1] =	stream.linear.gather [hbm4b:s15+s13], $0x7D0, $0x38;
	[tilespmem:$0x3E80] =	vst v63  }
0x596: {  	_ =	swait.ge [sflag:s5], $0x7D0  }
0x597: {  	s16 =	sld [smem:$0x7D3]  }
0x598: {  	[sflag:s5] =	ssyncset.done $0x0  }
0x599: {  	[sflag:s5] =	ssyncadd.s32 $0xFFFFF830  }
0x59a: {  	[tilespmem:s8], [sflag:$0x1] =	stream.linear.gather [hbm4b:s16+s13], $0x7D0, $0x38;
	[tilespmem:$0x3E80] =	vst v63  }
0x59b: {  	_ =	swait.ge [sflag:s5], $0x7D0  }
0x59c: {  	[sflag:s5] =	ssyncset.done $0x0  }
0x59d: {  	s14 =	simm.s32 $0x0;
	[sflag:s5] =	ssyncadd.s32 $0xFFFFF830  }
0x59e: {  	v3 =	vld [tilespmem:s14+$0xE00]  }
0x59f: {  	v4 =	vld [tilespmem:s14+$0x1600];
	_ =	sdelay $0x3  }
0x5a0: {  	v3 =	vsub.s32 v3, v0  }
0x5a1: {  	v4 =	vsub.s32 v4, v0;
	vm12 =	vgt.s32 v3, $0x0  }
0x5a2: {  	vm13 =	vgt.s32 v4, $0x0;
	v3 =	vnsel vm12, $0x0, v3  }
0x5a3: {  	v4 =	vnsel vm13, $0x0, v4;
	v3 =	vmin.u32 v3, $0xC3F  }
0x5a4: {  	v4 =	vmin.u32 v4, $0xC3F  }
0x5a5: {  	s13 =	simm.s32 $0x10  }
0x5a6: {  	v5 =	vld [tilespmem:s13+$0xE00]  }
0x5a7: {  	v6 =	vld [tilespmem:s13+$0x1600]  }
0x5a8: {  	v3 =	vld.idx.msk [tilespmem:v3+s1+$0x0], $0xffff  }
0x5a9: {  	v4 =	vld.idx.msk [tilespmem:v4+s1+$0x0], $0xffff;
	_ =	sdelay $0x2  }
0x5aa: {  	v5 =	vsub.s32 v5, v0  }
0x5ab: {  	v7 =	vld [tilespmem:s14+$0x1E00];
	v6 =	vsub.s32 v6, v0;
	vm14 =	vgt.s32 v5, $0x0  }
0x5ac: {  	vm1 =	vgt.s32 v6, $0x0;
	v5 =	vnsel vm14, $0x0, v5;
	[tilespmem:s14+$0x2600] =	vst v3;
	v3 =	vadd.s32 v3, v4  }
0x5ad: {  	v6 =	vnsel vm1, $0x0, v6;
	vm15 =	vgt.s32 v3, $0x0;
	v3 =	vmin.u32 v5, $0xC3F  }
0x5ae: {  	[tilespmem:s14+$0x2E00] =	vst v4;
	v4 =	vmin.u32 v6, $0xC3F  }
0x5af: {  	s15 =	simm.s32 $0x20  }
0x5b0: {  	s16 =	simm.s32 $0xC0;
	v5 =	vld [tilespmem:s15+$0xE00];
	v6 =	vnsel vm15, $0x0, v7  }
.LBB2_36:
0x5b1: {  	p1 =	sne.s32 s16, $0x1F00;
	v7 =	vld [tilespmem:s15+$0x1600];
	[tilespmem:s14+$0x3600] =	vst v6;
	s14 =	smov.u32 s13;
	s13 =	smov.u32 s15  }
0x5b2: {  	v6 =	vld.idx.msk [tilespmem:v3+s1+$0x0], $0xffff  }
0x5b3: {  	v8 =	vld.idx.msk [tilespmem:v4+s1+$0x0], $0xffff;
	_ =	sdelay $0x1  }
0x5b4: {  	v3 =	vsub.s32 v5, v0  }
0x5b5: {  	vm0 =	vgt.s32 v3, $0x0;
	v4 =	vsub.s32 v7, v0;
	v7 =	vld [tilespmem:s14+$0x1E00]  }
.Ltmp17:
0x5b6: {  	v3 =	vnsel vm0, $0x0, v3;
	vm0 =	vgt.s32 v4, $0x0;
	(pc) =	sbr.rel @p1 .LBB2_36-.Ltmp17, $4  }
0x5b7: {  	v3 =	vmin.u32 v3, $0xC3F;
	v4 =	vnsel vm0, $0x0, v4;
	[tilespmem:s14+$0x2600] =	vst v6  }
0x5b8: {  	v5 =	vadd.s32 v6, v8;
	v4 =	vmin.u32 v4, $0xC3F;
	[tilespmem:s14+$0x2E00] =	vst v8  }
0x5b9: {  	s15 =	sshra.s32 s16, $0x2;
	vm0 =	vgt.s32 v5, $0x0  }
0x5ba: {  	s16 =	sadd.s32 $0x40, s16;
	v5 =	vld [tilespmem:s15+$0xE00];
	v6 =	vnsel vm0, $0x0, v7  }
0x5bb: {  	_ =	sdelay $0x1  }
0x5bc: {  	v7 =	vld [tilespmem:s15+$0x1600]  }
0x5bd: {  	[tilespmem:s14+$0x3600] =	vst v6  }
0x5be: {  	v3 =	vld.idx.msk [tilespmem:v3+s1+$0x0], $0xffff  }
0x5bf: {  	v4 =	vld.idx.msk [tilespmem:v4+s1+$0x0], $0xffff  }
0x5c0: {  	v5 =	vsub.s32 v5, v0  }
0x5c1: {  	vm0 =	vgt.s32 v5, $0x0;
	v6 =	vsub.s32 v7, v0;
	v7 =	vld [tilespmem:s13+$0x1E00]  }
0x5c2: {  	v5 =	vnsel vm0, $0x0, v5;
	vm9 =	vgt.s32 v6, $0x0  }
0x5c3: {  	v5 =	vmin.u32 v5, $0xC3F;
	v6 =	vnsel vm9, $0x0, v6  }
0x5c4: {  	v8 =	vadd.s32 v3, v4;
	v6 =	vmin.u32 v6, $0xC3F  }
0x5c5: {  	[tilespmem:s13+$0x2600] =	vst v3;
	vm10 =	vgt.s32 v8, $0x0  }
0x5c6: {  	[tilespmem:s13+$0x2E00] =	vst v4;
	v3 =	vnsel vm10, $0x0, v7  }
0x5c7: {  	[tilespmem:s13+$0x3600] =	vst v3  }
0x5c8: {  	v3 =	vld.idx.msk [tilespmem:v5+s1+$0x0], $0xffff  }
0x5c9: {  	v4 =	vld.idx.msk [tilespmem:v6+s1+$0x0], $0xffff;
	_ =	sdelay $0x1  }
0x5ca: {  	v5 =	vld [tilespmem:s15+$0x1E00];
	_ =	sdelay $0x2  }
0x5cb: {  	v6 =	vadd.s32 v3, v4  }
0x5cc: {  	[tilespmem:s15+$0x2600] =	vst v3;
	vm11 =	vgt.s32 v6, $0x0  }
0x5cd: {  	[tilespmem:s15+$0x2E00] =	vst v4;
	v3 =	vnsel vm11, $0x0, v5  }
0x5ce: {  	[tilespmem:s15+$0x3600] =	vst v3;
	s15 =	sld [smem:$0x7D4];
	_ =	sdelay $0x1  }
0x5cf: {  	s13 =	simm.s32 $0x0  }
0x5d0: {  	[hbm4b:s15+s13] =	stream.linear.scatter [tilespmem:s9], [sflag:$0x1], $0x7D0, $0x38;
	[tilespmem:$0x3E80] =	vst v63  }
0x5d1: {  	_ =	swait.ge [sflag:s5], $0x7D0  }
0x5d2: {  	s16 =	sld [smem:$0x7D5]  }
0x5d3: {  	[sflag:s5] =	ssyncset.done $0x0  }
0x5d4: {  	[sflag:s5] =	ssyncadd.s32 $0xFFFFF830  }
0x5d5: {  	[hbm4b:s16+s13] =	stream.linear.scatter [tilespmem:s10], [sflag:$0x1], $0x7D0, $0x38;
	[tilespmem:$0x3E80] =	vst v63  }
0x5d6: {  	_ =	swait.ge [sflag:s5], $0x7D0  }
0x5d7: {  	s15 =	sld [smem:$0x7D6]  }
0x5d8: {  	[sflag:s5] =	ssyncset.done $0x0  }
0x5d9: {  	[sflag:s5] =	ssyncadd.s32 $0xFFFFF830  }
0x5da: {  	[hbm4b:s15+s13] =	stream.linear.scatter [tilespmem:s11], [sflag:$0x1], $0x7D0, $0x38;
	[tilespmem:$0x3E80] =	vst v63  }
0x5db: {  	_ =	swait.ge [sflag:s5], $0x7D0  }
0x5dc: {  	s16 =	sld [smem:$0x7D7]  }
0x5dd: {  	[sflag:s5] =	ssyncset.done $0x0  }
0x5de: {  	[sflag:s5] =	ssyncadd.s32 $0xFFFFF830  }
0x5df: {  	[tilespmem:s6], [sflag:$0x1] =	stream.linear.gather [hbm4b:s16+s13], $0x7D0, $0x38;
	[tilespmem:$0x3E80] =	vst v63  }
0x5e0: {  	_ =	swait.ge [sflag:s5], $0x7D0  }
0x5e1: {  	s15 =	sld [smem:$0x7D8]  }
0x5e2: {  	[sflag:s5] =	ssyncset.done $0x0  }
0x5e3: {  	[sflag:s5] =	ssyncadd.s32 $0xFFFFF830  }
0x5e4: {  	[tilespmem:s7], [sflag:$0x1] =	stream.linear.gather [hbm4b:s15+s13], $0x7D0, $0x38;
	[tilespmem:$0x3E80] =	vst v63  }
0x5e5: {  	_ =	swait.ge [sflag:s5], $0x7D0  }
0x5e6: {  	s16 =	sld [smem:$0x7D9]  }
0x5e7: {  	[sflag:s5] =	ssyncset.done $0x0  }
0x5e8: {  	[sflag:s5] =	ssyncadd.s32 $0xFFFFF830  }
0x5e9: {  	[tilespmem:s8], [sflag:$0x1] =	stream.linear.gather [hbm4b:s16+s13], $0x7D0, $0x38;
	[tilespmem:$0x3E80] =	vst v63  }
0x5ea: {  	_ =	swait.ge [sflag:s5], $0x7D0  }
0x5eb: {  	[sflag:s5] =	ssyncset.done $0x0  }
0x5ec: {  	s14 =	simm.s32 $0x0;
	[sflag:s5] =	ssyncadd.s32 $0xFFFFF830  }
0x5ed: {  	v3 =	vld [tilespmem:s14+$0xE00]  }
0x5ee: {  	v4 =	vld [tilespmem:s14+$0x1600];
	_ =	sdelay $0x3  }
0x5ef: {  	v3 =	vsub.s32 v3, v0  }
0x5f0: {  	v4 =	vsub.s32 v4, v0;
	vm12 =	vgt.s32 v3, $0x0  }
0x5f1: {  	vm13 =	vgt.s32 v4, $0x0;
	v3 =	vnsel vm12, $0x0, v3  }
0x5f2: {  	v4 =	vnsel vm13, $0x0, v4;
	v3 =	vmin.u32 v3, $0xC3F  }
0x5f3: {  	v4 =	vmin.u32 v4, $0xC3F  }
0x5f4: {  	s13 =	simm.s32 $0x10  }
0x5f5: {  	v5 =	vld [tilespmem:s13+$0xE00]  }
0x5f6: {  	v6 =	vld [tilespmem:s13+$0x1600]  }
0x5f7: {  	v3 =	vld.idx.msk [tilespmem:v3+s1+$0x0], $0xffff  }
0x5f8: {  	v4 =	vld.idx.msk [tilespmem:v4+s1+$0x0], $0xffff;
	_ =	sdelay $0x2  }
0x5f9: {  	v5 =	vsub.s32 v5, v0  }
0x5fa: {  	v7 =	vld [tilespmem:s14+$0x1E00];
	v6 =	vsub.s32 v6, v0;
	vm14 =	vgt.s32 v5, $0x0  }
0x5fb: {  	vm1 =	vgt.s32 v6, $0x0;
	v5 =	vnsel vm14, $0x0, v5;
	[tilespmem:s14+$0x2600] =	vst v3;
	v3 =	vadd.s32 v3, v4  }
0x5fc: {  	v6 =	vnsel vm1, $0x0, v6;
	vm15 =	vgt.s32 v3, $0x0;
	v3 =	vmin.u32 v5, $0xC3F  }
0x5fd: {  	[tilespmem:s14+$0x2E00] =	vst v4;
	v4 =	vmin.u32 v6, $0xC3F  }
0x5fe: {  	s15 =	simm.s32 $0x20  }
0x5ff: {  	s16 =	simm.s32 $0xC0;
	v5 =	vld [tilespmem:s15+$0xE00];
	v6 =	vnsel vm15, $0x0, v7  }
.LBB2_38:
0x600: {  	p1 =	sne.s32 s16, $0x1F00;
	v7 =	vld [tilespmem:s15+$0x1600];
	[tilespmem:s14+$0x3600] =	vst v6;
	s14 =	smov.u32 s13;
	s13 =	smov.u32 s15  }
0x601: {  	v6 =	vld.idx.msk [tilespmem:v3+s1+$0x0], $0xffff  }
0x602: {  	v8 =	vld.idx.msk [tilespmem:v4+s1+$0x0], $0xffff;
	_ =	sdelay $0x1  }
0x603: {  	v3 =	vsub.s32 v5, v0  }
0x604: {  	vm0 =	vgt.s32 v3, $0x0;
	v4 =	vsub.s32 v7, v0;
	v7 =	vld [tilespmem:s14+$0x1E00]  }
.Ltmp18:
0x605: {  	v3 =	vnsel vm0, $0x0, v3;
	vm0 =	vgt.s32 v4, $0x0;
	(pc) =	sbr.rel @p1 .LBB2_38-.Ltmp18, $4  }
0x606: {  	v3 =	vmin.u32 v3, $0xC3F;
	v4 =	vnsel vm0, $0x0, v4;
	[tilespmem:s14+$0x2600] =	vst v6  }
0x607: {  	v5 =	vadd.s32 v6, v8;
	v4 =	vmin.u32 v4, $0xC3F;
	[tilespmem:s14+$0x2E00] =	vst v8  }
0x608: {  	s15 =	sshra.s32 s16, $0x2;
	vm0 =	vgt.s32 v5, $0x0  }
0x609: {  	s16 =	sadd.s32 $0x40, s16;
	v5 =	vld [tilespmem:s15+$0xE00];
	v6 =	vnsel vm0, $0x0, v7  }
0x60a: {  	_ =	sdelay $0x1  }
0x60b: {  	v7 =	vld [tilespmem:s15+$0x1600]  }
0x60c: {  	[tilespmem:s14+$0x3600] =	vst v6  }
0x60d: {  	v3 =	vld.idx.msk [tilespmem:v3+s1+$0x0], $0xffff  }
0x60e: {  	v4 =	vld.idx.msk [tilespmem:v4+s1+$0x0], $0xffff  }
0x60f: {  	v5 =	vsub.s32 v5, v0  }
0x610: {  	vm0 =	vgt.s32 v5, $0x0;
	v6 =	vsub.s32 v7, v0;
	v7 =	vld [tilespmem:s13+$0x1E00]  }
0x611: {  	v5 =	vnsel vm0, $0x0, v5;
	vm9 =	vgt.s32 v6, $0x0  }
0x612: {  	v5 =	vmin.u32 v5, $0xC3F;
	v6 =	vnsel vm9, $0x0, v6  }
0x613: {  	v8 =	vadd.s32 v3, v4;
	v6 =	vmin.u32 v6, $0xC3F  }
0x614: {  	[tilespmem:s13+$0x2600] =	vst v3;
	vm10 =	vgt.s32 v8, $0x0  }
0x615: {  	[tilespmem:s13+$0x2E00] =	vst v4;
	v3 =	vnsel vm10, $0x0, v7  }
0x616: {  	[tilespmem:s13+$0x3600] =	vst v3  }
0x617: {  	v3 =	vld.idx.msk [tilespmem:v5+s1+$0x0], $0xffff  }
0x618: {  	v4 =	vld.idx.msk [tilespmem:v6+s1+$0x0], $0xffff;
	_ =	sdelay $0x1  }
0x619: {  	v5 =	vld [tilespmem:s15+$0x1E00];
	_ =	sdelay $0x2  }
0x61a: {  	v6 =	vadd.s32 v3, v4  }
0x61b: {  	[tilespmem:s15+$0x2600] =	vst v3;
	vm11 =	vgt.s32 v6, $0x0  }
0x61c: {  	[tilespmem:s15+$0x2E00] =	vst v4;
	v3 =	vnsel vm11, $0x0, v5  }
0x61d: {  	[tilespmem:s15+$0x3600] =	vst v3;
	s15 =	sld [smem:$0x7DA];
	_ =	sdelay $0x1  }
0x61e: {  	s13 =	simm.s32 $0x0  }
0x61f: {  	[hbm4b:s15+s13] =	stream.linear.scatter [tilespmem:s9], [sflag:$0x1], $0x7D0, $0x38;
	[tilespmem:$0x3E80] =	vst v63  }
0x620: {  	_ =	swait.ge [sflag:s5], $0x7D0  }
0x621: {  	s16 =	sld [smem:$0x7DB]  }
0x622: {  	[sflag:s5] =	ssyncset.done $0x0  }
0x623: {  	[sflag:s5] =	ssyncadd.s32 $0xFFFFF830  }
0x624: {  	[hbm4b:s16+s13] =	stream.linear.scatter [tilespmem:s10], [sflag:$0x1], $0x7D0, $0x38;
	[tilespmem:$0x3E80] =	vst v63  }
0x625: {  	_ =	swait.ge [sflag:s5], $0x7D0  }
0x626: {  	s15 =	sld [smem:$0x7DC]  }
0x627: {  	[sflag:s5] =	ssyncset.done $0x0  }
0x628: {  	[sflag:s5] =	ssyncadd.s32 $0xFFFFF830  }
0x629: {  	[hbm4b:s15+s13] =	stream.linear.scatter [tilespmem:s11], [sflag:$0x1], $0x7D0, $0x38;
	[tilespmem:$0x3E80] =	vst v63  }
0x62a: {  	_ =	swait.ge [sflag:s5], $0x7D0  }
0x62b: {  	s16 =	sld [smem:$0x7DD]  }
0x62c: {  	[sflag:s5] =	ssyncset.done $0x0  }
0x62d: {  	[sflag:s5] =	ssyncadd.s32 $0xFFFFF830  }
0x62e: {  	[tilespmem:s6], [sflag:$0x1] =	stream.linear.gather [hbm4b:s16+s13], $0x7D0, $0x38;
	[tilespmem:$0x3E80] =	vst v63  }
0x62f: {  	_ =	swait.ge [sflag:s5], $0x7D0  }
0x630: {  	s15 =	sld [smem:$0x7DE]  }
0x631: {  	[sflag:s5] =	ssyncset.done $0x0  }
0x632: {  	[sflag:s5] =	ssyncadd.s32 $0xFFFFF830  }
0x633: {  	[tilespmem:s7], [sflag:$0x1] =	stream.linear.gather [hbm4b:s15+s13], $0x7D0, $0x38;
	[tilespmem:$0x3E80] =	vst v63  }
0x634: {  	_ =	swait.ge [sflag:s5], $0x7D0  }
0x635: {  	s16 =	sld [smem:$0x7DF]  }
0x636: {  	[sflag:s5] =	ssyncset.done $0x0  }
0x637: {  	[sflag:s5] =	ssyncadd.s32 $0xFFFFF830  }
0x638: {  	[tilespmem:s8], [sflag:$0x1] =	stream.linear.gather [hbm4b:s16+s13], $0x7D0, $0x38;
	[tilespmem:$0x3E80] =	vst v63  }
0x639: {  	_ =	swait.ge [sflag:s5], $0x7D0  }
0x63a: {  	[sflag:s5] =	ssyncset.done $0x0  }
0x63b: {  	s14 =	simm.s32 $0x0;
	[sflag:s5] =	ssyncadd.s32 $0xFFFFF830  }
0x63c: {  	v3 =	vld [tilespmem:s14+$0xE00]  }
0x63d: {  	v4 =	vld [tilespmem:s14+$0x1600];
	_ =	sdelay $0x3  }
0x63e: {  	v3 =	vsub.s32 v3, v0  }
0x63f: {  	v4 =	vsub.s32 v4, v0;
	vm12 =	vgt.s32 v3, $0x0  }
0x640: {  	vm13 =	vgt.s32 v4, $0x0;
	v3 =	vnsel vm12, $0x0, v3  }
0x641: {  	v4 =	vnsel vm13, $0x0, v4;
	v3 =	vmin.u32 v3, $0xC3F  }
0x642: {  	v4 =	vmin.u32 v4, $0xC3F  }
0x643: {  	s13 =	simm.s32 $0x10  }
0x644: {  	v5 =	vld [tilespmem:s13+$0xE00]  }
0x645: {  	v6 =	vld [tilespmem:s13+$0x1600]  }
0x646: {  	v3 =	vld.idx.msk [tilespmem:v3+s1+$0x0], $0xffff  }
0x647: {  	v4 =	vld.idx.msk [tilespmem:v4+s1+$0x0], $0xffff;
	_ =	sdelay $0x2  }
0x648: {  	v5 =	vsub.s32 v5, v0  }
0x649: {  	v7 =	vld [tilespmem:s14+$0x1E00];
	v6 =	vsub.s32 v6, v0;
	vm14 =	vgt.s32 v5, $0x0  }
0x64a: {  	vm1 =	vgt.s32 v6, $0x0;
	v5 =	vnsel vm14, $0x0, v5;
	[tilespmem:s14+$0x2600] =	vst v3;
	v3 =	vadd.s32 v3, v4  }
0x64b: {  	v6 =	vnsel vm1, $0x0, v6;
	vm15 =	vgt.s32 v3, $0x0;
	v3 =	vmin.u32 v5, $0xC3F  }
0x64c: {  	[tilespmem:s14+$0x2E00] =	vst v4;
	v4 =	vmin.u32 v6, $0xC3F  }
0x64d: {  	s15 =	simm.s32 $0x20  }
0x64e: {  	s16 =	simm.s32 $0xC0;
	v5 =	vld [tilespmem:s15+$0xE00];
	v6 =	vnsel vm15, $0x0, v7  }
.LBB2_40:
0x64f: {  	p1 =	sne.s32 s16, $0x1F00;
	v7 =	vld [tilespmem:s15+$0x1600];
	[tilespmem:s14+$0x3600] =	vst v6;
	s14 =	smov.u32 s13;
	s13 =	smov.u32 s15  }
0x650: {  	v6 =	vld.idx.msk [tilespmem:v3+s1+$0x0], $0xffff  }
0x651: {  	v8 =	vld.idx.msk [tilespmem:v4+s1+$0x0], $0xffff;
	_ =	sdelay $0x1  }
0x652: {  	v3 =	vsub.s32 v5, v0  }
0x653: {  	vm0 =	vgt.s32 v3, $0x0;
	v4 =	vsub.s32 v7, v0;
	v7 =	vld [tilespmem:s14+$0x1E00]  }
.Ltmp19:
0x654: {  	v3 =	vnsel vm0, $0x0, v3;
	vm0 =	vgt.s32 v4, $0x0;
	(pc) =	sbr.rel @p1 .LBB2_40-.Ltmp19, $4  }
0x655: {  	v3 =	vmin.u32 v3, $0xC3F;
	v4 =	vnsel vm0, $0x0, v4;
	[tilespmem:s14+$0x2600] =	vst v6  }
0x656: {  	v5 =	vadd.s32 v6, v8;
	v4 =	vmin.u32 v4, $0xC3F;
	[tilespmem:s14+$0x2E00] =	vst v8  }
0x657: {  	s15 =	sshra.s32 s16, $0x2;
	vm0 =	vgt.s32 v5, $0x0  }
0x658: {  	s16 =	sadd.s32 $0x40, s16;
	v5 =	vld [tilespmem:s15+$0xE00];
	v6 =	vnsel vm0, $0x0, v7  }
0x659: {  	_ =	sdelay $0x1  }
0x65a: {  	v7 =	vld [tilespmem:s15+$0x1600]  }
0x65b: {  	[tilespmem:s14+$0x3600] =	vst v6  }
0x65c: {  	v3 =	vld.idx.msk [tilespmem:v3+s1+$0x0], $0xffff  }
0x65d: {  	v4 =	vld.idx.msk [tilespmem:v4+s1+$0x0], $0xffff  }
0x65e: {  	v5 =	vsub.s32 v5, v0  }
0x65f: {  	vm0 =	vgt.s32 v5, $0x0;
	v6 =	vsub.s32 v7, v0;
	v7 =	vld [tilespmem:s13+$0x1E00]  }
0x660: {  	v5 =	vnsel vm0, $0x0, v5;
	vm9 =	vgt.s32 v6, $0x0  }
0x661: {  	v5 =	vmin.u32 v5, $0xC3F;
	v6 =	vnsel vm9, $0x0, v6  }
0x662: {  	v8 =	vadd.s32 v3, v4;
	v6 =	vmin.u32 v6, $0xC3F  }
0x663: {  	[tilespmem:s13+$0x2600] =	vst v3;
	vm10 =	vgt.s32 v8, $0x0  }
0x664: {  	[tilespmem:s13+$0x2E00] =	vst v4;
	v3 =	vnsel vm10, $0x0, v7  }
0x665: {  	[tilespmem:s13+$0x3600] =	vst v3  }
0x666: {  	v3 =	vld.idx.msk [tilespmem:v5+s1+$0x0], $0xffff  }
0x667: {  	v4 =	vld.idx.msk [tilespmem:v6+s1+$0x0], $0xffff;
	_ =	sdelay $0x1  }
0x668: {  	v5 =	vld [tilespmem:s15+$0x1E00];
	_ =	sdelay $0x2  }
0x669: {  	v6 =	vadd.s32 v3, v4  }
0x66a: {  	[tilespmem:s15+$0x2600] =	vst v3;
	vm11 =	vgt.s32 v6, $0x0  }
0x66b: {  	[tilespmem:s15+$0x2E00] =	vst v4;
	v3 =	vnsel vm11, $0x0, v5  }
0x66c: {  	[tilespmem:s15+$0x3600] =	vst v3;
	s15 =	sld [smem:$0x7E0];
	_ =	sdelay $0x1  }
0x66d: {  	s13 =	simm.s32 $0x0  }
0x66e: {  	[hbm4b:s15+s13] =	stream.linear.scatter [tilespmem:s9], [sflag:$0x1], $0x7D0, $0x38;
	[tilespmem:$0x3E80] =	vst v63  }
0x66f: {  	_ =	swait.ge [sflag:s5], $0x7D0  }
0x670: {  	s16 =	sld [smem:$0x7E1]  }
0x671: {  	[sflag:s5] =	ssyncset.done $0x0  }
0x672: {  	[sflag:s5] =	ssyncadd.s32 $0xFFFFF830  }
0x673: {  	[hbm4b:s16+s13] =	stream.linear.scatter [tilespmem:s10], [sflag:$0x1], $0x7D0, $0x38;
	[tilespmem:$0x3E80] =	vst v63  }
0x674: {  	_ =	swait.ge [sflag:s5], $0x7D0  }
0x675: {  	s15 =	sld [smem:$0x7E2]  }
0x676: {  	[sflag:s5] =	ssyncset.done $0x0  }
0x677: {  	[sflag:s5] =	ssyncadd.s32 $0xFFFFF830  }
0x678: {  	[hbm4b:s15+s13] =	stream.linear.scatter [tilespmem:s11], [sflag:$0x1], $0x7D0, $0x38;
	[tilespmem:$0x3E80] =	vst v63  }
0x679: {  	_ =	swait.ge [sflag:s5], $0x7D0  }
0x67a: {  	s16 =	sld [smem:$0x7E3]  }
0x67b: {  	[sflag:s5] =	ssyncset.done $0x0  }
0x67c: {  	[sflag:s5] =	ssyncadd.s32 $0xFFFFF830  }
0x67d: {  	[tilespmem:s6], [sflag:$0x1] =	stream.linear.gather [hbm4b:s16+s13], $0x7D0, $0x38;
	[tilespmem:$0x3E80] =	vst v63  }
0x67e: {  	_ =	swait.ge [sflag:s5], $0x7D0  }
0x67f: {  	s15 =	sld [smem:$0x7E4]  }
0x680: {  	[sflag:s5] =	ssyncset.done $0x0  }
0x681: {  	[sflag:s5] =	ssyncadd.s32 $0xFFFFF830  }
0x682: {  	[tilespmem:s7], [sflag:$0x1] =	stream.linear.gather [hbm4b:s15+s13], $0x7D0, $0x38;
	[tilespmem:$0x3E80] =	vst v63  }
0x683: {  	_ =	swait.ge [sflag:s5], $0x7D0  }
0x684: {  	s16 =	sld [smem:$0x7E5]  }
0x685: {  	[sflag:s5] =	ssyncset.done $0x0  }
0x686: {  	[sflag:s5] =	ssyncadd.s32 $0xFFFFF830  }
0x687: {  	[tilespmem:s8], [sflag:$0x1] =	stream.linear.gather [hbm4b:s16+s13], $0x7D0, $0x38;
	[tilespmem:$0x3E80] =	vst v63  }
0x688: {  	_ =	swait.ge [sflag:s5], $0x7D0  }
0x689: {  	[sflag:s5] =	ssyncset.done $0x0  }
0x68a: {  	s14 =	simm.s32 $0x0;
	[sflag:s5] =	ssyncadd.s32 $0xFFFFF830  }
0x68b: {  	v3 =	vld [tilespmem:s14+$0xE00]  }
0x68c: {  	v4 =	vld [tilespmem:s14+$0x1600];
	_ =	sdelay $0x3  }
0x68d: {  	v3 =	vsub.s32 v3, v0  }
0x68e: {  	v4 =	vsub.s32 v4, v0;
	vm12 =	vgt.s32 v3, $0x0  }
0x68f: {  	vm13 =	vgt.s32 v4, $0x0;
	v3 =	vnsel vm12, $0x0, v3  }
0x690: {  	v4 =	vnsel vm13, $0x0, v4;
	v3 =	vmin.u32 v3, $0xC3F  }
0x691: {  	v4 =	vmin.u32 v4, $0xC3F  }
0x692: {  	s13 =	simm.s32 $0x10  }
0x693: {  	v5 =	vld [tilespmem:s13+$0xE00]  }
0x694: {  	v6 =	vld [tilespmem:s13+$0x1600]  }
0x695: {  	v3 =	vld.idx.msk [tilespmem:v3+s1+$0x0], $0xffff  }
0x696: {  	v4 =	vld.idx.msk [tilespmem:v4+s1+$0x0], $0xffff;
	_ =	sdelay $0x2  }
0x697: {  	v5 =	vsub.s32 v5, v0  }
0x698: {  	v7 =	vld [tilespmem:s14+$0x1E00];
	v6 =	vsub.s32 v6, v0;
	vm14 =	vgt.s32 v5, $0x0  }
0x699: {  	vm1 =	vgt.s32 v6, $0x0;
	v5 =	vnsel vm14, $0x0, v5;
	[tilespmem:s14+$0x2600] =	vst v3;
	v3 =	vadd.s32 v3, v4  }
0x69a: {  	v6 =	vnsel vm1, $0x0, v6;
	vm15 =	vgt.s32 v3, $0x0;
	v3 =	vmin.u32 v5, $0xC3F  }
0x69b: {  	[tilespmem:s14+$0x2E00] =	vst v4;
	v4 =	vmin.u32 v6, $0xC3F  }
0x69c: {  	s15 =	simm.s32 $0x20  }
0x69d: {  	s16 =	simm.s32 $0xC0;
	v5 =	vld [tilespmem:s15+$0xE00];
	v6 =	vnsel vm15, $0x0, v7  }
.LBB2_42:
0x69e: {  	p1 =	sne.s32 s16, $0x1F00;
	v7 =	vld [tilespmem:s15+$0x1600];
	[tilespmem:s14+$0x3600] =	vst v6;
	s14 =	smov.u32 s13;
	s13 =	smov.u32 s15  }
0x69f: {  	v6 =	vld.idx.msk [tilespmem:v3+s1+$0x0], $0xffff  }
0x6a0: {  	v8 =	vld.idx.msk [tilespmem:v4+s1+$0x0], $0xffff;
	_ =	sdelay $0x1  }
0x6a1: {  	v3 =	vsub.s32 v5, v0  }
0x6a2: {  	vm0 =	vgt.s32 v3, $0x0;
	v4 =	vsub.s32 v7, v0;
	v7 =	vld [tilespmem:s14+$0x1E00]  }
.Ltmp20:
0x6a3: {  	v3 =	vnsel vm0, $0x0, v3;
	vm0 =	vgt.s32 v4, $0x0;
	(pc) =	sbr.rel @p1 .LBB2_42-.Ltmp20, $4  }
0x6a4: {  	v3 =	vmin.u32 v3, $0xC3F;
	v4 =	vnsel vm0, $0x0, v4;
	[tilespmem:s14+$0x2600] =	vst v6  }
0x6a5: {  	v5 =	vadd.s32 v6, v8;
	v4 =	vmin.u32 v4, $0xC3F;
	[tilespmem:s14+$0x2E00] =	vst v8  }
0x6a6: {  	s15 =	sshra.s32 s16, $0x2;
	vm0 =	vgt.s32 v5, $0x0  }
0x6a7: {  	s16 =	sadd.s32 $0x40, s16;
	v5 =	vld [tilespmem:s15+$0xE00];
	v6 =	vnsel vm0, $0x0, v7  }
0x6a8: {  	_ =	sdelay $0x1  }
0x6a9: {  	v7 =	vld [tilespmem:s15+$0x1600]  }
0x6aa: {  	[tilespmem:s14+$0x3600] =	vst v6  }
0x6ab: {  	v3 =	vld.idx.msk [tilespmem:v3+s1+$0x0], $0xffff  }
0x6ac: {  	v4 =	vld.idx.msk [tilespmem:v4+s1+$0x0], $0xffff  }
0x6ad: {  	v5 =	vsub.s32 v5, v0  }
0x6ae: {  	vm0 =	vgt.s32 v5, $0x0;
	v6 =	vsub.s32 v7, v0;
	v7 =	vld [tilespmem:s13+$0x1E00]  }
0x6af: {  	v5 =	vnsel vm0, $0x0, v5;
	vm9 =	vgt.s32 v6, $0x0  }
0x6b0: {  	v5 =	vmin.u32 v5, $0xC3F;
	v6 =	vnsel vm9, $0x0, v6  }
0x6b1: {  	v8 =	vadd.s32 v3, v4;
	v6 =	vmin.u32 v6, $0xC3F  }
0x6b2: {  	[tilespmem:s13+$0x2600] =	vst v3;
	vm10 =	vgt.s32 v8, $0x0  }
0x6b3: {  	[tilespmem:s13+$0x2E00] =	vst v4;
	v3 =	vnsel vm10, $0x0, v7  }
0x6b4: {  	[tilespmem:s13+$0x3600] =	vst v3  }
0x6b5: {  	v3 =	vld.idx.msk [tilespmem:v5+s1+$0x0], $0xffff  }
0x6b6: {  	v4 =	vld.idx.msk [tilespmem:v6+s1+$0x0], $0xffff;
	_ =	sdelay $0x1  }
0x6b7: {  	v5 =	vld [tilespmem:s15+$0x1E00];
	_ =	sdelay $0x2  }
0x6b8: {  	v6 =	vadd.s32 v3, v4  }
0x6b9: {  	[tilespmem:s15+$0x2600] =	vst v3;
	vm11 =	vgt.s32 v6, $0x0  }
0x6ba: {  	[tilespmem:s15+$0x2E00] =	vst v4;
	v3 =	vnsel vm11, $0x0, v5  }
0x6bb: {  	[tilespmem:s15+$0x3600] =	vst v3;
	s15 =	sld [smem:$0x7E6];
	_ =	sdelay $0x1  }
0x6bc: {  	s13 =	simm.s32 $0x0  }
0x6bd: {  	[hbm4b:s15+s13] =	stream.linear.scatter [tilespmem:s9], [sflag:$0x1], $0x7D0, $0x38;
	[tilespmem:$0x3E80] =	vst v63  }
0x6be: {  	_ =	swait.ge [sflag:s5], $0x7D0  }
0x6bf: {  	s16 =	sld [smem:$0x7E7]  }
0x6c0: {  	[sflag:s5] =	ssyncset.done $0x0  }
0x6c1: {  	[sflag:s5] =	ssyncadd.s32 $0xFFFFF830  }
0x6c2: {  	[hbm4b:s16+s13] =	stream.linear.scatter [tilespmem:s10], [sflag:$0x1], $0x7D0, $0x38;
	[tilespmem:$0x3E80] =	vst v63  }
0x6c3: {  	_ =	swait.ge [sflag:s5], $0x7D0  }
0x6c4: {  	s15 =	sld [smem:$0x7E8]  }
0x6c5: {  	[sflag:s5] =	ssyncset.done $0x0  }
0x6c6: {  	[sflag:s5] =	ssyncadd.s32 $0xFFFFF830  }
0x6c7: {  	[hbm4b:s15+s13] =	stream.linear.scatter [tilespmem:s11], [sflag:$0x1], $0x7D0, $0x38;
	[tilespmem:$0x3E80] =	vst v63  }
0x6c8: {  	_ =	swait.ge [sflag:s5], $0x7D0  }
0x6c9: {  	s16 =	sld [smem:$0x7E9]  }
0x6ca: {  	[sflag:s5] =	ssyncset.done $0x0  }
0x6cb: {  	[sflag:s5] =	ssyncadd.s32 $0xFFFFF830  }
0x6cc: {  	[tilespmem:s6], [sflag:$0x1] =	stream.linear.gather [hbm4b:s16+s13], $0x7D0, $0x38;
	[tilespmem:$0x3E80] =	vst v63  }
0x6cd: {  	_ =	swait.ge [sflag:s5], $0x7D0  }
0x6ce: {  	s15 =	sld [smem:$0x7EA]  }
0x6cf: {  	[sflag:s5] =	ssyncset.done $0x0  }
0x6d0: {  	[sflag:s5] =	ssyncadd.s32 $0xFFFFF830  }
0x6d1: {  	[tilespmem:s7], [sflag:$0x1] =	stream.linear.gather [hbm4b:s15+s13], $0x7D0, $0x38;
	[tilespmem:$0x3E80] =	vst v63  }
0x6d2: {  	_ =	swait.ge [sflag:s5], $0x7D0  }
0x6d3: {  	s16 =	sld [smem:$0x7EB]  }
0x6d4: {  	[sflag:s5] =	ssyncset.done $0x0  }
0x6d5: {  	[sflag:s5] =	ssyncadd.s32 $0xFFFFF830  }
0x6d6: {  	[tilespmem:s8], [sflag:$0x1] =	stream.linear.gather [hbm4b:s16+s13], $0x7D0, $0x38;
	[tilespmem:$0x3E80] =	vst v63  }
0x6d7: {  	_ =	swait.ge [sflag:s5], $0x7D0  }
0x6d8: {  	[sflag:s5] =	ssyncset.done $0x0  }
0x6d9: {  	s14 =	simm.s32 $0x0;
	[sflag:s5] =	ssyncadd.s32 $0xFFFFF830  }
0x6da: {  	v3 =	vld [tilespmem:s14+$0xE00]  }
0x6db: {  	v4 =	vld [tilespmem:s14+$0x1600];
	_ =	sdelay $0x3  }
0x6dc: {  	v3 =	vsub.s32 v3, v0  }
0x6dd: {  	v4 =	vsub.s32 v4, v0;
	vm12 =	vgt.s32 v3, $0x0  }
0x6de: {  	vm13 =	vgt.s32 v4, $0x0;
	v3 =	vnsel vm12, $0x0, v3  }
0x6df: {  	v4 =	vnsel vm13, $0x0, v4;
	v3 =	vmin.u32 v3, $0xC3F  }
0x6e0: {  	v4 =	vmin.u32 v4, $0xC3F  }
0x6e1: {  	s13 =	simm.s32 $0x10  }
0x6e2: {  	v5 =	vld [tilespmem:s13+$0xE00]  }
0x6e3: {  	v6 =	vld [tilespmem:s13+$0x1600]  }
0x6e4: {  	v3 =	vld.idx.msk [tilespmem:v3+s1+$0x0], $0xffff  }
0x6e5: {  	v4 =	vld.idx.msk [tilespmem:v4+s1+$0x0], $0xffff;
	_ =	sdelay $0x2  }
0x6e6: {  	v5 =	vsub.s32 v5, v0  }
0x6e7: {  	v7 =	vld [tilespmem:s14+$0x1E00];
	v6 =	vsub.s32 v6, v0;
	vm14 =	vgt.s32 v5, $0x0  }
0x6e8: {  	vm1 =	vgt.s32 v6, $0x0;
	v5 =	vnsel vm14, $0x0, v5;
	[tilespmem:s14+$0x2600] =	vst v3;
	v3 =	vadd.s32 v3, v4  }
0x6e9: {  	v6 =	vnsel vm1, $0x0, v6;
	vm15 =	vgt.s32 v3, $0x0;
	v3 =	vmin.u32 v5, $0xC3F  }
0x6ea: {  	[tilespmem:s14+$0x2E00] =	vst v4;
	v4 =	vmin.u32 v6, $0xC3F  }
0x6eb: {  	s15 =	simm.s32 $0x20  }
0x6ec: {  	s16 =	simm.s32 $0xC0;
	v5 =	vld [tilespmem:s15+$0xE00];
	v6 =	vnsel vm15, $0x0, v7  }
.LBB2_44:
0x6ed: {  	p1 =	sne.s32 s16, $0x1F00;
	v7 =	vld [tilespmem:s15+$0x1600];
	[tilespmem:s14+$0x3600] =	vst v6;
	s14 =	smov.u32 s13;
	s13 =	smov.u32 s15  }
0x6ee: {  	v6 =	vld.idx.msk [tilespmem:v3+s1+$0x0], $0xffff  }
0x6ef: {  	v8 =	vld.idx.msk [tilespmem:v4+s1+$0x0], $0xffff;
	_ =	sdelay $0x1  }
0x6f0: {  	v3 =	vsub.s32 v5, v0  }
0x6f1: {  	vm0 =	vgt.s32 v3, $0x0;
	v4 =	vsub.s32 v7, v0;
	v7 =	vld [tilespmem:s14+$0x1E00]  }
.Ltmp21:
0x6f2: {  	v3 =	vnsel vm0, $0x0, v3;
	vm0 =	vgt.s32 v4, $0x0;
	(pc) =	sbr.rel @p1 .LBB2_44-.Ltmp21, $4  }
0x6f3: {  	v3 =	vmin.u32 v3, $0xC3F;
	v4 =	vnsel vm0, $0x0, v4;
	[tilespmem:s14+$0x2600] =	vst v6  }
0x6f4: {  	v5 =	vadd.s32 v6, v8;
	v4 =	vmin.u32 v4, $0xC3F;
	[tilespmem:s14+$0x2E00] =	vst v8  }
0x6f5: {  	s15 =	sshra.s32 s16, $0x2;
	vm0 =	vgt.s32 v5, $0x0  }
0x6f6: {  	s16 =	sadd.s32 $0x40, s16;
	v5 =	vld [tilespmem:s15+$0xE00];
	v6 =	vnsel vm0, $0x0, v7  }
0x6f7: {  	_ =	sdelay $0x1  }
0x6f8: {  	v7 =	vld [tilespmem:s15+$0x1600]  }
0x6f9: {  	[tilespmem:s14+$0x3600] =	vst v6  }
0x6fa: {  	v3 =	vld.idx.msk [tilespmem:v3+s1+$0x0], $0xffff  }
0x6fb: {  	v4 =	vld.idx.msk [tilespmem:v4+s1+$0x0], $0xffff  }
0x6fc: {  	v5 =	vsub.s32 v5, v0  }
0x6fd: {  	vm0 =	vgt.s32 v5, $0x0;
	v6 =	vsub.s32 v7, v0;
	v7 =	vld [tilespmem:s13+$0x1E00]  }
0x6fe: {  	v5 =	vnsel vm0, $0x0, v5;
	vm9 =	vgt.s32 v6, $0x0  }
0x6ff: {  	v5 =	vmin.u32 v5, $0xC3F;
	v6 =	vnsel vm9, $0x0, v6  }
0x700: {  	v8 =	vadd.s32 v3, v4;
	v6 =	vmin.u32 v6, $0xC3F  }
0x701: {  	[tilespmem:s13+$0x2600] =	vst v3;
	vm10 =	vgt.s32 v8, $0x0  }
0x702: {  	[tilespmem:s13+$0x2E00] =	vst v4;
	v3 =	vnsel vm10, $0x0, v7  }
0x703: {  	[tilespmem:s13+$0x3600] =	vst v3  }
0x704: {  	v3 =	vld.idx.msk [tilespmem:v5+s1+$0x0], $0xffff  }
0x705: {  	v4 =	vld.idx.msk [tilespmem:v6+s1+$0x0], $0xffff;
	_ =	sdelay $0x1  }
0x706: {  	v5 =	vld [tilespmem:s15+$0x1E00];
	_ =	sdelay $0x2  }
0x707: {  	v6 =	vadd.s32 v3, v4  }
0x708: {  	[tilespmem:s15+$0x2600] =	vst v3;
	vm11 =	vgt.s32 v6, $0x0  }
0x709: {  	[tilespmem:s15+$0x2E00] =	vst v4;
	v3 =	vnsel vm11, $0x0, v5  }
0x70a: {  	[tilespmem:s15+$0x3600] =	vst v3;
	s15 =	sld [smem:$0x7EC];
	_ =	sdelay $0x1  }
0x70b: {  	s13 =	simm.s32 $0x0  }
0x70c: {  	[hbm4b:s15+s13] =	stream.linear.scatter [tilespmem:s9], [sflag:$0x1], $0x7D0, $0x38;
	[tilespmem:$0x3E80] =	vst v63  }
0x70d: {  	_ =	swait.ge [sflag:s5], $0x7D0  }
0x70e: {  	s16 =	sld [smem:$0x7ED]  }
0x70f: {  	[sflag:s5] =	ssyncset.done $0x0  }
0x710: {  	[sflag:s5] =	ssyncadd.s32 $0xFFFFF830  }
0x711: {  	[hbm4b:s16+s13] =	stream.linear.scatter [tilespmem:s10], [sflag:$0x1], $0x7D0, $0x38;
	[tilespmem:$0x3E80] =	vst v63  }
0x712: {  	_ =	swait.ge [sflag:s5], $0x7D0  }
0x713: {  	s15 =	sld [smem:$0x7EE]  }
0x714: {  	[sflag:s5] =	ssyncset.done $0x0  }
0x715: {  	[sflag:s5] =	ssyncadd.s32 $0xFFFFF830  }
0x716: {  	[hbm4b:s15+s13] =	stream.linear.scatter [tilespmem:s11], [sflag:$0x1], $0x7D0, $0x38;
	[tilespmem:$0x3E80] =	vst v63  }
0x717: {  	_ =	swait.ge [sflag:s5], $0x7D0  }
0x718: {  	s16 =	sld [smem:$0x7EF]  }
0x719: {  	[sflag:s5] =	ssyncset.done $0x0  }
0x71a: {  	[sflag:s5] =	ssyncadd.s32 $0xFFFFF830  }
0x71b: {  	[tilespmem:s6], [sflag:$0x1] =	stream.linear.gather [hbm4b:s16+s13], $0x7D0, $0x38;
	[tilespmem:$0x3E80] =	vst v63  }
0x71c: {  	_ =	swait.ge [sflag:s5], $0x7D0  }
0x71d: {  	s15 =	sld [smem:$0x7F0]  }
0x71e: {  	[sflag:s5] =	ssyncset.done $0x0  }
0x71f: {  	[sflag:s5] =	ssyncadd.s32 $0xFFFFF830  }
0x720: {  	[tilespmem:s7], [sflag:$0x1] =	stream.linear.gather [hbm4b:s15+s13], $0x7D0, $0x38;
	[tilespmem:$0x3E80] =	vst v63  }
0x721: {  	_ =	swait.ge [sflag:s5], $0x7D0  }
0x722: {  	s16 =	sld [smem:$0x7F1]  }
0x723: {  	[sflag:s5] =	ssyncset.done $0x0  }
0x724: {  	[sflag:s5] =	ssyncadd.s32 $0xFFFFF830  }
0x725: {  	[tilespmem:s8], [sflag:$0x1] =	stream.linear.gather [hbm4b:s16+s13], $0x7D0, $0x38;
	[tilespmem:$0x3E80] =	vst v63  }
0x726: {  	_ =	swait.ge [sflag:s5], $0x7D0  }
0x727: {  	[sflag:s5] =	ssyncset.done $0x0  }
0x728: {  	s14 =	simm.s32 $0x0;
	[sflag:s5] =	ssyncadd.s32 $0xFFFFF830  }
0x729: {  	v3 =	vld [tilespmem:s14+$0xE00]  }
0x72a: {  	v4 =	vld [tilespmem:s14+$0x1600];
	_ =	sdelay $0x3  }
0x72b: {  	v3 =	vsub.s32 v3, v0  }
0x72c: {  	v4 =	vsub.s32 v4, v0;
	vm12 =	vgt.s32 v3, $0x0  }
0x72d: {  	vm13 =	vgt.s32 v4, $0x0;
	v3 =	vnsel vm12, $0x0, v3  }
0x72e: {  	v4 =	vnsel vm13, $0x0, v4;
	v3 =	vmin.u32 v3, $0xC3F  }
0x72f: {  	v4 =	vmin.u32 v4, $0xC3F  }
0x730: {  	s13 =	simm.s32 $0x10  }
0x731: {  	v5 =	vld [tilespmem:s13+$0xE00]  }
0x732: {  	v6 =	vld [tilespmem:s13+$0x1600]  }
0x733: {  	v3 =	vld.idx.msk [tilespmem:v3+s1+$0x0], $0xffff  }
0x734: {  	v4 =	vld.idx.msk [tilespmem:v4+s1+$0x0], $0xffff;
	_ =	sdelay $0x2  }
0x735: {  	v5 =	vsub.s32 v5, v0  }
0x736: {  	v7 =	vld [tilespmem:s14+$0x1E00];
	v6 =	vsub.s32 v6, v0;
	vm14 =	vgt.s32 v5, $0x0  }
0x737: {  	vm1 =	vgt.s32 v6, $0x0;
	v5 =	vnsel vm14, $0x0, v5;
	[tilespmem:s14+$0x2600] =	vst v3;
	v3 =	vadd.s32 v3, v4  }
0x738: {  	v6 =	vnsel vm1, $0x0, v6;
	vm15 =	vgt.s32 v3, $0x0;
	v3 =	vmin.u32 v5, $0xC3F  }
0x739: {  	[tilespmem:s14+$0x2E00] =	vst v4;
	v4 =	vmin.u32 v6, $0xC3F  }
0x73a: {  	s15 =	simm.s32 $0x20  }
0x73b: {  	s16 =	simm.s32 $0xC0;
	v5 =	vld [tilespmem:s15+$0xE00];
	v6 =	vnsel vm15, $0x0, v7  }
.LBB2_46:
0x73c: {  	p1 =	sne.s32 s16, $0x1F00;
	v7 =	vld [tilespmem:s15+$0x1600];
	[tilespmem:s14+$0x3600] =	vst v6;
	s14 =	smov.u32 s13;
	s13 =	smov.u32 s15  }
0x73d: {  	v6 =	vld.idx.msk [tilespmem:v3+s1+$0x0], $0xffff  }
0x73e: {  	v8 =	vld.idx.msk [tilespmem:v4+s1+$0x0], $0xffff;
	_ =	sdelay $0x1  }
0x73f: {  	v3 =	vsub.s32 v5, v0  }
0x740: {  	vm0 =	vgt.s32 v3, $0x0;
	v4 =	vsub.s32 v7, v0;
	v7 =	vld [tilespmem:s14+$0x1E00]  }
.Ltmp22:
0x741: {  	v3 =	vnsel vm0, $0x0, v3;
	vm0 =	vgt.s32 v4, $0x0;
	(pc) =	sbr.rel @p1 .LBB2_46-.Ltmp22, $4  }
0x742: {  	v3 =	vmin.u32 v3, $0xC3F;
	v4 =	vnsel vm0, $0x0, v4;
	[tilespmem:s14+$0x2600] =	vst v6  }
0x743: {  	v5 =	vadd.s32 v6, v8;
	v4 =	vmin.u32 v4, $0xC3F;
	[tilespmem:s14+$0x2E00] =	vst v8  }
0x744: {  	s15 =	sshra.s32 s16, $0x2;
	vm0 =	vgt.s32 v5, $0x0  }
0x745: {  	s16 =	sadd.s32 $0x40, s16;
	v5 =	vld [tilespmem:s15+$0xE00];
	v6 =	vnsel vm0, $0x0, v7  }
0x746: {  	_ =	sdelay $0x1  }
0x747: {  	v7 =	vld [tilespmem:s15+$0x1600]  }
0x748: {  	[tilespmem:s14+$0x3600] =	vst v6  }
0x749: {  	v3 =	vld.idx.msk [tilespmem:v3+s1+$0x0], $0xffff  }
0x74a: {  	v4 =	vld.idx.msk [tilespmem:v4+s1+$0x0], $0xffff  }
0x74b: {  	v5 =	vsub.s32 v5, v0  }
0x74c: {  	vm0 =	vgt.s32 v5, $0x0;
	v6 =	vsub.s32 v7, v0;
	v7 =	vld [tilespmem:s13+$0x1E00]  }
0x74d: {  	v5 =	vnsel vm0, $0x0, v5;
	vm9 =	vgt.s32 v6, $0x0  }
0x74e: {  	v5 =	vmin.u32 v5, $0xC3F;
	v6 =	vnsel vm9, $0x0, v6  }
0x74f: {  	v8 =	vadd.s32 v3, v4;
	v6 =	vmin.u32 v6, $0xC3F  }
0x750: {  	[tilespmem:s13+$0x2600] =	vst v3;
	vm10 =	vgt.s32 v8, $0x0  }
0x751: {  	[tilespmem:s13+$0x2E00] =	vst v4;
	v3 =	vnsel vm10, $0x0, v7  }
0x752: {  	[tilespmem:s13+$0x3600] =	vst v3  }
0x753: {  	v3 =	vld.idx.msk [tilespmem:v5+s1+$0x0], $0xffff  }
0x754: {  	v4 =	vld.idx.msk [tilespmem:v6+s1+$0x0], $0xffff;
	_ =	sdelay $0x1  }
0x755: {  	v5 =	vld [tilespmem:s15+$0x1E00];
	_ =	sdelay $0x2  }
0x756: {  	v6 =	vadd.s32 v3, v4  }
0x757: {  	[tilespmem:s15+$0x2600] =	vst v3;
	vm11 =	vgt.s32 v6, $0x0  }
0x758: {  	[tilespmem:s15+$0x2E00] =	vst v4;
	v3 =	vnsel vm11, $0x0, v5  }
0x759: {  	[tilespmem:s15+$0x3600] =	vst v3;
	s15 =	sld [smem:$0x7F2];
	_ =	sdelay $0x1  }
0x75a: {  	s13 =	simm.s32 $0x0  }
0x75b: {  	[hbm4b:s15+s13] =	stream.linear.scatter [tilespmem:s9], [sflag:$0x1], $0x7D0, $0x38;
	[tilespmem:$0x3E80] =	vst v63  }
0x75c: {  	_ =	swait.ge [sflag:s5], $0x7D0  }
0x75d: {  	s16 =	sld [smem:$0x7F3]  }
0x75e: {  	[sflag:s5] =	ssyncset.done $0x0  }
0x75f: {  	[sflag:s5] =	ssyncadd.s32 $0xFFFFF830  }
0x760: {  	[hbm4b:s16+s13] =	stream.linear.scatter [tilespmem:s10], [sflag:$0x1], $0x7D0, $0x38;
	[tilespmem:$0x3E80] =	vst v63  }
0x761: {  	_ =	swait.ge [sflag:s5], $0x7D0  }
0x762: {  	s15 =	sld [smem:$0x7F4]  }
0x763: {  	[sflag:s5] =	ssyncset.done $0x0  }
0x764: {  	[sflag:s5] =	ssyncadd.s32 $0xFFFFF830  }
0x765: {  	[hbm4b:s15+s13] =	stream.linear.scatter [tilespmem:s11], [sflag:$0x1], $0x7D0, $0x38;
	[tilespmem:$0x3E80] =	vst v63  }
0x766: {  	_ =	swait.ge [sflag:s5], $0x7D0  }
0x767: {  	s16 =	sld [smem:$0x7F5]  }
0x768: {  	[sflag:s5] =	ssyncset.done $0x0  }
0x769: {  	[sflag:s5] =	ssyncadd.s32 $0xFFFFF830  }
0x76a: {  	[tilespmem:s6], [sflag:$0x1] =	stream.linear.gather [hbm4b:s16+s13], $0x7D0, $0x38;
	[tilespmem:$0x3E80] =	vst v63  }
0x76b: {  	_ =	swait.ge [sflag:s5], $0x7D0  }
0x76c: {  	s15 =	sld [smem:$0x7F6]  }
0x76d: {  	[sflag:s5] =	ssyncset.done $0x0  }
0x76e: {  	[sflag:s5] =	ssyncadd.s32 $0xFFFFF830  }
0x76f: {  	[tilespmem:s7], [sflag:$0x1] =	stream.linear.gather [hbm4b:s15+s13], $0x7D0, $0x38;
	[tilespmem:$0x3E80] =	vst v63  }
0x770: {  	_ =	swait.ge [sflag:s5], $0x7D0  }
0x771: {  	s16 =	sld [smem:$0x7F7]  }
0x772: {  	[sflag:s5] =	ssyncset.done $0x0  }
0x773: {  	[sflag:s5] =	ssyncadd.s32 $0xFFFFF830  }
0x774: {  	[tilespmem:s8], [sflag:$0x1] =	stream.linear.gather [hbm4b:s16+s13], $0x7D0, $0x38;
	[tilespmem:$0x3E80] =	vst v63  }
0x775: {  	_ =	swait.ge [sflag:s5], $0x7D0  }
0x776: {  	[sflag:s5] =	ssyncset.done $0x0  }
0x777: {  	s14 =	simm.s32 $0x0;
	[sflag:s5] =	ssyncadd.s32 $0xFFFFF830  }
0x778: {  	v3 =	vld [tilespmem:s14+$0xE00]  }
0x779: {  	v4 =	vld [tilespmem:s14+$0x1600];
	_ =	sdelay $0x3  }
0x77a: {  	v3 =	vsub.s32 v3, v0  }
0x77b: {  	v4 =	vsub.s32 v4, v0;
	vm12 =	vgt.s32 v3, $0x0  }
0x77c: {  	vm13 =	vgt.s32 v4, $0x0;
	v3 =	vnsel vm12, $0x0, v3  }
0x77d: {  	v4 =	vnsel vm13, $0x0, v4;
	v3 =	vmin.u32 v3, $0xC3F  }
0x77e: {  	v4 =	vmin.u32 v4, $0xC3F  }
0x77f: {  	s13 =	simm.s32 $0x10  }
0x780: {  	v5 =	vld [tilespmem:s13+$0xE00]  }
0x781: {  	v6 =	vld [tilespmem:s13+$0x1600]  }
0x782: {  	v3 =	vld.idx.msk [tilespmem:v3+s1+$0x0], $0xffff  }
0x783: {  	v4 =	vld.idx.msk [tilespmem:v4+s1+$0x0], $0xffff;
	_ =	sdelay $0x2  }
0x784: {  	v5 =	vsub.s32 v5, v0  }
0x785: {  	v7 =	vld [tilespmem:s14+$0x1E00];
	v6 =	vsub.s32 v6, v0;
	vm14 =	vgt.s32 v5, $0x0  }
0x786: {  	vm1 =	vgt.s32 v6, $0x0;
	v5 =	vnsel vm14, $0x0, v5;
	[tilespmem:s14+$0x2600] =	vst v3;
	v3 =	vadd.s32 v3, v4  }
0x787: {  	v6 =	vnsel vm1, $0x0, v6;
	vm15 =	vgt.s32 v3, $0x0;
	v3 =	vmin.u32 v5, $0xC3F  }
0x788: {  	[tilespmem:s14+$0x2E00] =	vst v4;
	v4 =	vmin.u32 v6, $0xC3F  }
0x789: {  	s15 =	simm.s32 $0x20  }
0x78a: {  	s16 =	simm.s32 $0xC0;
	v5 =	vld [tilespmem:s15+$0xE00];
	v6 =	vnsel vm15, $0x0, v7  }
.LBB2_48:
0x78b: {  	p1 =	sne.s32 s16, $0x1F00;
	v7 =	vld [tilespmem:s15+$0x1600];
	[tilespmem:s14+$0x3600] =	vst v6;
	s14 =	smov.u32 s13;
	s13 =	smov.u32 s15  }
0x78c: {  	v6 =	vld.idx.msk [tilespmem:v3+s1+$0x0], $0xffff  }
0x78d: {  	v8 =	vld.idx.msk [tilespmem:v4+s1+$0x0], $0xffff;
	_ =	sdelay $0x1  }
0x78e: {  	v3 =	vsub.s32 v5, v0  }
0x78f: {  	vm0 =	vgt.s32 v3, $0x0;
	v4 =	vsub.s32 v7, v0;
	v7 =	vld [tilespmem:s14+$0x1E00]  }
.Ltmp23:
0x790: {  	v3 =	vnsel vm0, $0x0, v3;
	vm0 =	vgt.s32 v4, $0x0;
	(pc) =	sbr.rel @p1 .LBB2_48-.Ltmp23, $4  }
0x791: {  	v3 =	vmin.u32 v3, $0xC3F;
	v4 =	vnsel vm0, $0x0, v4;
	[tilespmem:s14+$0x2600] =	vst v6  }
0x792: {  	v5 =	vadd.s32 v6, v8;
	v4 =	vmin.u32 v4, $0xC3F;
	[tilespmem:s14+$0x2E00] =	vst v8  }
0x793: {  	s15 =	sshra.s32 s16, $0x2;
	vm0 =	vgt.s32 v5, $0x0  }
0x794: {  	s16 =	sadd.s32 $0x40, s16;
	v5 =	vld [tilespmem:s15+$0xE00];
	v6 =	vnsel vm0, $0x0, v7  }
0x795: {  	_ =	sdelay $0x1  }
0x796: {  	v7 =	vld [tilespmem:s15+$0x1600]  }
0x797: {  	[tilespmem:s14+$0x3600] =	vst v6  }
0x798: {  	v3 =	vld.idx.msk [tilespmem:v3+s1+$0x0], $0xffff  }
0x799: {  	v4 =	vld.idx.msk [tilespmem:v4+s1+$0x0], $0xffff  }
0x79a: {  	v5 =	vsub.s32 v5, v0  }
0x79b: {  	vm0 =	vgt.s32 v5, $0x0;
	v6 =	vsub.s32 v7, v0;
	v7 =	vld [tilespmem:s13+$0x1E00]  }
0x79c: {  	v5 =	vnsel vm0, $0x0, v5;
	vm9 =	vgt.s32 v6, $0x0  }
0x79d: {  	v5 =	vmin.u32 v5, $0xC3F;
	v6 =	vnsel vm9, $0x0, v6  }
0x79e: {  	v8 =	vadd.s32 v3, v4;
	v6 =	vmin.u32 v6, $0xC3F  }
0x79f: {  	[tilespmem:s13+$0x2600] =	vst v3;
	vm10 =	vgt.s32 v8, $0x0  }
0x7a0: {  	[tilespmem:s13+$0x2E00] =	vst v4;
	v3 =	vnsel vm10, $0x0, v7  }
0x7a1: {  	[tilespmem:s13+$0x3600] =	vst v3  }
0x7a2: {  	v3 =	vld.idx.msk [tilespmem:v5+s1+$0x0], $0xffff  }
0x7a3: {  	v4 =	vld.idx.msk [tilespmem:v6+s1+$0x0], $0xffff;
	_ =	sdelay $0x1  }
0x7a4: {  	v5 =	vld [tilespmem:s15+$0x1E00];
	_ =	sdelay $0x2  }
0x7a5: {  	v6 =	vadd.s32 v3, v4  }
0x7a6: {  	[tilespmem:s15+$0x2600] =	vst v3;
	vm11 =	vgt.s32 v6, $0x0  }
0x7a7: {  	[tilespmem:s15+$0x2E00] =	vst v4;
	v3 =	vnsel vm11, $0x0, v5  }
0x7a8: {  	[tilespmem:s15+$0x3600] =	vst v3;
	s15 =	sld [smem:$0x7F8];
	_ =	sdelay $0x1  }
0x7a9: {  	s13 =	simm.s32 $0x0  }
0x7aa: {  	[hbm4b:s15+s13] =	stream.linear.scatter [tilespmem:s9], [sflag:$0x1], $0x7D0, $0x38;
	[tilespmem:$0x3E80] =	vst v63  }
0x7ab: {  	_ =	swait.ge [sflag:s5], $0x7D0  }
0x7ac: {  	s16 =	sld [smem:$0x7F9]  }
0x7ad: {  	[sflag:s5] =	ssyncset.done $0x0  }
0x7ae: {  	[sflag:s5] =	ssyncadd.s32 $0xFFFFF830  }
0x7af: {  	[hbm4b:s16+s13] =	stream.linear.scatter [tilespmem:s10], [sflag:$0x1], $0x7D0, $0x38;
	[tilespmem:$0x3E80] =	vst v63  }
0x7b0: {  	_ =	swait.ge [sflag:s5], $0x7D0  }
0x7b1: {  	s15 =	sld [smem:$0x7FA]  }
0x7b2: {  	[sflag:s5] =	ssyncset.done $0x0  }
0x7b3: {  	[sflag:s5] =	ssyncadd.s32 $0xFFFFF830  }
0x7b4: {  	[hbm4b:s15+s13] =	stream.linear.scatter [tilespmem:s11], [sflag:$0x1], $0x7D0, $0x38;
	[tilespmem:$0x3E80] =	vst v63  }
0x7b5: {  	_ =	swait.ge [sflag:s5], $0x7D0  }
0x7b6: {  	s16 =	sld [smem:$0x7FB]  }
0x7b7: {  	[sflag:s5] =	ssyncset.done $0x0  }
0x7b8: {  	[sflag:s5] =	ssyncadd.s32 $0xFFFFF830  }
0x7b9: {  	[tilespmem:s6], [sflag:$0x1] =	stream.linear.gather [hbm4b:s16+s13], $0x7D0, $0x38;
	[tilespmem:$0x3E80] =	vst v63  }
0x7ba: {  	_ =	swait.ge [sflag:s5], $0x7D0  }
0x7bb: {  	s15 =	sld [smem:$0x7FC]  }
0x7bc: {  	[sflag:s5] =	ssyncset.done $0x0  }
0x7bd: {  	[sflag:s5] =	ssyncadd.s32 $0xFFFFF830  }
0x7be: {  	[tilespmem:s7], [sflag:$0x1] =	stream.linear.gather [hbm4b:s15+s13], $0x7D0, $0x38;
	[tilespmem:$0x3E80] =	vst v63  }
0x7bf: {  	_ =	swait.ge [sflag:s5], $0x7D0  }
0x7c0: {  	s16 =	sld [smem:$0x7FD]  }
0x7c1: {  	[sflag:s5] =	ssyncset.done $0x0  }
0x7c2: {  	[sflag:s5] =	ssyncadd.s32 $0xFFFFF830  }
0x7c3: {  	[tilespmem:s8], [sflag:$0x1] =	stream.linear.gather [hbm4b:s16+s13], $0x7D0, $0x38;
	[tilespmem:$0x3E80] =	vst v63  }
0x7c4: {  	_ =	swait.ge [sflag:s5], $0x7D0  }
0x7c5: {  	[sflag:s5] =	ssyncset.done $0x0  }
0x7c6: {  	s14 =	simm.s32 $0x0;
	[sflag:s5] =	ssyncadd.s32 $0xFFFFF830  }
0x7c7: {  	v3 =	vld [tilespmem:s14+$0xE00]  }
0x7c8: {  	v4 =	vld [tilespmem:s14+$0x1600];
	_ =	sdelay $0x3  }
0x7c9: {  	v3 =	vsub.s32 v3, v0  }
0x7ca: {  	v4 =	vsub.s32 v4, v0;
	vm12 =	vgt.s32 v3, $0x0  }
0x7cb: {  	vm13 =	vgt.s32 v4, $0x0;
	v3 =	vnsel vm12, $0x0, v3  }
0x7cc: {  	v4 =	vnsel vm13, $0x0, v4;
	v3 =	vmin.u32 v3, $0xC3F  }
0x7cd: {  	v4 =	vmin.u32 v4, $0xC3F  }
0x7ce: {  	s13 =	simm.s32 $0x10  }
0x7cf: {  	v5 =	vld [tilespmem:s13+$0xE00]  }
0x7d0: {  	v6 =	vld [tilespmem:s13+$0x1600]  }
0x7d1: {  	v3 =	vld.idx.msk [tilespmem:v3+s1+$0x0], $0xffff  }
0x7d2: {  	v4 =	vld.idx.msk [tilespmem:v4+s1+$0x0], $0xffff;
	_ =	sdelay $0x2  }
0x7d3: {  	v5 =	vsub.s32 v5, v0  }
0x7d4: {  	v7 =	vld [tilespmem:s14+$0x1E00];
	v6 =	vsub.s32 v6, v0;
	vm14 =	vgt.s32 v5, $0x0  }
0x7d5: {  	vm1 =	vgt.s32 v6, $0x0;
	v5 =	vnsel vm14, $0x0, v5;
	[tilespmem:s14+$0x2600] =	vst v3;
	v3 =	vadd.s32 v3, v4  }
0x7d6: {  	v6 =	vnsel vm1, $0x0, v6;
	vm15 =	vgt.s32 v3, $0x0;
	v3 =	vmin.u32 v5, $0xC3F  }
0x7d7: {  	[tilespmem:s14+$0x2E00] =	vst v4;
	v4 =	vmin.u32 v6, $0xC3F  }
0x7d8: {  	s15 =	simm.s32 $0x20  }
0x7d9: {  	s16 =	simm.s32 $0xC0;
	v5 =	vld [tilespmem:s15+$0xE00];
	v6 =	vnsel vm15, $0x0, v7  }
.LBB2_50:
0x7da: {  	p1 =	sne.s32 s16, $0x1F00;
	v7 =	vld [tilespmem:s15+$0x1600];
	[tilespmem:s14+$0x3600] =	vst v6;
	s14 =	smov.u32 s13;
	s13 =	smov.u32 s15  }
0x7db: {  	v6 =	vld.idx.msk [tilespmem:v3+s1+$0x0], $0xffff  }
0x7dc: {  	v8 =	vld.idx.msk [tilespmem:v4+s1+$0x0], $0xffff;
	_ =	sdelay $0x1  }
0x7dd: {  	v3 =	vsub.s32 v5, v0  }
0x7de: {  	vm0 =	vgt.s32 v3, $0x0;
	v4 =	vsub.s32 v7, v0;
	v7 =	vld [tilespmem:s14+$0x1E00]  }
.Ltmp24:
0x7df: {  	v3 =	vnsel vm0, $0x0, v3;
	vm0 =	vgt.s32 v4, $0x0;
	(pc) =	sbr.rel @p1 .LBB2_50-.Ltmp24, $4  }
0x7e0: {  	v3 =	vmin.u32 v3, $0xC3F;
	v4 =	vnsel vm0, $0x0, v4;
	[tilespmem:s14+$0x2600] =	vst v6  }
0x7e1: {  	v5 =	vadd.s32 v6, v8;
	v4 =	vmin.u32 v4, $0xC3F;
	[tilespmem:s14+$0x2E00] =	vst v8  }
0x7e2: {  	s15 =	sshra.s32 s16, $0x2;
	vm0 =	vgt.s32 v5, $0x0  }
0x7e3: {  	s16 =	sadd.s32 $0x40, s16;
	v5 =	vld [tilespmem:s15+$0xE00];
	v6 =	vnsel vm0, $0x0, v7  }
0x7e4: {  	_ =	sdelay $0x1  }
0x7e5: {  	v7 =	vld [tilespmem:s15+$0x1600]  }
0x7e6: {  	[tilespmem:s14+$0x3600] =	vst v6  }
0x7e7: {  	v3 =	vld.idx.msk [tilespmem:v3+s1+$0x0], $0xffff  }
0x7e8: {  	v4 =	vld.idx.msk [tilespmem:v4+s1+$0x0], $0xffff  }
0x7e9: {  	v5 =	vsub.s32 v5, v0  }
0x7ea: {  	vm0 =	vgt.s32 v5, $0x0;
	v6 =	vsub.s32 v7, v0;
	v7 =	vld [tilespmem:s13+$0x1E00]  }
0x7eb: {  	v5 =	vnsel vm0, $0x0, v5;
	vm9 =	vgt.s32 v6, $0x0  }
0x7ec: {  	v5 =	vmin.u32 v5, $0xC3F;
	v6 =	vnsel vm9, $0x0, v6  }
0x7ed: {  	v8 =	vadd.s32 v3, v4;
	v6 =	vmin.u32 v6, $0xC3F  }
0x7ee: {  	[tilespmem:s13+$0x2600] =	vst v3;
	vm10 =	vgt.s32 v8, $0x0  }
0x7ef: {  	[tilespmem:s13+$0x2E00] =	vst v4;
	v3 =	vnsel vm10, $0x0, v7  }
0x7f0: {  	[tilespmem:s13+$0x3600] =	vst v3  }
0x7f1: {  	v3 =	vld.idx.msk [tilespmem:v5+s1+$0x0], $0xffff  }
0x7f2: {  	v4 =	vld.idx.msk [tilespmem:v6+s1+$0x0], $0xffff;
	_ =	sdelay $0x1  }
0x7f3: {  	v5 =	vld [tilespmem:s15+$0x1E00];
	_ =	sdelay $0x2  }
0x7f4: {  	v6 =	vadd.s32 v3, v4  }
0x7f5: {  	[tilespmem:s15+$0x2600] =	vst v3;
	vm11 =	vgt.s32 v6, $0x0  }
0x7f6: {  	[tilespmem:s15+$0x2E00] =	vst v4;
	v3 =	vnsel vm11, $0x0, v5  }
0x7f7: {  	s16 =	simm.s32 $0x0;
	[tilespmem:s15+$0x3600] =	vst v3  }
0x7f8: {  	[hbm4b:s17+s16] =	stream.linear.scatter [tilespmem:s9], [sflag:$0x1], $0x7D0, $0x38;
	[tilespmem:$0x3E80] =	vst v63  }
0x7f9: {  	_ =	swait.ge [sflag:s5], $0x7D0  }
0x7fa: {  	[sflag:s5] =	ssyncset.done $0x0  }
0x7fb: {  	[sflag:s5] =	ssyncadd.s32 $0xFFFFF830  }
0x7fc: {  	[hbm4b:s18+s16] =	stream.linear.scatter [tilespmem:s10], [sflag:$0x1], $0x7D0, $0x38;
	[tilespmem:$0x3E80] =	vst v63  }
0x7fd: {  	_ =	swait.ge [sflag:s5], $0x7D0  }
0x7fe: {  	[sflag:s5] =	ssyncset.done $0x0  }
0x7ff: {  	[sflag:s5] =	ssyncadd.s32 $0xFFFFF830  }
0x800: {  	[hbm4b:s19+s16] =	stream.linear.scatter [tilespmem:s11], [sflag:$0x1], $0x7D0, $0x38;
	[tilespmem:$0x3E80] =	vst v63  }
0x801: {  	_ =	swait.ge [sflag:s5], $0x7D0  }
0x802: {  	[sflag:s5] =	ssyncset.done $0x0  }
0x803: {  	[sflag:s5] =	ssyncadd.s32 $0xFFFFF830  }
0x804: {  	[tilespmem:s6], [sflag:$0x1] =	stream.linear.gather [hbm4b:s26+s16], $0x7D0, $0x38;
	[tilespmem:$0x3E80] =	vst v63  }
0x805: {  	_ =	swait.ge [sflag:s5], $0x7D0  }
0x806: {  	[sflag:s5] =	ssyncset.done $0x0  }
0x807: {  	[sflag:s5] =	ssyncadd.s32 $0xFFFFF830  }
0x808: {  	[tilespmem:s7], [sflag:$0x1] =	stream.linear.gather [hbm4b:s28+s16], $0x7D0, $0x38;
	[tilespmem:$0x3E80] =	vst v63  }
0x809: {  	_ =	swait.ge [sflag:s5], $0x7D0  }
0x80a: {  	[sflag:s5] =	ssyncset.done $0x0  }
0x80b: {  	[sflag:s5] =	ssyncadd.s32 $0xFFFFF830  }
0x80c: {  	[tilespmem:s8], [sflag:$0x1] =	stream.linear.gather [hbm4b:s29+s16], $0x7D0, $0x38;
	[tilespmem:$0x3E80] =	vst v63  }
0x80d: {  	_ =	swait.ge [sflag:s5], $0x7D0  }
0x80e: {  	[sflag:s5] =	ssyncset.done $0x0  }
0x80f: {  	s14 =	simm.s32 $0x0;
	[sflag:s5] =	ssyncadd.s32 $0xFFFFF830  }
0x810: {  	v3 =	vld [tilespmem:s14+$0xE00]  }
0x811: {  	v4 =	vld [tilespmem:s14+$0x1600];
	_ =	sdelay $0x3  }
0x812: {  	v3 =	vsub.s32 v3, v0  }
0x813: {  	v4 =	vsub.s32 v4, v0;
	vm12 =	vgt.s32 v3, $0x0  }
0x814: {  	vm13 =	vgt.s32 v4, $0x0;
	v3 =	vnsel vm12, $0x0, v3  }
0x815: {  	v4 =	vnsel vm13, $0x0, v4;
	v3 =	vmin.u32 v3, $0xC3F  }
0x816: {  	v4 =	vmin.u32 v4, $0xC3F  }
0x817: {  	s13 =	simm.s32 $0x10  }
0x818: {  	v5 =	vld [tilespmem:s13+$0xE00]  }
0x819: {  	v6 =	vld [tilespmem:s13+$0x1600]  }
0x81a: {  	v3 =	vld.idx.msk [tilespmem:v3+s1+$0x0], $0xffff  }
0x81b: {  	v4 =	vld.idx.msk [tilespmem:v4+s1+$0x0], $0xffff;
	_ =	sdelay $0x2  }
0x81c: {  	v5 =	vsub.s32 v5, v0  }
0x81d: {  	v7 =	vld [tilespmem:s14+$0x1E00];
	v6 =	vsub.s32 v6, v0;
	vm14 =	vgt.s32 v5, $0x0  }
0x81e: {  	vm1 =	vgt.s32 v6, $0x0;
	v5 =	vnsel vm14, $0x0, v5;
	[tilespmem:s14+$0x2600] =	vst v3;
	v3 =	vadd.s32 v3, v4  }
0x81f: {  	v6 =	vnsel vm1, $0x0, v6;
	vm15 =	vgt.s32 v3, $0x0;
	v3 =	vmin.u32 v5, $0xC3F  }
0x820: {  	[tilespmem:s14+$0x2E00] =	vst v4;
	v4 =	vmin.u32 v6, $0xC3F  }
0x821: {  	s15 =	simm.s32 $0x20  }
0x822: {  	s16 =	simm.s32 $0xC0;
	v5 =	vld [tilespmem:s15+$0xE00];
	v6 =	vnsel vm15, $0x0, v7  }
.LBB2_52:
0x823: {  	p1 =	sne.s32 s16, $0x1F00;
	v7 =	vld [tilespmem:s15+$0x1600];
	[tilespmem:s14+$0x3600] =	vst v6;
	s14 =	smov.u32 s13;
	s13 =	smov.u32 s15  }
0x824: {  	v6 =	vld.idx.msk [tilespmem:v3+s1+$0x0], $0xffff  }
0x825: {  	v8 =	vld.idx.msk [tilespmem:v4+s1+$0x0], $0xffff;
	_ =	sdelay $0x1  }
0x826: {  	v3 =	vsub.s32 v5, v0  }
0x827: {  	vm0 =	vgt.s32 v3, $0x0;
	v4 =	vsub.s32 v7, v0;
	v7 =	vld [tilespmem:s14+$0x1E00]  }
.Ltmp25:
0x828: {  	v3 =	vnsel vm0, $0x0, v3;
	vm0 =	vgt.s32 v4, $0x0;
	(pc) =	sbr.rel @p1 .LBB2_52-.Ltmp25, $4  }
0x829: {  	v3 =	vmin.u32 v3, $0xC3F;
	v4 =	vnsel vm0, $0x0, v4;
	[tilespmem:s14+$0x2600] =	vst v6  }
0x82a: {  	v5 =	vadd.s32 v6, v8;
	v4 =	vmin.u32 v4, $0xC3F;
	[tilespmem:s14+$0x2E00] =	vst v8  }
0x82b: {  	s15 =	sshra.s32 s16, $0x2;
	vm0 =	vgt.s32 v5, $0x0  }
0x82c: {  	s16 =	sadd.s32 $0x40, s16;
	v5 =	vld [tilespmem:s15+$0xE00];
	v6 =	vnsel vm0, $0x0, v7  }
0x82d: {  	_ =	sdelay $0x1  }
0x82e: {  	v7 =	vld [tilespmem:s15+$0x1600]  }
0x82f: {  	[tilespmem:s14+$0x3600] =	vst v6  }
0x830: {  	v3 =	vld.idx.msk [tilespmem:v3+s1+$0x0], $0xffff  }
0x831: {  	v4 =	vld.idx.msk [tilespmem:v4+s1+$0x0], $0xffff  }
0x832: {  	v5 =	vsub.s32 v5, v0  }
0x833: {  	v62 =	vld [tilespmem:s13+$0x1E00];
	vm0 =	vgt.s32 v5, $0x0;
	v61 =	vsub.s32 v7, v0  }
0x834: {  	v5 =	vnsel vm0, $0x0, v5;
	vm13 =	vgt.s32 v61, $0x0  }
0x835: {  	v5 =	vmin.u32 v5, $0xC3F;
	v6 =	vnsel vm13, $0x0, v61  }
0x836: {  	v8 =	vadd.s32 v3, v4;
	v6 =	vmin.u32 v6, $0xC3F  }
0x837: {  	[tilespmem:s13+$0x2600] =	vst v3;
	vm14 =	vgt.s32 v8, $0x0  }
0x838: {  	[tilespmem:s13+$0x2E00] =	vst v4;
	v3 =	vnsel vm14, $0x0, v62  }
0x839: {  	[tilespmem:s13+$0x3600] =	vst v3  }
0x83a: {  	v3 =	vld.idx.msk [tilespmem:v5+s1+$0x0], $0xffff  }
0x83b: {  	v4 =	vld.idx.msk [tilespmem:v6+s1+$0x0], $0xffff;
	_ =	sdelay $0x1  }
0x83c: {  	v63 =	vld [tilespmem:s15+$0x1E00];
	_ =	sdelay $0x2  }
0x83d: {  	v6 =	vadd.s32 v3, v4  }
0x83e: {  	[tilespmem:s15+$0x2600] =	vst v3;
	vm15 =	vgt.s32 v6, $0x0  }
0x83f: {  	[tilespmem:s15+$0x2E00] =	vst v4;
	v3 =	vnsel vm15, $0x0, v63  }
0x840: {  	[tilespmem:s15+$0x3600] =	vst v3  }
0x841: {  	[hbm4b:s30+s1] =	stream.linear.scatter [tilespmem:s9], [sflag:$0x1], $0x7D0, $0x38;
	[tilespmem:$0x3E80] =	vst v63  }
0x842: {  	_ =	swait.ge [sflag:s5], $0x7D0  }
0x843: {  	[sflag:s5] =	ssyncset.done $0x0  }
0x844: {  	[sflag:s5] =	ssyncadd.s32 $0xFFFFF830  }
0x845: {  	[hbm4b:s31+s1] =	stream.linear.scatter [tilespmem:s10], [sflag:$0x1], $0x7D0, $0x38;
	[tilespmem:$0x3E80] =	vst v63  }
0x846: {  	_ =	swait.ge [sflag:s5], $0x7D0  }
0x847: {  	[sflag:s5] =	ssyncset.done $0x0  }
0x848: {  	[sflag:s5] =	ssyncadd.s32 $0xFFFFF830  }
0x849: {  	[hbm4b:s0+s1] =	stream.linear.scatter [tilespmem:s11], [sflag:$0x1], $0x7D0, $0x38;
	[tilespmem:$0x3E80] =	vst v63  }
0x84a: {  	_ =	swait.ge [sflag:s5], $0x7D0  }
0x84b: {  	[sflag:s5] =	ssyncset.done $0x0  }
0x84c: {  	[sflag:s5] =	ssyncadd.s32 $0xFFFFF830  }
0x84d: {  	s14 =	simm.s32 @!p0 $0xD00;
	s13 =	simm.s32 @!p0 $0x0;
	s15 =	rddreg [dreg:$0x4]  }
0x84e: {  	[tilespmem:s14], [sflag:$0x1] =	stream.linear.gather @!p0 [hbm4b:s15+s13], $0x80, $0x38;
	[tilespmem:$0x3E80] =	vst v63  }
0x84f: {  	s14 =	simm.s32 @!p0 $0x1  }
0x850: {  	_ =	swait.ge @!p0 [sflag:s14], $0x80  }
0x851: {  	[sflag:s14] =	ssyncset.done @!p0 $0x0  }
0x852: {  	v3 =	vimm.s32 @!p0 $0x40000000;
	[sflag:s14] =	ssyncadd.s32 @!p0 $0xFFFFFF80  }
0x853: {  	[tilespmem:$0xD80] =	vst @!p0 v3  }
0x854: {  	v3 =	vld @!p0 [tilespmem:s4+$0xD00];
	_ =	sdelay $0x4  }
0x855: {  	v3 =	vsub.s32 @!p0 v3, v0  }
0x856: {  	vm0 =	vgt.s32 @!p0 v3, $0x0  }
0x857: {  	v3 =	vnsel @!p0 vm0, $0x0, v3  }
0x858: {  	v3 =	vmin.u32 @!p0 v3, $0xC3F;
	_ =	sdelay $0x4  }
0x859: {  	v3 =	vld.idx.msk @!p0 [tilespmem:v3+s13+$0x0], $0xffff;
	_ =	sdelay $0x4  }
0x85a: {  	v3 =	vxor.u32 @!p0 $0x80000000, v3  }
0x85b: {  	(xrf0) =	vmax.scan.msk.u32 @!p0 $0xffff, v3;
	_ =	sdelay $0x5  }
0x85c: {  	v3, _, _ =	vpop @!p0 (xrf0)  }
0x85d: {  	(v2sf) =	vpush @!p0 v3, $0xF;
	_ =	sdelay $0xe  }
0x85e: {  	s15 =	spop @!p0 (v2sf)  }
0x85f: {  	s12 =	sadd.s32 $0x1, s12;
	s15 =	sxor.u32 @!p0 $0x80000000, s15  }
0x860: {  	p1 =	sne.s32 s12, s3;
	v3 =	vmov @!p0 s15  }
.Ltmp26:
0x861: {  	s15 =	simm.s32 @!p0 $0x3E00;
	[tilespmem:$0x3E00] =	vst @!p0 v3;
	(pc) =	sbr.rel @p1 .LBB2_1-.Ltmp26, $4  }
0x862: {  	[hbm4b:s2+s13] =	stream.linear.scatter @!p0 [tilespmem:s15], [sflag:$0x1], $0x80, $0x38;
	[tilespmem:$0x3E80] =	vst v63  }
0x863: {  	_ =	swait.ge @!p0 [sflag:s14], $0x80  }
0x864: {  	[sflag:s14] =	ssyncset.done @!p0 $0x0  }
0x865: {  	[sflag:s14] =	ssyncadd.s32 @!p0 $0xFFFFFF80  }
0x866: {  	_ =	sfence.sel $0x180000  }
0x867: {  	[bflag:$0x0] =	sbarrier.arrive $0xFFFF  }
0x868: {  	_ =	strace $0x90000047  }
0x869: {  	s0 =	stileid.u32;
	[bflag:$0x2] =	sbarrier.arrive $0xFFFF  }
0x86a: {  	p0 =	sne.s32 s0, $0x0;
	s0 =	rddreg [dreg:$0x9]  }
0x86b: {  	s0 =	sadd.s32 @!p0 $0x100000, s0  }
0x86c: {  	[sflag:s0] =	ssyncadd.tile.s32 @!p0 $0x1;
	_ =	shalt  }
.Lfunc_end2:
_tile_overlayer_lowered:
.L_overlay_start_2:
0x86d: {  	(tag) =	ssettag $0x2  }
0x86e: {  	s0 =	rddreg [dreg:$0x0];
	s2 =	stileid.u32  }
0x86f: {  	s1 =	rddreg [dreg:$0x1];
	p0 =	sne.s32 s2, $0x0  }
0x870: {  	s3 =	rddreg [dreg:$0x2];
	[bflag:$0x3] =	sbarrier.arrive $0xFFFF;
	s2 =	simm.s32 @!p0 $0x1C01  }
0x871: {  	[timem:s3], [sflag:s2] =	dma.local @!p0 [hbm:s0], s1  }
0x872: {  	s0 =	simm.s32 @!p0 $0x1  }
0x873: {  	_ =	swait.ge @!p0 [sflag:s0], s1  }
0x874: {  	s1 =	ssub.s32 @!p0 $0x0, s1;
	[sflag:s0] =	ssyncset.done @!p0 $0x0  }
0x875: {  	[sflag:s0] =	ssyncadd.s32 @!p0 s1  }
0x876: {  	[bflag:$0x3] =	sbarrier.arrive $0xFFFF  }
0x877: {  	_ =	shalt  }

</sc_bundles>
